<compile_context>
chip_gen: v7x
topology: tpu7x:2x2x1
jax: 0.10.2.dev20260603
libtpu: 0.0.44.dev20260713+nightly
codegen_flags: <defaults>
</compile_context>

<pallas_src>
import functools

import jax
import jax.numpy as jnp
from jax import lax
from jax.experimental import pallas as pl
from jax.experimental.pallas import tpu as pltpu
from jax.experimental.pallas import tpu_sc as plsc

_N = 10000
_E = 160000
_H = 1024
_G = 4096
_W32 = 128
_CW = 128
_NCH = 8

_NW = 32
_K = 64
_NBUF = 2
_NB0 = 120
_NB1 = 40
_TOTB = 16 * (_NB0 + _NB1)
_TOTB_PAD = _TOTB + _NB0 - _NB1
_ACC_ROWS = 10112
_STRIP = _ACC_ROWS // 16
_EPS = 1e-5

_HI = lax.Precision.HIGHEST


def _dot(a, b):
    return jax.lax.dot_general(a, b, (((a.ndim - 1,), (0,)), ((), ())),
                               precision=_HI, preferred_element_type=jnp.float32)


def _sc_edge_agg(src3, dst3, tables, width):
    n_t = len(tables)
    mesh = plsc.VectorSubcoreMesh(core_axis_name="c", subcore_axis_name="s")
    zeros_hbm = jnp.zeros((_STRIP, width), jnp.float32)

    @functools.partial(
        pl.kernel,
        mesh=mesh,
        out_type=[jax.ShapeDtypeStruct((2 * _ACC_ROWS, width), jnp.float32)] * n_t,
        scratch_types=[
            pltpu.VMEM((_NB0, _K), jnp.int32),
            pltpu.VMEM((_NB0, _K), jnp.int32),
        ]
        + [pltpu.VMEM((_K, width), jnp.float32)] * _NBUF
        + [pltpu.VMEM_SHARED((_ACC_ROWS, width), jnp.float32)]
        + [pltpu.SemaphoreType.DMA] * (2 * _NBUF),
    )
    def k(src_hbm, dst_hbm, z_hbm, *rest):
        tbls = rest[:n_t]
        outs = rest[n_t:2 * n_t]
        rest = rest[2 * n_t:]
        src_v, dst_v = rest[0], rest[1]
        rows = rest[2:2 + _NBUF]
        acc = rest[2 + _NBUF]
        gsem = rest[3 + _NBUF:3 + 2 * _NBUF]
        ssem = rest[3 + 2 * _NBUF:3 + 3 * _NBUF]
        cid = lax.axis_index("c")
        sid = lax.axis_index("s")
        nb = jnp.where(cid == 0, _NB0, _NB1)
        base = jnp.where(cid == 0, sid * _NB0, 16 * _NB0 + sid * _NB1)
        pltpu.sync_copy(src_hbm.at[pl.ds(base, _NB0)], src_v)
        pltpu.sync_copy(dst_hbm.at[pl.ds(base, _NB0)], dst_v)
        for t in range(n_t):
            tbl = tbls[t]
            pltpu.sync_copy(z_hbm, acc.at[pl.ds(sid * _STRIP, _STRIP)])
            plsc.subcore_barrier()

            for p in range(_NBUF):
                pltpu.async_copy(tbl.at[src_v.at[p]], rows[p], gsem[p])

            def body(i, carry, tbl=tbl):
                for p in range(_NBUF):
                    j = _NBUF * i + p
                    pltpu.make_async_copy(
                        tbl.at[src_v.at[j]], rows[p], gsem[p]).wait()
                    pltpu.async_copy(rows[p], acc.at[dst_v.at[j]],
                                     ssem[p], add=True)
                    pltpu.make_async_copy(
                        rows[p], acc.at[dst_v.at[j]], ssem[p]).wait()
                    pltpu.async_copy(tbl.at[src_v.at[j + _NBUF]],
                                     rows[p], gsem[p])
                return carry

            lax.fori_loop(0, nb // _NBUF - 1, body, 0)
            for p in range(_NBUF):
                j = nb - _NBUF + p
                pltpu.make_async_copy(
                    tbl.at[src_v.at[j]], rows[p], gsem[p]).wait()
                pltpu.async_copy(rows[p], acc.at[dst_v.at[j]],
                                 ssem[p], add=True)
                pltpu.make_async_copy(
                    rows[p], acc.at[dst_v.at[j]], ssem[p]).wait()
            plsc.subcore_barrier()
            pltpu.sync_copy(
                acc.at[pl.ds(sid * _STRIP, _STRIP)],
                outs[t].at[pl.ds(cid * _ACC_ROWS + sid * _STRIP, _STRIP)])
            plsc.subcore_barrier()

    res = k(src3, dst3, zeros_hbm, *tables)
    return list(res) if isinstance(res, (list, tuple)) else [res]


def _sc_gather(table, idx):
    B = idx.shape[0]
    bpw = B // _NW
    half = bpw // 2
    mesh = plsc.VectorSubcoreMesh(core_axis_name="c", subcore_axis_name="s")

    @functools.partial(
        pl.kernel,
        mesh=mesh,
        out_type=jax.ShapeDtypeStruct((B, _H), jnp.float32),
        scratch_types=[
            pltpu.VMEM((bpw,), jnp.int32),
            pltpu.VMEM((half, _H), jnp.float32),
            pltpu.SemaphoreType.DMA,
        ],
    )
    def k(tbl_hbm, idx_hbm, out_hbm, idx_v, rows_v, sem):
        cid = lax.axis_index("c")
        sid = lax.axis_index("s")
        wid = sid * 2 + cid
        base = wid * bpw
        pltpu.sync_copy(idx_hbm.at[pl.ds(base, bpw)], idx_v)
        for b in range(2):
            pltpu.async_copy(tbl_hbm.at[idx_v.at[pl.ds(b * half, half)]],
                             rows_v, sem).wait()
            pltpu.sync_copy(rows_v, out_hbm.at[pl.ds(base + b * half, half)])

    return k(table, idx)


def _l1_body(hp_ref, p1_ref, wb_ref, s1_ref, b1_ref, u_ref, a1_ref, bb1_ref):
    hp = hp_ref[...]
    s = p1_ref[0] + p1_ref[1]
    cnt = s[:, 20:21]
    rcnt = 1.0 / jnp.maximum(cnt, 1.0)
    u = hp + s * jnp.broadcast_to(rcnt, (_N, _W32))
    lane = lax.broadcasted_iota(jnp.int32, (_N, _W32), 1)
    ind = jnp.broadcast_to((cnt > 0).astype(jnp.float32), (_N, _W32))
    u = jnp.where(lane < 20, u, 0.0)
    u = jnp.where(lane == 20, 1.0 + ind, u)
    u_ref[...] = u

    wb = wb_ref[...]
    colsum = jnp.sum(u, axis=0, keepdims=True)
    m2 = jax.lax.dot_general(u, u, (((0,), (0,)), ((), ())),
                             precision=_HI, preferred_element_type=jnp.float32)
    mean1 = _dot(colsum, wb) * (1.0 / _N)
    t1 = _dot(m2, wb)
    meansq = jnp.sum(wb * t1, axis=0, keepdims=True) * (1.0 / _N)
    var1 = meansq - mean1 * mean1
    a1 = s1_ref[...] * jax.lax.rsqrt(var1 + _EPS)
    a1_ref[...] = a1
    bb1_ref[...] = b1_ref[...] - mean1 * a1


def _tc_layer1(h_pad, p1, wb, bn1_s, bn1_b):
    return pl.pallas_call(
        _l1_body,
        out_shape=[
            jax.ShapeDtypeStruct((_N, _W32), jnp.float32),
            jax.ShapeDtypeStruct((1, _H), jnp.float32),
            jax.ShapeDtypeStruct((1, _H), jnp.float32),
        ],
    )(h_pad, p1, wb, bn1_s, bn1_b)


def _zc_body(u_ref, wb_ref, a1_ref, b1_ref, *z_refs):
    y = _dot(u_ref[...], wb_ref[...])
    a1 = a1_ref[...]
    b1 = b1_ref[...]
    for c in range(_NCH):
        sl = slice(c * _CW, (c + 1) * _CW)
        z_refs[c][...] = jnp.maximum(y[:, sl] * a1[:, sl] + b1[:, sl], 0.0)


def _tc_z(u, wb, a1, b1, rows_tile=1000):
    nt = _N // rows_tile
    return pl.pallas_call(
        _zc_body,
        grid=(nt,),
        in_specs=[
            pl.BlockSpec((rows_tile, _W32), lambda i: (i, 0)),
            pl.BlockSpec((_W32, _H), lambda i: (0, 0)),
            pl.BlockSpec((1, _H), lambda i: (0, 0)),
            pl.BlockSpec((1, _H), lambda i: (0, 0)),
        ],
        out_specs=[pl.BlockSpec((rows_tile, _CW), lambda i: (i, 0))] * _NCH,
        out_shape=[jax.ShapeDtypeStruct((_N, _CW), jnp.float32)] * _NCH,
    )(u, wb, a1, b1)


def _h3_chunks(p1_ref, z_refs, p2_refs, rows_tile):
    s = p1_ref[0] + p1_ref[1]
    cnt = s[:, 20:21]
    rcnt = jnp.broadcast_to(1.0 / jnp.maximum(cnt, 1.0), (rows_tile, _CW))
    for c in range(_NCH):
        yield z_refs[c][...] + (p2_refs[c][0] + p2_refs[c][1]) * rcnt


def _stats_body(p1_ref, *refs, rows_tile):
    z_refs = refs[:_NCH]
    p2_refs = refs[_NCH:2 * _NCH]
    sum_ref, sq_ref = refs[2 * _NCH:]

    @pl.when(pl.program_id(0) == 0)
    def _():
        sum_ref[...] = jnp.zeros((_NCH, _CW), jnp.float32)
        sq_ref[...] = jnp.zeros((_NCH, _CW), jnp.float32)

    sums, sqs = [], []
    for h3c in _h3_chunks(p1_ref, z_refs, p2_refs, rows_tile):
        sums.append(jnp.sum(h3c, axis=0, keepdims=True))
        sqs.append(jnp.sum(h3c * h3c, axis=0, keepdims=True))
    sum_ref[...] += jnp.concatenate(sums, axis=0)
    sq_ref[...] += jnp.concatenate(sqs, axis=0)


def _qsum_body(p1_ref, *refs, rows_tile):
    z_refs = refs[:_NCH]
    p2_refs = refs[_NCH:2 * _NCH]
    sum_in, sq_in, s2_ref, b2_ref, q_ref = refs[2 * _NCH:]

    mean2 = sum_in[...] * (1.0 / _N)
    var2 = sq_in[...] * (1.0 / _N) - mean2 * mean2
    a2 = s2_ref[...] * jax.lax.rsqrt(var2 + _EPS)
    b2 = b2_ref[...] - mean2 * a2

    @pl.when(pl.program_id(0) == 0)
    def _():
        q_ref[...] = jnp.zeros((_NCH, _CW), jnp.float32)

    qs = []
    for c, h3c in enumerate(_h3_chunks(p1_ref, z_refs, p2_refs, rows_tile)):
        zc = jnp.maximum(h3c * a2[c:c + 1, :] + b2[c:c + 1, :], 0.0)
        qs.append(jnp.sum(zc, axis=0, keepdims=True))
    q_ref[...] += jnp.concatenate(qs, axis=0)


def _tc_stats_and_qsum(p1, zs, p2s, bn2_s8, bn2_b8, rows_tile=1000):
    nt = _N // rows_tile
    base_specs = (
        [pl.BlockSpec((2, rows_tile, _W32), lambda i: (0, i, 0))]
        + [pl.BlockSpec((rows_tile, _CW), lambda i: (i, 0))] * _NCH
        + [pl.BlockSpec((2, rows_tile, _CW), lambda i: (0, i, 0))] * _NCH
    )
    const8 = pl.BlockSpec((_NCH, _CW), lambda i: (0, 0))
    sumr, sqr = pl.pallas_call(
        functools.partial(_stats_body, rows_tile=rows_tile),
        grid=(nt,),
        in_specs=base_specs,
        out_specs=[const8, const8],
        out_shape=[jax.ShapeDtypeStruct((_NCH, _CW), jnp.float32)] * 2,
    )(p1, *zs, *p2s)
    qsum = pl.pallas_call(
        functools.partial(_qsum_body, rows_tile=rows_tile),
        grid=(nt,),
        in_specs=base_specs + [const8] * 4,
        out_specs=const8,
        out_shape=jax.ShapeDtypeStruct((_NCH, _CW), jnp.float32),
    )(p1, *zs, *p2s, sumr, sqr, bn2_s8, bn2_b8)
    return qsum


def _head_body(g_ref, wfb_ref, wft_ref, q_ref, bfc_ref, s3_ref, b3_ref,
               w2_ref, b2s_ref, out_ref):
    qn = q_ref[...] * (1.0 / _N)
    qv = _dot(qn[0:1, :], wft_ref[0])
    for c in range(1, _NCH):
        qv = qv + _dot(qn[c:c + 1, :], wft_ref[c])
    p = _dot(g_ref[...], wfb_ref[...]) + qv + bfc_ref[...]
    m3 = jnp.sum(p, axis=0, keepdims=True) * (1.0 / _G)
    cen = p - m3
    v3 = jnp.sum(cen * cen, axis=0, keepdims=True) * (1.0 / _G)
    h2 = jnp.maximum(cen * (s3_ref[...] * jax.lax.rsqrt(v3 + _EPS))
                     + b3_ref[...], 0.0)
    logits = jnp.sum(h2 * w2_ref[...], axis=1, keepdims=True) + b2s_ref[...]
    out_ref[...] = 1.0 / (1.0 + jnp.exp(-logits))


def _tc_head(gemb, wfcb, wfct3, qsum, bfc, bn3_s, bn3_b, w2row, b2s):
    return pl.pallas_call(
        _head_body,
        out_shape=jax.ShapeDtypeStruct((_G, 1), jnp.float32),
    )(gemb, wfcb, wfct3, qsum, bfc, bn3_s, bn3_b, w2row, b2s)


def kernel(h, edge_index, allDBGEmb, gPos, W_init, b_init,
           bn1_scale, bn1_bias, bn2_scale, bn2_bias,
           W_fc, b_fc, bn3_scale, bn3_bias, W_fc2, b_fc2):
    src = edge_index[0]
    dst = edge_index[1]
    pad = _TOTB_PAD * _K - _E
    src3 = jnp.concatenate([src, jnp.zeros((pad,), jnp.int32)]
                           ).reshape(_TOTB_PAD, _K)
    dst3 = jnp.concatenate([dst, jnp.full((pad,), _N, jnp.int32)]
                           ).reshape(_TOTB_PAD, _K)

    h_pad = jnp.concatenate(
        [h, jnp.ones((_N, 1), jnp.float32),
         jnp.zeros((_N, _W32 - 21), jnp.float32)], axis=1)
    wb = jnp.concatenate(
        [W_init, b_init[None, :], jnp.zeros((_W32 - 21, _H), jnp.float32)],
        axis=0)

    (p1_flat,) = _sc_edge_agg(src3, dst3, [h_pad], _W32)
    p1 = jnp.stack([p1_flat[:_N], p1_flat[_ACC_ROWS:_ACC_ROWS + _N]])
    u, a1, b1 = _tc_layer1(h_pad, p1, wb,
                           bn1_scale[None, :], bn1_bias[None, :])
    zs = _tc_z(u, wb, a1, b1)

    p2_flat = _sc_edge_agg(src3, dst3, list(zs), _CW)
    p2s = [jnp.stack([p[:_N], p[_ACC_ROWS:_ACC_ROWS + _N]]) for p in p2_flat]

    qsum = _tc_stats_and_qsum(p1, zs, p2s,
                              bn2_scale.reshape(_NCH, _CW),
                              bn2_bias.reshape(_NCH, _CW))

    gemb = _sc_gather(allDBGEmb, gPos)
    probs = _tc_head(gemb, W_fc[_H:], W_fc[:_H].reshape(_NCH, _CW, _CW),
                     qsum, b_fc[None, :], bn3_scale[None, :],
                     bn3_bias[None, :], W_fc2[:, 0][None, :],
                     b_fc2[None, :])
    return probs.reshape(-1)

# --- scband reference (transcript-rebuilt; emitter-appended) ---
"""Pipeline reference for scband-init-node-selection-model-25872882991239 (READ-ONLY COPY).

The authoritative reference and input builder live on the scoring server;
editing this copy changes nothing except your own understanding.
"""

import jax, jax.numpy as jnp
import numpy as np

N = 10000
E = 160000
V = 100000
G = 4096
FIN = 20
HDIM = 1024

def setup_inputs(seed: int = 0) -> dict:
    key = jax.random.key(seed)
    ks = jax.random.split(key, 12)
    h = jax.random.normal(ks[0], (N, FIN), dtype=jnp.float32)
    edge_index = jax.random.randint(ks[1], (2, E), 0, N, dtype=jnp.int32)
    allDBGEmb = jax.random.normal(ks[2], (V, HDIM), dtype=jnp.float32) * 0.02
    gPos = jax.random.randint(ks[3], (G,), 0, V, dtype=jnp.int32)
    W_init = jax.random.normal(ks[4], (FIN, HDIM), dtype=jnp.float32) * (1.0 / np.sqrt(FIN))
    b_init = jnp.zeros((HDIM,), jnp.float32)
    bn1_scale = jnp.ones((HDIM,), jnp.float32)
    bn1_bias = jnp.zeros((HDIM,), jnp.float32)
    bn2_scale = jnp.ones((HDIM,), jnp.float32)
    bn2_bias = jnp.zeros((HDIM,), jnp.float32)
    W_fc = jax.random.normal(ks[5], (2 * HDIM, 128), dtype=jnp.float32) * (1.0 / np.sqrt(2 * HDIM))
    b_fc = jnp.zeros((128,), jnp.float32)
    bn3_scale = jnp.ones((128,), jnp.float32)
    bn3_bias = jnp.zeros((128,), jnp.float32)
    W_fc2 = jax.random.normal(ks[6], (128, 1), dtype=jnp.float32) * (1.0 / np.sqrt(128))
    b_fc2 = jnp.zeros((1,), jnp.float32)
    return {"h": h, "edge_index": edge_index, "allDBGEmb": allDBGEmb, "gPos": gPos,
            "W_init": W_init, "b_init": b_init,
            "bn1_scale": bn1_scale, "bn1_bias": bn1_bias,
            "bn2_scale": bn2_scale, "bn2_bias": bn2_bias,
            "W_fc": W_fc, "b_fc": b_fc,
            "bn3_scale": bn3_scale, "bn3_bias": bn3_bias,
            "W_fc2": W_fc2, "b_fc2": b_fc2}

def _batchnorm(x, scale, bias):
    # training-mode BatchNorm1d: batch statistics
    m = jnp.mean(x, axis=0)
    v = jnp.var(x, axis=0)
    return (x - m) / jnp.sqrt(v + 1e-5) * scale + bias

def _gin_mean(x, src, dst, n_nodes):
    # DGL GINConv(apply_func=None, 'mean', eps=0): out = x + mean_{neighbors} x
    msg = jnp.take(x, src, axis=0)
    s = jax.ops.segment_sum(msg, dst, num_segments=n_nodes)
    cnt = jax.ops.segment_sum(jnp.ones((src.shape[0], 1), x.dtype), dst, num_segments=n_nodes)
    agg = s / jnp.maximum(cnt, 1.0)
    return x + agg

def reference(h, edge_index, allDBGEmb, gPos,
              W_init, b_init, bn1_scale, bn1_bias, bn2_scale, bn2_bias,
              W_fc, b_fc, bn3_scale, bn3_bias, W_fc2, b_fc2):
    src = edge_index[0]
    dst = edge_index[1]
    # fc_init: 20 -> 1024
    h2 = h @ W_init + b_init
    # conv1 + bn + relu
    h2 = jax.nn.relu(_batchnorm(_gin_mean(h2, src, dst, h.shape[0]), bn1_scale, bn1_bias))
    # conv2 + bn2 + relu
    h2 = jax.nn.relu(_batchnorm(_gin_mean(h2, src, dst, h.shape[0]), bn2_scale, bn2_bias))
    # dgl.mean_nodes over the single query graph
    qemb = jnp.mean(h2, axis=0)
    # allDBGEmb.index_select(0, gPos)
    gEmbList = jnp.take(allDBGEmb, gPos, axis=0)
    qrep = jnp.tile(qemb[None, :], (gEmbList.shape[0], 1))
    H = jnp.concatenate([qrep, gEmbList], axis=1)
    H2 = jax.nn.relu(_batchnorm(H @ W_fc + b_fc, bn3_scale, bn3_bias))
    probs = jax.nn.sigmoid(H2 @ W_fc2 + b_fc2).reshape(-1)
    return probs

if __name__ == "__main__":
    import jax
    _d = setup_inputs()
    print(jax.jit(kernel)(*tuple(_d.values())))

</pallas_src>

<mosaic_0001>
#map = affine_map<(d0, d1) -> (0, 0)>
module attributes {stable_mosaic.version = 14 : i64} {
  func.func @k(%arg0: i32, %arg1: i32, %arg2: memref<2640x64xi32, #tpu.memory_space<hbm>>, %arg3: memref<2640x64xi32, #tpu.memory_space<hbm>>, %arg4: memref<632x128xf32, #tpu.memory_space<hbm>>, %arg5: memref<10000x128xf32, #tpu.memory_space<hbm>>, %arg6: memref<20224x128xf32, #tpu.memory_space<hbm>>, %arg7: memref<120x64xi32, #tpu.memory_space<vmem>>, %arg8: memref<120x64xi32, #tpu.memory_space<vmem>>, %arg9: memref<64x128xf32, #tpu.memory_space<vmem>>, %arg10: memref<64x128xf32, #tpu.memory_space<vmem>>, %arg11: memref<10112x128xf32, #tpu.memory_space<vmem_shared>>, %arg12: memref<!tpu.dma_semaphore, #tpu.memory_space<semaphore_mem>>, %arg13: memref<!tpu.dma_semaphore, #tpu.memory_space<semaphore_mem>>, %arg14: memref<!tpu.dma_semaphore, #tpu.memory_space<semaphore_mem>>, %arg15: memref<!tpu.dma_semaphore, #tpu.memory_space<semaphore_mem>>) attributes {dimension_semantics = [#tpu.dimension_semantics<core_parallel>, #tpu.dimension_semantics<subcore_parallel>], iteration_bounds = array<i64: 2, 16>, scalar_prefetch = 0 : i64, scratch_operands = 9 : i64, tpu.core_type = #tpu.core_type<sc_vector_subcore>, window_params = [{transform_indices = #map}, {transform_indices = #map}, {transform_indices = #map}, {transform_indices = #map}, {transform_indices = #map}]} {
    %eq3A = arith.constant 0 : i32
    %eq3A_0 = arith.cmpi eq, %arg0, %eq3A : i32
    %jit3A = arith.constant 120 : i32
    %jit3A_1 = arith.constant 40 : i32
    %select_n3A = arith.select %eq3A_0, %jit3A, %jit3A_1 : i32
    %eq3A_2 = arith.constant 0 : i32
    %eq3A_3 = arith.cmpi eq, %arg0, %eq3A_2 : i32
    %mul3A = arith.constant 120 : i32
    %mul3A_4 = arith.muli %arg1, %mul3A : i32
    %mul3A_5 = arith.constant 40 : i32
    %mul3A_6 = arith.muli %arg1, %mul3A_5 : i32
    %add3A = arith.constant 1920 : i32
    %add3A_7 = arith.addi %add3A, %mul3A_6 : i32
    %select_n3A_8 = arith.select %eq3A_3, %mul3A_4, %add3A_7 : i32
    "tpu.region"() ({
      %run_scoped3A = tpu.sem_alloc : memref<!tpu.dma_semaphore, #tpu.memory_space<semaphore_mem>>
      %dma_start3A_105 = arith.constant 0 : i32
      %dma_start3A_106 = tpu.memref_slice %arg2[%select_n3A_8, %dma_start3A_105] : memref<2640x64xi32, #tpu.memory_space<hbm>> -> memref<120x64xi32, #tpu.memory_space<hbm>>
      %dma_start3A_107 = arith.constant 0 : i32
      %dma_start3A_108 = tpu.memref_slice %arg2[%select_n3A_8, %dma_start3A_107] : memref<2640x64xi32, #tpu.memory_space<hbm>> -> memref<120x64xi32, #tpu.memory_space<hbm>>
      tpu.enqueue_dma source(%dma_start3A_108 : memref<120x64xi32, #tpu.memory_space<hbm>>) target(%arg7 : memref<120x64xi32, #tpu.memory_space<vmem>>) target_semaphore(%run_scoped3A : memref<!tpu.dma_semaphore, #tpu.memory_space<semaphore_mem>>)
      %dma_wait3A_109 = arith.constant 0 : i32
      %dma_wait3A_110 = tpu.memref_slice %arg2[%select_n3A_8, %dma_wait3A_109] : memref<2640x64xi32, #tpu.memory_space<hbm>> -> memref<120x64xi32, #tpu.memory_space<hbm>>
      %dma_wait3A_111 = arith.constant 0 : i32
      %dma_wait3A_112 = tpu.memref_slice %arg2[%select_n3A_8, %dma_wait3A_111] : memref<2640x64xi32, #tpu.memory_space<hbm>> -> memref<120x64xi32, #tpu.memory_space<hbm>>
      tpu.wait_dma2 semaphore(%run_scoped3A : memref<!tpu.dma_semaphore, #tpu.memory_space<semaphore_mem>>) src(%dma_wait3A_112 : memref<120x64xi32, #tpu.memory_space<hbm>>) dst(%arg7 : memref<120x64xi32, #tpu.memory_space<vmem>>)
      tpu.yield
    }) : () -> ()
    "tpu.region"() ({
      %run_scoped3A = tpu.sem_alloc : memref<!tpu.dma_semaphore, #tpu.memory_space<semaphore_mem>>
      %dma_start3A_105 = arith.constant 0 : i32
      %dma_start3A_106 = tpu.memref_slice %arg3[%select_n3A_8, %dma_start3A_105] : memref<2640x64xi32, #tpu.memory_space<hbm>> -> memref<120x64xi32, #tpu.memory_space<hbm>>
      %dma_start3A_107 = arith.constant 0 : i32
      %dma_start3A_108 = tpu.memref_slice %arg3[%select_n3A_8, %dma_start3A_107] : memref<2640x64xi32, #tpu.memory_space<hbm>> -> memref<120x64xi32, #tpu.memory_space<hbm>>
      tpu.enqueue_dma source(%dma_start3A_108 : memref<120x64xi32, #tpu.memory_space<hbm>>) target(%arg8 : memref<120x64xi32, #tpu.memory_space<vmem>>) target_semaphore(%run_scoped3A : memref<!tpu.dma_semaphore, #tpu.memory_space<semaphore_mem>>)
      %dma_wait3A_109 = arith.constant 0 : i32
      %dma_wait3A_110 = tpu.memref_slice %arg3[%select_n3A_8, %dma_wait3A_109] : memref<2640x64xi32, #tpu.memory_space<hbm>> -> memref<120x64xi32, #tpu.memory_space<hbm>>
      %dma_wait3A_111 = arith.constant 0 : i32
      %dma_wait3A_112 = tpu.memref_slice %arg3[%select_n3A_8, %dma_wait3A_111] : memref<2640x64xi32, #tpu.memory_space<hbm>> -> memref<120x64xi32, #tpu.memory_space<hbm>>
      tpu.wait_dma2 semaphore(%run_scoped3A : memref<!tpu.dma_semaphore, #tpu.memory_space<semaphore_mem>>) src(%dma_wait3A_112 : memref<120x64xi32, #tpu.memory_space<hbm>>) dst(%arg8 : memref<120x64xi32, #tpu.memory_space<vmem>>)
      tpu.yield
    }) : () -> ()
    %mul3A_9 = arith.constant 632 : i32
    %mul3A_10 = arith.muli %arg1, %mul3A_9 : i32
    "tpu.region"() ({
      %run_scoped3A = tpu.sem_alloc : memref<!tpu.dma_semaphore, #tpu.memory_space<semaphore_mem>>
      %dma_start3A_105 = arith.constant 0 : i32
      %dma_start3A_106 = tpu.memref_slice %arg11[%mul3A_10, %dma_start3A_105] : memref<10112x128xf32, #tpu.memory_space<vmem_shared>> -> memref<632x128xf32, #tpu.memory_space<vmem_shared>>
      tpu.enqueue_dma source(%arg4 : memref<632x128xf32, #tpu.memory_space<hbm>>) target(%dma_start3A_106 : memref<632x128xf32, #tpu.memory_space<vmem_shared>>) target_semaphore(%run_scoped3A : memref<!tpu.dma_semaphore, #tpu.memory_space<semaphore_mem>>)
      %dma_wait3A_107 = arith.constant 0 : i32
      %dma_wait3A_108 = tpu.memref_slice %arg11[%mul3A_10, %dma_wait3A_107] : memref<10112x128xf32, #tpu.memory_space<vmem_shared>> -> memref<632x128xf32, #tpu.memory_space<vmem_shared>>
      tpu.wait_dma2 semaphore(%run_scoped3A : memref<!tpu.dma_semaphore, #tpu.memory_space<semaphore_mem>>) src(%arg4 : memref<632x128xf32, #tpu.memory_space<hbm>>) dst(%dma_wait3A_108 : memref<632x128xf32, #tpu.memory_space<vmem_shared>>)
      tpu.yield
    }) : () -> ()
    %barrier3A = arith.constant 0 : index
    tpu.barrier barrier_id(%barrier3A)
    %dma_start3A = arith.constant 0 : i32
    %dma_start3A_11 = arith.constant 0 : i32
    %dma_start3A_12 = tpu.memref_slice %arg7[%dma_start3A, %dma_start3A_11] : memref<120x64xi32, #tpu.memory_space<vmem>> -> memref<1x64xi32, #tpu.memory_space<vmem>>
    %dma_start3A_13 = tpu.memref_squeeze %dma_start3A_12 : memref<1x64xi32, #tpu.memory_space<vmem>> -> memref<64xi32, #tpu.memory_space<vmem>>
    %dma_start3A_14 = arith.constant 0 : i32
    %dma_start3A_15 = arith.constant 0 : i32
    %dma_start3A_16 = tpu.memref_slice %arg5[%dma_start3A_14, %dma_start3A_15] : memref<10000x128xf32, #tpu.memory_space<hbm>> -> memref<10000x128xf32, #tpu.memory_space<hbm>>
    tpu.enqueue_indirect_dma source(%dma_start3A_16 : memref<10000x128xf32, #tpu.memory_space<hbm>>) target(%arg9 : memref<64x128xf32, #tpu.memory_space<vmem>>) offsets(%dma_start3A_13 : memref<64xi32, #tpu.memory_space<vmem>>) semaphore(%arg12 : memref<!tpu.dma_semaphore, #tpu.memory_space<semaphore_mem>>)
    %dma_start3A_17 = arith.constant 1 : i32
    %dma_start3A_18 = arith.constant 0 : i32
    %dma_start3A_19 = tpu.memref_slice %arg7[%dma_start3A_17, %dma_start3A_18] : memref<120x64xi32, #tpu.memory_space<vmem>> -> memref<1x64xi32, #tpu.memory_space<vmem>>
    %dma_start3A_20 = tpu.memref_squeeze %dma_start3A_19 : memref<1x64xi32, #tpu.memory_space<vmem>> -> memref<64xi32, #tpu.memory_space<vmem>>
    %dma_start3A_21 = arith.constant 0 : i32
    %dma_start3A_22 = arith.constant 0 : i32
    %dma_start3A_23 = tpu.memref_slice %arg5[%dma_start3A_21, %dma_start3A_22] : memref<10000x128xf32, #tpu.memory_space<hbm>> -> memref<10000x128xf32, #tpu.memory_space<hbm>>
    tpu.enqueue_indirect_dma source(%dma_start3A_23 : memref<10000x128xf32, #tpu.memory_space<hbm>>) target(%arg10 : memref<64x128xf32, #tpu.memory_space<vmem>>) offsets(%dma_start3A_20 : memref<64xi32, #tpu.memory_space<vmem>>) semaphore(%arg13 : memref<!tpu.dma_semaphore, #tpu.memory_space<semaphore_mem>>)
    %jit3A_24 = arith.constant 2 : i32
    %div3A = arith.divsi %select_n3A, %jit3A_24 : i32
    %sign3A = arith.constant 0 : i32
    %sign3A_25 = arith.cmpi sgt, %select_n3A, %sign3A : i32
    %sign3A_26 = arith.extui %sign3A_25 : i1 to i32
    %sign3A_27 = arith.constant 0 : i32
    %sign3A_28 = arith.cmpi slt, %select_n3A, %sign3A_27 : i32
    %sign3A_29 = arith.extui %sign3A_28 : i1 to i32
    %sign3A_30 = arith.subi %sign3A_26, %sign3A_29 : i32
    %sign3A_31 = arith.constant 0 : i32
    %sign3A_32 = arith.cmpi sgt, %jit3A_24, %sign3A_31 : i32
    %sign3A_33 = arith.extui %sign3A_32 : i1 to i32
    %sign3A_34 = arith.constant 0 : i32
    %sign3A_35 = arith.cmpi slt, %jit3A_24, %sign3A_34 : i32
    %sign3A_36 = arith.extui %sign3A_35 : i1 to i32
    %sign3A_37 = arith.subi %sign3A_33, %sign3A_36 : i32
    %ne3A = arith.cmpi ne, %sign3A_30, %sign3A_37 : i32
    %rem3A = arith.remsi %select_n3A, %jit3A_24 : i32
    %ne3A_38 = arith.constant 0 : i32
    %ne3A_39 = arith.cmpi ne, %rem3A, %ne3A_38 : i32
    %and3A = arith.andi %ne3A, %ne3A_39 : i1
    %sub3A = arith.constant 1 : i32
    %sub3A_40 = arith.subi %div3A, %sub3A : i32
    %select_n3A_41 = arith.select %and3A, %sub3A_40, %div3A : i32
    %sub3A_42 = arith.constant 1 : i32
    %sub3A_43 = arith.subi %select_n3A_41, %sub3A_42 : i32
    %while3A = arith.constant 0 : i32
    %while3A_44 = arith.constant 0 : i32
    %while3A_45 = arith.subi %sub3A_43, %while3A_44 : i32
    %while3A_46 = arith.addi %while3A_44, %while3A_45 : i32
    %while3A_47 = arith.constant 1 : i32
    %while3A_48 = arith.divsi %while3A_45, %while3A_47 : i32
    %while3A_49 = arith.muli %while3A_48, %while3A_47 : i32
    %while3A_50 = arith.addi %while3A_44, %while3A_49 : i32
    %while3A_51 = arith.constant 1 : i32
    scf.for %while3A_105 = %while3A_44 to %while3A_50 step %while3A_51  : i32 {
      %mul3A_106 = arith.constant 2 : i32
      %mul3A_107 = arith.muli %mul3A_106, %while3A_105 : i32
      %add3A_108 = arith.constant 0 : i32
      %add3A_109 = arith.addi %mul3A_107, %add3A_108 : i32
      %dma_wait3A_110 = arith.constant 0 : i32
      %dma_wait3A_111 = tpu.memref_slice %arg7[%add3A_109, %dma_wait3A_110] : memref<120x64xi32, #tpu.memory_space<vmem>> -> memref<1x64xi32, #tpu.memory_space<vmem>>
      %dma_wait3A_112 = tpu.memref_squeeze %dma_wait3A_111 : memref<1x64xi32, #tpu.memory_space<vmem>> -> memref<64xi32, #tpu.memory_space<vmem>>
      %dma_wait3A_113 = arith.constant 0 : i32
      %dma_wait3A_114 = arith.constant 0 : i32
      %dma_wait3A_115 = tpu.memref_slice %arg5[%dma_wait3A_113, %dma_wait3A_114] : memref<10000x128xf32, #tpu.memory_space<hbm>> -> memref<10000x128xf32, #tpu.memory_space<hbm>>
      tpu.wait_indirect_dma semaphore(%arg12 : memref<!tpu.dma_semaphore, #tpu.memory_space<semaphore_mem>>) src(%dma_wait3A_115 : memref<10000x128xf32, #tpu.memory_space<hbm>>) dst(%arg9 : memref<64x128xf32, #tpu.memory_space<vmem>>)
      %dma_start3A_116 = arith.constant 0 : i32
      %dma_start3A_117 = tpu.memref_slice %arg8[%add3A_109, %dma_start3A_116] : memref<120x64xi32, #tpu.memory_space<vmem>> -> memref<1x64xi32, #tpu.memory_space<vmem>>
      %dma_start3A_118 = tpu.memref_squeeze %dma_start3A_117 : memref<1x64xi32, #tpu.memory_space<vmem>> -> memref<64xi32, #tpu.memory_space<vmem>>
      %dma_start3A_119 = arith.constant 0 : i32
      %dma_start3A_120 = arith.constant 0 : i32
      %dma_start3A_121 = tpu.memref_slice %arg11[%dma_start3A_119, %dma_start3A_120] : memref<10112x128xf32, #tpu.memory_space<vmem_shared>> -> memref<10112x128xf32, #tpu.memory_space<vmem_shared>>
      tpu.enqueue_indirect_dma source(%arg9 : memref<64x128xf32, #tpu.memory_space<vmem>>) target(%dma_start3A_121 : memref<10112x128xf32, #tpu.memory_space<vmem_shared>>) offsets(%dma_start3A_118 : memref<64xi32, #tpu.memory_space<vmem>>) semaphore(%arg14 : memref<!tpu.dma_semaphore, #tpu.memory_space<semaphore_mem>>) {add = true}
      %dma_wait3A_122 = arith.constant 0 : i32
      %dma_wait3A_123 = tpu.memref_slice %arg8[%add3A_109, %dma_wait3A_122] : memref<120x64xi32, #tpu.memory_space<vmem>> -> memref<1x64xi32, #tpu.memory_space<vmem>>
      %dma_wait3A_124 = tpu.memref_squeeze %dma_wait3A_123 : memref<1x64xi32, #tpu.memory_space<vmem>> -> memref<64xi32, #tpu.memory_space<vmem>>
      %dma_wait3A_125 = arith.constant 0 : i32
      %dma_wait3A_126 = arith.constant 0 : i32
      %dma_wait3A_127 = tpu.memref_slice %arg11[%dma_wait3A_125, %dma_wait3A_126] : memref<10112x128xf32, #tpu.memory_space<vmem_shared>> -> memref<10112x128xf32, #tpu.memory_space<vmem_shared>>
      tpu.wait_indirect_dma semaphore(%arg14 : memref<!tpu.dma_semaphore, #tpu.memory_space<semaphore_mem>>) src(%arg9 : memref<64x128xf32, #tpu.memory_space<vmem>>) dst(%dma_wait3A_127 : memref<10112x128xf32, #tpu.memory_space<vmem_shared>>)
      %add3A_128 = arith.constant 2 : i32
      %add3A_129 = arith.addi %add3A_109, %add3A_128 : i32
      %dma_start3A_130 = arith.constant 0 : i32
      %dma_start3A_131 = tpu.memref_slice %arg7[%add3A_129, %dma_start3A_130] : memref<120x64xi32, #tpu.memory_space<vmem>> -> memref<1x64xi32, #tpu.memory_space<vmem>>
      %dma_start3A_132 = tpu.memref_squeeze %dma_start3A_131 : memref<1x64xi32, #tpu.memory_space<vmem>> -> memref<64xi32, #tpu.memory_space<vmem>>
      %dma_start3A_133 = arith.constant 0 : i32
      %dma_start3A_134 = arith.constant 0 : i32
      %dma_start3A_135 = tpu.memref_slice %arg5[%dma_start3A_133, %dma_start3A_134] : memref<10000x128xf32, #tpu.memory_space<hbm>> -> memref<10000x128xf32, #tpu.memory_space<hbm>>
      tpu.enqueue_indirect_dma source(%dma_start3A_135 : memref<10000x128xf32, #tpu.memory_space<hbm>>) target(%arg9 : memref<64x128xf32, #tpu.memory_space<vmem>>) offsets(%dma_start3A_132 : memref<64xi32, #tpu.memory_space<vmem>>) semaphore(%arg12 : memref<!tpu.dma_semaphore, #tpu.memory_space<semaphore_mem>>)
      %mul3A_136 = arith.constant 2 : i32
      %mul3A_137 = arith.muli %mul3A_136, %while3A_105 : i32
      %add3A_138 = arith.constant 1 : i32
      %add3A_139 = arith.addi %mul3A_137, %add3A_138 : i32
      %dma_wait3A_140 = arith.constant 0 : i32
      %dma_wait3A_141 = tpu.memref_slice %arg7[%add3A_139, %dma_wait3A_140] : memref<120x64xi32, #tpu.memory_space<vmem>> -> memref<1x64xi32, #tpu.memory_space<vmem>>
      %dma_wait3A_142 = tpu.memref_squeeze %dma_wait3A_141 : memref<1x64xi32, #tpu.memory_space<vmem>> -> memref<64xi32, #tpu.memory_space<vmem>>
      %dma_wait3A_143 = arith.constant 0 : i32
      %dma_wait3A_144 = arith.constant 0 : i32
      %dma_wait3A_145 = tpu.memref_slice %arg5[%dma_wait3A_143, %dma_wait3A_144] : memref<10000x128xf32, #tpu.memory_space<hbm>> -> memref<10000x128xf32, #tpu.memory_space<hbm>>
      tpu.wait_indirect_dma semaphore(%arg13 : memref<!tpu.dma_semaphore, #tpu.memory_space<semaphore_mem>>) src(%dma_wait3A_145 : memref<10000x128xf32, #tpu.memory_space<hbm>>) dst(%arg10 : memref<64x128xf32, #tpu.memory_space<vmem>>)
      %dma_start3A_146 = arith.constant 0 : i32
      %dma_start3A_147 = tpu.memref_slice %arg8[%add3A_139, %dma_start3A_146] : memref<120x64xi32, #tpu.memory_space<vmem>> -> memref<1x64xi32, #tpu.memory_space<vmem>>
      %dma_start3A_148 = tpu.memref_squeeze %dma_start3A_147 : memref<1x64xi32, #tpu.memory_space<vmem>> -> memref<64xi32, #tpu.memory_space<vmem>>
      %dma_start3A_149 = arith.constant 0 : i32
      %dma_start3A_150 = arith.constant 0 : i32
      %dma_start3A_151 = tpu.memref_slice %arg11[%dma_start3A_149, %dma_start3A_150] : memref<10112x128xf32, #tpu.memory_space<vmem_shared>> -> memref<10112x128xf32, #tpu.memory_space<vmem_shared>>
      tpu.enqueue_indirect_dma source(%arg10 : memref<64x128xf32, #tpu.memory_space<vmem>>) target(%dma_start3A_151 : memref<10112x128xf32, #tpu.memory_space<vmem_shared>>) offsets(%dma_start3A_148 : memref<64xi32, #tpu.memory_space<vmem>>) semaphore(%arg15 : memref<!tpu.dma_semaphore, #tpu.memory_space<semaphore_mem>>) {add = true}
      %dma_wait3A_152 = arith.constant 0 : i32
      %dma_wait3A_153 = tpu.memref_slice %arg8[%add3A_139, %dma_wait3A_152] : memref<120x64xi32, #tpu.memory_space<vmem>> -> memref<1x64xi32, #tpu.memory_space<vmem>>
      %dma_wait3A_154 = tpu.memref_squeeze %dma_wait3A_153 : memref<1x64xi32, #tpu.memory_space<vmem>> -> memref<64xi32, #tpu.memory_space<vmem>>
      %dma_wait3A_155 = arith.constant 0 : i32
      %dma_wait3A_156 = arith.constant 0 : i32
      %dma_wait3A_157 = tpu.memref_slice %arg11[%dma_wait3A_155, %dma_wait3A_156] : memref<10112x128xf32, #tpu.memory_space<vmem_shared>> -> memref<10112x128xf32, #tpu.memory_space<vmem_shared>>
      tpu.wait_indirect_dma semaphore(%arg15 : memref<!tpu.dma_semaphore, #tpu.memory_space<semaphore_mem>>) src(%arg10 : memref<64x128xf32, #tpu.memory_space<vmem>>) dst(%dma_wait3A_157 : memref<10112x128xf32, #tpu.memory_space<vmem_shared>>)
      %add3A_158 = arith.constant 2 : i32
      %add3A_159 = arith.addi %add3A_139, %add3A_158 : i32
      %dma_start3A_160 = arith.constant 0 : i32
      %dma_start3A_161 = tpu.memref_slice %arg7[%add3A_159, %dma_start3A_160] : memref<120x64xi32, #tpu.memory_space<vmem>> -> memref<1x64xi32, #tpu.memory_space<vmem>>
      %dma_start3A_162 = tpu.memref_squeeze %dma_start3A_161 : memref<1x64xi32, #tpu.memory_space<vmem>> -> memref<64xi32, #tpu.memory_space<vmem>>
      %dma_start3A_163 = arith.constant 0 : i32
      %dma_start3A_164 = arith.constant 0 : i32
      %dma_start3A_165 = tpu.memref_slice %arg5[%dma_start3A_163, %dma_start3A_164] : memref<10000x128xf32, #tpu.memory_space<hbm>> -> memref<10000x128xf32, #tpu.memory_space<hbm>>
      tpu.enqueue_indirect_dma source(%dma_start3A_165 : memref<10000x128xf32, #tpu.memory_space<hbm>>) target(%arg10 : memref<64x128xf32, #tpu.memory_space<vmem>>) offsets(%dma_start3A_162 : memref<64xi32, #tpu.memory_space<vmem>>) semaphore(%arg13 : memref<!tpu.dma_semaphore, #tpu.memory_space<semaphore_mem>>)
    }
    %while3A_52 = arith.constant 1 : i32
    scf.for %while3A_105 = %while3A_50 to %while3A_46 step %while3A_52  : i32 {
      %mul3A_106 = arith.constant 2 : i32
      %mul3A_107 = arith.muli %mul3A_106, %while3A_105 : i32
      %add3A_108 = arith.constant 0 : i32
      %add3A_109 = arith.addi %mul3A_107, %add3A_108 : i32
      %dma_wait3A_110 = arith.constant 0 : i32
      %dma_wait3A_111 = tpu.memref_slice %arg7[%add3A_109, %dma_wait3A_110] : memref<120x64xi32, #tpu.memory_space<vmem>> -> memref<1x64xi32, #tpu.memory_space<vmem>>
      %dma_wait3A_112 = tpu.memref_squeeze %dma_wait3A_111 : memref<1x64xi32, #tpu.memory_space<vmem>> -> memref<64xi32, #tpu.memory_space<vmem>>
      %dma_wait3A_113 = arith.constant 0 : i32
      %dma_wait3A_114 = arith.constant 0 : i32
      %dma_wait3A_115 = tpu.memref_slice %arg5[%dma_wait3A_113, %dma_wait3A_114] : memref<10000x128xf32, #tpu.memory_space<hbm>> -> memref<10000x128xf32, #tpu.memory_space<hbm>>
      tpu.wait_indirect_dma semaphore(%arg12 : memref<!tpu.dma_semaphore, #tpu.memory_space<semaphore_mem>>) src(%dma_wait3A_115 : memref<10000x128xf32, #tpu.memory_space<hbm>>) dst(%arg9 : memref<64x128xf32, #tpu.memory_space<vmem>>)
      %dma_start3A_116 = arith.constant 0 : i32
      %dma_start3A_117 = tpu.memref_slice %arg8[%add3A_109, %dma_start3A_116] : memref<120x64xi32, #tpu.memory_space<vmem>> -> memref<1x64xi32, #tpu.memory_space<vmem>>
      %dma_start3A_118 = tpu.memref_squeeze %dma_start3A_117 : memref<1x64xi32, #tpu.memory_space<vmem>> -> memref<64xi32, #tpu.memory_space<vmem>>
      %dma_start3A_119 = arith.constant 0 : i32
      %dma_start3A_120 = arith.constant 0 : i32
      %dma_start3A_121 = tpu.memref_slice %arg11[%dma_start3A_119, %dma_start3A_120] : memref<10112x128xf32, #tpu.memory_space<vmem_shared>> -> memref<10112x128xf32, #tpu.memory_space<vmem_shared>>
      tpu.enqueue_indirect_dma source(%arg9 : memref<64x128xf32, #tpu.memory_space<vmem>>) target(%dma_start3A_121 : memref<10112x128xf32, #tpu.memory_space<vmem_shared>>) offsets(%dma_start3A_118 : memref<64xi32, #tpu.memory_space<vmem>>) semaphore(%arg14 : memref<!tpu.dma_semaphore, #tpu.memory_space<semaphore_mem>>) {add = true}
      %dma_wait3A_122 = arith.constant 0 : i32
      %dma_wait3A_123 = tpu.memref_slice %arg8[%add3A_109, %dma_wait3A_122] : memref<120x64xi32, #tpu.memory_space<vmem>> -> memref<1x64xi32, #tpu.memory_space<vmem>>
      %dma_wait3A_124 = tpu.memref_squeeze %dma_wait3A_123 : memref<1x64xi32, #tpu.memory_space<vmem>> -> memref<64xi32, #tpu.memory_space<vmem>>
      %dma_wait3A_125 = arith.constant 0 : i32
      %dma_wait3A_126 = arith.constant 0 : i32
      %dma_wait3A_127 = tpu.memref_slice %arg11[%dma_wait3A_125, %dma_wait3A_126] : memref<10112x128xf32, #tpu.memory_space<vmem_shared>> -> memref<10112x128xf32, #tpu.memory_space<vmem_shared>>
      tpu.wait_indirect_dma semaphore(%arg14 : memref<!tpu.dma_semaphore, #tpu.memory_space<semaphore_mem>>) src(%arg9 : memref<64x128xf32, #tpu.memory_space<vmem>>) dst(%dma_wait3A_127 : memref<10112x128xf32, #tpu.memory_space<vmem_shared>>)
      %add3A_128 = arith.constant 2 : i32
      %add3A_129 = arith.addi %add3A_109, %add3A_128 : i32
      %dma_start3A_130 = arith.constant 0 : i32
      %dma_start3A_131 = tpu.memref_slice %arg7[%add3A_129, %dma_start3A_130] : memref<120x64xi32, #tpu.memory_space<vmem>> -> memref<1x64xi32, #tpu.memory_space<vmem>>
      %dma_start3A_132 = tpu.memref_squeeze %dma_start3A_131 : memref<1x64xi32, #tpu.memory_space<vmem>> -> memref<64xi32, #tpu.memory_space<vmem>>
      %dma_start3A_133 = arith.constant 0 : i32
      %dma_start3A_134 = arith.constant 0 : i32
      %dma_start3A_135 = tpu.memref_slice %arg5[%dma_start3A_133, %dma_start3A_134] : memref<10000x128xf32, #tpu.memory_space<hbm>> -> memref<10000x128xf32, #tpu.memory_space<hbm>>
      tpu.enqueue_indirect_dma source(%dma_start3A_135 : memref<10000x128xf32, #tpu.memory_space<hbm>>) target(%arg9 : memref<64x128xf32, #tpu.memory_space<vmem>>) offsets(%dma_start3A_132 : memref<64xi32, #tpu.memory_space<vmem>>) semaphore(%arg12 : memref<!tpu.dma_semaphore, #tpu.memory_space<semaphore_mem>>)
      %mul3A_136 = arith.constant 2 : i32
      %mul3A_137 = arith.muli %mul3A_136, %while3A_105 : i32
      %add3A_138 = arith.constant 1 : i32
      %add3A_139 = arith.addi %mul3A_137, %add3A_138 : i32
      %dma_wait3A_140 = arith.constant 0 : i32
      %dma_wait3A_141 = tpu.memref_slice %arg7[%add3A_139, %dma_wait3A_140] : memref<120x64xi32, #tpu.memory_space<vmem>> -> memref<1x64xi32, #tpu.memory_space<vmem>>
      %dma_wait3A_142 = tpu.memref_squeeze %dma_wait3A_141 : memref<1x64xi32, #tpu.memory_space<vmem>> -> memref<64xi32, #tpu.memory_space<vmem>>
      %dma_wait3A_143 = arith.constant 0 : i32
      %dma_wait3A_144 = arith.constant 0 : i32
      %dma_wait3A_145 = tpu.memref_slice %arg5[%dma_wait3A_143, %dma_wait3A_144] : memref<10000x128xf32, #tpu.memory_space<hbm>> -> memref<10000x128xf32, #tpu.memory_space<hbm>>
      tpu.wait_indirect_dma semaphore(%arg13 : memref<!tpu.dma_semaphore, #tpu.memory_space<semaphore_mem>>) src(%dma_wait3A_145 : memref<10000x128xf32, #tpu.memory_space<hbm>>) dst(%arg10 : memref<64x128xf32, #tpu.memory_space<vmem>>)
      %dma_start3A_146 = arith.constant 0 : i32
      %dma_start3A_147 = tpu.memref_slice %arg8[%add3A_139, %dma_start3A_146] : memref<120x64xi32, #tpu.memory_space<vmem>> -> memref<1x64xi32, #tpu.memory_space<vmem>>
      %dma_start3A_148 = tpu.memref_squeeze %dma_start3A_147 : memref<1x64xi32, #tpu.memory_space<vmem>> -> memref<64xi32, #tpu.memory_space<vmem>>
      %dma_start3A_149 = arith.constant 0 : i32
      %dma_start3A_150 = arith.constant 0 : i32
      %dma_start3A_151 = tpu.memref_slice %arg11[%dma_start3A_149, %dma_start3A_150] : memref<10112x128xf32, #tpu.memory_space<vmem_shared>> -> memref<10112x128xf32, #tpu.memory_space<vmem_shared>>
      tpu.enqueue_indirect_dma source(%arg10 : memref<64x128xf32, #tpu.memory_space<vmem>>) target(%dma_start3A_151 : memref<10112x128xf32, #tpu.memory_space<vmem_shared>>) offsets(%dma_start3A_148 : memref<64xi32, #tpu.memory_space<vmem>>) semaphore(%arg15 : memref<!tpu.dma_semaphore, #tpu.memory_space<semaphore_mem>>) {add = true}
      %dma_wait3A_152 = arith.constant 0 : i32
      %dma_wait3A_153 = tpu.memref_slice %arg8[%add3A_139, %dma_wait3A_152] : memref<120x64xi32, #tpu.memory_space<vmem>> -> memref<1x64xi32, #tpu.memory_space<vmem>>
      %dma_wait3A_154 = tpu.memref_squeeze %dma_wait3A_153 : memref<1x64xi32, #tpu.memory_space<vmem>> -> memref<64xi32, #tpu.memory_space<vmem>>
      %dma_wait3A_155 = arith.constant 0 : i32
      %dma_wait3A_156 = arith.constant 0 : i32
      %dma_wait3A_157 = tpu.memref_slice %arg11[%dma_wait3A_155, %dma_wait3A_156] : memref<10112x128xf32, #tpu.memory_space<vmem_shared>> -> memref<10112x128xf32, #tpu.memory_space<vmem_shared>>
      tpu.wait_indirect_dma semaphore(%arg15 : memref<!tpu.dma_semaphore, #tpu.memory_space<semaphore_mem>>) src(%arg10 : memref<64x128xf32, #tpu.memory_space<vmem>>) dst(%dma_wait3A_157 : memref<10112x128xf32, #tpu.memory_space<vmem_shared>>)
      %add3A_158 = arith.constant 2 : i32
      %add3A_159 = arith.addi %add3A_139, %add3A_158 : i32
      %dma_start3A_160 = arith.constant 0 : i32
      %dma_start3A_161 = tpu.memref_slice %arg7[%add3A_159, %dma_start3A_160] : memref<120x64xi32, #tpu.memory_space<vmem>> -> memref<1x64xi32, #tpu.memory_space<vmem>>
      %dma_start3A_162 = tpu.memref_squeeze %dma_start3A_161 : memref<1x64xi32, #tpu.memory_space<vmem>> -> memref<64xi32, #tpu.memory_space<vmem>>
      %dma_start3A_163 = arith.constant 0 : i32
      %dma_start3A_164 = arith.constant 0 : i32
      %dma_start3A_165 = tpu.memref_slice %arg5[%dma_start3A_163, %dma_start3A_164] : memref<10000x128xf32, #tpu.memory_space<hbm>> -> memref<10000x128xf32, #tpu.memory_space<hbm>>
      tpu.enqueue_indirect_dma source(%dma_start3A_165 : memref<10000x128xf32, #tpu.memory_space<hbm>>) target(%arg10 : memref<64x128xf32, #tpu.memory_space<vmem>>) offsets(%dma_start3A_162 : memref<64xi32, #tpu.memory_space<vmem>>) semaphore(%arg13 : memref<!tpu.dma_semaphore, #tpu.memory_space<semaphore_mem>>)
    }
    %sub3A_53 = arith.constant 2 : i32
    %sub3A_54 = arith.subi %select_n3A, %sub3A_53 : i32
    %add3A_55 = arith.constant 0 : i32
    %add3A_56 = arith.addi %sub3A_54, %add3A_55 : i32
    %dma_wait3A = arith.constant 0 : i32
    %dma_wait3A_57 = tpu.memref_slice %arg7[%add3A_56, %dma_wait3A] : memref<120x64xi32, #tpu.memory_space<vmem>> -> memref<1x64xi32, #tpu.memory_space<vmem>>
    %dma_wait3A_58 = tpu.memref_squeeze %dma_wait3A_57 : memref<1x64xi32, #tpu.memory_space<vmem>> -> memref<64xi32, #tpu.memory_space<vmem>>
    %dma_wait3A_59 = arith.constant 0 : i32
    %dma_wait3A_60 = arith.constant 0 : i32
    %dma_wait3A_61 = tpu.memref_slice %arg5[%dma_wait3A_59, %dma_wait3A_60] : memref<10000x128xf32, #tpu.memory_space<hbm>> -> memref<10000x128xf32, #tpu.memory_space<hbm>>
    tpu.wait_indirect_dma semaphore(%arg12 : memref<!tpu.dma_semaphore, #tpu.memory_space<semaphore_mem>>) src(%dma_wait3A_61 : memref<10000x128xf32, #tpu.memory_space<hbm>>) dst(%arg9 : memref<64x128xf32, #tpu.memory_space<vmem>>)
    %dma_start3A_62 = arith.constant 0 : i32
    %dma_start3A_63 = tpu.memref_slice %arg8[%add3A_56, %dma_start3A_62] : memref<120x64xi32, #tpu.memory_space<vmem>> -> memref<1x64xi32, #tpu.memory_space<vmem>>
    %dma_start3A_64 = tpu.memref_squeeze %dma_start3A_63 : memref<1x64xi32, #tpu.memory_space<vmem>> -> memref<64xi32, #tpu.memory_space<vmem>>
    %dma_start3A_65 = arith.constant 0 : i32
    %dma_start3A_66 = arith.constant 0 : i32
    %dma_start3A_67 = tpu.memref_slice %arg11[%dma_start3A_65, %dma_start3A_66] : memref<10112x128xf32, #tpu.memory_space<vmem_shared>> -> memref<10112x128xf32, #tpu.memory_space<vmem_shared>>
    tpu.enqueue_indirect_dma source(%arg9 : memref<64x128xf32, #tpu.memory_space<vmem>>) target(%dma_start3A_67 : memref<10112x128xf32, #tpu.memory_space<vmem_shared>>) offsets(%dma_start3A_64 : memref<64xi32, #tpu.memory_space<vmem>>) semaphore(%arg14 : memref<!tpu.dma_semaphore, #tpu.memory_space<semaphore_mem>>) {add = true}
    %dma_wait3A_68 = arith.constant 0 : i32
    %dma_wait3A_69 = tpu.memref_slice %arg8[%add3A_56, %dma_wait3A_68] : memref<120x64xi32, #tpu.memory_space<vmem>> -> memref<1x64xi32, #tpu.memory_space<vmem>>
    %dma_wait3A_70 = tpu.memref_squeeze %dma_wait3A_69 : memref<1x64xi32, #tpu.memory_space<vmem>> -> memref<64xi32, #tpu.memory_space<vmem>>
    %dma_wait3A_71 = arith.constant 0 : i32
    %dma_wait3A_72 = arith.constant 0 : i32
    %dma_wait3A_73 = tpu.memref_slice %arg11[%dma_wait3A_71, %dma_wait3A_72] : memref<10112x128xf32, #tpu.memory_space<vmem_shared>> -> memref<10112x128xf32, #tpu.memory_space<vmem_shared>>
    tpu.wait_indirect_dma semaphore(%arg14 : memref<!tpu.dma_semaphore, #tpu.memory_space<semaphore_mem>>) src(%arg9 : memref<64x128xf32, #tpu.memory_space<vmem>>) dst(%dma_wait3A_73 : memref<10112x128xf32, #tpu.memory_space<vmem_shared>>)
    %sub3A_74 = arith.constant 2 : i32
    %sub3A_75 = arith.subi %select_n3A, %sub3A_74 : i32
    %add3A_76 = arith.constant 1 : i32
    %add3A_77 = arith.addi %sub3A_75, %add3A_76 : i32
    %dma_wait3A_78 = arith.constant 0 : i32
    %dma_wait3A_79 = tpu.memref_slice %arg7[%add3A_77, %dma_wait3A_78] : memref<120x64xi32, #tpu.memory_space<vmem>> -> memref<1x64xi32, #tpu.memory_space<vmem>>
    %dma_wait3A_80 = tpu.memref_squeeze %dma_wait3A_79 : memref<1x64xi32, #tpu.memory_space<vmem>> -> memref<64xi32, #tpu.memory_space<vmem>>
    %dma_wait3A_81 = arith.constant 0 : i32
    %dma_wait3A_82 = arith.constant 0 : i32
    %dma_wait3A_83 = tpu.memref_slice %arg5[%dma_wait3A_81, %dma_wait3A_82] : memref<10000x128xf32, #tpu.memory_space<hbm>> -> memref<10000x128xf32, #tpu.memory_space<hbm>>
    tpu.wait_indirect_dma semaphore(%arg13 : memref<!tpu.dma_semaphore, #tpu.memory_space<semaphore_mem>>) src(%dma_wait3A_83 : memref<10000x128xf32, #tpu.memory_space<hbm>>) dst(%arg10 : memref<64x128xf32, #tpu.memory_space<vmem>>)
    %dma_start3A_84 = arith.constant 0 : i32
    %dma_start3A_85 = tpu.memref_slice %arg8[%add3A_77, %dma_start3A_84] : memref<120x64xi32, #tpu.memory_space<vmem>> -> memref<1x64xi32, #tpu.memory_space<vmem>>
    %dma_start3A_86 = tpu.memref_squeeze %dma_start3A_85 : memref<1x64xi32, #tpu.memory_space<vmem>> -> memref<64xi32, #tpu.memory_space<vmem>>
    %dma_start3A_87 = arith.constant 0 : i32
    %dma_start3A_88 = arith.constant 0 : i32
    %dma_start3A_89 = tpu.memref_slice %arg11[%dma_start3A_87, %dma_start3A_88] : memref<10112x128xf32, #tpu.memory_space<vmem_shared>> -> memref<10112x128xf32, #tpu.memory_space<vmem_shared>>
    tpu.enqueue_indirect_dma source(%arg10 : memref<64x128xf32, #tpu.memory_space<vmem>>) target(%dma_start3A_89 : memref<10112x128xf32, #tpu.memory_space<vmem_shared>>) offsets(%dma_start3A_86 : memref<64xi32, #tpu.memory_space<vmem>>) semaphore(%arg15 : memref<!tpu.dma_semaphore, #tpu.memory_space<semaphore_mem>>) {add = true}
    %dma_wait3A_90 = arith.constant 0 : i32
    %dma_wait3A_91 = tpu.memref_slice %arg8[%add3A_77, %dma_wait3A_90] : memref<120x64xi32, #tpu.memory_space<vmem>> -> memref<1x64xi32, #tpu.memory_space<vmem>>
    %dma_wait3A_92 = tpu.memref_squeeze %dma_wait3A_91 : memref<1x64xi32, #tpu.memory_space<vmem>> -> memref<64xi32, #tpu.memory_space<vmem>>
    %dma_wait3A_93 = arith.constant 0 : i32
    %dma_wait3A_94 = arith.constant 0 : i32
    %dma_wait3A_95 = tpu.memref_slice %arg11[%dma_wait3A_93, %dma_wait3A_94] : memref<10112x128xf32, #tpu.memory_space<vmem_shared>> -> memref<10112x128xf32, #tpu.memory_space<vmem_shared>>
    tpu.wait_indirect_dma semaphore(%arg15 : memref<!tpu.dma_semaphore, #tpu.memory_space<semaphore_mem>>) src(%arg10 : memref<64x128xf32, #tpu.memory_space<vmem>>) dst(%dma_wait3A_95 : memref<10112x128xf32, #tpu.memory_space<vmem_shared>>)
    %barrier3A_96 = arith.constant 0 : index
    tpu.barrier barrier_id(%barrier3A_96)
    %mul3A_97 = arith.constant 632 : i32
    %mul3A_98 = arith.muli %arg1, %mul3A_97 : i32
    %mul3A_99 = arith.constant 10112 : i32
    %mul3A_100 = arith.muli %arg0, %mul3A_99 : i32
    %mul3A_101 = arith.constant 632 : i32
    %mul3A_102 = arith.muli %arg1, %mul3A_101 : i32
    %add3A_103 = arith.addi %mul3A_100, %mul3A_102 : i32
    "tpu.region"() ({
      %run_scoped3A = tpu.sem_alloc : memref<!tpu.dma_semaphore, #tpu.memory_space<semaphore_mem>>
      %dma_start3A_105 = arith.constant 0 : i32
      %dma_start3A_106 = tpu.memref_slice %arg6[%add3A_103, %dma_start3A_105] : memref<20224x128xf32, #tpu.memory_space<hbm>> -> memref<632x128xf32, #tpu.memory_space<hbm>>
      %dma_start3A_107 = arith.constant 0 : i32
      %dma_start3A_108 = tpu.memref_slice %arg11[%mul3A_98, %dma_start3A_107] : memref<10112x128xf32, #tpu.memory_space<vmem_shared>> -> memref<632x128xf32, #tpu.memory_space<vmem_shared>>
      tpu.enqueue_dma source(%dma_start3A_108 : memref<632x128xf32, #tpu.memory_space<vmem_shared>>) target(%dma_start3A_106 : memref<632x128xf32, #tpu.memory_space<hbm>>) target_semaphore(%run_scoped3A : memref<!tpu.dma_semaphore, #tpu.memory_space<semaphore_mem>>)
      %dma_wait3A_109 = arith.constant 0 : i32
      %dma_wait3A_110 = tpu.memref_slice %arg6[%add3A_103, %dma_wait3A_109] : memref<20224x128xf32, #tpu.memory_space<hbm>> -> memref<632x128xf32, #tpu.memory_space<hbm>>
      %dma_wait3A_111 = arith.constant 0 : i32
      %dma_wait3A_112 = tpu.memref_slice %arg11[%mul3A_98, %dma_wait3A_111] : memref<10112x128xf32, #tpu.memory_space<vmem_shared>> -> memref<632x128xf32, #tpu.memory_space<vmem_shared>>
      tpu.wait_dma2 semaphore(%run_scoped3A : memref<!tpu.dma_semaphore, #tpu.memory_space<semaphore_mem>>) src(%dma_wait3A_112 : memref<632x128xf32, #tpu.memory_space<vmem_shared>>) dst(%dma_wait3A_110 : memref<632x128xf32, #tpu.memory_space<hbm>>)
      tpu.yield
    }) : () -> ()
    %barrier3A_104 = arith.constant 0 : index
    tpu.barrier barrier_id(%barrier3A_104)
    return
  }
}

#map = affine_map<(d0, d1) -> (0, 0)>
#map1 = affine_map<(d0, d1) -> (0)>
module attributes {stable_mosaic.version = 14 : i64} {
  func.func @k(%arg0: i32, %arg1: i32, %arg2: memref<100000x1024xf32, #tpu.memory_space<hbm>>, %arg3: memref<4096xi32, #tpu.memory_space<hbm>>, %arg4: memref<4096x1024xf32, #tpu.memory_space<hbm>>, %arg5: memref<128xi32, #tpu.memory_space<vmem>>, %arg6: memref<64x1024xf32, #tpu.memory_space<vmem>>, %arg7: memref<!tpu.dma_semaphore, #tpu.memory_space<semaphore_mem>>) attributes {dimension_semantics = [#tpu.dimension_semantics<core_parallel>, #tpu.dimension_semantics<subcore_parallel>], iteration_bounds = array<i64: 2, 16>, scalar_prefetch = 0 : i64, scratch_operands = 3 : i64, tpu.core_type = #tpu.core_type<sc_vector_subcore>, window_params = [{transform_indices = #map}, {transform_indices = #map1}, {transform_indices = #map}]} {
    %mul3A = arith.constant 2 : i32
    %mul3A_0 = arith.muli %arg1, %mul3A : i32
    %add3A = arith.addi %mul3A_0, %arg0 : i32
    %mul3A_1 = arith.constant 128 : i32
    %mul3A_2 = arith.muli %add3A, %mul3A_1 : i32
    "tpu.region"() ({
      %run_scoped3A = tpu.sem_alloc : memref<!tpu.dma_semaphore, #tpu.memory_space<semaphore_mem>>
      %dma_start3A_25 = tpu.memref_slice %arg3[%mul3A_2] : memref<4096xi32, #tpu.memory_space<hbm>> -> memref<128xi32, #tpu.memory_space<hbm>>
      %dma_start3A_26 = tpu.memref_slice %arg3[%mul3A_2] : memref<4096xi32, #tpu.memory_space<hbm>> -> memref<128xi32, #tpu.memory_space<hbm>>
      tpu.enqueue_dma source(%dma_start3A_26 : memref<128xi32, #tpu.memory_space<hbm>>) target(%arg5 : memref<128xi32, #tpu.memory_space<vmem>>) target_semaphore(%run_scoped3A : memref<!tpu.dma_semaphore, #tpu.memory_space<semaphore_mem>>)
      %dma_wait3A_27 = tpu.memref_slice %arg3[%mul3A_2] : memref<4096xi32, #tpu.memory_space<hbm>> -> memref<128xi32, #tpu.memory_space<hbm>>
      %dma_wait3A_28 = tpu.memref_slice %arg3[%mul3A_2] : memref<4096xi32, #tpu.memory_space<hbm>> -> memref<128xi32, #tpu.memory_space<hbm>>
      tpu.wait_dma2 semaphore(%run_scoped3A : memref<!tpu.dma_semaphore, #tpu.memory_space<semaphore_mem>>) src(%dma_wait3A_28 : memref<128xi32, #tpu.memory_space<hbm>>) dst(%arg5 : memref<128xi32, #tpu.memory_space<vmem>>)
      tpu.yield
    }) : () -> ()
    %dma_start3A = arith.constant 0 : i32
    %dma_start3A_3 = tpu.memref_slice %arg5[%dma_start3A] : memref<128xi32, #tpu.memory_space<vmem>> -> memref<64xi32, #tpu.memory_space<vmem>>
    %dma_start3A_4 = arith.constant 0 : i32
    %dma_start3A_5 = arith.constant 0 : i32
    %dma_start3A_6 = tpu.memref_slice %arg2[%dma_start3A_4, %dma_start3A_5] : memref<100000x1024xf32, #tpu.memory_space<hbm>> -> memref<100000x1024xf32, #tpu.memory_space<hbm>>
    tpu.enqueue_indirect_dma source(%dma_start3A_6 : memref<100000x1024xf32, #tpu.memory_space<hbm>>) target(%arg6 : memref<64x1024xf32, #tpu.memory_space<vmem>>) offsets(%dma_start3A_3 : memref<64xi32, #tpu.memory_space<vmem>>) semaphore(%arg7 : memref<!tpu.dma_semaphore, #tpu.memory_space<semaphore_mem>>)
    %dma_wait3A = arith.constant 0 : i32
    %dma_wait3A_7 = tpu.memref_slice %arg5[%dma_wait3A] : memref<128xi32, #tpu.memory_space<vmem>> -> memref<64xi32, #tpu.memory_space<vmem>>
    %dma_wait3A_8 = arith.constant 0 : i32
    %dma_wait3A_9 = arith.constant 0 : i32
    %dma_wait3A_10 = tpu.memref_slice %arg2[%dma_wait3A_8, %dma_wait3A_9] : memref<100000x1024xf32, #tpu.memory_space<hbm>> -> memref<100000x1024xf32, #tpu.memory_space<hbm>>
    tpu.wait_indirect_dma semaphore(%arg7 : memref<!tpu.dma_semaphore, #tpu.memory_space<semaphore_mem>>) src(%dma_wait3A_10 : memref<100000x1024xf32, #tpu.memory_space<hbm>>) dst(%arg6 : memref<64x1024xf32, #tpu.memory_space<vmem>>)
    %add3A_11 = arith.constant 0 : i32
    %add3A_12 = arith.addi %mul3A_2, %add3A_11 : i32
    "tpu.region"() ({
      %run_scoped3A = tpu.sem_alloc : memref<!tpu.dma_semaphore, #tpu.memory_space<semaphore_mem>>
      %dma_start3A_25 = arith.constant 0 : i32
      %dma_start3A_26 = tpu.memref_slice %arg4[%add3A_12, %dma_start3A_25] : memref<4096x1024xf32, #tpu.memory_space<hbm>> -> memref<64x1024xf32, #tpu.memory_space<hbm>>
      %dma_start3A_27 = arith.constant 0 : i32
      %dma_start3A_28 = tpu.memref_slice %arg4[%add3A_12, %dma_start3A_27] : memref<4096x1024xf32, #tpu.memory_space<hbm>> -> memref<64x1024xf32, #tpu.memory_space<hbm>>
      tpu.enqueue_dma source(%arg6 : memref<64x1024xf32, #tpu.memory_space<vmem>>) target(%dma_start3A_28 : memref<64x1024xf32, #tpu.memory_space<hbm>>) target_semaphore(%run_scoped3A : memref<!tpu.dma_semaphore, #tpu.memory_space<semaphore_mem>>)
      %dma_wait3A_29 = arith.constant 0 : i32
      %dma_wait3A_30 = tpu.memref_slice %arg4[%add3A_12, %dma_wait3A_29] : memref<4096x1024xf32, #tpu.memory_space<hbm>> -> memref<64x1024xf32, #tpu.memory_space<hbm>>
      %dma_wait3A_31 = arith.constant 0 : i32
      %dma_wait3A_32 = tpu.memref_slice %arg4[%add3A_12, %dma_wait3A_31] : memref<4096x1024xf32, #tpu.memory_space<hbm>> -> memref<64x1024xf32, #tpu.memory_space<hbm>>
      tpu.wait_dma2 semaphore(%run_scoped3A : memref<!tpu.dma_semaphore, #tpu.memory_space<semaphore_mem>>) src(%arg6 : memref<64x1024xf32, #tpu.memory_space<vmem>>) dst(%dma_wait3A_32 : memref<64x1024xf32, #tpu.memory_space<hbm>>)
      tpu.yield
    }) : () -> ()
    %dma_start3A_13 = arith.constant 64 : i32
    %dma_start3A_14 = tpu.memref_slice %arg5[%dma_start3A_13] : memref<128xi32, #tpu.memory_space<vmem>> -> memref<64xi32, #tpu.memory_space<vmem>>
    %dma_start3A_15 = arith.constant 0 : i32
    %dma_start3A_16 = arith.constant 0 : i32
    %dma_start3A_17 = tpu.memref_slice %arg2[%dma_start3A_15, %dma_start3A_16] : memref<100000x1024xf32, #tpu.memory_space<hbm>> -> memref<100000x1024xf32, #tpu.memory_space<hbm>>
    tpu.enqueue_indirect_dma source(%dma_start3A_17 : memref<100000x1024xf32, #tpu.memory_space<hbm>>) target(%arg6 : memref<64x1024xf32, #tpu.memory_space<vmem>>) offsets(%dma_start3A_14 : memref<64xi32, #tpu.memory_space<vmem>>) semaphore(%arg7 : memref<!tpu.dma_semaphore, #tpu.memory_space<semaphore_mem>>)
    %dma_wait3A_18 = arith.constant 64 : i32
    %dma_wait3A_19 = tpu.memref_slice %arg5[%dma_wait3A_18] : memref<128xi32, #tpu.memory_space<vmem>> -> memref<64xi32, #tpu.memory_space<vmem>>
    %dma_wait3A_20 = arith.constant 0 : i32
    %dma_wait3A_21 = arith.constant 0 : i32
    %dma_wait3A_22 = tpu.memref_slice %arg2[%dma_wait3A_20, %dma_wait3A_21] : memref<100000x1024xf32, #tpu.memory_space<hbm>> -> memref<100000x1024xf32, #tpu.memory_space<hbm>>
    tpu.wait_indirect_dma semaphore(%arg7 : memref<!tpu.dma_semaphore, #tpu.memory_space<semaphore_mem>>) src(%dma_wait3A_22 : memref<100000x1024xf32, #tpu.memory_space<hbm>>) dst(%arg6 : memref<64x1024xf32, #tpu.memory_space<vmem>>)
    %add3A_23 = arith.constant 64 : i32
    %add3A_24 = arith.addi %mul3A_2, %add3A_23 : i32
    "tpu.region"() ({
      %run_scoped3A = tpu.sem_alloc : memref<!tpu.dma_semaphore, #tpu.memory_space<semaphore_mem>>
      %dma_start3A_25 = arith.constant 0 : i32
      %dma_start3A_26 = tpu.memref_slice %arg4[%add3A_24, %dma_start3A_25] : memref<4096x1024xf32, #tpu.memory_space<hbm>> -> memref<64x1024xf32, #tpu.memory_space<hbm>>
      %dma_start3A_27 = arith.constant 0 : i32
      %dma_start3A_28 = tpu.memref_slice %arg4[%add3A_24, %dma_start3A_27] : memref<4096x1024xf32, #tpu.memory_space<hbm>> -> memref<64x1024xf32, #tpu.memory_space<hbm>>
      tpu.enqueue_dma source(%arg6 : memref<64x1024xf32, #tpu.memory_space<vmem>>) target(%dma_start3A_28 : memref<64x1024xf32, #tpu.memory_space<hbm>>) target_semaphore(%run_scoped3A : memref<!tpu.dma_semaphore, #tpu.memory_space<semaphore_mem>>)
      %dma_wait3A_29 = arith.constant 0 : i32
      %dma_wait3A_30 = tpu.memref_slice %arg4[%add3A_24, %dma_wait3A_29] : memref<4096x1024xf32, #tpu.memory_space<hbm>> -> memref<64x1024xf32, #tpu.memory_space<hbm>>
      %dma_wait3A_31 = arith.constant 0 : i32
      %dma_wait3A_32 = tpu.memref_slice %arg4[%add3A_24, %dma_wait3A_31] : memref<4096x1024xf32, #tpu.memory_space<hbm>> -> memref<64x1024xf32, #tpu.memory_space<hbm>>
      tpu.wait_dma2 semaphore(%run_scoped3A : memref<!tpu.dma_semaphore, #tpu.memory_space<semaphore_mem>>) src(%arg6 : memref<64x1024xf32, #tpu.memory_space<vmem>>) dst(%dma_wait3A_32 : memref<64x1024xf32, #tpu.memory_space<hbm>>)
      tpu.yield
    }) : () -> ()
    return
  }
}

#map = affine_map<(d0, d1) -> (0, 0)>
module attributes {stable_mosaic.version = 14 : i64} {
  func.func @k(%arg0: i32, %arg1: i32, %arg2: memref<2640x64xi32, #tpu.memory_space<hbm>>, %arg3: memref<2640x64xi32, #tpu.memory_space<hbm>>, %arg4: memref<632x128xf32, #tpu.memory_space<hbm>>, %arg5: memref<10000x128xf32, #tpu.memory_space<hbm>>, %arg6: memref<10000x128xf32, #tpu.memory_space<hbm>>, %arg7: memref<10000x128xf32, #tpu.memory_space<hbm>>, %arg8: memref<10000x128xf32, #tpu.memory_space<hbm>>, %arg9: memref<10000x128xf32, #tpu.memory_space<hbm>>, %arg10: memref<10000x128xf32, #tpu.memory_space<hbm>>, %arg11: memref<10000x128xf32, #tpu.memory_space<hbm>>, %arg12: memref<10000x128xf32, #tpu.memory_space<hbm>>, %arg13: memref<20224x128xf32, #tpu.memory_space<hbm>>, %arg14: memref<20224x128xf32, #tpu.memory_space<hbm>>, %arg15: memref<20224x128xf32, #tpu.memory_space<hbm>>, %arg16: memref<20224x128xf32, #tpu.memory_space<hbm>>, %arg17: memref<20224x128xf32, #tpu.memory_space<hbm>>, %arg18: memref<20224x128xf32, #tpu.memory_space<hbm>>, %arg19: memref<20224x128xf32, #tpu.memory_space<hbm>>, %arg20: memref<20224x128xf32, #tpu.memory_space<hbm>>, %arg21: memref<120x64xi32, #tpu.memory_space<vmem>>, %arg22: memref<120x64xi32, #tpu.memory_space<vmem>>, %arg23: memref<64x128xf32, #tpu.memory_space<vmem>>, %arg24: memref<64x128xf32, #tpu.memory_space<vmem>>, %arg25: memref<10112x128xf32, #tpu.memory_space<vmem_shared>>, %arg26: memref<!tpu.dma_semaphore, #tpu.memory_space<semaphore_mem>>, %arg27: memref<!tpu.dma_semaphore, #tpu.memory_space<semaphore_mem>>, %arg28: memref<!tpu.dma_semaphore, #tpu.memory_space<semaphore_mem>>, %arg29: memref<!tpu.dma_semaphore, #tpu.memory_space<semaphore_mem>>) attributes {dimension_semantics = [#tpu.dimension_semantics<core_parallel>, #tpu.dimension_semantics<subcore_parallel>], iteration_bounds = array<i64: 2, 16>, scalar_prefetch = 0 : i64, scratch_operands = 9 : i64, tpu.core_type = #tpu.core_type<sc_vector_subcore>, window_params = [{transform_indices = #map}, {transform_indices = #map}, {transform_indices = #map}, {transform_indices = #map}, {transform_indices = #map}, {transform_indices = #map}, {transform_indices = #map}, {transform_indices = #map}, {transform_indices = #map}, {transform_indices = #map}, {transform_indices = #map}, {transform_indices = #map}, {transform_indices = #map}, {transform_indices = #map}, {transform_indices = #map}, {transform_indices = #map}, {transform_indices = #map}, {transform_indices = #map}, {transform_indices = #map}]} {
    %eq3A = arith.constant 0 : i32
    %eq3A_0 = arith.cmpi eq, %arg0, %eq3A : i32
    %jit3A = arith.constant 120 : i32
    %jit3A_1 = arith.constant 40 : i32
    %select_n3A = arith.select %eq3A_0, %jit3A, %jit3A_1 : i32
    %eq3A_2 = arith.constant 0 : i32
    %eq3A_3 = arith.cmpi eq, %arg0, %eq3A_2 : i32
    %mul3A = arith.constant 120 : i32
    %mul3A_4 = arith.muli %arg1, %mul3A : i32
    %mul3A_5 = arith.constant 40 : i32
    %mul3A_6 = arith.muli %arg1, %mul3A_5 : i32
    %add3A = arith.constant 1920 : i32
    %add3A_7 = arith.addi %add3A, %mul3A_6 : i32
    %select_n3A_8 = arith.select %eq3A_3, %mul3A_4, %add3A_7 : i32
    "tpu.region"() ({
      %run_scoped3A = tpu.sem_alloc : memref<!tpu.dma_semaphore, #tpu.memory_space<semaphore_mem>>
      %dma_start3A_847 = arith.constant 0 : i32
      %dma_start3A_848 = tpu.memref_slice %arg2[%select_n3A_8, %dma_start3A_847] : memref<2640x64xi32, #tpu.memory_space<hbm>> -> memref<120x64xi32, #tpu.memory_space<hbm>>
      %dma_start3A_849 = arith.constant 0 : i32
      %dma_start3A_850 = tpu.memref_slice %arg2[%select_n3A_8, %dma_start3A_849] : memref<2640x64xi32, #tpu.memory_space<hbm>> -> memref<120x64xi32, #tpu.memory_space<hbm>>
      tpu.enqueue_dma source(%dma_start3A_850 : memref<120x64xi32, #tpu.memory_space<hbm>>) target(%arg21 : memref<120x64xi32, #tpu.memory_space<vmem>>) target_semaphore(%run_scoped3A : memref<!tpu.dma_semaphore, #tpu.memory_space<semaphore_mem>>)
      %dma_wait3A_851 = arith.constant 0 : i32
      %dma_wait3A_852 = tpu.memref_slice %arg2[%select_n3A_8, %dma_wait3A_851] : memref<2640x64xi32, #tpu.memory_space<hbm>> -> memref<120x64xi32, #tpu.memory_space<hbm>>
      %dma_wait3A_853 = arith.constant 0 : i32
      %dma_wait3A_854 = tpu.memref_slice %arg2[%select_n3A_8, %dma_wait3A_853] : memref<2640x64xi32, #tpu.memory_space<hbm>> -> memref<120x64xi32, #tpu.memory_space<hbm>>
      tpu.wait_dma2 semaphore(%run_scoped3A : memref<!tpu.dma_semaphore, #tpu.memory_space<semaphore_mem>>) src(%dma_wait3A_854 : memref<120x64xi32, #tpu.memory_space<hbm>>) dst(%arg21 : memref<120x64xi32, #tpu.memory_space<vmem>>)
      tpu.yield
    }) : () -> ()
    "tpu.region"() ({
      %run_scoped3A = tpu.sem_alloc : memref<!tpu.dma_semaphore, #tpu.memory_space<semaphore_mem>>
      %dma_start3A_847 = arith.constant 0 : i32
      %dma_start3A_848 = tpu.memref_slice %arg3[%select_n3A_8, %dma_start3A_847] : memref<2640x64xi32, #tpu.memory_space<hbm>> -> memref<120x64xi32, #tpu.memory_space<hbm>>
      %dma_start3A_849 = arith.constant 0 : i32
      %dma_start3A_850 = tpu.memref_slice %arg3[%select_n3A_8, %dma_start3A_849] : memref<2640x64xi32, #tpu.memory_space<hbm>> -> memref<120x64xi32, #tpu.memory_space<hbm>>
      tpu.enqueue_dma source(%dma_start3A_850 : memref<120x64xi32, #tpu.memory_space<hbm>>) target(%arg22 : memref<120x64xi32, #tpu.memory_space<vmem>>) target_semaphore(%run_scoped3A : memref<!tpu.dma_semaphore, #tpu.memory_space<semaphore_mem>>)
      %dma_wait3A_851 = arith.constant 0 : i32
      %dma_wait3A_852 = tpu.memref_slice %arg3[%select_n3A_8, %dma_wait3A_851] : memref<2640x64xi32, #tpu.memory_space<hbm>> -> memref<120x64xi32, #tpu.memory_space<hbm>>
      %dma_wait3A_853 = arith.constant 0 : i32
      %dma_wait3A_854 = tpu.memref_slice %arg3[%select_n3A_8, %dma_wait3A_853] : memref<2640x64xi32, #tpu.memory_space<hbm>> -> memref<120x64xi32, #tpu.memory_space<hbm>>
      tpu.wait_dma2 semaphore(%run_scoped3A : memref<!tpu.dma_semaphore, #tpu.memory_space<semaphore_mem>>) src(%dma_wait3A_854 : memref<120x64xi32, #tpu.memory_space<hbm>>) dst(%arg22 : memref<120x64xi32, #tpu.memory_space<vmem>>)
      tpu.yield
    }) : () -> ()
    %mul3A_9 = arith.constant 632 : i32
    %mul3A_10 = arith.muli %arg1, %mul3A_9 : i32
    "tpu.region"() ({
      %run_scoped3A = tpu.sem_alloc : memref<!tpu.dma_semaphore, #tpu.memory_space<semaphore_mem>>
      %dma_start3A_847 = arith.constant 0 : i32
      %dma_start3A_848 = tpu.memref_slice %arg25[%mul3A_10, %dma_start3A_847] : memref<10112x128xf32, #tpu.memory_space<vmem_shared>> -> memref<632x128xf32, #tpu.memory_space<vmem_shared>>
      tpu.enqueue_dma source(%arg4 : memref<632x128xf32, #tpu.memory_space<hbm>>) target(%dma_start3A_848 : memref<632x128xf32, #tpu.memory_space<vmem_shared>>) target_semaphore(%run_scoped3A : memref<!tpu.dma_semaphore, #tpu.memory_space<semaphore_mem>>)
      %dma_wait3A_849 = arith.constant 0 : i32
      %dma_wait3A_850 = tpu.memref_slice %arg25[%mul3A_10, %dma_wait3A_849] : memref<10112x128xf32, #tpu.memory_space<vmem_shared>> -> memref<632x128xf32, #tpu.memory_space<vmem_shared>>
      tpu.wait_dma2 semaphore(%run_scoped3A : memref<!tpu.dma_semaphore, #tpu.memory_space<semaphore_mem>>) src(%arg4 : memref<632x128xf32, #tpu.memory_space<hbm>>) dst(%dma_wait3A_850 : memref<632x128xf32, #tpu.memory_space<vmem_shared>>)
      tpu.yield
    }) : () -> ()
    %barrier3A = arith.constant 0 : index
    tpu.barrier barrier_id(%barrier3A)
    %dma_start3A = arith.constant 0 : i32
    %dma_start3A_11 = arith.constant 0 : i32
    %dma_start3A_12 = tpu.memref_slice %arg21[%dma_start3A, %dma_start3A_11] : memref<120x64xi32, #tpu.memory_space<vmem>> -> memref<1x64xi32, #tpu.memory_space<vmem>>
    %dma_start3A_13 = tpu.memref_squeeze %dma_start3A_12 : memref<1x64xi32, #tpu.memory_space<vmem>> -> memref<64xi32, #tpu.memory_space<vmem>>
    %dma_start3A_14 = arith.constant 0 : i32
    %dma_start3A_15 = arith.constant 0 : i32
    %dma_start3A_16 = tpu.memref_slice %arg5[%dma_start3A_14, %dma_start3A_15] : memref<10000x128xf32, #tpu.memory_space<hbm>> -> memref<10000x128xf32, #tpu.memory_space<hbm>>
    tpu.enqueue_indirect_dma source(%dma_start3A_16 : memref<10000x128xf32, #tpu.memory_space<hbm>>) target(%arg23 : memref<64x128xf32, #tpu.memory_space<vmem>>) offsets(%dma_start3A_13 : memref<64xi32, #tpu.memory_space<vmem>>) semaphore(%arg26 : memref<!tpu.dma_semaphore, #tpu.memory_space<semaphore_mem>>)
    %dma_start3A_17 = arith.constant 1 : i32
    %dma_start3A_18 = arith.constant 0 : i32
    %dma_start3A_19 = tpu.memref_slice %arg21[%dma_start3A_17, %dma_start3A_18] : memref<120x64xi32, #tpu.memory_space<vmem>> -> memref<1x64xi32, #tpu.memory_space<vmem>>
    %dma_start3A_20 = tpu.memref_squeeze %dma_start3A_19 : memref<1x64xi32, #tpu.memory_space<vmem>> -> memref<64xi32, #tpu.memory_space<vmem>>
    %dma_start3A_21 = arith.constant 0 : i32
    %dma_start3A_22 = arith.constant 0 : i32
    %dma_start3A_23 = tpu.memref_slice %arg5[%dma_start3A_21, %dma_start3A_22] : memref<10000x128xf32, #tpu.memory_space<hbm>> -> memref<10000x128xf32, #tpu.memory_space<hbm>>
    tpu.enqueue_indirect_dma source(%dma_start3A_23 : memref<10000x128xf32, #tpu.memory_space<hbm>>) target(%arg24 : memref<64x128xf32, #tpu.memory_space<vmem>>) offsets(%dma_start3A_20 : memref<64xi32, #tpu.memory_space<vmem>>) semaphore(%arg27 : memref<!tpu.dma_semaphore, #tpu.memory_space<semaphore_mem>>)
    %jit3A_24 = arith.constant 2 : i32
    %div3A = arith.divsi %select_n3A, %jit3A_24 : i32
    %sign3A = arith.constant 0 : i32
    %sign3A_25 = arith.cmpi sgt, %select_n3A, %sign3A : i32
    %sign3A_26 = arith.extui %sign3A_25 : i1 to i32
    %sign3A_27 = arith.constant 0 : i32
    %sign3A_28 = arith.cmpi slt, %select_n3A, %sign3A_27 : i32
    %sign3A_29 = arith.extui %sign3A_28 : i1 to i32
    %sign3A_30 = arith.subi %sign3A_26, %sign3A_29 : i32
    %sign3A_31 = arith.constant 0 : i32
    %sign3A_32 = arith.cmpi sgt, %jit3A_24, %sign3A_31 : i32
    %sign3A_33 = arith.extui %sign3A_32 : i1 to i32
    %sign3A_34 = arith.constant 0 : i32
    %sign3A_35 = arith.cmpi slt, %jit3A_24, %sign3A_34 : i32
    %sign3A_36 = arith.extui %sign3A_35 : i1 to i32
    %sign3A_37 = arith.subi %sign3A_33, %sign3A_36 : i32
    %ne3A = arith.cmpi ne, %sign3A_30, %sign3A_37 : i32
    %rem3A = arith.remsi %select_n3A, %jit3A_24 : i32
    %ne3A_38 = arith.constant 0 : i32
    %ne3A_39 = arith.cmpi ne, %rem3A, %ne3A_38 : i32
    %and3A = arith.andi %ne3A, %ne3A_39 : i1
    %sub3A = arith.constant 1 : i32
    %sub3A_40 = arith.subi %div3A, %sub3A : i32
    %select_n3A_41 = arith.select %and3A, %sub3A_40, %div3A : i32
    %sub3A_42 = arith.constant 1 : i32
    %sub3A_43 = arith.subi %select_n3A_41, %sub3A_42 : i32
    %while3A = arith.constant 0 : i32
    %while3A_44 = arith.constant 0 : i32
    %while3A_45 = arith.subi %sub3A_43, %while3A_44 : i32
    %while3A_46 = arith.addi %while3A_44, %while3A_45 : i32
    %while3A_47 = arith.constant 1 : i32
    %while3A_48 = arith.divsi %while3A_45, %while3A_47 : i32
    %while3A_49 = arith.muli %while3A_48, %while3A_47 : i32
    %while3A_50 = arith.addi %while3A_44, %while3A_49 : i32
    %while3A_51 = arith.constant 1 : i32
    scf.for %while3A_847 = %while3A_44 to %while3A_50 step %while3A_51  : i32 {
      %mul3A_848 = arith.constant 2 : i32
      %mul3A_849 = arith.muli %mul3A_848, %while3A_847 : i32
      %add3A_850 = arith.constant 0 : i32
      %add3A_851 = arith.addi %mul3A_849, %add3A_850 : i32
      %dma_wait3A_852 = arith.constant 0 : i32
      %dma_wait3A_853 = tpu.memref_slice %arg21[%add3A_851, %dma_wait3A_852] : memref<120x64xi32, #tpu.memory_space<vmem>> -> memref<1x64xi32, #tpu.memory_space<vmem>>
      %dma_wait3A_854 = tpu.memref_squeeze %dma_wait3A_853 : memref<1x64xi32, #tpu.memory_space<vmem>> -> memref<64xi32, #tpu.memory_space<vmem>>
      %dma_wait3A_855 = arith.constant 0 : i32
      %dma_wait3A_856 = arith.constant 0 : i32
      %dma_wait3A_857 = tpu.memref_slice %arg5[%dma_wait3A_855, %dma_wait3A_856] : memref<10000x128xf32, #tpu.memory_space<hbm>> -> memref<10000x128xf32, #tpu.memory_space<hbm>>
      tpu.wait_indirect_dma semaphore(%arg26 : memref<!tpu.dma_semaphore, #tpu.memory_space<semaphore_mem>>) src(%dma_wait3A_857 : memref<10000x128xf32, #tpu.memory_space<hbm>>) dst(%arg23 : memref<64x128xf32, #tpu.memory_space<vmem>>)
      %dma_start3A_858 = arith.constant 0 : i32
      %dma_start3A_859 = tpu.memref_slice %arg22[%add3A_851, %dma_start3A_858] : memref<120x64xi32, #tpu.memory_space<vmem>> -> memref<1x64xi32, #tpu.memory_space<vmem>>
      %dma_start3A_860 = tpu.memref_squeeze %dma_start3A_859 : memref<1x64xi32, #tpu.memory_space<vmem>> -> memref<64xi32, #tpu.memory_space<vmem>>
      %dma_start3A_861 = arith.constant 0 : i32
      %dma_start3A_862 = arith.constant 0 : i32
      %dma_start3A_863 = tpu.memref_slice %arg25[%dma_start3A_861, %dma_start3A_862] : memref<10112x128xf32, #tpu.memory_space<vmem_shared>> -> memref<10112x128xf32, #tpu.memory_space<vmem_shared>>
      tpu.enqueue_indirect_dma source(%arg23 : memref<64x128xf32, #tpu.memory_space<vmem>>) target(%dma_start3A_863 : memref<10112x128xf32, #tpu.memory_space<vmem_shared>>) offsets(%dma_start3A_860 : memref<64xi32, #tpu.memory_space<vmem>>) semaphore(%arg28 : memref<!tpu.dma_semaphore, #tpu.memory_space<semaphore_mem>>) {add = true}
      %dma_wait3A_864 = arith.constant 0 : i32
      %dma_wait3A_865 = tpu.memref_slice %arg22[%add3A_851, %dma_wait3A_864] : memref<120x64xi32, #tpu.memory_space<vmem>> -> memref<1x64xi32, #tpu.memory_space<vmem>>
      %dma_wait3A_866 = tpu.memref_squeeze %dma_wait3A_865 : memref<1x64xi32, #tpu.memory_space<vmem>> -> memref<64xi32, #tpu.memory_space<vmem>>
      %dma_wait3A_867 = arith.constant 0 : i32
      %dma_wait3A_868 = arith.constant 0 : i32
      %dma_wait3A_869 = tpu.memref_slice %arg25[%dma_wait3A_867, %dma_wait3A_868] : memref<10112x128xf32, #tpu.memory_space<vmem_shared>> -> memref<10112x128xf32, #tpu.memory_space<vmem_shared>>
      tpu.wait_indirect_dma semaphore(%arg28 : memref<!tpu.dma_semaphore, #tpu.memory_space<semaphore_mem>>) src(%arg23 : memref<64x128xf32, #tpu.memory_space<vmem>>) dst(%dma_wait3A_869 : memref<10112x128xf32, #tpu.memory_space<vmem_shared>>)
      %add3A_870 = arith.constant 2 : i32
      %add3A_871 = arith.addi %add3A_851, %add3A_870 : i32
      %dma_start3A_872 = arith.constant 0 : i32
      %dma_start3A_873 = tpu.memref_slice %arg21[%add3A_871, %dma_start3A_872] : memref<120x64xi32, #tpu.memory_space<vmem>> -> memref<1x64xi32, #tpu.memory_space<vmem>>
      %dma_start3A_874 = tpu.memref_squeeze %dma_start3A_873 : memref<1x64xi32, #tpu.memory_space<vmem>> -> memref<64xi32, #tpu.memory_space<vmem>>
      %dma_start3A_875 = arith.constant 0 : i32
      %dma_start3A_876 = arith.constant 0 : i32
      %dma_start3A_877 = tpu.memref_slice %arg5[%dma_start3A_875, %dma_start3A_876] : memref<10000x128xf32, #tpu.memory_space<hbm>> -> memref<10000x128xf32, #tpu.memory_space<hbm>>
      tpu.enqueue_indirect_dma source(%dma_start3A_877 : memref<10000x128xf32, #tpu.memory_space<hbm>>) target(%arg23 : memref<64x128xf32, #tpu.memory_space<vmem>>) offsets(%dma_start3A_874 : memref<64xi32, #tpu.memory_space<vmem>>) semaphore(%arg26 : memref<!tpu.dma_semaphore, #tpu.memory_space<semaphore_mem>>)
      %mul3A_878 = arith.constant 2 : i32
      %mul3A_879 = arith.muli %mul3A_878, %while3A_847 : i32
      %add3A_880 = arith.constant 1 : i32
      %add3A_881 = arith.addi %mul3A_879, %add3A_880 : i32
      %dma_wait3A_882 = arith.constant 0 : i32
      %dma_wait3A_883 = tpu.memref_slice %arg21[%add3A_881, %dma_wait3A_882] : memref<120x64xi32, #tpu.memory_space<vmem>> -> memref<1x64xi32, #tpu.memory_space<vmem>>
      %dma_wait3A_884 = tpu.memref_squeeze %dma_wait3A_883 : memref<1x64xi32, #tpu.memory_space<vmem>> -> memref<64xi32, #tpu.memory_space<vmem>>
      %dma_wait3A_885 = arith.constant 0 : i32
      %dma_wait3A_886 = arith.constant 0 : i32
      %dma_wait3A_887 = tpu.memref_slice %arg5[%dma_wait3A_885, %dma_wait3A_886] : memref<10000x128xf32, #tpu.memory_space<hbm>> -> memref<10000x128xf32, #tpu.memory_space<hbm>>
      tpu.wait_indirect_dma semaphore(%arg27 : memref<!tpu.dma_semaphore, #tpu.memory_space<semaphore_mem>>) src(%dma_wait3A_887 : memref<10000x128xf32, #tpu.memory_space<hbm>>) dst(%arg24 : memref<64x128xf32, #tpu.memory_space<vmem>>)
      %dma_start3A_888 = arith.constant 0 : i32
      %dma_start3A_889 = tpu.memref_slice %arg22[%add3A_881, %dma_start3A_888] : memref<120x64xi32, #tpu.memory_space<vmem>> -> memref<1x64xi32, #tpu.memory_space<vmem>>
      %dma_start3A_890 = tpu.memref_squeeze %dma_start3A_889 : memref<1x64xi32, #tpu.memory_space<vmem>> -> memref<64xi32, #tpu.memory_space<vmem>>
      %dma_start3A_891 = arith.constant 0 : i32
      %dma_start3A_892 = arith.constant 0 : i32
      %dma_start3A_893 = tpu.memref_slice %arg25[%dma_start3A_891, %dma_start3A_892] : memref<10112x128xf32, #tpu.memory_space<vmem_shared>> -> memref<10112x128xf32, #tpu.memory_space<vmem_shared>>
      tpu.enqueue_indirect_dma source(%arg24 : memref<64x128xf32, #tpu.memory_space<vmem>>) target(%dma_start3A_893 : memref<10112x128xf32, #tpu.memory_space<vmem_shared>>) offsets(%dma_start3A_890 : memref<64xi32, #tpu.memory_space<vmem>>) semaphore(%arg29 : memref<!tpu.dma_semaphore, #tpu.memory_space<semaphore_mem>>) {add = true}
      %dma_wait3A_894 = arith.constant 0 : i32
      %dma_wait3A_895 = tpu.memref_slice %arg22[%add3A_881, %dma_wait3A_894] : memref<120x64xi32, #tpu.memory_space<vmem>> -> memref<1x64xi32, #tpu.memory_space<vmem>>
      %dma_wait3A_896 = tpu.memref_squeeze %dma_wait3A_895 : memref<1x64xi32, #tpu.memory_space<vmem>> -> memref<64xi32, #tpu.memory_space<vmem>>
      %dma_wait3A_897 = arith.constant 0 : i32
      %dma_wait3A_898 = arith.constant 0 : i32
      %dma_wait3A_899 = tpu.memref_slice %arg25[%dma_wait3A_897, %dma_wait3A_898] : memref<10112x128xf32, #tpu.memory_space<vmem_shared>> -> memref<10112x128xf32, #tpu.memory_space<vmem_shared>>
      tpu.wait_indirect_dma semaphore(%arg29 : memref<!tpu.dma_semaphore, #tpu.memory_space<semaphore_mem>>) src(%arg24 : memref<64x128xf32, #tpu.memory_space<vmem>>) dst(%dma_wait3A_899 : memref<10112x128xf32, #tpu.memory_space<vmem_shared>>)
      %add3A_900 = arith.constant 2 : i32
      %add3A_901 = arith.addi %add3A_881, %add3A_900 : i32
      %dma_start3A_902 = arith.constant 0 : i32
      %dma_start3A_903 = tpu.memref_slice %arg21[%add3A_901, %dma_start3A_902] : memref<120x64xi32, #tpu.memory_space<vmem>> -> memref<1x64xi32, #tpu.memory_space<vmem>>
      %dma_start3A_904 = tpu.memref_squeeze %dma_start3A_903 : memref<1x64xi32, #tpu.memory_space<vmem>> -> memref<64xi32, #tpu.memory_space<vmem>>
      %dma_start3A_905 = arith.constant 0 : i32
      %dma_start3A_906 = arith.constant 0 : i32
      %dma_start3A_907 = tpu.memref_slice %arg5[%dma_start3A_905, %dma_start3A_906] : memref<10000x128xf32, #tpu.memory_space<hbm>> -> memref<10000x128xf32, #tpu.memory_space<hbm>>
      tpu.enqueue_indirect_dma source(%dma_start3A_907 : memref<10000x128xf32, #tpu.memory_space<hbm>>) target(%arg24 : memref<64x128xf32, #tpu.memory_space<vmem>>) offsets(%dma_start3A_904 : memref<64xi32, #tpu.memory_space<vmem>>) semaphore(%arg27 : memref<!tpu.dma_semaphore, #tpu.memory_space<semaphore_mem>>)
    }
    %while3A_52 = arith.constant 1 : i32
    scf.for %while3A_847 = %while3A_50 to %while3A_46 step %while3A_52  : i32 {
      %mul3A_848 = arith.constant 2 : i32
      %mul3A_849 = arith.muli %mul3A_848, %while3A_847 : i32
      %add3A_850 = arith.constant 0 : i32
      %add3A_851 = arith.addi %mul3A_849, %add3A_850 : i32
      %dma_wait3A_852 = arith.constant 0 : i32
      %dma_wait3A_853 = tpu.memref_slice %arg21[%add3A_851, %dma_wait3A_852] : memref<120x64xi32, #tpu.memory_space<vmem>> -> memref<1x64xi32, #tpu.memory_space<vmem>>
      %dma_wait3A_854 = tpu.memref_squeeze %dma_wait3A_853 : memref<1x64xi32, #tpu.memory_space<vmem>> -> memref<64xi32, #tpu.memory_space<vmem>>
      %dma_wait3A_855 = arith.constant 0 : i32
      %dma_wait3A_856 = arith.constant 0 : i32
      %dma_wait3A_857 = tpu.memref_slice %arg5[%dma_wait3A_855, %dma_wait3A_856] : memref<10000x128xf32, #tpu.memory_space<hbm>> -> memref<10000x128xf32, #tpu.memory_space<hbm>>
      tpu.wait_indirect_dma semaphore(%arg26 : memref<!tpu.dma_semaphore, #tpu.memory_space<semaphore_mem>>) src(%dma_wait3A_857 : memref<10000x128xf32, #tpu.memory_space<hbm>>) dst(%arg23 : memref<64x128xf32, #tpu.memory_space<vmem>>)
      %dma_start3A_858 = arith.constant 0 : i32
      %dma_start3A_859 = tpu.memref_slice %arg22[%add3A_851, %dma_start3A_858] : memref<120x64xi32, #tpu.memory_space<vmem>> -> memref<1x64xi32, #tpu.memory_space<vmem>>
      %dma_start3A_860 = tpu.memref_squeeze %dma_start3A_859 : memref<1x64xi32, #tpu.memory_space<vmem>> -> memref<64xi32, #tpu.memory_space<vmem>>
      %dma_start3A_861 = arith.constant 0 : i32
      %dma_start3A_862 = arith.constant 0 : i32
      %dma_start3A_863 = tpu.memref_slice %arg25[%dma_start3A_861, %dma_start3A_862] : memref<10112x128xf32, #tpu.memory_space<vmem_shared>> -> memref<10112x128xf32, #tpu.memory_space<vmem_shared>>
      tpu.enqueue_indirect_dma source(%arg23 : memref<64x128xf32, #tpu.memory_space<vmem>>) target(%dma_start3A_863 : memref<10112x128xf32, #tpu.memory_space<vmem_shared>>) offsets(%dma_start3A_860 : memref<64xi32, #tpu.memory_space<vmem>>) semaphore(%arg28 : memref<!tpu.dma_semaphore, #tpu.memory_space<semaphore_mem>>) {add = true}
      %dma_wait3A_864 = arith.constant 0 : i32
      %dma_wait3A_865 = tpu.memref_slice %arg22[%add3A_851, %dma_wait3A_864] : memref<120x64xi32, #tpu.memory_space<vmem>> -> memref<1x64xi32, #tpu.memory_space<vmem>>
      %dma_wait3A_866 = tpu.memref_squeeze %dma_wait3A_865 : memref<1x64xi32, #tpu.memory_space<vmem>> -> memref<64xi32, #tpu.memory_space<vmem>>
      %dma_wait3A_867 = arith.constant 0 : i32
      %dma_wait3A_868 = arith.constant 0 : i32
      %dma_wait3A_869 = tpu.memref_slice %arg25[%dma_wait3A_867, %dma_wait3A_868] : memref<10112x128xf32, #tpu.memory_space<vmem_shared>> -> memref<10112x128xf32, #tpu.memory_space<vmem_shared>>
      tpu.wait_indirect_dma semaphore(%arg28 : memref<!tpu.dma_semaphore, #tpu.memory_space<semaphore_mem>>) src(%arg23 : memref<64x128xf32, #tpu.memory_space<vmem>>) dst(%dma_wait3A_869 : memref<10112x128xf32, #tpu.memory_space<vmem_shared>>)
      %add3A_870 = arith.constant 2 : i32
      %add3A_871 = arith.addi %add3A_851, %add3A_870 : i32
      %dma_start3A_872 = arith.constant 0 : i32
      %dma_start3A_873 = tpu.memref_slice %arg21[%add3A_871, %dma_start3A_872] : memref<120x64xi32, #tpu.memory_space<vmem>> -> memref<1x64xi32, #tpu.memory_space<vmem>>
      %dma_start3A_874 = tpu.memref_squeeze %dma_start3A_873 : memref<1x64xi32, #tpu.memory_space<vmem>> -> memref<64xi32, #tpu.memory_space<vmem>>
      %dma_start3A_875 = arith.constant 0 : i32
      %dma_start3A_876 = arith.constant 0 : i32
      %dma_start3A_877 = tpu.memref_slice %arg5[%dma_start3A_875, %dma_start3A_876] : memref<10000x128xf32, #tpu.memory_space<hbm>> -> memref<10000x128xf32, #tpu.memory_space<hbm>>
      tpu.enqueue_indirect_dma source(%dma_start3A_877 : memref<10000x128xf32, #tpu.memory_space<hbm>>) target(%arg23 : memref<64x128xf32, #tpu.memory_space<vmem>>) offsets(%dma_start3A_874 : memref<64xi32, #tpu.memory_space<vmem>>) semaphore(%arg26 : memref<!tpu.dma_semaphore, #tpu.memory_space<semaphore_mem>>)
      %mul3A_878 = arith.constant 2 : i32
      %mul3A_879 = arith.muli %mul3A_878, %while3A_847 : i32
      %add3A_880 = arith.constant 1 : i32
      %add3A_881 = arith.addi %mul3A_879, %add3A_880 : i32
      %dma_wait3A_882 = arith.constant 0 : i32
      %dma_wait3A_883 = tpu.memref_slice %arg21[%add3A_881, %dma_wait3A_882] : memref<120x64xi32, #tpu.memory_space<vmem>> -> memref<1x64xi32, #tpu.memory_space<vmem>>
      %dma_wait3A_884 = tpu.memref_squeeze %dma_wait3A_883 : memref<1x64xi32, #tpu.memory_space<vmem>> -> memref<64xi32, #tpu.memory_space<vmem>>
      %dma_wait3A_885 = arith.constant 0 : i32
      %dma_wait3A_886 = arith.constant 0 : i32
      %dma_wait3A_887 = tpu.memref_slice %arg5[%dma_wait3A_885, %dma_wait3A_886] : memref<10000x128xf32, #tpu.memory_space<hbm>> -> memref<10000x128xf32, #tpu.memory_space<hbm>>
      tpu.wait_indirect_dma semaphore(%arg27 : memref<!tpu.dma_semaphore, #tpu.memory_space<semaphore_mem>>) src(%dma_wait3A_887 : memref<10000x128xf32, #tpu.memory_space<hbm>>) dst(%arg24 : memref<64x128xf32, #tpu.memory_space<vmem>>)
      %dma_start3A_888 = arith.constant 0 : i32
      %dma_start3A_889 = tpu.memref_slice %arg22[%add3A_881, %dma_start3A_888] : memref<120x64xi32, #tpu.memory_space<vmem>> -> memref<1x64xi32, #tpu.memory_space<vmem>>
      %dma_start3A_890 = tpu.memref_squeeze %dma_start3A_889 : memref<1x64xi32, #tpu.memory_space<vmem>> -> memref<64xi32, #tpu.memory_space<vmem>>
      %dma_start3A_891 = arith.constant 0 : i32
      %dma_start3A_892 = arith.constant 0 : i32
      %dma_start3A_893 = tpu.memref_slice %arg25[%dma_start3A_891, %dma_start3A_892] : memref<10112x128xf32, #tpu.memory_space<vmem_shared>> -> memref<10112x128xf32, #tpu.memory_space<vmem_shared>>
      tpu.enqueue_indirect_dma source(%arg24 : memref<64x128xf32, #tpu.memory_space<vmem>>) target(%dma_start3A_893 : memref<10112x128xf32, #tpu.memory_space<vmem_shared>>) offsets(%dma_start3A_890 : memref<64xi32, #tpu.memory_space<vmem>>) semaphore(%arg29 : memref<!tpu.dma_semaphore, #tpu.memory_space<semaphore_mem>>) {add = true}
      %dma_wait3A_894 = arith.constant 0 : i32
      %dma_wait3A_895 = tpu.memref_slice %arg22[%add3A_881, %dma_wait3A_894] : memref<120x64xi32, #tpu.memory_space<vmem>> -> memref<1x64xi32, #tpu.memory_space<vmem>>
      %dma_wait3A_896 = tpu.memref_squeeze %dma_wait3A_895 : memref<1x64xi32, #tpu.memory_space<vmem>> -> memref<64xi32, #tpu.memory_space<vmem>>
      %dma_wait3A_897 = arith.constant 0 : i32
      %dma_wait3A_898 = arith.constant 0 : i32
      %dma_wait3A_899 = tpu.memref_slice %arg25[%dma_wait3A_897, %dma_wait3A_898] : memref<10112x128xf32, #tpu.memory_space<vmem_shared>> -> memref<10112x128xf32, #tpu.memory_space<vmem_shared>>
      tpu.wait_indirect_dma semaphore(%arg29 : memref<!tpu.dma_semaphore, #tpu.memory_space<semaphore_mem>>) src(%arg24 : memref<64x128xf32, #tpu.memory_space<vmem>>) dst(%dma_wait3A_899 : memref<10112x128xf32, #tpu.memory_space<vmem_shared>>)
      %add3A_900 = arith.constant 2 : i32
      %add3A_901 = arith.addi %add3A_881, %add3A_900 : i32
      %dma_start3A_902 = arith.constant 0 : i32
      %dma_start3A_903 = tpu.memref_slice %arg21[%add3A_901, %dma_start3A_902] : memref<120x64xi32, #tpu.memory_space<vmem>> -> memref<1x64xi32, #tpu.memory_space<vmem>>
      %dma_start3A_904 = tpu.memref_squeeze %dma_start3A_903 : memref<1x64xi32, #tpu.memory_space<vmem>> -> memref<64xi32, #tpu.memory_space<vmem>>
      %dma_start3A_905 = arith.constant 0 : i32
      %dma_start3A_906 = arith.constant 0 : i32
      %dma_start3A_907 = tpu.memref_slice %arg5[%dma_start3A_905, %dma_start3A_906] : memref<10000x128xf32, #tpu.memory_space<hbm>> -> memref<10000x128xf32, #tpu.memory_space<hbm>>
      tpu.enqueue_indirect_dma source(%dma_start3A_907 : memref<10000x128xf32, #tpu.memory_space<hbm>>) target(%arg24 : memref<64x128xf32, #tpu.memory_space<vmem>>) offsets(%dma_start3A_904 : memref<64xi32, #tpu.memory_space<vmem>>) semaphore(%arg27 : memref<!tpu.dma_semaphore, #tpu.memory_space<semaphore_mem>>)
    }
    %sub3A_53 = arith.constant 2 : i32
    %sub3A_54 = arith.subi %select_n3A, %sub3A_53 : i32
    %add3A_55 = arith.constant 0 : i32
    %add3A_56 = arith.addi %sub3A_54, %add3A_55 : i32
    %dma_wait3A = arith.constant 0 : i32
    %dma_wait3A_57 = tpu.memref_slice %arg21[%add3A_56, %dma_wait3A] : memref<120x64xi32, #tpu.memory_space<vmem>> -> memref<1x64xi32, #tpu.memory_space<vmem>>
    %dma_wait3A_58 = tpu.memref_squeeze %dma_wait3A_57 : memref<1x64xi32, #tpu.memory_space<vmem>> -> memref<64xi32, #tpu.memory_space<vmem>>
    %dma_wait3A_59 = arith.constant 0 : i32
    %dma_wait3A_60 = arith.constant 0 : i32
    %dma_wait3A_61 = tpu.memref_slice %arg5[%dma_wait3A_59, %dma_wait3A_60] : memref<10000x128xf32, #tpu.memory_space<hbm>> -> memref<10000x128xf32, #tpu.memory_space<hbm>>
    tpu.wait_indirect_dma semaphore(%arg26 : memref<!tpu.dma_semaphore, #tpu.memory_space<semaphore_mem>>) src(%dma_wait3A_61 : memref<10000x128xf32, #tpu.memory_space<hbm>>) dst(%arg23 : memref<64x128xf32, #tpu.memory_space<vmem>>)
    %dma_start3A_62 = arith.constant 0 : i32
    %dma_start3A_63 = tpu.memref_slice %arg22[%add3A_56, %dma_start3A_62] : memref<120x64xi32, #tpu.memory_space<vmem>> -> memref<1x64xi32, #tpu.memory_space<vmem>>
    %dma_start3A_64 = tpu.memref_squeeze %dma_start3A_63 : memref<1x64xi32, #tpu.memory_space<vmem>> -> memref<64xi32, #tpu.memory_space<vmem>>
    %dma_start3A_65 = arith.constant 0 : i32
    %dma_start3A_66 = arith.constant 0 : i32
    %dma_start3A_67 = tpu.memref_slice %arg25[%dma_start3A_65, %dma_start3A_66] : memref<10112x128xf32, #tpu.memory_space<vmem_shared>> -> memref<10112x128xf32, #tpu.memory_space<vmem_shared>>
    tpu.enqueue_indirect_dma source(%arg23 : memref<64x128xf32, #tpu.memory_space<vmem>>) target(%dma_start3A_67 : memref<10112x128xf32, #tpu.memory_space<vmem_shared>>) offsets(%dma_start3A_64 : memref<64xi32, #tpu.memory_space<vmem>>) semaphore(%arg28 : memref<!tpu.dma_semaphore, #tpu.memory_space<semaphore_mem>>) {add = true}
    %dma_wait3A_68 = arith.constant 0 : i32
    %dma_wait3A_69 = tpu.memref_slice %arg22[%add3A_56, %dma_wait3A_68] : memref<120x64xi32, #tpu.memory_space<vmem>> -> memref<1x64xi32, #tpu.memory_space<vmem>>
    %dma_wait3A_70 = tpu.memref_squeeze %dma_wait3A_69 : memref<1x64xi32, #tpu.memory_space<vmem>> -> memref<64xi32, #tpu.memory_space<vmem>>
    %dma_wait3A_71 = arith.constant 0 : i32
    %dma_wait3A_72 = arith.constant 0 : i32
    %dma_wait3A_73 = tpu.memref_slice %arg25[%dma_wait3A_71, %dma_wait3A_72] : memref<10112x128xf32, #tpu.memory_space<vmem_shared>> -> memref<10112x128xf32, #tpu.memory_space<vmem_shared>>
    tpu.wait_indirect_dma semaphore(%arg28 : memref<!tpu.dma_semaphore, #tpu.memory_space<semaphore_mem>>) src(%arg23 : memref<64x128xf32, #tpu.memory_space<vmem>>) dst(%dma_wait3A_73 : memref<10112x128xf32, #tpu.memory_space<vmem_shared>>)
    %sub3A_74 = arith.constant 2 : i32
    %sub3A_75 = arith.subi %select_n3A, %sub3A_74 : i32
    %add3A_76 = arith.constant 1 : i32
    %add3A_77 = arith.addi %sub3A_75, %add3A_76 : i32
    %dma_wait3A_78 = arith.constant 0 : i32
    %dma_wait3A_79 = tpu.memref_slice %arg21[%add3A_77, %dma_wait3A_78] : memref<120x64xi32, #tpu.memory_space<vmem>> -> memref<1x64xi32, #tpu.memory_space<vmem>>
    %dma_wait3A_80 = tpu.memref_squeeze %dma_wait3A_79 : memref<1x64xi32, #tpu.memory_space<vmem>> -> memref<64xi32, #tpu.memory_space<vmem>>
    %dma_wait3A_81 = arith.constant 0 : i32
    %dma_wait3A_82 = arith.constant 0 : i32
    %dma_wait3A_83 = tpu.memref_slice %arg5[%dma_wait3A_81, %dma_wait3A_82] : memref<10000x128xf32, #tpu.memory_space<hbm>> -> memref<10000x128xf32, #tpu.memory_space<hbm>>
    tpu.wait_indirect_dma semaphore(%arg27 : memref<!tpu.dma_semaphore, #tpu.memory_space<semaphore_mem>>) src(%dma_wait3A_83 : memref<10000x128xf32, #tpu.memory_space<hbm>>) dst(%arg24 : memref<64x128xf32, #tpu.memory_space<vmem>>)
    %dma_start3A_84 = arith.constant 0 : i32
    %dma_start3A_85 = tpu.memref_slice %arg22[%add3A_77, %dma_start3A_84] : memref<120x64xi32, #tpu.memory_space<vmem>> -> memref<1x64xi32, #tpu.memory_space<vmem>>
    %dma_start3A_86 = tpu.memref_squeeze %dma_start3A_85 : memref<1x64xi32, #tpu.memory_space<vmem>> -> memref<64xi32, #tpu.memory_space<vmem>>
    %dma_start3A_87 = arith.constant 0 : i32
    %dma_start3A_88 = arith.constant 0 : i32
    %dma_start3A_89 = tpu.memref_slice %arg25[%dma_start3A_87, %dma_start3A_88] : memref<10112x128xf32, #tpu.memory_space<vmem_shared>> -> memref<10112x128xf32, #tpu.memory_space<vmem_shared>>
    tpu.enqueue_indirect_dma source(%arg24 : memref<64x128xf32, #tpu.memory_space<vmem>>) target(%dma_start3A_89 : memref<10112x128xf32, #tpu.memory_space<vmem_shared>>) offsets(%dma_start3A_86 : memref<64xi32, #tpu.memory_space<vmem>>) semaphore(%arg29 : memref<!tpu.dma_semaphore, #tpu.memory_space<semaphore_mem>>) {add = true}
    %dma_wait3A_90 = arith.constant 0 : i32
    %dma_wait3A_91 = tpu.memref_slice %arg22[%add3A_77, %dma_wait3A_90] : memref<120x64xi32, #tpu.memory_space<vmem>> -> memref<1x64xi32, #tpu.memory_space<vmem>>
    %dma_wait3A_92 = tpu.memref_squeeze %dma_wait3A_91 : memref<1x64xi32, #tpu.memory_space<vmem>> -> memref<64xi32, #tpu.memory_space<vmem>>
    %dma_wait3A_93 = arith.constant 0 : i32
    %dma_wait3A_94 = arith.constant 0 : i32
    %dma_wait3A_95 = tpu.memref_slice %arg25[%dma_wait3A_93, %dma_wait3A_94] : memref<10112x128xf32, #tpu.memory_space<vmem_shared>> -> memref<10112x128xf32, #tpu.memory_space<vmem_shared>>
    tpu.wait_indirect_dma semaphore(%arg29 : memref<!tpu.dma_semaphore, #tpu.memory_space<semaphore_mem>>) src(%arg24 : memref<64x128xf32, #tpu.memory_space<vmem>>) dst(%dma_wait3A_95 : memref<10112x128xf32, #tpu.memory_space<vmem_shared>>)
    %barrier3A_96 = arith.constant 0 : index
    tpu.barrier barrier_id(%barrier3A_96)
    %mul3A_97 = arith.constant 632 : i32
    %mul3A_98 = arith.muli %arg1, %mul3A_97 : i32
    %mul3A_99 = arith.constant 10112 : i32
    %mul3A_100 = arith.muli %arg0, %mul3A_99 : i32
    %mul3A_101 = arith.constant 632 : i32
    %mul3A_102 = arith.muli %arg1, %mul3A_101 : i32
    %add3A_103 = arith.addi %mul3A_100, %mul3A_102 : i32
    "tpu.region"() ({
      %run_scoped3A = tpu.sem_alloc : memref<!tpu.dma_semaphore, #tpu.memory_space<semaphore_mem>>
      %dma_start3A_847 = arith.constant 0 : i32
      %dma_start3A_848 = tpu.memref_slice %arg13[%add3A_103, %dma_start3A_847] : memref<20224x128xf32, #tpu.memory_space<hbm>> -> memref<632x128xf32, #tpu.memory_space<hbm>>
      %dma_start3A_849 = arith.constant 0 : i32
      %dma_start3A_850 = tpu.memref_slice %arg25[%mul3A_98, %dma_start3A_849] : memref<10112x128xf32, #tpu.memory_space<vmem_shared>> -> memref<632x128xf32, #tpu.memory_space<vmem_shared>>
      tpu.enqueue_dma source(%dma_start3A_850 : memref<632x128xf32, #tpu.memory_space<vmem_shared>>) target(%dma_start3A_848 : memref<632x128xf32, #tpu.memory_space<hbm>>) target_semaphore(%run_scoped3A : memref<!tpu.dma_semaphore, #tpu.memory_space<semaphore_mem>>)
      %dma_wait3A_851 = arith.constant 0 : i32
      %dma_wait3A_852 = tpu.memref_slice %arg13[%add3A_103, %dma_wait3A_851] : memref<20224x128xf32, #tpu.memory_space<hbm>> -> memref<632x128xf32, #tpu.memory_space<hbm>>
      %dma_wait3A_853 = arith.constant 0 : i32
      %dma_wait3A_854 = tpu.memref_slice %arg25[%mul3A_98, %dma_wait3A_853] : memref<10112x128xf32, #tpu.memory_space<vmem_shared>> -> memref<632x128xf32, #tpu.memory_space<vmem_shared>>
      tpu.wait_dma2 semaphore(%run_scoped3A : memref<!tpu.dma_semaphore, #tpu.memory_space<semaphore_mem>>) src(%dma_wait3A_854 : memref<632x128xf32, #tpu.memory_space<vmem_shared>>) dst(%dma_wait3A_852 : memref<632x128xf32, #tpu.memory_space<hbm>>)
      tpu.yield
    }) : () -> ()
    %barrier3A_104 = arith.constant 0 : index
    tpu.barrier barrier_id(%barrier3A_104)
    %mul3A_105 = arith.constant 632 : i32
    %mul3A_106 = arith.muli %arg1, %mul3A_105 : i32
    "tpu.region"() ({
      %run_scoped3A = tpu.sem_alloc : memref<!tpu.dma_semaphore, #tpu.memory_space<semaphore_mem>>
      %dma_start3A_847 = arith.constant 0 : i32
      %dma_start3A_848 = tpu.memref_slice %arg25[%mul3A_106, %dma_start3A_847] : memref<10112x128xf32, #tpu.memory_space<vmem_shared>> -> memref<632x128xf32, #tpu.memory_space<vmem_shared>>
      tpu.enqueue_dma source(%arg4 : memref<632x128xf32, #tpu.memory_space<hbm>>) target(%dma_start3A_848 : memref<632x128xf32, #tpu.memory_space<vmem_shared>>) target_semaphore(%run_scoped3A : memref<!tpu.dma_semaphore, #tpu.memory_space<semaphore_mem>>)
      %dma_wait3A_849 = arith.constant 0 : i32
      %dma_wait3A_850 = tpu.memref_slice %arg25[%mul3A_106, %dma_wait3A_849] : memref<10112x128xf32, #tpu.memory_space<vmem_shared>> -> memref<632x128xf32, #tpu.memory_space<vmem_shared>>
      tpu.wait_dma2 semaphore(%run_scoped3A : memref<!tpu.dma_semaphore, #tpu.memory_space<semaphore_mem>>) src(%arg4 : memref<632x128xf32, #tpu.memory_space<hbm>>) dst(%dma_wait3A_850 : memref<632x128xf32, #tpu.memory_space<vmem_shared>>)
      tpu.yield
    }) : () -> ()
    %barrier3A_107 = arith.constant 0 : index
    tpu.barrier barrier_id(%barrier3A_107)
    %dma_start3A_108 = arith.constant 0 : i32
    %dma_start3A_109 = arith.constant 0 : i32
    %dma_start3A_110 = tpu.memref_slice %arg21[%dma_start3A_108, %dma_start3A_109] : memref<120x64xi32, #tpu.memory_space<vmem>> -> memref<1x64xi32, #tpu.memory_space<vmem>>
    %dma_start3A_111 = tpu.memref_squeeze %dma_start3A_110 : memref<1x64xi32, #tpu.memory_space<vmem>> -> memref<64xi32, #tpu.memory_space<vmem>>
    %dma_start3A_112 = arith.constant 0 : i32
    %dma_start3A_113 = arith.constant 0 : i32
    %dma_start3A_114 = tpu.memref_slice %arg6[%dma_start3A_112, %dma_start3A_113] : memref<10000x128xf32, #tpu.memory_space<hbm>> -> memref<10000x128xf32, #tpu.memory_space<hbm>>
    tpu.enqueue_indirect_dma source(%dma_start3A_114 : memref<10000x128xf32, #tpu.memory_space<hbm>>) target(%arg23 : memref<64x128xf32, #tpu.memory_space<vmem>>) offsets(%dma_start3A_111 : memref<64xi32, #tpu.memory_space<vmem>>) semaphore(%arg26 : memref<!tpu.dma_semaphore, #tpu.memory_space<semaphore_mem>>)
    %dma_start3A_115 = arith.constant 1 : i32
    %dma_start3A_116 = arith.constant 0 : i32
    %dma_start3A_117 = tpu.memref_slice %arg21[%dma_start3A_115, %dma_start3A_116] : memref<120x64xi32, #tpu.memory_space<vmem>> -> memref<1x64xi32, #tpu.memory_space<vmem>>
    %dma_start3A_118 = tpu.memref_squeeze %dma_start3A_117 : memref<1x64xi32, #tpu.memory_space<vmem>> -> memref<64xi32, #tpu.memory_space<vmem>>
    %dma_start3A_119 = arith.constant 0 : i32
    %dma_start3A_120 = arith.constant 0 : i32
    %dma_start3A_121 = tpu.memref_slice %arg6[%dma_start3A_119, %dma_start3A_120] : memref<10000x128xf32, #tpu.memory_space<hbm>> -> memref<10000x128xf32, #tpu.memory_space<hbm>>
    tpu.enqueue_indirect_dma source(%dma_start3A_121 : memref<10000x128xf32, #tpu.memory_space<hbm>>) target(%arg24 : memref<64x128xf32, #tpu.memory_space<vmem>>) offsets(%dma_start3A_118 : memref<64xi32, #tpu.memory_space<vmem>>) semaphore(%arg27 : memref<!tpu.dma_semaphore, #tpu.memory_space<semaphore_mem>>)
    %jit3A_122 = arith.constant 2 : i32
    %div3A_123 = arith.divsi %select_n3A, %jit3A_122 : i32
    %sign3A_124 = arith.constant 0 : i32
    %sign3A_125 = arith.cmpi sgt, %select_n3A, %sign3A_124 : i32
    %sign3A_126 = arith.extui %sign3A_125 : i1 to i32
    %sign3A_127 = arith.constant 0 : i32
    %sign3A_128 = arith.cmpi slt, %select_n3A, %sign3A_127 : i32
    %sign3A_129 = arith.extui %sign3A_128 : i1 to i32
    %sign3A_130 = arith.subi %sign3A_126, %sign3A_129 : i32
    %sign3A_131 = arith.constant 0 : i32
    %sign3A_132 = arith.cmpi sgt, %jit3A_122, %sign3A_131 : i32
    %sign3A_133 = arith.extui %sign3A_132 : i1 to i32
    %sign3A_134 = arith.constant 0 : i32
    %sign3A_135 = arith.cmpi slt, %jit3A_122, %sign3A_134 : i32
    %sign3A_136 = arith.extui %sign3A_135 : i1 to i32
    %sign3A_137 = arith.subi %sign3A_133, %sign3A_136 : i32
    %ne3A_138 = arith.cmpi ne, %sign3A_130, %sign3A_137 : i32
    %rem3A_139 = arith.remsi %select_n3A, %jit3A_122 : i32
    %ne3A_140 = arith.constant 0 : i32
    %ne3A_141 = arith.cmpi ne, %rem3A_139, %ne3A_140 : i32
    %and3A_142 = arith.andi %ne3A_138, %ne3A_141 : i1
    %sub3A_143 = arith.constant 1 : i32
    %sub3A_144 = arith.subi %div3A_123, %sub3A_143 : i32
    %select_n3A_145 = arith.select %and3A_142, %sub3A_144, %div3A_123 : i32
    %sub3A_146 = arith.constant 1 : i32
    %sub3A_147 = arith.subi %select_n3A_145, %sub3A_146 : i32
    %while3A_148 = arith.constant 0 : i32
    %while3A_149 = arith.constant 0 : i32
    %while3A_150 = arith.subi %sub3A_147, %while3A_149 : i32
    %while3A_151 = arith.addi %while3A_149, %while3A_150 : i32
    %while3A_152 = arith.constant 1 : i32
    %while3A_153 = arith.divsi %while3A_150, %while3A_152 : i32
    %while3A_154 = arith.muli %while3A_153, %while3A_152 : i32
    %while3A_155 = arith.addi %while3A_149, %while3A_154 : i32
    %while3A_156 = arith.constant 1 : i32
    scf.for %while3A_847 = %while3A_149 to %while3A_155 step %while3A_156  : i32 {
      %mul3A_848 = arith.constant 2 : i32
      %mul3A_849 = arith.muli %mul3A_848, %while3A_847 : i32
      %add3A_850 = arith.constant 0 : i32
      %add3A_851 = arith.addi %mul3A_849, %add3A_850 : i32
      %dma_wait3A_852 = arith.constant 0 : i32
      %dma_wait3A_853 = tpu.memref_slice %arg21[%add3A_851, %dma_wait3A_852] : memref<120x64xi32, #tpu.memory_space<vmem>> -> memref<1x64xi32, #tpu.memory_space<vmem>>
      %dma_wait3A_854 = tpu.memref_squeeze %dma_wait3A_853 : memref<1x64xi32, #tpu.memory_space<vmem>> -> memref<64xi32, #tpu.memory_space<vmem>>
      %dma_wait3A_855 = arith.constant 0 : i32
      %dma_wait3A_856 = arith.constant 0 : i32
      %dma_wait3A_857 = tpu.memref_slice %arg6[%dma_wait3A_855, %dma_wait3A_856] : memref<10000x128xf32, #tpu.memory_space<hbm>> -> memref<10000x128xf32, #tpu.memory_space<hbm>>
      tpu.wait_indirect_dma semaphore(%arg26 : memref<!tpu.dma_semaphore, #tpu.memory_space<semaphore_mem>>) src(%dma_wait3A_857 : memref<10000x128xf32, #tpu.memory_space<hbm>>) dst(%arg23 : memref<64x128xf32, #tpu.memory_space<vmem>>)
      %dma_start3A_858 = arith.constant 0 : i32
      %dma_start3A_859 = tpu.memref_slice %arg22[%add3A_851, %dma_start3A_858] : memref<120x64xi32, #tpu.memory_space<vmem>> -> memref<1x64xi32, #tpu.memory_space<vmem>>
      %dma_start3A_860 = tpu.memref_squeeze %dma_start3A_859 : memref<1x64xi32, #tpu.memory_space<vmem>> -> memref<64xi32, #tpu.memory_space<vmem>>
      %dma_start3A_861 = arith.constant 0 : i32
      %dma_start3A_862 = arith.constant 0 : i32
      %dma_start3A_863 = tpu.memref_slice %arg25[%dma_start3A_861, %dma_start3A_862] : memref<10112x128xf32, #tpu.memory_space<vmem_shared>> -> memref<10112x128xf32, #tpu.memory_space<vmem_shared>>
      tpu.enqueue_indirect_dma source(%arg23 : memref<64x128xf32, #tpu.memory_space<vmem>>) target(%dma_start3A_863 : memref<10112x128xf32, #tpu.memory_space<vmem_shared>>) offsets(%dma_start3A_860 : memref<64xi32, #tpu.memory_space<vmem>>) semaphore(%arg28 : memref<!tpu.dma_semaphore, #tpu.memory_space<semaphore_mem>>) {add = true}
      %dma_wait3A_864 = arith.constant 0 : i32
      %dma_wait3A_865 = tpu.memref_slice %arg22[%add3A_851, %dma_wait3A_864] : memref<120x64xi32, #tpu.memory_space<vmem>> -> memref<1x64xi32, #tpu.memory_space<vmem>>
      %dma_wait3A_866 = tpu.memref_squeeze %dma_wait3A_865 : memref<1x64xi32, #tpu.memory_space<vmem>> -> memref<64xi32, #tpu.memory_space<vmem>>
      %dma_wait3A_867 = arith.constant 0 : i32
      %dma_wait3A_868 = arith.constant 0 : i32
      %dma_wait3A_869 = tpu.memref_slice %arg25[%dma_wait3A_867, %dma_wait3A_868] : memref<10112x128xf32, #tpu.memory_space<vmem_shared>> -> memref<10112x128xf32, #tpu.memory_space<vmem_shared>>
      tpu.wait_indirect_dma semaphore(%arg28 : memref<!tpu.dma_semaphore, #tpu.memory_space<semaphore_mem>>) src(%arg23 : memref<64x128xf32, #tpu.memory_space<vmem>>) dst(%dma_wait3A_869 : memref<10112x128xf32, #tpu.memory_space<vmem_shared>>)
      %add3A_870 = arith.constant 2 : i32
      %add3A_871 = arith.addi %add3A_851, %add3A_870 : i32
      %dma_start3A_872 = arith.constant 0 : i32
      %dma_start3A_873 = tpu.memref_slice %arg21[%add3A_871, %dma_start3A_872] : memref<120x64xi32, #tpu.memory_space<vmem>> -> memref<1x64xi32, #tpu.memory_space<vmem>>
      %dma_start3A_874 = tpu.memref_squeeze %dma_start3A_873 : memref<1x64xi32, #tpu.memory_space<vmem>> -> memref<64xi32, #tpu.memory_space<vmem>>
      %dma_start3A_875 = arith.constant 0 : i32
      %dma_start3A_876 = arith.constant 0 : i32
      %dma_start3A_877 = tpu.memref_slice %arg6[%dma_start3A_875, %dma_start3A_876] : memref<10000x128xf32, #tpu.memory_space<hbm>> -> memref<10000x128xf32, #tpu.memory_space<hbm>>
      tpu.enqueue_indirect_dma source(%dma_start3A_877 : memref<10000x128xf32, #tpu.memory_space<hbm>>) target(%arg23 : memref<64x128xf32, #tpu.memory_space<vmem>>) offsets(%dma_start3A_874 : memref<64xi32, #tpu.memory_space<vmem>>) semaphore(%arg26 : memref<!tpu.dma_semaphore, #tpu.memory_space<semaphore_mem>>)
      %mul3A_878 = arith.constant 2 : i32
      %mul3A_879 = arith.muli %mul3A_878, %while3A_847 : i32
      %add3A_880 = arith.constant 1 : i32
      %add3A_881 = arith.addi %mul3A_879, %add3A_880 : i32
      %dma_wait3A_882 = arith.constant 0 : i32
      %dma_wait3A_883 = tpu.memref_slice %arg21[%add3A_881, %dma_wait3A_882] : memref<120x64xi32, #tpu.memory_space<vmem>> -> memref<1x64xi32, #tpu.memory_space<vmem>>
      %dma_wait3A_884 = tpu.memref_squeeze %dma_wait3A_883 : memref<1x64xi32, #tpu.memory_space<vmem>> -> memref<64xi32, #tpu.memory_space<vmem>>
      %dma_wait3A_885 = arith.constant 0 : i32
      %dma_wait3A_886 = arith.constant 0 : i32
      %dma_wait3A_887 = tpu.memref_slice %arg6[%dma_wait3A_885, %dma_wait3A_886] : memref<10000x128xf32, #tpu.memory_space<hbm>> -> memref<10000x128xf32, #tpu.memory_space<hbm>>
      tpu.wait_indirect_dma semaphore(%arg27 : memref<!tpu.dma_semaphore, #tpu.memory_space<semaphore_mem>>) src(%dma_wait3A_887 : memref<10000x128xf32, #tpu.memory_space<hbm>>) dst(%arg24 : memref<64x128xf32, #tpu.memory_space<vmem>>)
      %dma_start3A_888 = arith.constant 0 : i32
      %dma_start3A_889 = tpu.memref_slice %arg22[%add3A_881, %dma_start3A_888] : memref<120x64xi32, #tpu.memory_space<vmem>> -> memref<1x64xi32, #tpu.memory_space<vmem>>
      %dma_start3A_890 = tpu.memref_squeeze %dma_start3A_889 : memref<1x64xi32, #tpu.memory_space<vmem>> -> memref<64xi32, #tpu.memory_space<vmem>>
      %dma_start3A_891 = arith.constant 0 : i32
      %dma_start3A_892 = arith.constant 0 : i32
      %dma_start3A_893 = tpu.memref_slice %arg25[%dma_start3A_891, %dma_start3A_892] : memref<10112x128xf32, #tpu.memory_space<vmem_shared>> -> memref<10112x128xf32, #tpu.memory_space<vmem_shared>>
      tpu.enqueue_indirect_dma source(%arg24 : memref<64x128xf32, #tpu.memory_space<vmem>>) target(%dma_start3A_893 : memref<10112x128xf32, #tpu.memory_space<vmem_shared>>) offsets(%dma_start3A_890 : memref<64xi32, #tpu.memory_space<vmem>>) semaphore(%arg29 : memref<!tpu.dma_semaphore, #tpu.memory_space<semaphore_mem>>) {add = true}
      %dma_wait3A_894 = arith.constant 0 : i32
      %dma_wait3A_895 = tpu.memref_slice %arg22[%add3A_881, %dma_wait3A_894] : memref<120x64xi32, #tpu.memory_space<vmem>> -> memref<1x64xi32, #tpu.memory_space<vmem>>
      %dma_wait3A_896 = tpu.memref_squeeze %dma_wait3A_895 : memref<1x64xi32, #tpu.memory_space<vmem>> -> memref<64xi32, #tpu.memory_space<vmem>>
      %dma_wait3A_897 = arith.constant 0 : i32
      %dma_wait3A_898 = arith.constant 0 : i32
      %dma_wait3A_899 = tpu.memref_slice %arg25[%dma_wait3A_897, %dma_wait3A_898] : memref<10112x128xf32, #tpu.memory_space<vmem_shared>> -> memref<10112x128xf32, #tpu.memory_space<vmem_shared>>
      tpu.wait_indirect_dma semaphore(%arg29 : memref<!tpu.dma_semaphore, #tpu.memory_space<semaphore_mem>>) src(%arg24 : memref<64x128xf32, #tpu.memory_space<vmem>>) dst(%dma_wait3A_899 : memref<10112x128xf32, #tpu.memory_space<vmem_shared>>)
      %add3A_900 = arith.constant 2 : i32
      %add3A_901 = arith.addi %add3A_881, %add3A_900 : i32
      %dma_start3A_902 = arith.constant 0 : i32
      %dma_start3A_903 = tpu.memref_slice %arg21[%add3A_901, %dma_start3A_902] : memref<120x64xi32, #tpu.memory_space<vmem>> -> memref<1x64xi32, #tpu.memory_space<vmem>>
      %dma_start3A_904 = tpu.memref_squeeze %dma_start3A_903 : memref<1x64xi32, #tpu.memory_space<vmem>> -> memref<64xi32, #tpu.memory_space<vmem>>
      %dma_start3A_905 = arith.constant 0 : i32
      %dma_start3A_906 = arith.constant 0 : i32
      %dma_start3A_907 = tpu.memref_slice %arg6[%dma_start3A_905, %dma_start3A_906] : memref<10000x128xf32, #tpu.memory_space<hbm>> -> memref<10000x128xf32, #tpu.memory_space<hbm>>
      tpu.enqueue_indirect_dma source(%dma_start3A_907 : memref<10000x128xf32, #tpu.memory_space<hbm>>) target(%arg24 : memref<64x128xf32, #tpu.memory_space<vmem>>) offsets(%dma_start3A_904 : memref<64xi32, #tpu.memory_space<vmem>>) semaphore(%arg27 : memref<!tpu.dma_semaphore, #tpu.memory_space<semaphore_mem>>)
    }
    %while3A_157 = arith.constant 1 : i32
    scf.for %while3A_847 = %while3A_155 to %while3A_151 step %while3A_157  : i32 {
      %mul3A_848 = arith.constant 2 : i32
      %mul3A_849 = arith.muli %mul3A_848, %while3A_847 : i32
      %add3A_850 = arith.constant 0 : i32
      %add3A_851 = arith.addi %mul3A_849, %add3A_850 : i32
      %dma_wait3A_852 = arith.constant 0 : i32
      %dma_wait3A_853 = tpu.memref_slice %arg21[%add3A_851, %dma_wait3A_852] : memref<120x64xi32, #tpu.memory_space<vmem>> -> memref<1x64xi32, #tpu.memory_space<vmem>>
      %dma_wait3A_854 = tpu.memref_squeeze %dma_wait3A_853 : memref<1x64xi32, #tpu.memory_space<vmem>> -> memref<64xi32, #tpu.memory_space<vmem>>
      %dma_wait3A_855 = arith.constant 0 : i32
      %dma_wait3A_856 = arith.constant 0 : i32
      %dma_wait3A_857 = tpu.memref_slice %arg6[%dma_wait3A_855, %dma_wait3A_856] : memref<10000x128xf32, #tpu.memory_space<hbm>> -> memref<10000x128xf32, #tpu.memory_space<hbm>>
      tpu.wait_indirect_dma semaphore(%arg26 : memref<!tpu.dma_semaphore, #tpu.memory_space<semaphore_mem>>) src(%dma_wait3A_857 : memref<10000x128xf32, #tpu.memory_space<hbm>>) dst(%arg23 : memref<64x128xf32, #tpu.memory_space<vmem>>)
      %dma_start3A_858 = arith.constant 0 : i32
      %dma_start3A_859 = tpu.memref_slice %arg22[%add3A_851, %dma_start3A_858] : memref<120x64xi32, #tpu.memory_space<vmem>> -> memref<1x64xi32, #tpu.memory_space<vmem>>
      %dma_start3A_860 = tpu.memref_squeeze %dma_start3A_859 : memref<1x64xi32, #tpu.memory_space<vmem>> -> memref<64xi32, #tpu.memory_space<vmem>>
      %dma_start3A_861 = arith.constant 0 : i32
      %dma_start3A_862 = arith.constant 0 : i32
      %dma_start3A_863 = tpu.memref_slice %arg25[%dma_start3A_861, %dma_start3A_862] : memref<10112x128xf32, #tpu.memory_space<vmem_shared>> -> memref<10112x128xf32, #tpu.memory_space<vmem_shared>>
      tpu.enqueue_indirect_dma source(%arg23 : memref<64x128xf32, #tpu.memory_space<vmem>>) target(%dma_start3A_863 : memref<10112x128xf32, #tpu.memory_space<vmem_shared>>) offsets(%dma_start3A_860 : memref<64xi32, #tpu.memory_space<vmem>>) semaphore(%arg28 : memref<!tpu.dma_semaphore, #tpu.memory_space<semaphore_mem>>) {add = true}
      %dma_wait3A_864 = arith.constant 0 : i32
      %dma_wait3A_865 = tpu.memref_slice %arg22[%add3A_851, %dma_wait3A_864] : memref<120x64xi32, #tpu.memory_space<vmem>> -> memref<1x64xi32, #tpu.memory_space<vmem>>
      %dma_wait3A_866 = tpu.memref_squeeze %dma_wait3A_865 : memref<1x64xi32, #tpu.memory_space<vmem>> -> memref<64xi32, #tpu.memory_space<vmem>>
      %dma_wait3A_867 = arith.constant 0 : i32
      %dma_wait3A_868 = arith.constant 0 : i32
      %dma_wait3A_869 = tpu.memref_slice %arg25[%dma_wait3A_867, %dma_wait3A_868] : memref<10112x128xf32, #tpu.memory_space<vmem_shared>> -> memref<10112x128xf32, #tpu.memory_space<vmem_shared>>
      tpu.wait_indirect_dma semaphore(%arg28 : memref<!tpu.dma_semaphore, #tpu.memory_space<semaphore_mem>>) src(%arg23 : memref<64x128xf32, #tpu.memory_space<vmem>>) dst(%dma_wait3A_869 : memref<10112x128xf32, #tpu.memory_space<vmem_shared>>)
      %add3A_870 = arith.constant 2 : i32
      %add3A_871 = arith.addi %add3A_851, %add3A_870 : i32
      %dma_start3A_872 = arith.constant 0 : i32
      %dma_start3A_873 = tpu.memref_slice %arg21[%add3A_871, %dma_start3A_872] : memref<120x64xi32, #tpu.memory_space<vmem>> -> memref<1x64xi32, #tpu.memory_space<vmem>>
      %dma_start3A_874 = tpu.memref_squeeze %dma_start3A_873 : memref<1x64xi32, #tpu.memory_space<vmem>> -> memref<64xi32, #tpu.memory_space<vmem>>
      %dma_start3A_875 = arith.constant 0 : i32
      %dma_start3A_876 = arith.constant 0 : i32
      %dma_start3A_877 = tpu.memref_slice %arg6[%dma_start3A_875, %dma_start3A_876] : memref<10000x128xf32, #tpu.memory_space<hbm>> -> memref<10000x128xf32, #tpu.memory_space<hbm>>
      tpu.enqueue_indirect_dma source(%dma_start3A_877 : memref<10000x128xf32, #tpu.memory_space<hbm>>) target(%arg23 : memref<64x128xf32, #tpu.memory_space<vmem>>) offsets(%dma_start3A_874 : memref<64xi32, #tpu.memory_space<vmem>>) semaphore(%arg26 : memref<!tpu.dma_semaphore, #tpu.memory_space<semaphore_mem>>)
      %mul3A_878 = arith.constant 2 : i32
      %mul3A_879 = arith.muli %mul3A_878, %while3A_847 : i32
      %add3A_880 = arith.constant 1 : i32
      %add3A_881 = arith.addi %mul3A_879, %add3A_880 : i32
      %dma_wait3A_882 = arith.constant 0 : i32
      %dma_wait3A_883 = tpu.memref_slice %arg21[%add3A_881, %dma_wait3A_882] : memref<120x64xi32, #tpu.memory_space<vmem>> -> memref<1x64xi32, #tpu.memory_space<vmem>>
      %dma_wait3A_884 = tpu.memref_squeeze %dma_wait3A_883 : memref<1x64xi32, #tpu.memory_space<vmem>> -> memref<64xi32, #tpu.memory_space<vmem>>
      %dma_wait3A_885 = arith.constant 0 : i32
      %dma_wait3A_886 = arith.constant 0 : i32
      %dma_wait3A_887 = tpu.memref_slice %arg6[%dma_wait3A_885, %dma_wait3A_886] : memref<10000x128xf32, #tpu.memory_space<hbm>> -> memref<10000x128xf32, #tpu.memory_space<hbm>>
      tpu.wait_indirect_dma semaphore(%arg27 : memref<!tpu.dma_semaphore, #tpu.memory_space<semaphore_mem>>) src(%dma_wait3A_887 : memref<10000x128xf32, #tpu.memory_space<hbm>>) dst(%arg24 : memref<64x128xf32, #tpu.memory_space<vmem>>)
      %dma_start3A_888 = arith.constant 0 : i32
      %dma_start3A_889 = tpu.memref_slice %arg22[%add3A_881, %dma_start3A_888] : memref<120x64xi32, #tpu.memory_space<vmem>> -> memref<1x64xi32, #tpu.memory_space<vmem>>
      %dma_start3A_890 = tpu.memref_squeeze %dma_start3A_889 : memref<1x64xi32, #tpu.memory_space<vmem>> -> memref<64xi32, #tpu.memory_space<vmem>>
      %dma_start3A_891 = arith.constant 0 : i32
      %dma_start3A_892 = arith.constant 0 : i32
      %dma_start3A_893 = tpu.memref_slice %arg25[%dma_start3A_891, %dma_start3A_892] : memref<10112x128xf32, #tpu.memory_space<vmem_shared>> -> memref<10112x128xf32, #tpu.memory_space<vmem_shared>>
      tpu.enqueue_indirect_dma source(%arg24 : memref<64x128xf32, #tpu.memory_space<vmem>>) target(%dma_start3A_893 : memref<10112x128xf32, #tpu.memory_space<vmem_shared>>) offsets(%dma_start3A_890 : memref<64xi32, #tpu.memory_space<vmem>>) semaphore(%arg29 : memref<!tpu.dma_semaphore, #tpu.memory_space<semaphore_mem>>) {add = true}
      %dma_wait3A_894 = arith.constant 0 : i32
      %dma_wait3A_895 = tpu.memref_slice %arg22[%add3A_881, %dma_wait3A_894] : memref<120x64xi32, #tpu.memory_space<vmem>> -> memref<1x64xi32, #tpu.memory_space<vmem>>
      %dma_wait3A_896 = tpu.memref_squeeze %dma_wait3A_895 : memref<1x64xi32, #tpu.memory_space<vmem>> -> memref<64xi32, #tpu.memory_space<vmem>>
      %dma_wait3A_897 = arith.constant 0 : i32
      %dma_wait3A_898 = arith.constant 0 : i32
      %dma_wait3A_899 = tpu.memref_slice %arg25[%dma_wait3A_897, %dma_wait3A_898] : memref<10112x128xf32, #tpu.memory_space<vmem_shared>> -> memref<10112x128xf32, #tpu.memory_space<vmem_shared>>
      tpu.wait_indirect_dma semaphore(%arg29 : memref<!tpu.dma_semaphore, #tpu.memory_space<semaphore_mem>>) src(%arg24 : memref<64x128xf32, #tpu.memory_space<vmem>>) dst(%dma_wait3A_899 : memref<10112x128xf32, #tpu.memory_space<vmem_shared>>)
      %add3A_900 = arith.constant 2 : i32
      %add3A_901 = arith.addi %add3A_881, %add3A_900 : i32
      %dma_start3A_902 = arith.constant 0 : i32
      %dma_start3A_903 = tpu.memref_slice %arg21[%add3A_901, %dma_start3A_902] : memref<120x64xi32, #tpu.memory_space<vmem>> -> memref<1x64xi32, #tpu.memory_space<vmem>>
      %dma_start3A_904 = tpu.memref_squeeze %dma_start3A_903 : memref<1x64xi32, #tpu.memory_space<vmem>> -> memref<64xi32, #tpu.memory_space<vmem>>
      %dma_start3A_905 = arith.constant 0 : i32
      %dma_start3A_906 = arith.constant 0 : i32
      %dma_start3A_907 = tpu.memref_slice %arg6[%dma_start3A_905, %dma_start3A_906] : memref<10000x128xf32, #tpu.memory_space<hbm>> -> memref<10000x128xf32, #tpu.memory_space<hbm>>
      tpu.enqueue_indirect_dma source(%dma_start3A_907 : memref<10000x128xf32, #tpu.memory_space<hbm>>) target(%arg24 : memref<64x128xf32, #tpu.memory_space<vmem>>) offsets(%dma_start3A_904 : memref<64xi32, #tpu.memory_space<vmem>>) semaphore(%arg27 : memref<!tpu.dma_semaphore, #tpu.memory_space<semaphore_mem>>)
    }
    %sub3A_158 = arith.constant 2 : i32
    %sub3A_159 = arith.subi %select_n3A, %sub3A_158 : i32
    %add3A_160 = arith.constant 0 : i32
    %add3A_161 = arith.addi %sub3A_159, %add3A_160 : i32
    %dma_wait3A_162 = arith.constant 0 : i32
    %dma_wait3A_163 = tpu.memref_slice %arg21[%add3A_161, %dma_wait3A_162] : memref<120x64xi32, #tpu.memory_space<vmem>> -> memref<1x64xi32, #tpu.memory_space<vmem>>
    %dma_wait3A_164 = tpu.memref_squeeze %dma_wait3A_163 : memref<1x64xi32, #tpu.memory_space<vmem>> -> memref<64xi32, #tpu.memory_space<vmem>>
    %dma_wait3A_165 = arith.constant 0 : i32
    %dma_wait3A_166 = arith.constant 0 : i32
    %dma_wait3A_167 = tpu.memref_slice %arg6[%dma_wait3A_165, %dma_wait3A_166] : memref<10000x128xf32, #tpu.memory_space<hbm>> -> memref<10000x128xf32, #tpu.memory_space<hbm>>
    tpu.wait_indirect_dma semaphore(%arg26 : memref<!tpu.dma_semaphore, #tpu.memory_space<semaphore_mem>>) src(%dma_wait3A_167 : memref<10000x128xf32, #tpu.memory_space<hbm>>) dst(%arg23 : memref<64x128xf32, #tpu.memory_space<vmem>>)
    %dma_start3A_168 = arith.constant 0 : i32
    %dma_start3A_169 = tpu.memref_slice %arg22[%add3A_161, %dma_start3A_168] : memref<120x64xi32, #tpu.memory_space<vmem>> -> memref<1x64xi32, #tpu.memory_space<vmem>>
    %dma_start3A_170 = tpu.memref_squeeze %dma_start3A_169 : memref<1x64xi32, #tpu.memory_space<vmem>> -> memref<64xi32, #tpu.memory_space<vmem>>
    %dma_start3A_171 = arith.constant 0 : i32
    %dma_start3A_172 = arith.constant 0 : i32
    %dma_start3A_173 = tpu.memref_slice %arg25[%dma_start3A_171, %dma_start3A_172] : memref<10112x128xf32, #tpu.memory_space<vmem_shared>> -> memref<10112x128xf32, #tpu.memory_space<vmem_shared>>
    tpu.enqueue_indirect_dma source(%arg23 : memref<64x128xf32, #tpu.memory_space<vmem>>) target(%dma_start3A_173 : memref<10112x128xf32, #tpu.memory_space<vmem_shared>>) offsets(%dma_start3A_170 : memref<64xi32, #tpu.memory_space<vmem>>) semaphore(%arg28 : memref<!tpu.dma_semaphore, #tpu.memory_space<semaphore_mem>>) {add = true}
    %dma_wait3A_174 = arith.constant 0 : i32
    %dma_wait3A_175 = tpu.memref_slice %arg22[%add3A_161, %dma_wait3A_174] : memref<120x64xi32, #tpu.memory_space<vmem>> -> memref<1x64xi32, #tpu.memory_space<vmem>>
    %dma_wait3A_176 = tpu.memref_squeeze %dma_wait3A_175 : memref<1x64xi32, #tpu.memory_space<vmem>> -> memref<64xi32, #tpu.memory_space<vmem>>
    %dma_wait3A_177 = arith.constant 0 : i32
    %dma_wait3A_178 = arith.constant 0 : i32
    %dma_wait3A_179 = tpu.memref_slice %arg25[%dma_wait3A_177, %dma_wait3A_178] : memref<10112x128xf32, #tpu.memory_space<vmem_shared>> -> memref<10112x128xf32, #tpu.memory_space<vmem_shared>>
    tpu.wait_indirect_dma semaphore(%arg28 : memref<!tpu.dma_semaphore, #tpu.memory_space<semaphore_mem>>) src(%arg23 : memref<64x128xf32, #tpu.memory_space<vmem>>) dst(%dma_wait3A_179 : memref<10112x128xf32, #tpu.memory_space<vmem_shared>>)
    %sub3A_180 = arith.constant 2 : i32
    %sub3A_181 = arith.subi %select_n3A, %sub3A_180 : i32
    %add3A_182 = arith.constant 1 : i32
    %add3A_183 = arith.addi %sub3A_181, %add3A_182 : i32
    %dma_wait3A_184 = arith.constant 0 : i32
    %dma_wait3A_185 = tpu.memref_slice %arg21[%add3A_183, %dma_wait3A_184] : memref<120x64xi32, #tpu.memory_space<vmem>> -> memref<1x64xi32, #tpu.memory_space<vmem>>
    %dma_wait3A_186 = tpu.memref_squeeze %dma_wait3A_185 : memref<1x64xi32, #tpu.memory_space<vmem>> -> memref<64xi32, #tpu.memory_space<vmem>>
    %dma_wait3A_187 = arith.constant 0 : i32
    %dma_wait3A_188 = arith.constant 0 : i32
    %dma_wait3A_189 = tpu.memref_slice %arg6[%dma_wait3A_187, %dma_wait3A_188] : memref<10000x128xf32, #tpu.memory_space<hbm>> -> memref<10000x128xf32, #tpu.memory_space<hbm>>
    tpu.wait_indirect_dma semaphore(%arg27 : memref<!tpu.dma_semaphore, #tpu.memory_space<semaphore_mem>>) src(%dma_wait3A_189 : memref<10000x128xf32, #tpu.memory_space<hbm>>) dst(%arg24 : memref<64x128xf32, #tpu.memory_space<vmem>>)
    %dma_start3A_190 = arith.constant 0 : i32
    %dma_start3A_191 = tpu.memref_slice %arg22[%add3A_183, %dma_start3A_190] : memref<120x64xi32, #tpu.memory_space<vmem>> -> memref<1x64xi32, #tpu.memory_space<vmem>>
    %dma_start3A_192 = tpu.memref_squeeze %dma_start3A_191 : memref<1x64xi32, #tpu.memory_space<vmem>> -> memref<64xi32, #tpu.memory_space<vmem>>
    %dma_start3A_193 = arith.constant 0 : i32
    %dma_start3A_194 = arith.constant 0 : i32
    %dma_start3A_195 = tpu.memref_slice %arg25[%dma_start3A_193, %dma_start3A_194] : memref<10112x128xf32, #tpu.memory_space<vmem_shared>> -> memref<10112x128xf32, #tpu.memory_space<vmem_shared>>
    tpu.enqueue_indirect_dma source(%arg24 : memref<64x128xf32, #tpu.memory_space<vmem>>) target(%dma_start3A_195 : memref<10112x128xf32, #tpu.memory_space<vmem_shared>>) offsets(%dma_start3A_192 : memref<64xi32, #tpu.memory_space<vmem>>) semaphore(%arg29 : memref<!tpu.dma_semaphore, #tpu.memory_space<semaphore_mem>>) {add = true}
    %dma_wait3A_196 = arith.constant 0 : i32
    %dma_wait3A_197 = tpu.memref_slice %arg22[%add3A_183, %dma_wait3A_196] : memref<120x64xi32, #tpu.memory_space<vmem>> -> memref<1x64xi32, #tpu.memory_space<vmem>>
    %dma_wait3A_198 = tpu.memref_squeeze %dma_wait3A_197 : memref<1x64xi32, #tpu.memory_space<vmem>> -> memref<64xi32, #tpu.memory_space<vmem>>
    %dma_wait3A_199 = arith.constant 0 : i32
    %dma_wait3A_200 = arith.constant 0 : i32
    %dma_wait3A_201 = tpu.memref_slice %arg25[%dma_wait3A_199, %dma_wait3A_200] : memref<10112x128xf32, #tpu.memory_space<vmem_shared>> -> memref<10112x128xf32, #tpu.memory_space<vmem_shared>>
    tpu.wait_indirect_dma semaphore(%arg29 : memref<!tpu.dma_semaphore, #tpu.memory_space<semaphore_mem>>) src(%arg24 : memref<64x128xf32, #tpu.memory_space<vmem>>) dst(%dma_wait3A_201 : memref<10112x128xf32, #tpu.memory_space<vmem_shared>>)
    %barrier3A_202 = arith.constant 0 : index
    tpu.barrier barrier_id(%barrier3A_202)
    %mul3A_203 = arith.constant 632 : i32
    %mul3A_204 = arith.muli %arg1, %mul3A_203 : i32
    %mul3A_205 = arith.constant 10112 : i32
    %mul3A_206 = arith.muli %arg0, %mul3A_205 : i32
    %mul3A_207 = arith.constant 632 : i32
    %mul3A_208 = arith.muli %arg1, %mul3A_207 : i32
    %add3A_209 = arith.addi %mul3A_206, %mul3A_208 : i32
    "tpu.region"() ({
      %run_scoped3A = tpu.sem_alloc : memref<!tpu.dma_semaphore, #tpu.memory_space<semaphore_mem>>
      %dma_start3A_847 = arith.constant 0 : i32
      %dma_start3A_848 = tpu.memref_slice %arg14[%add3A_209, %dma_start3A_847] : memref<20224x128xf32, #tpu.memory_space<hbm>> -> memref<632x128xf32, #tpu.memory_space<hbm>>
      %dma_start3A_849 = arith.constant 0 : i32
      %dma_start3A_850 = tpu.memref_slice %arg25[%mul3A_204, %dma_start3A_849] : memref<10112x128xf32, #tpu.memory_space<vmem_shared>> -> memref<632x128xf32, #tpu.memory_space<vmem_shared>>
      tpu.enqueue_dma source(%dma_start3A_850 : memref<632x128xf32, #tpu.memory_space<vmem_shared>>) target(%dma_start3A_848 : memref<632x128xf32, #tpu.memory_space<hbm>>) target_semaphore(%run_scoped3A : memref<!tpu.dma_semaphore, #tpu.memory_space<semaphore_mem>>)
      %dma_wait3A_851 = arith.constant 0 : i32
      %dma_wait3A_852 = tpu.memref_slice %arg14[%add3A_209, %dma_wait3A_851] : memref<20224x128xf32, #tpu.memory_space<hbm>> -> memref<632x128xf32, #tpu.memory_space<hbm>>
      %dma_wait3A_853 = arith.constant 0 : i32
      %dma_wait3A_854 = tpu.memref_slice %arg25[%mul3A_204, %dma_wait3A_853] : memref<10112x128xf32, #tpu.memory_space<vmem_shared>> -> memref<632x128xf32, #tpu.memory_space<vmem_shared>>
      tpu.wait_dma2 semaphore(%run_scoped3A : memref<!tpu.dma_semaphore, #tpu.memory_space<semaphore_mem>>) src(%dma_wait3A_854 : memref<632x128xf32, #tpu.memory_space<vmem_shared>>) dst(%dma_wait3A_852 : memref<632x128xf32, #tpu.memory_space<hbm>>)
      tpu.yield
    }) : () -> ()
    %barrier3A_210 = arith.constant 0 : index
    tpu.barrier barrier_id(%barrier3A_210)
    %mul3A_211 = arith.constant 632 : i32
    %mul3A_212 = arith.muli %arg1, %mul3A_211 : i32
    "tpu.region"() ({
      %run_scoped3A = tpu.sem_alloc : memref<!tpu.dma_semaphore, #tpu.memory_space<semaphore_mem>>
      %dma_start3A_847 = arith.constant 0 : i32
      %dma_start3A_848 = tpu.memref_slice %arg25[%mul3A_212, %dma_start3A_847] : memref<10112x128xf32, #tpu.memory_space<vmem_shared>> -> memref<632x128xf32, #tpu.memory_space<vmem_shared>>
      tpu.enqueue_dma source(%arg4 : memref<632x128xf32, #tpu.memory_space<hbm>>) target(%dma_start3A_848 : memref<632x128xf32, #tpu.memory_space<vmem_shared>>) target_semaphore(%run_scoped3A : memref<!tpu.dma_semaphore, #tpu.memory_space<semaphore_mem>>)
      %dma_wait3A_849 = arith.constant 0 : i32
      %dma_wait3A_850 = tpu.memref_slice %arg25[%mul3A_212, %dma_wait3A_849] : memref<10112x128xf32, #tpu.memory_space<vmem_shared>> -> memref<632x128xf32, #tpu.memory_space<vmem_shared>>
      tpu.wait_dma2 semaphore(%run_scoped3A : memref<!tpu.dma_semaphore, #tpu.memory_space<semaphore_mem>>) src(%arg4 : memref<632x128xf32, #tpu.memory_space<hbm>>) dst(%dma_wait3A_850 : memref<632x128xf32, #tpu.memory_space<vmem_shared>>)
      tpu.yield
    }) : () -> ()
    %barrier3A_213 = arith.constant 0 : index
    tpu.barrier barrier_id(%barrier3A_213)
    %dma_start3A_214 = arith.constant 0 : i32
    %dma_start3A_215 = arith.constant 0 : i32
    %dma_start3A_216 = tpu.memref_slice %arg21[%dma_start3A_214, %dma_start3A_215] : memref<120x64xi32, #tpu.memory_space<vmem>> -> memref<1x64xi32, #tpu.memory_space<vmem>>
    %dma_start3A_217 = tpu.memref_squeeze %dma_start3A_216 : memref<1x64xi32, #tpu.memory_space<vmem>> -> memref<64xi32, #tpu.memory_space<vmem>>
    %dma_start3A_218 = arith.constant 0 : i32
    %dma_start3A_219 = arith.constant 0 : i32
    %dma_start3A_220 = tpu.memref_slice %arg7[%dma_start3A_218, %dma_start3A_219] : memref<10000x128xf32, #tpu.memory_space<hbm>> -> memref<10000x128xf32, #tpu.memory_space<hbm>>
    tpu.enqueue_indirect_dma source(%dma_start3A_220 : memref<10000x128xf32, #tpu.memory_space<hbm>>) target(%arg23 : memref<64x128xf32, #tpu.memory_space<vmem>>) offsets(%dma_start3A_217 : memref<64xi32, #tpu.memory_space<vmem>>) semaphore(%arg26 : memref<!tpu.dma_semaphore, #tpu.memory_space<semaphore_mem>>)
    %dma_start3A_221 = arith.constant 1 : i32
    %dma_start3A_222 = arith.constant 0 : i32
    %dma_start3A_223 = tpu.memref_slice %arg21[%dma_start3A_221, %dma_start3A_222] : memref<120x64xi32, #tpu.memory_space<vmem>> -> memref<1x64xi32, #tpu.memory_space<vmem>>
    %dma_start3A_224 = tpu.memref_squeeze %dma_start3A_223 : memref<1x64xi32, #tpu.memory_space<vmem>> -> memref<64xi32, #tpu.memory_space<vmem>>
    %dma_start3A_225 = arith.constant 0 : i32
    %dma_start3A_226 = arith.constant 0 : i32
    %dma_start3A_227 = tpu.memref_slice %arg7[%dma_start3A_225, %dma_start3A_226] : memref<10000x128xf32, #tpu.memory_space<hbm>> -> memref<10000x128xf32, #tpu.memory_space<hbm>>
    tpu.enqueue_indirect_dma source(%dma_start3A_227 : memref<10000x128xf32, #tpu.memory_space<hbm>>) target(%arg24 : memref<64x128xf32, #tpu.memory_space<vmem>>) offsets(%dma_start3A_224 : memref<64xi32, #tpu.memory_space<vmem>>) semaphore(%arg27 : memref<!tpu.dma_semaphore, #tpu.memory_space<semaphore_mem>>)
    %jit3A_228 = arith.constant 2 : i32
    %div3A_229 = arith.divsi %select_n3A, %jit3A_228 : i32
    %sign3A_230 = arith.constant 0 : i32
    %sign3A_231 = arith.cmpi sgt, %select_n3A, %sign3A_230 : i32
    %sign3A_232 = arith.extui %sign3A_231 : i1 to i32
    %sign3A_233 = arith.constant 0 : i32
    %sign3A_234 = arith.cmpi slt, %select_n3A, %sign3A_233 : i32
    %sign3A_235 = arith.extui %sign3A_234 : i1 to i32
    %sign3A_236 = arith.subi %sign3A_232, %sign3A_235 : i32
    %sign3A_237 = arith.constant 0 : i32
    %sign3A_238 = arith.cmpi sgt, %jit3A_228, %sign3A_237 : i32
    %sign3A_239 = arith.extui %sign3A_238 : i1 to i32
    %sign3A_240 = arith.constant 0 : i32
    %sign3A_241 = arith.cmpi slt, %jit3A_228, %sign3A_240 : i32
    %sign3A_242 = arith.extui %sign3A_241 : i1 to i32
    %sign3A_243 = arith.subi %sign3A_239, %sign3A_242 : i32
    %ne3A_244 = arith.cmpi ne, %sign3A_236, %sign3A_243 : i32
    %rem3A_245 = arith.remsi %select_n3A, %jit3A_228 : i32
    %ne3A_246 = arith.constant 0 : i32
    %ne3A_247 = arith.cmpi ne, %rem3A_245, %ne3A_246 : i32
    %and3A_248 = arith.andi %ne3A_244, %ne3A_247 : i1
    %sub3A_249 = arith.constant 1 : i32
    %sub3A_250 = arith.subi %div3A_229, %sub3A_249 : i32
    %select_n3A_251 = arith.select %and3A_248, %sub3A_250, %div3A_229 : i32
    %sub3A_252 = arith.constant 1 : i32
    %sub3A_253 = arith.subi %select_n3A_251, %sub3A_252 : i32
    %while3A_254 = arith.constant 0 : i32
    %while3A_255 = arith.constant 0 : i32
    %while3A_256 = arith.subi %sub3A_253, %while3A_255 : i32
    %while3A_257 = arith.addi %while3A_255, %while3A_256 : i32
    %while3A_258 = arith.constant 1 : i32
    %while3A_259 = arith.divsi %while3A_256, %while3A_258 : i32
    %while3A_260 = arith.muli %while3A_259, %while3A_258 : i32
    %while3A_261 = arith.addi %while3A_255, %while3A_260 : i32
    %while3A_262 = arith.constant 1 : i32
    scf.for %while3A_847 = %while3A_255 to %while3A_261 step %while3A_262  : i32 {
      %mul3A_848 = arith.constant 2 : i32
      %mul3A_849 = arith.muli %mul3A_848, %while3A_847 : i32
      %add3A_850 = arith.constant 0 : i32
      %add3A_851 = arith.addi %mul3A_849, %add3A_850 : i32
      %dma_wait3A_852 = arith.constant 0 : i32
      %dma_wait3A_853 = tpu.memref_slice %arg21[%add3A_851, %dma_wait3A_852] : memref<120x64xi32, #tpu.memory_space<vmem>> -> memref<1x64xi32, #tpu.memory_space<vmem>>
      %dma_wait3A_854 = tpu.memref_squeeze %dma_wait3A_853 : memref<1x64xi32, #tpu.memory_space<vmem>> -> memref<64xi32, #tpu.memory_space<vmem>>
      %dma_wait3A_855 = arith.constant 0 : i32
      %dma_wait3A_856 = arith.constant 0 : i32
      %dma_wait3A_857 = tpu.memref_slice %arg7[%dma_wait3A_855, %dma_wait3A_856] : memref<10000x128xf32, #tpu.memory_space<hbm>> -> memref<10000x128xf32, #tpu.memory_space<hbm>>
      tpu.wait_indirect_dma semaphore(%arg26 : memref<!tpu.dma_semaphore, #tpu.memory_space<semaphore_mem>>) src(%dma_wait3A_857 : memref<10000x128xf32, #tpu.memory_space<hbm>>) dst(%arg23 : memref<64x128xf32, #tpu.memory_space<vmem>>)
      %dma_start3A_858 = arith.constant 0 : i32
      %dma_start3A_859 = tpu.memref_slice %arg22[%add3A_851, %dma_start3A_858] : memref<120x64xi32, #tpu.memory_space<vmem>> -> memref<1x64xi32, #tpu.memory_space<vmem>>
      %dma_start3A_860 = tpu.memref_squeeze %dma_start3A_859 : memref<1x64xi32, #tpu.memory_space<vmem>> -> memref<64xi32, #tpu.memory_space<vmem>>
      %dma_start3A_861 = arith.constant 0 : i32
      %dma_start3A_862 = arith.constant 0 : i32
      %dma_start3A_863 = tpu.memref_slice %arg25[%dma_start3A_861, %dma_start3A_862] : memref<10112x128xf32, #tpu.memory_space<vmem_shared>> -> memref<10112x128xf32, #tpu.memory_space<vmem_shared>>
      tpu.enqueue_indirect_dma source(%arg23 : memref<64x128xf32, #tpu.memory_space<vmem>>) target(%dma_start3A_863 : memref<10112x128xf32, #tpu.memory_space<vmem_shared>>) offsets(%dma_start3A_860 : memref<64xi32, #tpu.memory_space<vmem>>) semaphore(%arg28 : memref<!tpu.dma_semaphore, #tpu.memory_space<semaphore_mem>>) {add = true}
      %dma_wait3A_864 = arith.constant 0 : i32
      %dma_wait3A_865 = tpu.memref_slice %arg22[%add3A_851, %dma_wait3A_864] : memref<120x64xi32, #tpu.memory_space<vmem>> -> memref<1x64xi32, #tpu.memory_space<vmem>>
      %dma_wait3A_866 = tpu.memref_squeeze %dma_wait3A_865 : memref<1x64xi32, #tpu.memory_space<vmem>> -> memref<64xi32, #tpu.memory_space<vmem>>
      %dma_wait3A_867 = arith.constant 0 : i32
      %dma_wait3A_868 = arith.constant 0 : i32
      %dma_wait3A_869 = tpu.memref_slice %arg25[%dma_wait3A_867, %dma_wait3A_868] : memref<10112x128xf32, #tpu.memory_space<vmem_shared>> -> memref<10112x128xf32, #tpu.memory_space<vmem_shared>>
      tpu.wait_indirect_dma semaphore(%arg28 : memref<!tpu.dma_semaphore, #tpu.memory_space<semaphore_mem>>) src(%arg23 : memref<64x128xf32, #tpu.memory_space<vmem>>) dst(%dma_wait3A_869 : memref<10112x128xf32, #tpu.memory_space<vmem_shared>>)
      %add3A_870 = arith.constant 2 : i32
      %add3A_871 = arith.addi %add3A_851, %add3A_870 : i32
      %dma_start3A_872 = arith.constant 0 : i32
      %dma_start3A_873 = tpu.memref_slice %arg21[%add3A_871, %dma_start3A_872] : memref<120x64xi32, #tpu.memory_space<vmem>> -> memref<1x64xi32, #tpu.memory_space<vmem>>
      %dma_start3A_874 = tpu.memref_squeeze %dma_start3A_873 : memref<1x64xi32, #tpu.memory_space<vmem>> -> memref<64xi32, #tpu.memory_space<vmem>>
      %dma_start3A_875 = arith.constant 0 : i32
      %dma_start3A_876 = arith.constant 0 : i32
      %dma_start3A_877 = tpu.memref_slice %arg7[%dma_start3A_875, %dma_start3A_876] : memref<10000x128xf32, #tpu.memory_space<hbm>> -> memref<10000x128xf32, #tpu.memory_space<hbm>>
      tpu.enqueue_indirect_dma source(%dma_start3A_877 : memref<10000x128xf32, #tpu.memory_space<hbm>>) target(%arg23 : memref<64x128xf32, #tpu.memory_space<vmem>>) offsets(%dma_start3A_874 : memref<64xi32, #tpu.memory_space<vmem>>) semaphore(%arg26 : memref<!tpu.dma_semaphore, #tpu.memory_space<semaphore_mem>>)
      %mul3A_878 = arith.constant 2 : i32
      %mul3A_879 = arith.muli %mul3A_878, %while3A_847 : i32
      %add3A_880 = arith.constant 1 : i32
      %add3A_881 = arith.addi %mul3A_879, %add3A_880 : i32
      %dma_wait3A_882 = arith.constant 0 : i32
      %dma_wait3A_883 = tpu.memref_slice %arg21[%add3A_881, %dma_wait3A_882] : memref<120x64xi32, #tpu.memory_space<vmem>> -> memref<1x64xi32, #tpu.memory_space<vmem>>
      %dma_wait3A_884 = tpu.memref_squeeze %dma_wait3A_883 : memref<1x64xi32, #tpu.memory_space<vmem>> -> memref<64xi32, #tpu.memory_space<vmem>>
      %dma_wait3A_885 = arith.constant 0 : i32
      %dma_wait3A_886 = arith.constant 0 : i32
      %dma_wait3A_887 = tpu.memref_slice %arg7[%dma_wait3A_885, %dma_wait3A_886] : memref<10000x128xf32, #tpu.memory_space<hbm>> -> memref<10000x128xf32, #tpu.memory_space<hbm>>
      tpu.wait_indirect_dma semaphore(%arg27 : memref<!tpu.dma_semaphore, #tpu.memory_space<semaphore_mem>>) src(%dma_wait3A_887 : memref<10000x128xf32, #tpu.memory_space<hbm>>) dst(%arg24 : memref<64x128xf32, #tpu.memory_space<vmem>>)
      %dma_start3A_888 = arith.constant 0 : i32
      %dma_start3A_889 = tpu.memref_slice %arg22[%add3A_881, %dma_start3A_888] : memref<120x64xi32, #tpu.memory_space<vmem>> -> memref<1x64xi32, #tpu.memory_space<vmem>>
      %dma_start3A_890 = tpu.memref_squeeze %dma_start3A_889 : memref<1x64xi32, #tpu.memory_space<vmem>> -> memref<64xi32, #tpu.memory_space<vmem>>
      %dma_start3A_891 = arith.constant 0 : i32
      %dma_start3A_892 = arith.constant 0 : i32
      %dma_start3A_893 = tpu.memref_slice %arg25[%dma_start3A_891, %dma_start3A_892] : memref<10112x128xf32, #tpu.memory_space<vmem_shared>> -> memref<10112x128xf32, #tpu.memory_space<vmem_shared>>
      tpu.enqueue_indirect_dma source(%arg24 : memref<64x128xf32, #tpu.memory_space<vmem>>) target(%dma_start3A_893 : memref<10112x128xf32, #tpu.memory_space<vmem_shared>>) offsets(%dma_start3A_890 : memref<64xi32, #tpu.memory_space<vmem>>) semaphore(%arg29 : memref<!tpu.dma_semaphore, #tpu.memory_space<semaphore_mem>>) {add = true}
      %dma_wait3A_894 = arith.constant 0 : i32
      %dma_wait3A_895 = tpu.memref_slice %arg22[%add3A_881, %dma_wait3A_894] : memref<120x64xi32, #tpu.memory_space<vmem>> -> memref<1x64xi32, #tpu.memory_space<vmem>>
      %dma_wait3A_896 = tpu.memref_squeeze %dma_wait3A_895 : memref<1x64xi32, #tpu.memory_space<vmem>> -> memref<64xi32, #tpu.memory_space<vmem>>
      %dma_wait3A_897 = arith.constant 0 : i32
      %dma_wait3A_898 = arith.constant 0 : i32
      %dma_wait3A_899 = tpu.memref_slice %arg25[%dma_wait3A_897, %dma_wait3A_898] : memref<10112x128xf32, #tpu.memory_space<vmem_shared>> -> memref<10112x128xf32, #tpu.memory_space<vmem_shared>>
      tpu.wait_indirect_dma semaphore(%arg29 : memref<!tpu.dma_semaphore, #tpu.memory_space<semaphore_mem>>) src(%arg24 : memref<64x128xf32, #tpu.memory_space<vmem>>) dst(%dma_wait3A_899 : memref<10112x128xf32, #tpu.memory_space<vmem_shared>>)
      %add3A_900 = arith.constant 2 : i32
      %add3A_901 = arith.addi %add3A_881, %add3A_900 : i32
      %dma_start3A_902 = arith.constant 0 : i32
      %dma_start3A_903 = tpu.memref_slice %arg21[%add3A_901, %dma_start3A_902] : memref<120x64xi32, #tpu.memory_space<vmem>> -> memref<1x64xi32, #tpu.memory_space<vmem>>
      %dma_start3A_904 = tpu.memref_squeeze %dma_start3A_903 : memref<1x64xi32, #tpu.memory_space<vmem>> -> memref<64xi32, #tpu.memory_space<vmem>>
      %dma_start3A_905 = arith.constant 0 : i32
      %dma_start3A_906 = arith.constant 0 : i32
      %dma_start3A_907 = tpu.memref_slice %arg7[%dma_start3A_905, %dma_start3A_906] : memref<10000x128xf32, #tpu.memory_space<hbm>> -> memref<10000x128xf32, #tpu.memory_space<hbm>>
      tpu.enqueue_indirect_dma source(%dma_start3A_907 : memref<10000x128xf32, #tpu.memory_space<hbm>>) target(%arg24 : memref<64x128xf32, #tpu.memory_space<vmem>>) offsets(%dma_start3A_904 : memref<64xi32, #tpu.memory_space<vmem>>) semaphore(%arg27 : memref<!tpu.dma_semaphore, #tpu.memory_space<semaphore_mem>>)
    }
    %while3A_263 = arith.constant 1 : i32
    scf.for %while3A_847 = %while3A_261 to %while3A_257 step %while3A_263  : i32 {
      %mul3A_848 = arith.constant 2 : i32
      %mul3A_849 = arith.muli %mul3A_848, %while3A_847 : i32
      %add3A_850 = arith.constant 0 : i32
      %add3A_851 = arith.addi %mul3A_849, %add3A_850 : i32
      %dma_wait3A_852 = arith.constant 0 : i32
      %dma_wait3A_853 = tpu.memref_slice %arg21[%add3A_851, %dma_wait3A_852] : memref<120x64xi32, #tpu.memory_space<vmem>> -> memref<1x64xi32, #tpu.memory_space<vmem>>
      %dma_wait3A_854 = tpu.memref_squeeze %dma_wait3A_853 : memref<1x64xi32, #tpu.memory_space<vmem>> -> memref<64xi32, #tpu.memory_space<vmem>>
      %dma_wait3A_855 = arith.constant 0 : i32
      %dma_wait3A_856 = arith.constant 0 : i32
      %dma_wait3A_857 = tpu.memref_slice %arg7[%dma_wait3A_855, %dma_wait3A_856] : memref<10000x128xf32, #tpu.memory_space<hbm>> -> memref<10000x128xf32, #tpu.memory_space<hbm>>
      tpu.wait_indirect_dma semaphore(%arg26 : memref<!tpu.dma_semaphore, #tpu.memory_space<semaphore_mem>>) src(%dma_wait3A_857 : memref<10000x128xf32, #tpu.memory_space<hbm>>) dst(%arg23 : memref<64x128xf32, #tpu.memory_space<vmem>>)
      %dma_start3A_858 = arith.constant 0 : i32
      %dma_start3A_859 = tpu.memref_slice %arg22[%add3A_851, %dma_start3A_858] : memref<120x64xi32, #tpu.memory_space<vmem>> -> memref<1x64xi32, #tpu.memory_space<vmem>>
      %dma_start3A_860 = tpu.memref_squeeze %dma_start3A_859 : memref<1x64xi32, #tpu.memory_space<vmem>> -> memref<64xi32, #tpu.memory_space<vmem>>
      %dma_start3A_861 = arith.constant 0 : i32
      %dma_start3A_862 = arith.constant 0 : i32
      %dma_start3A_863 = tpu.memref_slice %arg25[%dma_start3A_861, %dma_start3A_862] : memref<10112x128xf32, #tpu.memory_space<vmem_shared>> -> memref<10112x128xf32, #tpu.memory_space<vmem_shared>>
      tpu.enqueue_indirect_dma source(%arg23 : memref<64x128xf32, #tpu.memory_space<vmem>>) target(%dma_start3A_863 : memref<10112x128xf32, #tpu.memory_space<vmem_shared>>) offsets(%dma_start3A_860 : memref<64xi32, #tpu.memory_space<vmem>>) semaphore(%arg28 : memref<!tpu.dma_semaphore, #tpu.memory_space<semaphore_mem>>) {add = true}
      %dma_wait3A_864 = arith.constant 0 : i32
      %dma_wait3A_865 = tpu.memref_slice %arg22[%add3A_851, %dma_wait3A_864] : memref<120x64xi32, #tpu.memory_space<vmem>> -> memref<1x64xi32, #tpu.memory_space<vmem>>
      %dma_wait3A_866 = tpu.memref_squeeze %dma_wait3A_865 : memref<1x64xi32, #tpu.memory_space<vmem>> -> memref<64xi32, #tpu.memory_space<vmem>>
      %dma_wait3A_867 = arith.constant 0 : i32
      %dma_wait3A_868 = arith.constant 0 : i32
      %dma_wait3A_869 = tpu.memref_slice %arg25[%dma_wait3A_867, %dma_wait3A_868] : memref<10112x128xf32, #tpu.memory_space<vmem_shared>> -> memref<10112x128xf32, #tpu.memory_space<vmem_shared>>
      tpu.wait_indirect_dma semaphore(%arg28 : memref<!tpu.dma_semaphore, #tpu.memory_space<semaphore_mem>>) src(%arg23 : memref<64x128xf32, #tpu.memory_space<vmem>>) dst(%dma_wait3A_869 : memref<10112x128xf32, #tpu.memory_space<vmem_shared>>)
      %add3A_870 = arith.constant 2 : i32
      %add3A_871 = arith.addi %add3A_851, %add3A_870 : i32
      %dma_start3A_872 = arith.constant 0 : i32
      %dma_start3A_873 = tpu.memref_slice %arg21[%add3A_871, %dma_start3A_872] : memref<120x64xi32, #tpu.memory_space<vmem>> -> memref<1x64xi32, #tpu.memory_space<vmem>>
      %dma_start3A_874 = tpu.memref_squeeze %dma_start3A_873 : memref<1x64xi32, #tpu.memory_space<vmem>> -> memref<64xi32, #tpu.memory_space<vmem>>
      %dma_start3A_875 = arith.constant 0 : i32
      %dma_start3A_876 = arith.constant 0 : i32
      %dma_start3A_877 = tpu.memref_slice %arg7[%dma_start3A_875, %dma_start3A_876] : memref<10000x128xf32, #tpu.memory_space<hbm>> -> memref<10000x128xf32, #tpu.memory_space<hbm>>
      tpu.enqueue_indirect_dma source(%dma_start3A_877 : memref<10000x128xf32, #tpu.memory_space<hbm>>) target(%arg23 : memref<64x128xf32, #tpu.memory_space<vmem>>) offsets(%dma_start3A_874 : memref<64xi32, #tpu.memory_space<vmem>>) semaphore(%arg26 : memref<!tpu.dma_semaphore, #tpu.memory_space<semaphore_mem>>)
      %mul3A_878 = arith.constant 2 : i32
      %mul3A_879 = arith.muli %mul3A_878, %while3A_847 : i32
      %add3A_880 = arith.constant 1 : i32
      %add3A_881 = arith.addi %mul3A_879, %add3A_880 : i32
      %dma_wait3A_882 = arith.constant 0 : i32
      %dma_wait3A_883 = tpu.memref_slice %arg21[%add3A_881, %dma_wait3A_882] : memref<120x64xi32, #tpu.memory_space<vmem>> -> memref<1x64xi32, #tpu.memory_space<vmem>>
      %dma_wait3A_884 = tpu.memref_squeeze %dma_wait3A_883 : memref<1x64xi32, #tpu.memory_space<vmem>> -> memref<64xi32, #tpu.memory_space<vmem>>
      %dma_wait3A_885 = arith.constant 0 : i32
      %dma_wait3A_886 = arith.constant 0 : i32
      %dma_wait3A_887 = tpu.memref_slice %arg7[%dma_wait3A_885, %dma_wait3A_886] : memref<10000x128xf32, #tpu.memory_space<hbm>> -> memref<10000x128xf32, #tpu.memory_space<hbm>>
      tpu.wait_indirect_dma semaphore(%arg27 : memref<!tpu.dma_semaphore, #tpu.memory_space<semaphore_mem>>) src(%dma_wait3A_887 : memref<10000x128xf32, #tpu.memory_space<hbm>>) dst(%arg24 : memref<64x128xf32, #tpu.memory_space<vmem>>)
      %dma_start3A_888 = arith.constant 0 : i32
      %dma_start3A_889 = tpu.memref_slice %arg22[%add3A_881, %dma_start3A_888] : memref<120x64xi32, #tpu.memory_space<vmem>> -> memref<1x64xi32, #tpu.memory_space<vmem>>
      %dma_start3A_890 = tpu.memref_squeeze %dma_start3A_889 : memref<1x64xi32, #tpu.memory_space<vmem>> -> memref<64xi32, #tpu.memory_space<vmem>>
      %dma_start3A_891 = arith.constant 0 : i32
      %dma_start3A_892 = arith.constant 0 : i32
      %dma_start3A_893 = tpu.memref_slice %arg25[%dma_start3A_891, %dma_start3A_892] : memref<10112x128xf32, #tpu.memory_space<vmem_shared>> -> memref<10112x128xf32, #tpu.memory_space<vmem_shared>>
      tpu.enqueue_indirect_dma source(%arg24 : memref<64x128xf32, #tpu.memory_space<vmem>>) target(%dma_start3A_893 : memref<10112x128xf32, #tpu.memory_space<vmem_shared>>) offsets(%dma_start3A_890 : memref<64xi32, #tpu.memory_space<vmem>>) semaphore(%arg29 : memref<!tpu.dma_semaphore, #tpu.memory_space<semaphore_mem>>) {add = true}
      %dma_wait3A_894 = arith.constant 0 : i32
      %dma_wait3A_895 = tpu.memref_slice %arg22[%add3A_881, %dma_wait3A_894] : memref<120x64xi32, #tpu.memory_space<vmem>> -> memref<1x64xi32, #tpu.memory_space<vmem>>
      %dma_wait3A_896 = tpu.memref_squeeze %dma_wait3A_895 : memref<1x64xi32, #tpu.memory_space<vmem>> -> memref<64xi32, #tpu.memory_space<vmem>>
      %dma_wait3A_897 = arith.constant 0 : i32
      %dma_wait3A_898 = arith.constant 0 : i32
      %dma_wait3A_899 = tpu.memref_slice %arg25[%dma_wait3A_897, %dma_wait3A_898] : memref<10112x128xf32, #tpu.memory_space<vmem_shared>> -> memref<10112x128xf32, #tpu.memory_space<vmem_shared>>
      tpu.wait_indirect_dma semaphore(%arg29 : memref<!tpu.dma_semaphore, #tpu.memory_space<semaphore_mem>>) src(%arg24 : memref<64x128xf32, #tpu.memory_space<vmem>>) dst(%dma_wait3A_899 : memref<10112x128xf32, #tpu.memory_space<vmem_shared>>)
      %add3A_900 = arith.constant 2 : i32
      %add3A_901 = arith.addi %add3A_881, %add3A_900 : i32
      %dma_start3A_902 = arith.constant 0 : i32
      %dma_start3A_903 = tpu.memref_slice %arg21[%add3A_901, %dma_start3A_902] : memref<120x64xi32, #tpu.memory_space<vmem>> -> memref<1x64xi32, #tpu.memory_space<vmem>>
      %dma_start3A_904 = tpu.memref_squeeze %dma_start3A_903 : memref<1x64xi32, #tpu.memory_space<vmem>> -> memref<64xi32, #tpu.memory_space<vmem>>
      %dma_start3A_905 = arith.constant 0 : i32
      %dma_start3A_906 = arith.constant 0 : i32
      %dma_start3A_907 = tpu.memref_slice %arg7[%dma_start3A_905, %dma_start3A_906] : memref<10000x128xf32, #tpu.memory_space<hbm>> -> memref<10000x128xf32, #tpu.memory_space<hbm>>
      tpu.enqueue_indirect_dma source(%dma_start3A_907 : memref<10000x128xf32, #tpu.memory_space<hbm>>) target(%arg24 : memref<64x128xf32, #tpu.memory_space<vmem>>) offsets(%dma_start3A_904 : memref<64xi32, #tpu.memory_space<vmem>>) semaphore(%arg27 : memref<!tpu.dma_semaphore, #tpu.memory_space<semaphore_mem>>)
    }
    %sub3A_264 = arith.constant 2 : i32
    %sub3A_265 = arith.subi %select_n3A, %sub3A_264 : i32
    %add3A_266 = arith.constant 0 : i32
    %add3A_267 = arith.addi %sub3A_265, %add3A_266 : i32
    %dma_wait3A_268 = arith.constant 0 : i32
    %dma_wait3A_269 = tpu.memref_slice %arg21[%add3A_267, %dma_wait3A_268] : memref<120x64xi32, #tpu.memory_space<vmem>> -> memref<1x64xi32, #tpu.memory_space<vmem>>
    %dma_wait3A_270 = tpu.memref_squeeze %dma_wait3A_269 : memref<1x64xi32, #tpu.memory_space<vmem>> -> memref<64xi32, #tpu.memory_space<vmem>>
    %dma_wait3A_271 = arith.constant 0 : i32
    %dma_wait3A_272 = arith.constant 0 : i32
    %dma_wait3A_273 = tpu.memref_slice %arg7[%dma_wait3A_271, %dma_wait3A_272] : memref<10000x128xf32, #tpu.memory_space<hbm>> -> memref<10000x128xf32, #tpu.memory_space<hbm>>
    tpu.wait_indirect_dma semaphore(%arg26 : memref<!tpu.dma_semaphore, #tpu.memory_space<semaphore_mem>>) src(%dma_wait3A_273 : memref<10000x128xf32, #tpu.memory_space<hbm>>) dst(%arg23 : memref<64x128xf32, #tpu.memory_space<vmem>>)
    %dma_start3A_274 = arith.constant 0 : i32
    %dma_start3A_275 = tpu.memref_slice %arg22[%add3A_267, %dma_start3A_274] : memref<120x64xi32, #tpu.memory_space<vmem>> -> memref<1x64xi32, #tpu.memory_space<vmem>>
    %dma_start3A_276 = tpu.memref_squeeze %dma_start3A_275 : memref<1x64xi32, #tpu.memory_space<vmem>> -> memref<64xi32, #tpu.memory_space<vmem>>
    %dma_start3A_277 = arith.constant 0 : i32
    %dma_start3A_278 = arith.constant 0 : i32
    %dma_start3A_279 = tpu.memref_slice %arg25[%dma_start3A_277, %dma_start3A_278] : memref<10112x128xf32, #tpu.memory_space<vmem_shared>> -> memref<10112x128xf32, #tpu.memory_space<vmem_shared>>
    tpu.enqueue_indirect_dma source(%arg23 : memref<64x128xf32, #tpu.memory_space<vmem>>) target(%dma_start3A_279 : memref<10112x128xf32, #tpu.memory_space<vmem_shared>>) offsets(%dma_start3A_276 : memref<64xi32, #tpu.memory_space<vmem>>) semaphore(%arg28 : memref<!tpu.dma_semaphore, #tpu.memory_space<semaphore_mem>>) {add = true}
    %dma_wait3A_280 = arith.constant 0 : i32
    %dma_wait3A_281 = tpu.memref_slice %arg22[%add3A_267, %dma_wait3A_280] : memref<120x64xi32, #tpu.memory_space<vmem>> -> memref<1x64xi32, #tpu.memory_space<vmem>>
    %dma_wait3A_282 = tpu.memref_squeeze %dma_wait3A_281 : memref<1x64xi32, #tpu.memory_space<vmem>> -> memref<64xi32, #tpu.memory_space<vmem>>
    %dma_wait3A_283 = arith.constant 0 : i32
    %dma_wait3A_284 = arith.constant 0 : i32
    %dma_wait3A_285 = tpu.memref_slice %arg25[%dma_wait3A_283, %dma_wait3A_284] : memref<10112x128xf32, #tpu.memory_space<vmem_shared>> -> memref<10112x128xf32, #tpu.memory_space<vmem_shared>>
    tpu.wait_indirect_dma semaphore(%arg28 : memref<!tpu.dma_semaphore, #tpu.memory_space<semaphore_mem>>) src(%arg23 : memref<64x128xf32, #tpu.memory_space<vmem>>) dst(%dma_wait3A_285 : memref<10112x128xf32, #tpu.memory_space<vmem_shared>>)
    %sub3A_286 = arith.constant 2 : i32
    %sub3A_287 = arith.subi %select_n3A, %sub3A_286 : i32
    %add3A_288 = arith.constant 1 : i32
    %add3A_289 = arith.addi %sub3A_287, %add3A_288 : i32
    %dma_wait3A_290 = arith.constant 0 : i32
    %dma_wait3A_291 = tpu.memref_slice %arg21[%add3A_289, %dma_wait3A_290] : memref<120x64xi32, #tpu.memory_space<vmem>> -> memref<1x64xi32, #tpu.memory_space<vmem>>
    %dma_wait3A_292 = tpu.memref_squeeze %dma_wait3A_291 : memref<1x64xi32, #tpu.memory_space<vmem>> -> memref<64xi32, #tpu.memory_space<vmem>>
    %dma_wait3A_293 = arith.constant 0 : i32
    %dma_wait3A_294 = arith.constant 0 : i32
    %dma_wait3A_295 = tpu.memref_slice %arg7[%dma_wait3A_293, %dma_wait3A_294] : memref<10000x128xf32, #tpu.memory_space<hbm>> -> memref<10000x128xf32, #tpu.memory_space<hbm>>
    tpu.wait_indirect_dma semaphore(%arg27 : memref<!tpu.dma_semaphore, #tpu.memory_space<semaphore_mem>>) src(%dma_wait3A_295 : memref<10000x128xf32, #tpu.memory_space<hbm>>) dst(%arg24 : memref<64x128xf32, #tpu.memory_space<vmem>>)
    %dma_start3A_296 = arith.constant 0 : i32
    %dma_start3A_297 = tpu.memref_slice %arg22[%add3A_289, %dma_start3A_296] : memref<120x64xi32, #tpu.memory_space<vmem>> -> memref<1x64xi32, #tpu.memory_space<vmem>>
    %dma_start3A_298 = tpu.memref_squeeze %dma_start3A_297 : memref<1x64xi32, #tpu.memory_space<vmem>> -> memref<64xi32, #tpu.memory_space<vmem>>
    %dma_start3A_299 = arith.constant 0 : i32
    %dma_start3A_300 = arith.constant 0 : i32
    %dma_start3A_301 = tpu.memref_slice %arg25[%dma_start3A_299, %dma_start3A_300] : memref<10112x128xf32, #tpu.memory_space<vmem_shared>> -> memref<10112x128xf32, #tpu.memory_space<vmem_shared>>
    tpu.enqueue_indirect_dma source(%arg24 : memref<64x128xf32, #tpu.memory_space<vmem>>) target(%dma_start3A_301 : memref<10112x128xf32, #tpu.memory_space<vmem_shared>>) offsets(%dma_start3A_298 : memref<64xi32, #tpu.memory_space<vmem>>) semaphore(%arg29 : memref<!tpu.dma_semaphore, #tpu.memory_space<semaphore_mem>>) {add = true}
    %dma_wait3A_302 = arith.constant 0 : i32
    %dma_wait3A_303 = tpu.memref_slice %arg22[%add3A_289, %dma_wait3A_302] : memref<120x64xi32, #tpu.memory_space<vmem>> -> memref<1x64xi32, #tpu.memory_space<vmem>>
    %dma_wait3A_304 = tpu.memref_squeeze %dma_wait3A_303 : memref<1x64xi32, #tpu.memory_space<vmem>> -> memref<64xi32, #tpu.memory_space<vmem>>
    %dma_wait3A_305 = arith.constant 0 : i32
    %dma_wait3A_306 = arith.constant 0 : i32
    %dma_wait3A_307 = tpu.memref_slice %arg25[%dma_wait3A_305, %dma_wait3A_306] : memref<10112x128xf32, #tpu.memory_space<vmem_shared>> -> memref<10112x128xf32, #tpu.memory_space<vmem_shared>>
    tpu.wait_indirect_dma semaphore(%arg29 : memref<!tpu.dma_semaphore, #tpu.memory_space<semaphore_mem>>) src(%arg24 : memref<64x128xf32, #tpu.memory_space<vmem>>) dst(%dma_wait3A_307 : memref<10112x128xf32, #tpu.memory_space<vmem_shared>>)
    %barrier3A_308 = arith.constant 0 : index
    tpu.barrier barrier_id(%barrier3A_308)
    %mul3A_309 = arith.constant 632 : i32
    %mul3A_310 = arith.muli %arg1, %mul3A_309 : i32
    %mul3A_311 = arith.constant 10112 : i32
    %mul3A_312 = arith.muli %arg0, %mul3A_311 : i32
    %mul3A_313 = arith.constant 632 : i32
    %mul3A_314 = arith.muli %arg1, %mul3A_313 : i32
    %add3A_315 = arith.addi %mul3A_312, %mul3A_314 : i32
    "tpu.region"() ({
      %run_scoped3A = tpu.sem_alloc : memref<!tpu.dma_semaphore, #tpu.memory_space<semaphore_mem>>
      %dma_start3A_847 = arith.constant 0 : i32
      %dma_start3A_848 = tpu.memref_slice %arg15[%add3A_315, %dma_start3A_847] : memref<20224x128xf32, #tpu.memory_space<hbm>> -> memref<632x128xf32, #tpu.memory_space<hbm>>
      %dma_start3A_849 = arith.constant 0 : i32
      %dma_start3A_850 = tpu.memref_slice %arg25[%mul3A_310, %dma_start3A_849] : memref<10112x128xf32, #tpu.memory_space<vmem_shared>> -> memref<632x128xf32, #tpu.memory_space<vmem_shared>>
      tpu.enqueue_dma source(%dma_start3A_850 : memref<632x128xf32, #tpu.memory_space<vmem_shared>>) target(%dma_start3A_848 : memref<632x128xf32, #tpu.memory_space<hbm>>) target_semaphore(%run_scoped3A : memref<!tpu.dma_semaphore, #tpu.memory_space<semaphore_mem>>)
      %dma_wait3A_851 = arith.constant 0 : i32
      %dma_wait3A_852 = tpu.memref_slice %arg15[%add3A_315, %dma_wait3A_851] : memref<20224x128xf32, #tpu.memory_space<hbm>> -> memref<632x128xf32, #tpu.memory_space<hbm>>
      %dma_wait3A_853 = arith.constant 0 : i32
      %dma_wait3A_854 = tpu.memref_slice %arg25[%mul3A_310, %dma_wait3A_853] : memref<10112x128xf32, #tpu.memory_space<vmem_shared>> -> memref<632x128xf32, #tpu.memory_space<vmem_shared>>
      tpu.wait_dma2 semaphore(%run_scoped3A : memref<!tpu.dma_semaphore, #tpu.memory_space<semaphore_mem>>) src(%dma_wait3A_854 : memref<632x128xf32, #tpu.memory_space<vmem_shared>>) dst(%dma_wait3A_852 : memref<632x128xf32, #tpu.memory_space<hbm>>)
      tpu.yield
    }) : () -> ()
    %barrier3A_316 = arith.constant 0 : index
    tpu.barrier barrier_id(%barrier3A_316)
    %mul3A_317 = arith.constant 632 : i32
    %mul3A_318 = arith.muli %arg1, %mul3A_317 : i32
    "tpu.region"() ({
      %run_scoped3A = tpu.sem_alloc : memref<!tpu.dma_semaphore, #tpu.memory_space<semaphore_mem>>
      %dma_start3A_847 = arith.constant 0 : i32
      %dma_start3A_848 = tpu.memref_slice %arg25[%mul3A_318, %dma_start3A_847] : memref<10112x128xf32, #tpu.memory_space<vmem_shared>> -> memref<632x128xf32, #tpu.memory_space<vmem_shared>>
      tpu.enqueue_dma source(%arg4 : memref<632x128xf32, #tpu.memory_space<hbm>>) target(%dma_start3A_848 : memref<632x128xf32, #tpu.memory_space<vmem_shared>>) target_semaphore(%run_scoped3A : memref<!tpu.dma_semaphore, #tpu.memory_space<semaphore_mem>>)
      %dma_wait3A_849 = arith.constant 0 : i32
      %dma_wait3A_850 = tpu.memref_slice %arg25[%mul3A_318, %dma_wait3A_849] : memref<10112x128xf32, #tpu.memory_space<vmem_shared>> -> memref<632x128xf32, #tpu.memory_space<vmem_shared>>
      tpu.wait_dma2 semaphore(%run_scoped3A : memref<!tpu.dma_semaphore, #tpu.memory_space<semaphore_mem>>) src(%arg4 : memref<632x128xf32, #tpu.memory_space<hbm>>) dst(%dma_wait3A_850 : memref<632x128xf32, #tpu.memory_space<vmem_shared>>)
      tpu.yield
    }) : () -> ()
    %barrier3A_319 = arith.constant 0 : index
    tpu.barrier barrier_id(%barrier3A_319)
    %dma_start3A_320 = arith.constant 0 : i32
    %dma_start3A_321 = arith.constant 0 : i32
    %dma_start3A_322 = tpu.memref_slice %arg21[%dma_start3A_320, %dma_start3A_321] : memref<120x64xi32, #tpu.memory_space<vmem>> -> memref<1x64xi32, #tpu.memory_space<vmem>>
    %dma_start3A_323 = tpu.memref_squeeze %dma_start3A_322 : memref<1x64xi32, #tpu.memory_space<vmem>> -> memref<64xi32, #tpu.memory_space<vmem>>
    %dma_start3A_324 = arith.constant 0 : i32
    %dma_start3A_325 = arith.constant 0 : i32
    %dma_start3A_326 = tpu.memref_slice %arg8[%dma_start3A_324, %dma_start3A_325] : memref<10000x128xf32, #tpu.memory_space<hbm>> -> memref<10000x128xf32, #tpu.memory_space<hbm>>
    tpu.enqueue_indirect_dma source(%dma_start3A_326 : memref<10000x128xf32, #tpu.memory_space<hbm>>) target(%arg23 : memref<64x128xf32, #tpu.memory_space<vmem>>) offsets(%dma_start3A_323 : memref<64xi32, #tpu.memory_space<vmem>>) semaphore(%arg26 : memref<!tpu.dma_semaphore, #tpu.memory_space<semaphore_mem>>)
    %dma_start3A_327 = arith.constant 1 : i32
    %dma_start3A_328 = arith.constant 0 : i32
    %dma_start3A_329 = tpu.memref_slice %arg21[%dma_start3A_327, %dma_start3A_328] : memref<120x64xi32, #tpu.memory_space<vmem>> -> memref<1x64xi32, #tpu.memory_space<vmem>>
    %dma_start3A_330 = tpu.memref_squeeze %dma_start3A_329 : memref<1x64xi32, #tpu.memory_space<vmem>> -> memref<64xi32, #tpu.memory_space<vmem>>
    %dma_start3A_331 = arith.constant 0 : i32
    %dma_start3A_332 = arith.constant 0 : i32
    %dma_start3A_333 = tpu.memref_slice %arg8[%dma_start3A_331, %dma_start3A_332] : memref<10000x128xf32, #tpu.memory_space<hbm>> -> memref<10000x128xf32, #tpu.memory_space<hbm>>
    tpu.enqueue_indirect_dma source(%dma_start3A_333 : memref<10000x128xf32, #tpu.memory_space<hbm>>) target(%arg24 : memref<64x128xf32, #tpu.memory_space<vmem>>) offsets(%dma_start3A_330 : memref<64xi32, #tpu.memory_space<vmem>>) semaphore(%arg27 : memref<!tpu.dma_semaphore, #tpu.memory_space<semaphore_mem>>)
    %jit3A_334 = arith.constant 2 : i32
    %div3A_335 = arith.divsi %select_n3A, %jit3A_334 : i32
    %sign3A_336 = arith.constant 0 : i32
    %sign3A_337 = arith.cmpi sgt, %select_n3A, %sign3A_336 : i32
    %sign3A_338 = arith.extui %sign3A_337 : i1 to i32
    %sign3A_339 = arith.constant 0 : i32
    %sign3A_340 = arith.cmpi slt, %select_n3A, %sign3A_339 : i32
    %sign3A_341 = arith.extui %sign3A_340 : i1 to i32
    %sign3A_342 = arith.subi %sign3A_338, %sign3A_341 : i32
    %sign3A_343 = arith.constant 0 : i32
    %sign3A_344 = arith.cmpi sgt, %jit3A_334, %sign3A_343 : i32
    %sign3A_345 = arith.extui %sign3A_344 : i1 to i32
    %sign3A_346 = arith.constant 0 : i32
    %sign3A_347 = arith.cmpi slt, %jit3A_334, %sign3A_346 : i32
    %sign3A_348 = arith.extui %sign3A_347 : i1 to i32
    %sign3A_349 = arith.subi %sign3A_345, %sign3A_348 : i32
    %ne3A_350 = arith.cmpi ne, %sign3A_342, %sign3A_349 : i32
    %rem3A_351 = arith.remsi %select_n3A, %jit3A_334 : i32
    %ne3A_352 = arith.constant 0 : i32
    %ne3A_353 = arith.cmpi ne, %rem3A_351, %ne3A_352 : i32
    %and3A_354 = arith.andi %ne3A_350, %ne3A_353 : i1
    %sub3A_355 = arith.constant 1 : i32
    %sub3A_356 = arith.subi %div3A_335, %sub3A_355 : i32
    %select_n3A_357 = arith.select %and3A_354, %sub3A_356, %div3A_335 : i32
    %sub3A_358 = arith.constant 1 : i32
    %sub3A_359 = arith.subi %select_n3A_357, %sub3A_358 : i32
    %while3A_360 = arith.constant 0 : i32
    %while3A_361 = arith.constant 0 : i32
    %while3A_362 = arith.subi %sub3A_359, %while3A_361 : i32
    %while3A_363 = arith.addi %while3A_361, %while3A_362 : i32
    %while3A_364 = arith.constant 1 : i32
    %while3A_365 = arith.divsi %while3A_362, %while3A_364 : i32
    %while3A_366 = arith.muli %while3A_365, %while3A_364 : i32
    %while3A_367 = arith.addi %while3A_361, %while3A_366 : i32
    %while3A_368 = arith.constant 1 : i32
    scf.for %while3A_847 = %while3A_361 to %while3A_367 step %while3A_368  : i32 {
      %mul3A_848 = arith.constant 2 : i32
      %mul3A_849 = arith.muli %mul3A_848, %while3A_847 : i32
      %add3A_850 = arith.constant 0 : i32
      %add3A_851 = arith.addi %mul3A_849, %add3A_850 : i32
      %dma_wait3A_852 = arith.constant 0 : i32
      %dma_wait3A_853 = tpu.memref_slice %arg21[%add3A_851, %dma_wait3A_852] : memref<120x64xi32, #tpu.memory_space<vmem>> -> memref<1x64xi32, #tpu.memory_space<vmem>>
      %dma_wait3A_854 = tpu.memref_squeeze %dma_wait3A_853 : memref<1x64xi32, #tpu.memory_space<vmem>> -> memref<64xi32, #tpu.memory_space<vmem>>
      %dma_wait3A_855 = arith.constant 0 : i32
      %dma_wait3A_856 = arith.constant 0 : i32
      %dma_wait3A_857 = tpu.memref_slice %arg8[%dma_wait3A_855, %dma_wait3A_856] : memref<10000x128xf32, #tpu.memory_space<hbm>> -> memref<10000x128xf32, #tpu.memory_space<hbm>>
      tpu.wait_indirect_dma semaphore(%arg26 : memref<!tpu.dma_semaphore, #tpu.memory_space<semaphore_mem>>) src(%dma_wait3A_857 : memref<10000x128xf32, #tpu.memory_space<hbm>>) dst(%arg23 : memref<64x128xf32, #tpu.memory_space<vmem>>)
      %dma_start3A_858 = arith.constant 0 : i32
      %dma_start3A_859 = tpu.memref_slice %arg22[%add3A_851, %dma_start3A_858] : memref<120x64xi32, #tpu.memory_space<vmem>> -> memref<1x64xi32, #tpu.memory_space<vmem>>
      %dma_start3A_860 = tpu.memref_squeeze %dma_start3A_859 : memref<1x64xi32, #tpu.memory_space<vmem>> -> memref<64xi32, #tpu.memory_space<vmem>>
      %dma_start3A_861 = arith.constant 0 : i32
      %dma_start3A_862 = arith.constant 0 : i32
      %dma_start3A_863 = tpu.memref_slice %arg25[%dma_start3A_861, %dma_start3A_862] : memref<10112x128xf32, #tpu.memory_space<vmem_shared>> -> memref<10112x128xf32, #tpu.memory_space<vmem_shared>>
      tpu.enqueue_indirect_dma source(%arg23 : memref<64x128xf32, #tpu.memory_space<vmem>>) target(%dma_start3A_863 : memref<10112x128xf32, #tpu.memory_space<vmem_shared>>) offsets(%dma_start3A_860 : memref<64xi32, #tpu.memory_space<vmem>>) semaphore(%arg28 : memref<!tpu.dma_semaphore, #tpu.memory_space<semaphore_mem>>) {add = true}
      %dma_wait3A_864 = arith.constant 0 : i32
      %dma_wait3A_865 = tpu.memref_slice %arg22[%add3A_851, %dma_wait3A_864] : memref<120x64xi32, #tpu.memory_space<vmem>> -> memref<1x64xi32, #tpu.memory_space<vmem>>
      %dma_wait3A_866 = tpu.memref_squeeze %dma_wait3A_865 : memref<1x64xi32, #tpu.memory_space<vmem>> -> memref<64xi32, #tpu.memory_space<vmem>>
      %dma_wait3A_867 = arith.constant 0 : i32
      %dma_wait3A_868 = arith.constant 0 : i32
      %dma_wait3A_869 = tpu.memref_slice %arg25[%dma_wait3A_867, %dma_wait3A_868] : memref<10112x128xf32, #tpu.memory_space<vmem_shared>> -> memref<10112x128xf32, #tpu.memory_space<vmem_shared>>
      tpu.wait_indirect_dma semaphore(%arg28 : memref<!tpu.dma_semaphore, #tpu.memory_space<semaphore_mem>>) src(%arg23 : memref<64x128xf32, #tpu.memory_space<vmem>>) dst(%dma_wait3A_869 : memref<10112x128xf32, #tpu.memory_space<vmem_shared>>)
      %add3A_870 = arith.constant 2 : i32
      %add3A_871 = arith.addi %add3A_851, %add3A_870 : i32
      %dma_start3A_872 = arith.constant 0 : i32
      %dma_start3A_873 = tpu.memref_slice %arg21[%add3A_871, %dma_start3A_872] : memref<120x64xi32, #tpu.memory_space<vmem>> -> memref<1x64xi32, #tpu.memory_space<vmem>>
      %dma_start3A_874 = tpu.memref_squeeze %dma_start3A_873 : memref<1x64xi32, #tpu.memory_space<vmem>> -> memref<64xi32, #tpu.memory_space<vmem>>
      %dma_start3A_875 = arith.constant 0 : i32
      %dma_start3A_876 = arith.constant 0 : i32
      %dma_start3A_877 = tpu.memref_slice %arg8[%dma_start3A_875, %dma_start3A_876] : memref<10000x128xf32, #tpu.memory_space<hbm>> -> memref<10000x128xf32, #tpu.memory_space<hbm>>
      tpu.enqueue_indirect_dma source(%dma_start3A_877 : memref<10000x128xf32, #tpu.memory_space<hbm>>) target(%arg23 : memref<64x128xf32, #tpu.memory_space<vmem>>) offsets(%dma_start3A_874 : memref<64xi32, #tpu.memory_space<vmem>>) semaphore(%arg26 : memref<!tpu.dma_semaphore, #tpu.memory_space<semaphore_mem>>)
      %mul3A_878 = arith.constant 2 : i32
      %mul3A_879 = arith.muli %mul3A_878, %while3A_847 : i32
      %add3A_880 = arith.constant 1 : i32
      %add3A_881 = arith.addi %mul3A_879, %add3A_880 : i32
      %dma_wait3A_882 = arith.constant 0 : i32
      %dma_wait3A_883 = tpu.memref_slice %arg21[%add3A_881, %dma_wait3A_882] : memref<120x64xi32, #tpu.memory_space<vmem>> -> memref<1x64xi32, #tpu.memory_space<vmem>>
      %dma_wait3A_884 = tpu.memref_squeeze %dma_wait3A_883 : memref<1x64xi32, #tpu.memory_space<vmem>> -> memref<64xi32, #tpu.memory_space<vmem>>
      %dma_wait3A_885 = arith.constant 0 : i32
      %dma_wait3A_886 = arith.constant 0 : i32
      %dma_wait3A_887 = tpu.memref_slice %arg8[%dma_wait3A_885, %dma_wait3A_886] : memref<10000x128xf32, #tpu.memory_space<hbm>> -> memref<10000x128xf32, #tpu.memory_space<hbm>>
      tpu.wait_indirect_dma semaphore(%arg27 : memref<!tpu.dma_semaphore, #tpu.memory_space<semaphore_mem>>) src(%dma_wait3A_887 : memref<10000x128xf32, #tpu.memory_space<hbm>>) dst(%arg24 : memref<64x128xf32, #tpu.memory_space<vmem>>)
      %dma_start3A_888 = arith.constant 0 : i32
      %dma_start3A_889 = tpu.memref_slice %arg22[%add3A_881, %dma_start3A_888] : memref<120x64xi32, #tpu.memory_space<vmem>> -> memref<1x64xi32, #tpu.memory_space<vmem>>
      %dma_start3A_890 = tpu.memref_squeeze %dma_start3A_889 : memref<1x64xi32, #tpu.memory_space<vmem>> -> memref<64xi32, #tpu.memory_space<vmem>>
      %dma_start3A_891 = arith.constant 0 : i32
      %dma_start3A_892 = arith.constant 0 : i32
      %dma_start3A_893 = tpu.memref_slice %arg25[%dma_start3A_891, %dma_start3A_892] : memref<10112x128xf32, #tpu.memory_space<vmem_shared>> -> memref<10112x128xf32, #tpu.memory_space<vmem_shared>>
      tpu.enqueue_indirect_dma source(%arg24 : memref<64x128xf32, #tpu.memory_space<vmem>>) target(%dma_start3A_893 : memref<10112x128xf32, #tpu.memory_space<vmem_shared>>) offsets(%dma_start3A_890 : memref<64xi32, #tpu.memory_space<vmem>>) semaphore(%arg29 : memref<!tpu.dma_semaphore, #tpu.memory_space<semaphore_mem>>) {add = true}
      %dma_wait3A_894 = arith.constant 0 : i32
      %dma_wait3A_895 = tpu.memref_slice %arg22[%add3A_881, %dma_wait3A_894] : memref<120x64xi32, #tpu.memory_space<vmem>> -> memref<1x64xi32, #tpu.memory_space<vmem>>
      %dma_wait3A_896 = tpu.memref_squeeze %dma_wait3A_895 : memref<1x64xi32, #tpu.memory_space<vmem>> -> memref<64xi32, #tpu.memory_space<vmem>>
      %dma_wait3A_897 = arith.constant 0 : i32
      %dma_wait3A_898 = arith.constant 0 : i32
      %dma_wait3A_899 = tpu.memref_slice %arg25[%dma_wait3A_897, %dma_wait3A_898] : memref<10112x128xf32, #tpu.memory_space<vmem_shared>> -> memref<10112x128xf32, #tpu.memory_space<vmem_shared>>
      tpu.wait_indirect_dma semaphore(%arg29 : memref<!tpu.dma_semaphore, #tpu.memory_space<semaphore_mem>>) src(%arg24 : memref<64x128xf32, #tpu.memory_space<vmem>>) dst(%dma_wait3A_899 : memref<10112x128xf32, #tpu.memory_space<vmem_shared>>)
      %add3A_900 = arith.constant 2 : i32
      %add3A_901 = arith.addi %add3A_881, %add3A_900 : i32
      %dma_start3A_902 = arith.constant 0 : i32
      %dma_start3A_903 = tpu.memref_slice %arg21[%add3A_901, %dma_start3A_902] : memref<120x64xi32, #tpu.memory_space<vmem>> -> memref<1x64xi32, #tpu.memory_space<vmem>>
      %dma_start3A_904 = tpu.memref_squeeze %dma_start3A_903 : memref<1x64xi32, #tpu.memory_space<vmem>> -> memref<64xi32, #tpu.memory_space<vmem>>
      %dma_start3A_905 = arith.constant 0 : i32
      %dma_start3A_906 = arith.constant 0 : i32
      %dma_start3A_907 = tpu.memref_slice %arg8[%dma_start3A_905, %dma_start3A_906] : memref<10000x128xf32, #tpu.memory_space<hbm>> -> memref<10000x128xf32, #tpu.memory_space<hbm>>
      tpu.enqueue_indirect_dma source(%dma_start3A_907 : memref<10000x128xf32, #tpu.memory_space<hbm>>) target(%arg24 : memref<64x128xf32, #tpu.memory_space<vmem>>) offsets(%dma_start3A_904 : memref<64xi32, #tpu.memory_space<vmem>>) semaphore(%arg27 : memref<!tpu.dma_semaphore, #tpu.memory_space<semaphore_mem>>)
    }
    %while3A_369 = arith.constant 1 : i32
    scf.for %while3A_847 = %while3A_367 to %while3A_363 step %while3A_369  : i32 {
      %mul3A_848 = arith.constant 2 : i32
      %mul3A_849 = arith.muli %mul3A_848, %while3A_847 : i32
      %add3A_850 = arith.constant 0 : i32
      %add3A_851 = arith.addi %mul3A_849, %add3A_850 : i32
      %dma_wait3A_852 = arith.constant 0 : i32
      %dma_wait3A_853 = tpu.memref_slice %arg21[%add3A_851, %dma_wait3A_852] : memref<120x64xi32, #tpu.memory_space<vmem>> -> memref<1x64xi32, #tpu.memory_space<vmem>>
      %dma_wait3A_854 = tpu.memref_squeeze %dma_wait3A_853 : memref<1x64xi32, #tpu.memory_space<vmem>> -> memref<64xi32, #tpu.memory_space<vmem>>
      %dma_wait3A_855 = arith.constant 0 : i32
      %dma_wait3A_856 = arith.constant 0 : i32
      %dma_wait3A_857 = tpu.memref_slice %arg8[%dma_wait3A_855, %dma_wait3A_856] : memref<10000x128xf32, #tpu.memory_space<hbm>> -> memref<10000x128xf32, #tpu.memory_space<hbm>>
      tpu.wait_indirect_dma semaphore(%arg26 : memref<!tpu.dma_semaphore, #tpu.memory_space<semaphore_mem>>) src(%dma_wait3A_857 : memref<10000x128xf32, #tpu.memory_space<hbm>>) dst(%arg23 : memref<64x128xf32, #tpu.memory_space<vmem>>)
      %dma_start3A_858 = arith.constant 0 : i32
      %dma_start3A_859 = tpu.memref_slice %arg22[%add3A_851, %dma_start3A_858] : memref<120x64xi32, #tpu.memory_space<vmem>> -> memref<1x64xi32, #tpu.memory_space<vmem>>
      %dma_start3A_860 = tpu.memref_squeeze %dma_start3A_859 : memref<1x64xi32, #tpu.memory_space<vmem>> -> memref<64xi32, #tpu.memory_space<vmem>>
      %dma_start3A_861 = arith.constant 0 : i32
      %dma_start3A_862 = arith.constant 0 : i32
      %dma_start3A_863 = tpu.memref_slice %arg25[%dma_start3A_861, %dma_start3A_862] : memref<10112x128xf32, #tpu.memory_space<vmem_shared>> -> memref<10112x128xf32, #tpu.memory_space<vmem_shared>>
      tpu.enqueue_indirect_dma source(%arg23 : memref<64x128xf32, #tpu.memory_space<vmem>>) target(%dma_start3A_863 : memref<10112x128xf32, #tpu.memory_space<vmem_shared>>) offsets(%dma_start3A_860 : memref<64xi32, #tpu.memory_space<vmem>>) semaphore(%arg28 : memref<!tpu.dma_semaphore, #tpu.memory_space<semaphore_mem>>) {add = true}
      %dma_wait3A_864 = arith.constant 0 : i32
      %dma_wait3A_865 = tpu.memref_slice %arg22[%add3A_851, %dma_wait3A_864] : memref<120x64xi32, #tpu.memory_space<vmem>> -> memref<1x64xi32, #tpu.memory_space<vmem>>
      %dma_wait3A_866 = tpu.memref_squeeze %dma_wait3A_865 : memref<1x64xi32, #tpu.memory_space<vmem>> -> memref<64xi32, #tpu.memory_space<vmem>>
      %dma_wait3A_867 = arith.constant 0 : i32
      %dma_wait3A_868 = arith.constant 0 : i32
      %dma_wait3A_869 = tpu.memref_slice %arg25[%dma_wait3A_867, %dma_wait3A_868] : memref<10112x128xf32, #tpu.memory_space<vmem_shared>> -> memref<10112x128xf32, #tpu.memory_space<vmem_shared>>
      tpu.wait_indirect_dma semaphore(%arg28 : memref<!tpu.dma_semaphore, #tpu.memory_space<semaphore_mem>>) src(%arg23 : memref<64x128xf32, #tpu.memory_space<vmem>>) dst(%dma_wait3A_869 : memref<10112x128xf32, #tpu.memory_space<vmem_shared>>)
      %add3A_870 = arith.constant 2 : i32
      %add3A_871 = arith.addi %add3A_851, %add3A_870 : i32
      %dma_start3A_872 = arith.constant 0 : i32
      %dma_start3A_873 = tpu.memref_slice %arg21[%add3A_871, %dma_start3A_872] : memref<120x64xi32, #tpu.memory_space<vmem>> -> memref<1x64xi32, #tpu.memory_space<vmem>>
      %dma_start3A_874 = tpu.memref_squeeze %dma_start3A_873 : memref<1x64xi32, #tpu.memory_space<vmem>> -> memref<64xi32, #tpu.memory_space<vmem>>
      %dma_start3A_875 = arith.constant 0 : i32
      %dma_start3A_876 = arith.constant 0 : i32
      %dma_start3A_877 = tpu.memref_slice %arg8[%dma_start3A_875, %dma_start3A_876] : memref<10000x128xf32, #tpu.memory_space<hbm>> -> memref<10000x128xf32, #tpu.memory_space<hbm>>
      tpu.enqueue_indirect_dma source(%dma_start3A_877 : memref<10000x128xf32, #tpu.memory_space<hbm>>) target(%arg23 : memref<64x128xf32, #tpu.memory_space<vmem>>) offsets(%dma_start3A_874 : memref<64xi32, #tpu.memory_space<vmem>>) semaphore(%arg26 : memref<!tpu.dma_semaphore, #tpu.memory_space<semaphore_mem>>)
      %mul3A_878 = arith.constant 2 : i32
      %mul3A_879 = arith.muli %mul3A_878, %while3A_847 : i32
      %add3A_880 = arith.constant 1 : i32
      %add3A_881 = arith.addi %mul3A_879, %add3A_880 : i32
      %dma_wait3A_882 = arith.constant 0 : i32
      %dma_wait3A_883 = tpu.memref_slice %arg21[%add3A_881, %dma_wait3A_882] : memref<120x64xi32, #tpu.memory_space<vmem>> -> memref<1x64xi32, #tpu.memory_space<vmem>>
      %dma_wait3A_884 = tpu.memref_squeeze %dma_wait3A_883 : memref<1x64xi32, #tpu.memory_space<vmem>> -> memref<64xi32, #tpu.memory_space<vmem>>
      %dma_wait3A_885 = arith.constant 0 : i32
      %dma_wait3A_886 = arith.constant 0 : i32
      %dma_wait3A_887 = tpu.memref_slice %arg8[%dma_wait3A_885, %dma_wait3A_886] : memref<10000x128xf32, #tpu.memory_space<hbm>> -> memref<10000x128xf32, #tpu.memory_space<hbm>>
      tpu.wait_indirect_dma semaphore(%arg27 : memref<!tpu.dma_semaphore, #tpu.memory_space<semaphore_mem>>) src(%dma_wait3A_887 : memref<10000x128xf32, #tpu.memory_space<hbm>>) dst(%arg24 : memref<64x128xf32, #tpu.memory_space<vmem>>)
      %dma_start3A_888 = arith.constant 0 : i32
      %dma_start3A_889 = tpu.memref_slice %arg22[%add3A_881, %dma_start3A_888] : memref<120x64xi32, #tpu.memory_space<vmem>> -> memref<1x64xi32, #tpu.memory_space<vmem>>
      %dma_start3A_890 = tpu.memref_squeeze %dma_start3A_889 : memref<1x64xi32, #tpu.memory_space<vmem>> -> memref<64xi32, #tpu.memory_space<vmem>>
      %dma_start3A_891 = arith.constant 0 : i32
      %dma_start3A_892 = arith.constant 0 : i32
      %dma_start3A_893 = tpu.memref_slice %arg25[%dma_start3A_891, %dma_start3A_892] : memref<10112x128xf32, #tpu.memory_space<vmem_shared>> -> memref<10112x128xf32, #tpu.memory_space<vmem_shared>>
      tpu.enqueue_indirect_dma source(%arg24 : memref<64x128xf32, #tpu.memory_space<vmem>>) target(%dma_start3A_893 : memref<10112x128xf32, #tpu.memory_space<vmem_shared>>) offsets(%dma_start3A_890 : memref<64xi32, #tpu.memory_space<vmem>>) semaphore(%arg29 : memref<!tpu.dma_semaphore, #tpu.memory_space<semaphore_mem>>) {add = true}
      %dma_wait3A_894 = arith.constant 0 : i32
      %dma_wait3A_895 = tpu.memref_slice %arg22[%add3A_881, %dma_wait3A_894] : memref<120x64xi32, #tpu.memory_space<vmem>> -> memref<1x64xi32, #tpu.memory_space<vmem>>
      %dma_wait3A_896 = tpu.memref_squeeze %dma_wait3A_895 : memref<1x64xi32, #tpu.memory_space<vmem>> -> memref<64xi32, #tpu.memory_space<vmem>>
      %dma_wait3A_897 = arith.constant 0 : i32
      %dma_wait3A_898 = arith.constant 0 : i32
      %dma_wait3A_899 = tpu.memref_slice %arg25[%dma_wait3A_897, %dma_wait3A_898] : memref<10112x128xf32, #tpu.memory_space<vmem_shared>> -> memref<10112x128xf32, #tpu.memory_space<vmem_shared>>
      tpu.wait_indirect_dma semaphore(%arg29 : memref<!tpu.dma_semaphore, #tpu.memory_space<semaphore_mem>>) src(%arg24 : memref<64x128xf32, #tpu.memory_space<vmem>>) dst(%dma_wait3A_899 : memref<10112x128xf32, #tpu.memory_space<vmem_shared>>)
      %add3A_900 = arith.constant 2 : i32
      %add3A_901 = arith.addi %add3A_881, %add3A_900 : i32
      %dma_start3A_902 = arith.constant 0 : i32
      %dma_start3A_903 = tpu.memref_slice %arg21[%add3A_901, %dma_start3A_902] : memref<120x64xi32, #tpu.memory_space<vmem>> -> memref<1x64xi32, #tpu.memory_space<vmem>>
      %dma_start3A_904 = tpu.memref_squeeze %dma_start3A_903 : memref<1x64xi32, #tpu.memory_space<vmem>> -> memref<64xi32, #tpu.memory_space<vmem>>
      %dma_start3A_905 = arith.constant 0 : i32
      %dma_start3A_906 = arith.constant 0 : i32
      %dma_start3A_907 = tpu.memref_slice %arg8[%dma_start3A_905, %dma_start3A_906] : memref<10000x128xf32, #tpu.memory_space<hbm>> -> memref<10000x128xf32, #tpu.memory_space<hbm>>
      tpu.enqueue_indirect_dma source(%dma_start3A_907 : memref<10000x128xf32, #tpu.memory_space<hbm>>) target(%arg24 : memref<64x128xf32, #tpu.memory_space<vmem>>) offsets(%dma_start3A_904 : memref<64xi32, #tpu.memory_space<vmem>>) semaphore(%arg27 : memref<!tpu.dma_semaphore, #tpu.memory_space<semaphore_mem>>)
    }
    %sub3A_370 = arith.constant 2 : i32
    %sub3A_371 = arith.subi %select_n3A, %sub3A_370 : i32
    %add3A_372 = arith.constant 0 : i32
    %add3A_373 = arith.addi %sub3A_371, %add3A_372 : i32
    %dma_wait3A_374 = arith.constant 0 : i32
    %dma_wait3A_375 = tpu.memref_slice %arg21[%add3A_373, %dma_wait3A_374] : memref<120x64xi32, #tpu.memory_space<vmem>> -> memref<1x64xi32, #tpu.memory_space<vmem>>
    %dma_wait3A_376 = tpu.memref_squeeze %dma_wait3A_375 : memref<1x64xi32, #tpu.memory_space<vmem>> -> memref<64xi32, #tpu.memory_space<vmem>>
    %dma_wait3A_377 = arith.constant 0 : i32
    %dma_wait3A_378 = arith.constant 0 : i32
    %dma_wait3A_379 = tpu.memref_slice %arg8[%dma_wait3A_377, %dma_wait3A_378] : memref<10000x128xf32, #tpu.memory_space<hbm>> -> memref<10000x128xf32, #tpu.memory_space<hbm>>
    tpu.wait_indirect_dma semaphore(%arg26 : memref<!tpu.dma_semaphore, #tpu.memory_space<semaphore_mem>>) src(%dma_wait3A_379 : memref<10000x128xf32, #tpu.memory_space<hbm>>) dst(%arg23 : memref<64x128xf32, #tpu.memory_space<vmem>>)
    %dma_start3A_380 = arith.constant 0 : i32
    %dma_start3A_381 = tpu.memref_slice %arg22[%add3A_373, %dma_start3A_380] : memref<120x64xi32, #tpu.memory_space<vmem>> -> memref<1x64xi32, #tpu.memory_space<vmem>>
    %dma_start3A_382 = tpu.memref_squeeze %dma_start3A_381 : memref<1x64xi32, #tpu.memory_space<vmem>> -> memref<64xi32, #tpu.memory_space<vmem>>
    %dma_start3A_383 = arith.constant 0 : i32
    %dma_start3A_384 = arith.constant 0 : i32
    %dma_start3A_385 = tpu.memref_slice %arg25[%dma_start3A_383, %dma_start3A_384] : memref<10112x128xf32, #tpu.memory_space<vmem_shared>> -> memref<10112x128xf32, #tpu.memory_space<vmem_shared>>
    tpu.enqueue_indirect_dma source(%arg23 : memref<64x128xf32, #tpu.memory_space<vmem>>) target(%dma_start3A_385 : memref<10112x128xf32, #tpu.memory_space<vmem_shared>>) offsets(%dma_start3A_382 : memref<64xi32, #tpu.memory_space<vmem>>) semaphore(%arg28 : memref<!tpu.dma_semaphore, #tpu.memory_space<semaphore_mem>>) {add = true}
    %dma_wait3A_386 = arith.constant 0 : i32
    %dma_wait3A_387 = tpu.memref_slice %arg22[%add3A_373, %dma_wait3A_386] : memref<120x64xi32, #tpu.memory_space<vmem>> -> memref<1x64xi32, #tpu.memory_space<vmem>>
    %dma_wait3A_388 = tpu.memref_squeeze %dma_wait3A_387 : memref<1x64xi32, #tpu.memory_space<vmem>> -> memref<64xi32, #tpu.memory_space<vmem>>
    %dma_wait3A_389 = arith.constant 0 : i32
    %dma_wait3A_390 = arith.constant 0 : i32
    %dma_wait3A_391 = tpu.memref_slice %arg25[%dma_wait3A_389, %dma_wait3A_390] : memref<10112x128xf32, #tpu.memory_space<vmem_shared>> -> memref<10112x128xf32, #tpu.memory_space<vmem_shared>>
    tpu.wait_indirect_dma semaphore(%arg28 : memref<!tpu.dma_semaphore, #tpu.memory_space<semaphore_mem>>) src(%arg23 : memref<64x128xf32, #tpu.memory_space<vmem>>) dst(%dma_wait3A_391 : memref<10112x128xf32, #tpu.memory_space<vmem_shared>>)
    %sub3A_392 = arith.constant 2 : i32
    %sub3A_393 = arith.subi %select_n3A, %sub3A_392 : i32
    %add3A_394 = arith.constant 1 : i32
    %add3A_395 = arith.addi %sub3A_393, %add3A_394 : i32
    %dma_wait3A_396 = arith.constant 0 : i32
    %dma_wait3A_397 = tpu.memref_slice %arg21[%add3A_395, %dma_wait3A_396] : memref<120x64xi32, #tpu.memory_space<vmem>> -> memref<1x64xi32, #tpu.memory_space<vmem>>
    %dma_wait3A_398 = tpu.memref_squeeze %dma_wait3A_397 : memref<1x64xi32, #tpu.memory_space<vmem>> -> memref<64xi32, #tpu.memory_space<vmem>>
    %dma_wait3A_399 = arith.constant 0 : i32
    %dma_wait3A_400 = arith.constant 0 : i32
    %dma_wait3A_401 = tpu.memref_slice %arg8[%dma_wait3A_399, %dma_wait3A_400] : memref<10000x128xf32, #tpu.memory_space<hbm>> -> memref<10000x128xf32, #tpu.memory_space<hbm>>
    tpu.wait_indirect_dma semaphore(%arg27 : memref<!tpu.dma_semaphore, #tpu.memory_space<semaphore_mem>>) src(%dma_wait3A_401 : memref<10000x128xf32, #tpu.memory_space<hbm>>) dst(%arg24 : memref<64x128xf32, #tpu.memory_space<vmem>>)
    %dma_start3A_402 = arith.constant 0 : i32
    %dma_start3A_403 = tpu.memref_slice %arg22[%add3A_395, %dma_start3A_402] : memref<120x64xi32, #tpu.memory_space<vmem>> -> memref<1x64xi32, #tpu.memory_space<vmem>>
    %dma_start3A_404 = tpu.memref_squeeze %dma_start3A_403 : memref<1x64xi32, #tpu.memory_space<vmem>> -> memref<64xi32, #tpu.memory_space<vmem>>
    %dma_start3A_405 = arith.constant 0 : i32
    %dma_start3A_406 = arith.constant 0 : i32
    %dma_start3A_407 = tpu.memref_slice %arg25[%dma_start3A_405, %dma_start3A_406] : memref<10112x128xf32, #tpu.memory_space<vmem_shared>> -> memref<10112x128xf32, #tpu.memory_space<vmem_shared>>
    tpu.enqueue_indirect_dma source(%arg24 : memref<64x128xf32, #tpu.memory_space<vmem>>) target(%dma_start3A_407 : memref<10112x128xf32, #tpu.memory_space<vmem_shared>>) offsets(%dma_start3A_404 : memref<64xi32, #tpu.memory_space<vmem>>) semaphore(%arg29 : memref<!tpu.dma_semaphore, #tpu.memory_space<semaphore_mem>>) {add = true}
    %dma_wait3A_408 = arith.constant 0 : i32
    %dma_wait3A_409 = tpu.memref_slice %arg22[%add3A_395, %dma_wait3A_408] : memref<120x64xi32, #tpu.memory_space<vmem>> -> memref<1x64xi32, #tpu.memory_space<vmem>>
    %dma_wait3A_410 = tpu.memref_squeeze %dma_wait3A_409 : memref<1x64xi32, #tpu.memory_space<vmem>> -> memref<64xi32, #tpu.memory_space<vmem>>
    %dma_wait3A_411 = arith.constant 0 : i32
    %dma_wait3A_412 = arith.constant 0 : i32
    %dma_wait3A_413 = tpu.memref_slice %arg25[%dma_wait3A_411, %dma_wait3A_412] : memref<10112x128xf32, #tpu.memory_space<vmem_shared>> -> memref<10112x128xf32, #tpu.memory_space<vmem_shared>>
    tpu.wait_indirect_dma semaphore(%arg29 : memref<!tpu.dma_semaphore, #tpu.memory_space<semaphore_mem>>) src(%arg24 : memref<64x128xf32, #tpu.memory_space<vmem>>) dst(%dma_wait3A_413 : memref<10112x128xf32, #tpu.memory_space<vmem_shared>>)
    %barrier3A_414 = arith.constant 0 : index
    tpu.barrier barrier_id(%barrier3A_414)
    %mul3A_415 = arith.constant 632 : i32
    %mul3A_416 = arith.muli %arg1, %mul3A_415 : i32
    %mul3A_417 = arith.constant 10112 : i32
    %mul3A_418 = arith.muli %arg0, %mul3A_417 : i32
    %mul3A_419 = arith.constant 632 : i32
    %mul3A_420 = arith.muli %arg1, %mul3A_419 : i32
    %add3A_421 = arith.addi %mul3A_418, %mul3A_420 : i32
    "tpu.region"() ({
      %run_scoped3A = tpu.sem_alloc : memref<!tpu.dma_semaphore, #tpu.memory_space<semaphore_mem>>
      %dma_start3A_847 = arith.constant 0 : i32
      %dma_start3A_848 = tpu.memref_slice %arg16[%add3A_421, %dma_start3A_847] : memref<20224x128xf32, #tpu.memory_space<hbm>> -> memref<632x128xf32, #tpu.memory_space<hbm>>
      %dma_start3A_849 = arith.constant 0 : i32
      %dma_start3A_850 = tpu.memref_slice %arg25[%mul3A_416, %dma_start3A_849] : memref<10112x128xf32, #tpu.memory_space<vmem_shared>> -> memref<632x128xf32, #tpu.memory_space<vmem_shared>>
      tpu.enqueue_dma source(%dma_start3A_850 : memref<632x128xf32, #tpu.memory_space<vmem_shared>>) target(%dma_start3A_848 : memref<632x128xf32, #tpu.memory_space<hbm>>) target_semaphore(%run_scoped3A : memref<!tpu.dma_semaphore, #tpu.memory_space<semaphore_mem>>)
      %dma_wait3A_851 = arith.constant 0 : i32
      %dma_wait3A_852 = tpu.memref_slice %arg16[%add3A_421, %dma_wait3A_851] : memref<20224x128xf32, #tpu.memory_space<hbm>> -> memref<632x128xf32, #tpu.memory_space<hbm>>
      %dma_wait3A_853 = arith.constant 0 : i32
      %dma_wait3A_854 = tpu.memref_slice %arg25[%mul3A_416, %dma_wait3A_853] : memref<10112x128xf32, #tpu.memory_space<vmem_shared>> -> memref<632x128xf32, #tpu.memory_space<vmem_shared>>
      tpu.wait_dma2 semaphore(%run_scoped3A : memref<!tpu.dma_semaphore, #tpu.memory_space<semaphore_mem>>) src(%dma_wait3A_854 : memref<632x128xf32, #tpu.memory_space<vmem_shared>>) dst(%dma_wait3A_852 : memref<632x128xf32, #tpu.memory_space<hbm>>)
      tpu.yield
    }) : () -> ()
    %barrier3A_422 = arith.constant 0 : index
    tpu.barrier barrier_id(%barrier3A_422)
    %mul3A_423 = arith.constant 632 : i32
    %mul3A_424 = arith.muli %arg1, %mul3A_423 : i32
    "tpu.region"() ({
      %run_scoped3A = tpu.sem_alloc : memref<!tpu.dma_semaphore, #tpu.memory_space<semaphore_mem>>
      %dma_start3A_847 = arith.constant 0 : i32
      %dma_start3A_848 = tpu.memref_slice %arg25[%mul3A_424, %dma_start3A_847] : memref<10112x128xf32, #tpu.memory_space<vmem_shared>> -> memref<632x128xf32, #tpu.memory_space<vmem_shared>>
      tpu.enqueue_dma source(%arg4 : memref<632x128xf32, #tpu.memory_space<hbm>>) target(%dma_start3A_848 : memref<632x128xf32, #tpu.memory_space<vmem_shared>>) target_semaphore(%run_scoped3A : memref<!tpu.dma_semaphore, #tpu.memory_space<semaphore_mem>>)
      %dma_wait3A_849 = arith.constant 0 : i32
      %dma_wait3A_850 = tpu.memref_slice %arg25[%mul3A_424, %dma_wait3A_849] : memref<10112x128xf32, #tpu.memory_space<vmem_shared>> -> memref<632x128xf32, #tpu.memory_space<vmem_shared>>
      tpu.wait_dma2 semaphore(%run_scoped3A : memref<!tpu.dma_semaphore, #tpu.memory_space<semaphore_mem>>) src(%arg4 : memref<632x128xf32, #tpu.memory_space<hbm>>) dst(%dma_wait3A_850 : memref<632x128xf32, #tpu.memory_space<vmem_shared>>)
      tpu.yield
    }) : () -> ()
    %barrier3A_425 = arith.constant 0 : index
    tpu.barrier barrier_id(%barrier3A_425)
    %dma_start3A_426 = arith.constant 0 : i32
    %dma_start3A_427 = arith.constant 0 : i32
    %dma_start3A_428 = tpu.memref_slice %arg21[%dma_start3A_426, %dma_start3A_427] : memref<120x64xi32, #tpu.memory_space<vmem>> -> memref<1x64xi32, #tpu.memory_space<vmem>>
    %dma_start3A_429 = tpu.memref_squeeze %dma_start3A_428 : memref<1x64xi32, #tpu.memory_space<vmem>> -> memref<64xi32, #tpu.memory_space<vmem>>
    %dma_start3A_430 = arith.constant 0 : i32
    %dma_start3A_431 = arith.constant 0 : i32
    %dma_start3A_432 = tpu.memref_slice %arg9[%dma_start3A_430, %dma_start3A_431] : memref<10000x128xf32, #tpu.memory_space<hbm>> -> memref<10000x128xf32, #tpu.memory_space<hbm>>
    tpu.enqueue_indirect_dma source(%dma_start3A_432 : memref<10000x128xf32, #tpu.memory_space<hbm>>) target(%arg23 : memref<64x128xf32, #tpu.memory_space<vmem>>) offsets(%dma_start3A_429 : memref<64xi32, #tpu.memory_space<vmem>>) semaphore(%arg26 : memref<!tpu.dma_semaphore, #tpu.memory_space<semaphore_mem>>)
    %dma_start3A_433 = arith.constant 1 : i32
    %dma_start3A_434 = arith.constant 0 : i32
    %dma_start3A_435 = tpu.memref_slice %arg21[%dma_start3A_433, %dma_start3A_434] : memref<120x64xi32, #tpu.memory_space<vmem>> -> memref<1x64xi32, #tpu.memory_space<vmem>>
    %dma_start3A_436 = tpu.memref_squeeze %dma_start3A_435 : memref<1x64xi32, #tpu.memory_space<vmem>> -> memref<64xi32, #tpu.memory_space<vmem>>
    %dma_start3A_437 = arith.constant 0 : i32
    %dma_start3A_438 = arith.constant 0 : i32
    %dma_start3A_439 = tpu.memref_slice %arg9[%dma_start3A_437, %dma_start3A_438] : memref<10000x128xf32, #tpu.memory_space<hbm>> -> memref<10000x128xf32, #tpu.memory_space<hbm>>
    tpu.enqueue_indirect_dma source(%dma_start3A_439 : memref<10000x128xf32, #tpu.memory_space<hbm>>) target(%arg24 : memref<64x128xf32, #tpu.memory_space<vmem>>) offsets(%dma_start3A_436 : memref<64xi32, #tpu.memory_space<vmem>>) semaphore(%arg27 : memref<!tpu.dma_semaphore, #tpu.memory_space<semaphore_mem>>)
    %jit3A_440 = arith.constant 2 : i32
    %div3A_441 = arith.divsi %select_n3A, %jit3A_440 : i32
    %sign3A_442 = arith.constant 0 : i32
    %sign3A_443 = arith.cmpi sgt, %select_n3A, %sign3A_442 : i32
    %sign3A_444 = arith.extui %sign3A_443 : i1 to i32
    %sign3A_445 = arith.constant 0 : i32
    %sign3A_446 = arith.cmpi slt, %select_n3A, %sign3A_445 : i32
    %sign3A_447 = arith.extui %sign3A_446 : i1 to i32
    %sign3A_448 = arith.subi %sign3A_444, %sign3A_447 : i32
    %sign3A_449 = arith.constant 0 : i32
    %sign3A_450 = arith.cmpi sgt, %jit3A_440, %sign3A_449 : i32
    %sign3A_451 = arith.extui %sign3A_450 : i1 to i32
    %sign3A_452 = arith.constant 0 : i32
    %sign3A_453 = arith.cmpi slt, %jit3A_440, %sign3A_452 : i32
    %sign3A_454 = arith.extui %sign3A_453 : i1 to i32
    %sign3A_455 = arith.subi %sign3A_451, %sign3A_454 : i32
    %ne3A_456 = arith.cmpi ne, %sign3A_448, %sign3A_455 : i32
    %rem3A_457 = arith.remsi %select_n3A, %jit3A_440 : i32
    %ne3A_458 = arith.constant 0 : i32
    %ne3A_459 = arith.cmpi ne, %rem3A_457, %ne3A_458 : i32
    %and3A_460 = arith.andi %ne3A_456, %ne3A_459 : i1
    %sub3A_461 = arith.constant 1 : i32
    %sub3A_462 = arith.subi %div3A_441, %sub3A_461 : i32
    %select_n3A_463 = arith.select %and3A_460, %sub3A_462, %div3A_441 : i32
    %sub3A_464 = arith.constant 1 : i32
    %sub3A_465 = arith.subi %select_n3A_463, %sub3A_464 : i32
    %while3A_466 = arith.constant 0 : i32
    %while3A_467 = arith.constant 0 : i32
    %while3A_468 = arith.subi %sub3A_465, %while3A_467 : i32
    %while3A_469 = arith.addi %while3A_467, %while3A_468 : i32
    %while3A_470 = arith.constant 1 : i32
    %while3A_471 = arith.divsi %while3A_468, %while3A_470 : i32
    %while3A_472 = arith.muli %while3A_471, %while3A_470 : i32
    %while3A_473 = arith.addi %while3A_467, %while3A_472 : i32
    %while3A_474 = arith.constant 1 : i32
    scf.for %while3A_847 = %while3A_467 to %while3A_473 step %while3A_474  : i32 {
      %mul3A_848 = arith.constant 2 : i32
      %mul3A_849 = arith.muli %mul3A_848, %while3A_847 : i32
      %add3A_850 = arith.constant 0 : i32
      %add3A_851 = arith.addi %mul3A_849, %add3A_850 : i32
      %dma_wait3A_852 = arith.constant 0 : i32
      %dma_wait3A_853 = tpu.memref_slice %arg21[%add3A_851, %dma_wait3A_852] : memref<120x64xi32, #tpu.memory_space<vmem>> -> memref<1x64xi32, #tpu.memory_space<vmem>>
      %dma_wait3A_854 = tpu.memref_squeeze %dma_wait3A_853 : memref<1x64xi32, #tpu.memory_space<vmem>> -> memref<64xi32, #tpu.memory_space<vmem>>
      %dma_wait3A_855 = arith.constant 0 : i32
      %dma_wait3A_856 = arith.constant 0 : i32
      %dma_wait3A_857 = tpu.memref_slice %arg9[%dma_wait3A_855, %dma_wait3A_856] : memref<10000x128xf32, #tpu.memory_space<hbm>> -> memref<10000x128xf32, #tpu.memory_space<hbm>>
      tpu.wait_indirect_dma semaphore(%arg26 : memref<!tpu.dma_semaphore, #tpu.memory_space<semaphore_mem>>) src(%dma_wait3A_857 : memref<10000x128xf32, #tpu.memory_space<hbm>>) dst(%arg23 : memref<64x128xf32, #tpu.memory_space<vmem>>)
      %dma_start3A_858 = arith.constant 0 : i32
      %dma_start3A_859 = tpu.memref_slice %arg22[%add3A_851, %dma_start3A_858] : memref<120x64xi32, #tpu.memory_space<vmem>> -> memref<1x64xi32, #tpu.memory_space<vmem>>
      %dma_start3A_860 = tpu.memref_squeeze %dma_start3A_859 : memref<1x64xi32, #tpu.memory_space<vmem>> -> memref<64xi32, #tpu.memory_space<vmem>>
      %dma_start3A_861 = arith.constant 0 : i32
      %dma_start3A_862 = arith.constant 0 : i32
      %dma_start3A_863 = tpu.memref_slice %arg25[%dma_start3A_861, %dma_start3A_862] : memref<10112x128xf32, #tpu.memory_space<vmem_shared>> -> memref<10112x128xf32, #tpu.memory_space<vmem_shared>>
      tpu.enqueue_indirect_dma source(%arg23 : memref<64x128xf32, #tpu.memory_space<vmem>>) target(%dma_start3A_863 : memref<10112x128xf32, #tpu.memory_space<vmem_shared>>) offsets(%dma_start3A_860 : memref<64xi32, #tpu.memory_space<vmem>>) semaphore(%arg28 : memref<!tpu.dma_semaphore, #tpu.memory_space<semaphore_mem>>) {add = true}
      %dma_wait3A_864 = arith.constant 0 : i32
      %dma_wait3A_865 = tpu.memref_slice %arg22[%add3A_851, %dma_wait3A_864] : memref<120x64xi32, #tpu.memory_space<vmem>> -> memref<1x64xi32, #tpu.memory_space<vmem>>
      %dma_wait3A_866 = tpu.memref_squeeze %dma_wait3A_865 : memref<1x64xi32, #tpu.memory_space<vmem>> -> memref<64xi32, #tpu.memory_space<vmem>>
      %dma_wait3A_867 = arith.constant 0 : i32
      %dma_wait3A_868 = arith.constant 0 : i32
      %dma_wait3A_869 = tpu.memref_slice %arg25[%dma_wait3A_867, %dma_wait3A_868] : memref<10112x128xf32, #tpu.memory_space<vmem_shared>> -> memref<10112x128xf32, #tpu.memory_space<vmem_shared>>
      tpu.wait_indirect_dma semaphore(%arg28 : memref<!tpu.dma_semaphore, #tpu.memory_space<semaphore_mem>>) src(%arg23 : memref<64x128xf32, #tpu.memory_space<vmem>>) dst(%dma_wait3A_869 : memref<10112x128xf32, #tpu.memory_space<vmem_shared>>)
      %add3A_870 = arith.constant 2 : i32
      %add3A_871 = arith.addi %add3A_851, %add3A_870 : i32
      %dma_start3A_872 = arith.constant 0 : i32
      %dma_start3A_873 = tpu.memref_slice %arg21[%add3A_871, %dma_start3A_872] : memref<120x64xi32, #tpu.memory_space<vmem>> -> memref<1x64xi32, #tpu.memory_space<vmem>>
      %dma_start3A_874 = tpu.memref_squeeze %dma_start3A_873 : memref<1x64xi32, #tpu.memory_space<vmem>> -> memref<64xi32, #tpu.memory_space<vmem>>
      %dma_start3A_875 = arith.constant 0 : i32
      %dma_start3A_876 = arith.constant 0 : i32
      %dma_start3A_877 = tpu.memref_slice %arg9[%dma_start3A_875, %dma_start3A_876] : memref<10000x128xf32, #tpu.memory_space<hbm>> -> memref<10000x128xf32, #tpu.memory_space<hbm>>
      tpu.enqueue_indirect_dma source(%dma_start3A_877 : memref<10000x128xf32, #tpu.memory_space<hbm>>) target(%arg23 : memref<64x128xf32, #tpu.memory_space<vmem>>) offsets(%dma_start3A_874 : memref<64xi32, #tpu.memory_space<vmem>>) semaphore(%arg26 : memref<!tpu.dma_semaphore, #tpu.memory_space<semaphore_mem>>)
      %mul3A_878 = arith.constant 2 : i32
      %mul3A_879 = arith.muli %mul3A_878, %while3A_847 : i32
      %add3A_880 = arith.constant 1 : i32
      %add3A_881 = arith.addi %mul3A_879, %add3A_880 : i32
      %dma_wait3A_882 = arith.constant 0 : i32
      %dma_wait3A_883 = tpu.memref_slice %arg21[%add3A_881, %dma_wait3A_882] : memref<120x64xi32, #tpu.memory_space<vmem>> -> memref<1x64xi32, #tpu.memory_space<vmem>>
      %dma_wait3A_884 = tpu.memref_squeeze %dma_wait3A_883 : memref<1x64xi32, #tpu.memory_space<vmem>> -> memref<64xi32, #tpu.memory_space<vmem>>
      %dma_wait3A_885 = arith.constant 0 : i32
      %dma_wait3A_886 = arith.constant 0 : i32
      %dma_wait3A_887 = tpu.memref_slice %arg9[%dma_wait3A_885, %dma_wait3A_886] : memref<10000x128xf32, #tpu.memory_space<hbm>> -> memref<10000x128xf32, #tpu.memory_space<hbm>>
      tpu.wait_indirect_dma semaphore(%arg27 : memref<!tpu.dma_semaphore, #tpu.memory_space<semaphore_mem>>) src(%dma_wait3A_887 : memref<10000x128xf32, #tpu.memory_space<hbm>>) dst(%arg24 : memref<64x128xf32, #tpu.memory_space<vmem>>)
      %dma_start3A_888 = arith.constant 0 : i32
      %dma_start3A_889 = tpu.memref_slice %arg22[%add3A_881, %dma_start3A_888] : memref<120x64xi32, #tpu.memory_space<vmem>> -> memref<1x64xi32, #tpu.memory_space<vmem>>
      %dma_start3A_890 = tpu.memref_squeeze %dma_start3A_889 : memref<1x64xi32, #tpu.memory_space<vmem>> -> memref<64xi32, #tpu.memory_space<vmem>>
      %dma_start3A_891 = arith.constant 0 : i32
      %dma_start3A_892 = arith.constant 0 : i32
      %dma_start3A_893 = tpu.memref_slice %arg25[%dma_start3A_891, %dma_start3A_892] : memref<10112x128xf32, #tpu.memory_space<vmem_shared>> -> memref<10112x128xf32, #tpu.memory_space<vmem_shared>>
      tpu.enqueue_indirect_dma source(%arg24 : memref<64x128xf32, #tpu.memory_space<vmem>>) target(%dma_start3A_893 : memref<10112x128xf32, #tpu.memory_space<vmem_shared>>) offsets(%dma_start3A_890 : memref<64xi32, #tpu.memory_space<vmem>>) semaphore(%arg29 : memref<!tpu.dma_semaphore, #tpu.memory_space<semaphore_mem>>) {add = true}
      %dma_wait3A_894 = arith.constant 0 : i32
      %dma_wait3A_895 = tpu.memref_slice %arg22[%add3A_881, %dma_wait3A_894] : memref<120x64xi32, #tpu.memory_space<vmem>> -> memref<1x64xi32, #tpu.memory_space<vmem>>
      %dma_wait3A_896 = tpu.memref_squeeze %dma_wait3A_895 : memref<1x64xi32, #tpu.memory_space<vmem>> -> memref<64xi32, #tpu.memory_space<vmem>>
      %dma_wait3A_897 = arith.constant 0 : i32
      %dma_wait3A_898 = arith.constant 0 : i32
      %dma_wait3A_899 = tpu.memref_slice %arg25[%dma_wait3A_897, %dma_wait3A_898] : memref<10112x128xf32, #tpu.memory_space<vmem_shared>> -> memref<10112x128xf32, #tpu.memory_space<vmem_shared>>
      tpu.wait_indirect_dma semaphore(%arg29 : memref<!tpu.dma_semaphore, #tpu.memory_space<semaphore_mem>>) src(%arg24 : memref<64x128xf32, #tpu.memory_space<vmem>>) dst(%dma_wait3A_899 : memref<10112x128xf32, #tpu.memory_space<vmem_shared>>)
      %add3A_900 = arith.constant 2 : i32
      %add3A_901 = arith.addi %add3A_881, %add3A_900 : i32
      %dma_start3A_902 = arith.constant 0 : i32
      %dma_start3A_903 = tpu.memref_slice %arg21[%add3A_901, %dma_start3A_902] : memref<120x64xi32, #tpu.memory_space<vmem>> -> memref<1x64xi32, #tpu.memory_space<vmem>>
      %dma_start3A_904 = tpu.memref_squeeze %dma_start3A_903 : memref<1x64xi32, #tpu.memory_space<vmem>> -> memref<64xi32, #tpu.memory_space<vmem>>
      %dma_start3A_905 = arith.constant 0 : i32
      %dma_start3A_906 = arith.constant 0 : i32
      %dma_start3A_907 = tpu.memref_slice %arg9[%dma_start3A_905, %dma_start3A_906] : memref<10000x128xf32, #tpu.memory_space<hbm>> -> memref<10000x128xf32, #tpu.memory_space<hbm>>
      tpu.enqueue_indirect_dma source(%dma_start3A_907 : memref<10000x128xf32, #tpu.memory_space<hbm>>) target(%arg24 : memref<64x128xf32, #tpu.memory_space<vmem>>) offsets(%dma_start3A_904 : memref<64xi32, #tpu.memory_space<vmem>>) semaphore(%arg27 : memref<!tpu.dma_semaphore, #tpu.memory_space<semaphore_mem>>)
    }
    %while3A_475 = arith.constant 1 : i32
    scf.for %while3A_847 = %while3A_473 to %while3A_469 step %while3A_475  : i32 {
      %mul3A_848 = arith.constant 2 : i32
      %mul3A_849 = arith.muli %mul3A_848, %while3A_847 : i32
      %add3A_850 = arith.constant 0 : i32
      %add3A_851 = arith.addi %mul3A_849, %add3A_850 : i32
      %dma_wait3A_852 = arith.constant 0 : i32
      %dma_wait3A_853 = tpu.memref_slice %arg21[%add3A_851, %dma_wait3A_852] : memref<120x64xi32, #tpu.memory_space<vmem>> -> memref<1x64xi32, #tpu.memory_space<vmem>>
      %dma_wait3A_854 = tpu.memref_squeeze %dma_wait3A_853 : memref<1x64xi32, #tpu.memory_space<vmem>> -> memref<64xi32, #tpu.memory_space<vmem>>
      %dma_wait3A_855 = arith.constant 0 : i32
      %dma_wait3A_856 = arith.constant 0 : i32
      %dma_wait3A_857 = tpu.memref_slice %arg9[%dma_wait3A_855, %dma_wait3A_856] : memref<10000x128xf32, #tpu.memory_space<hbm>> -> memref<10000x128xf32, #tpu.memory_space<hbm>>
      tpu.wait_indirect_dma semaphore(%arg26 : memref<!tpu.dma_semaphore, #tpu.memory_space<semaphore_mem>>) src(%dma_wait3A_857 : memref<10000x128xf32, #tpu.memory_space<hbm>>) dst(%arg23 : memref<64x128xf32, #tpu.memory_space<vmem>>)
      %dma_start3A_858 = arith.constant 0 : i32
      %dma_start3A_859 = tpu.memref_slice %arg22[%add3A_851, %dma_start3A_858] : memref<120x64xi32, #tpu.memory_space<vmem>> -> memref<1x64xi32, #tpu.memory_space<vmem>>
      %dma_start3A_860 = tpu.memref_squeeze %dma_start3A_859 : memref<1x64xi32, #tpu.memory_space<vmem>> -> memref<64xi32, #tpu.memory_space<vmem>>
      %dma_start3A_861 = arith.constant 0 : i32
      %dma_start3A_862 = arith.constant 0 : i32
      %dma_start3A_863 = tpu.memref_slice %arg25[%dma_start3A_861, %dma_start3A_862] : memref<10112x128xf32, #tpu.memory_space<vmem_shared>> -> memref<10112x128xf32, #tpu.memory_space<vmem_shared>>
      tpu.enqueue_indirect_dma source(%arg23 : memref<64x128xf32, #tpu.memory_space<vmem>>) target(%dma_start3A_863 : memref<10112x128xf32, #tpu.memory_space<vmem_shared>>) offsets(%dma_start3A_860 : memref<64xi32, #tpu.memory_space<vmem>>) semaphore(%arg28 : memref<!tpu.dma_semaphore, #tpu.memory_space<semaphore_mem>>) {add = true}
      %dma_wait3A_864 = arith.constant 0 : i32
      %dma_wait3A_865 = tpu.memref_slice %arg22[%add3A_851, %dma_wait3A_864] : memref<120x64xi32, #tpu.memory_space<vmem>> -> memref<1x64xi32, #tpu.memory_space<vmem>>
      %dma_wait3A_866 = tpu.memref_squeeze %dma_wait3A_865 : memref<1x64xi32, #tpu.memory_space<vmem>> -> memref<64xi32, #tpu.memory_space<vmem>>
      %dma_wait3A_867 = arith.constant 0 : i32
      %dma_wait3A_868 = arith.constant 0 : i32
      %dma_wait3A_869 = tpu.memref_slice %arg25[%dma_wait3A_867, %dma_wait3A_868] : memref<10112x128xf32, #tpu.memory_space<vmem_shared>> -> memref<10112x128xf32, #tpu.memory_space<vmem_shared>>
      tpu.wait_indirect_dma semaphore(%arg28 : memref<!tpu.dma_semaphore, #tpu.memory_space<semaphore_mem>>) src(%arg23 : memref<64x128xf32, #tpu.memory_space<vmem>>) dst(%dma_wait3A_869 : memref<10112x128xf32, #tpu.memory_space<vmem_shared>>)
      %add3A_870 = arith.constant 2 : i32
      %add3A_871 = arith.addi %add3A_851, %add3A_870 : i32
      %dma_start3A_872 = arith.constant 0 : i32
      %dma_start3A_873 = tpu.memref_slice %arg21[%add3A_871, %dma_start3A_872] : memref<120x64xi32, #tpu.memory_space<vmem>> -> memref<1x64xi32, #tpu.memory_space<vmem>>
      %dma_start3A_874 = tpu.memref_squeeze %dma_start3A_873 : memref<1x64xi32, #tpu.memory_space<vmem>> -> memref<64xi32, #tpu.memory_space<vmem>>
      %dma_start3A_875 = arith.constant 0 : i32
      %dma_start3A_876 = arith.constant 0 : i32
      %dma_start3A_877 = tpu.memref_slice %arg9[%dma_start3A_875, %dma_start3A_876] : memref<10000x128xf32, #tpu.memory_space<hbm>> -> memref<10000x128xf32, #tpu.memory_space<hbm>>
      tpu.enqueue_indirect_dma source(%dma_start3A_877 : memref<10000x128xf32, #tpu.memory_space<hbm>>) target(%arg23 : memref<64x128xf32, #tpu.memory_space<vmem>>) offsets(%dma_start3A_874 : memref<64xi32, #tpu.memory_space<vmem>>) semaphore(%arg26 : memref<!tpu.dma_semaphore, #tpu.memory_space<semaphore_mem>>)
      %mul3A_878 = arith.constant 2 : i32
      %mul3A_879 = arith.muli %mul3A_878, %while3A_847 : i32
      %add3A_880 = arith.constant 1 : i32
      %add3A_881 = arith.addi %mul3A_879, %add3A_880 : i32
      %dma_wait3A_882 = arith.constant 0 : i32
      %dma_wait3A_883 = tpu.memref_slice %arg21[%add3A_881, %dma_wait3A_882] : memref<120x64xi32, #tpu.memory_space<vmem>> -> memref<1x64xi32, #tpu.memory_space<vmem>>
      %dma_wait3A_884 = tpu.memref_squeeze %dma_wait3A_883 : memref<1x64xi32, #tpu.memory_space<vmem>> -> memref<64xi32, #tpu.memory_space<vmem>>
      %dma_wait3A_885 = arith.constant 0 : i32
      %dma_wait3A_886 = arith.constant 0 : i32
      %dma_wait3A_887 = tpu.memref_slice %arg9[%dma_wait3A_885, %dma_wait3A_886] : memref<10000x128xf32, #tpu.memory_space<hbm>> -> memref<10000x128xf32, #tpu.memory_space<hbm>>
      tpu.wait_indirect_dma semaphore(%arg27 : memref<!tpu.dma_semaphore, #tpu.memory_space<semaphore_mem>>) src(%dma_wait3A_887 : memref<10000x128xf32, #tpu.memory_space<hbm>>) dst(%arg24 : memref<64x128xf32, #tpu.memory_space<vmem>>)
      %dma_start3A_888 = arith.constant 0 : i32
      %dma_start3A_889 = tpu.memref_slice %arg22[%add3A_881, %dma_start3A_888] : memref<120x64xi32, #tpu.memory_space<vmem>> -> memref<1x64xi32, #tpu.memory_space<vmem>>
      %dma_start3A_890 = tpu.memref_squeeze %dma_start3A_889 : memref<1x64xi32, #tpu.memory_space<vmem>> -> memref<64xi32, #tpu.memory_space<vmem>>
      %dma_start3A_891 = arith.constant 0 : i32
      %dma_start3A_892 = arith.constant 0 : i32
      %dma_start3A_893 = tpu.memref_slice %arg25[%dma_start3A_891, %dma_start3A_892] : memref<10112x128xf32, #tpu.memory_space<vmem_shared>> -> memref<10112x128xf32, #tpu.memory_space<vmem_shared>>
      tpu.enqueue_indirect_dma source(%arg24 : memref<64x128xf32, #tpu.memory_space<vmem>>) target(%dma_start3A_893 : memref<10112x128xf32, #tpu.memory_space<vmem_shared>>) offsets(%dma_start3A_890 : memref<64xi32, #tpu.memory_space<vmem>>) semaphore(%arg29 : memref<!tpu.dma_semaphore, #tpu.memory_space<semaphore_mem>>) {add = true}
      %dma_wait3A_894 = arith.constant 0 : i32
      %dma_wait3A_895 = tpu.memref_slice %arg22[%add3A_881, %dma_wait3A_894] : memref<120x64xi32, #tpu.memory_space<vmem>> -> memref<1x64xi32, #tpu.memory_space<vmem>>
      %dma_wait3A_896 = tpu.memref_squeeze %dma_wait3A_895 : memref<1x64xi32, #tpu.memory_space<vmem>> -> memref<64xi32, #tpu.memory_space<vmem>>
      %dma_wait3A_897 = arith.constant 0 : i32
      %dma_wait3A_898 = arith.constant 0 : i32
      %dma_wait3A_899 = tpu.memref_slice %arg25[%dma_wait3A_897, %dma_wait3A_898] : memref<10112x128xf32, #tpu.memory_space<vmem_shared>> -> memref<10112x128xf32, #tpu.memory_space<vmem_shared>>
      tpu.wait_indirect_dma semaphore(%arg29 : memref<!tpu.dma_semaphore, #tpu.memory_space<semaphore_mem>>) src(%arg24 : memref<64x128xf32, #tpu.memory_space<vmem>>) dst(%dma_wait3A_899 : memref<10112x128xf32, #tpu.memory_space<vmem_shared>>)
      %add3A_900 = arith.constant 2 : i32
      %add3A_901 = arith.addi %add3A_881, %add3A_900 : i32
      %dma_start3A_902 = arith.constant 0 : i32
      %dma_start3A_903 = tpu.memref_slice %arg21[%add3A_901, %dma_start3A_902] : memref<120x64xi32, #tpu.memory_space<vmem>> -> memref<1x64xi32, #tpu.memory_space<vmem>>
      %dma_start3A_904 = tpu.memref_squeeze %dma_start3A_903 : memref<1x64xi32, #tpu.memory_space<vmem>> -> memref<64xi32, #tpu.memory_space<vmem>>
      %dma_start3A_905 = arith.constant 0 : i32
      %dma_start3A_906 = arith.constant 0 : i32
      %dma_start3A_907 = tpu.memref_slice %arg9[%dma_start3A_905, %dma_start3A_906] : memref<10000x128xf32, #tpu.memory_space<hbm>> -> memref<10000x128xf32, #tpu.memory_space<hbm>>
      tpu.enqueue_indirect_dma source(%dma_start3A_907 : memref<10000x128xf32, #tpu.memory_space<hbm>>) target(%arg24 : memref<64x128xf32, #tpu.memory_space<vmem>>) offsets(%dma_start3A_904 : memref<64xi32, #tpu.memory_space<vmem>>) semaphore(%arg27 : memref<!tpu.dma_semaphore, #tpu.memory_space<semaphore_mem>>)
    }
    %sub3A_476 = arith.constant 2 : i32
    %sub3A_477 = arith.subi %select_n3A, %sub3A_476 : i32
    %add3A_478 = arith.constant 0 : i32
    %add3A_479 = arith.addi %sub3A_477, %add3A_478 : i32
    %dma_wait3A_480 = arith.constant 0 : i32
    %dma_wait3A_481 = tpu.memref_slice %arg21[%add3A_479, %dma_wait3A_480] : memref<120x64xi32, #tpu.memory_space<vmem>> -> memref<1x64xi32, #tpu.memory_space<vmem>>
    %dma_wait3A_482 = tpu.memref_squeeze %dma_wait3A_481 : memref<1x64xi32, #tpu.memory_space<vmem>> -> memref<64xi32, #tpu.memory_space<vmem>>
    %dma_wait3A_483 = arith.constant 0 : i32
    %dma_wait3A_484 = arith.constant 0 : i32
    %dma_wait3A_485 = tpu.memref_slice %arg9[%dma_wait3A_483, %dma_wait3A_484] : memref<10000x128xf32, #tpu.memory_space<hbm>> -> memref<10000x128xf32, #tpu.memory_space<hbm>>
    tpu.wait_indirect_dma semaphore(%arg26 : memref<!tpu.dma_semaphore, #tpu.memory_space<semaphore_mem>>) src(%dma_wait3A_485 : memref<10000x128xf32, #tpu.memory_space<hbm>>) dst(%arg23 : memref<64x128xf32, #tpu.memory_space<vmem>>)
    %dma_start3A_486 = arith.constant 0 : i32
    %dma_start3A_487 = tpu.memref_slice %arg22[%add3A_479, %dma_start3A_486] : memref<120x64xi32, #tpu.memory_space<vmem>> -> memref<1x64xi32, #tpu.memory_space<vmem>>
    %dma_start3A_488 = tpu.memref_squeeze %dma_start3A_487 : memref<1x64xi32, #tpu.memory_space<vmem>> -> memref<64xi32, #tpu.memory_space<vmem>>
    %dma_start3A_489 = arith.constant 0 : i32
    %dma_start3A_490 = arith.constant 0 : i32
    %dma_start3A_491 = tpu.memref_slice %arg25[%dma_start3A_489, %dma_start3A_490] : memref<10112x128xf32, #tpu.memory_space<vmem_shared>> -> memref<10112x128xf32, #tpu.memory_space<vmem_shared>>
    tpu.enqueue_indirect_dma source(%arg23 : memref<64x128xf32, #tpu.memory_space<vmem>>) target(%dma_start3A_491 : memref<10112x128xf32, #tpu.memory_space<vmem_shared>>) offsets(%dma_start3A_488 : memref<64xi32, #tpu.memory_space<vmem>>) semaphore(%arg28 : memref<!tpu.dma_semaphore, #tpu.memory_space<semaphore_mem>>) {add = true}
    %dma_wait3A_492 = arith.constant 0 : i32
    %dma_wait3A_493 = tpu.memref_slice %arg22[%add3A_479, %dma_wait3A_492] : memref<120x64xi32, #tpu.memory_space<vmem>> -> memref<1x64xi32, #tpu.memory_space<vmem>>
    %dma_wait3A_494 = tpu.memref_squeeze %dma_wait3A_493 : memref<1x64xi32, #tpu.memory_space<vmem>> -> memref<64xi32, #tpu.memory_space<vmem>>
    %dma_wait3A_495 = arith.constant 0 : i32
    %dma_wait3A_496 = arith.constant 0 : i32
    %dma_wait3A_497 = tpu.memref_slice %arg25[%dma_wait3A_495, %dma_wait3A_496] : memref<10112x128xf32, #tpu.memory_space<vmem_shared>> -> memref<10112x128xf32, #tpu.memory_space<vmem_shared>>
    tpu.wait_indirect_dma semaphore(%arg28 : memref<!tpu.dma_semaphore, #tpu.memory_space<semaphore_mem>>) src(%arg23 : memref<64x128xf32, #tpu.memory_space<vmem>>) dst(%dma_wait3A_497 : memref<10112x128xf32, #tpu.memory_space<vmem_shared>>)
    %sub3A_498 = arith.constant 2 : i32
    %sub3A_499 = arith.subi %select_n3A, %sub3A_498 : i32
    %add3A_500 = arith.constant 1 : i32
    %add3A_501 = arith.addi %sub3A_499, %add3A_500 : i32
    %dma_wait3A_502 = arith.constant 0 : i32
    %dma_wait3A_503 = tpu.memref_slice %arg21[%add3A_501, %dma_wait3A_502] : memref<120x64xi32, #tpu.memory_space<vmem>> -> memref<1x64xi32, #tpu.memory_space<vmem>>
    %dma_wait3A_504 = tpu.memref_squeeze %dma_wait3A_503 : memref<1x64xi32, #tpu.memory_space<vmem>> -> memref<64xi32, #tpu.memory_space<vmem>>
    %dma_wait3A_505 = arith.constant 0 : i32
    %dma_wait3A_506 = arith.constant 0 : i32
    %dma_wait3A_507 = tpu.memref_slice %arg9[%dma_wait3A_505, %dma_wait3A_506] : memref<10000x128xf32, #tpu.memory_space<hbm>> -> memref<10000x128xf32, #tpu.memory_space<hbm>>
    tpu.wait_indirect_dma semaphore(%arg27 : memref<!tpu.dma_semaphore, #tpu.memory_space<semaphore_mem>>) src(%dma_wait3A_507 : memref<10000x128xf32, #tpu.memory_space<hbm>>) dst(%arg24 : memref<64x128xf32, #tpu.memory_space<vmem>>)
    %dma_start3A_508 = arith.constant 0 : i32
    %dma_start3A_509 = tpu.memref_slice %arg22[%add3A_501, %dma_start3A_508] : memref<120x64xi32, #tpu.memory_space<vmem>> -> memref<1x64xi32, #tpu.memory_space<vmem>>
    %dma_start3A_510 = tpu.memref_squeeze %dma_start3A_509 : memref<1x64xi32, #tpu.memory_space<vmem>> -> memref<64xi32, #tpu.memory_space<vmem>>
    %dma_start3A_511 = arith.constant 0 : i32
    %dma_start3A_512 = arith.constant 0 : i32
    %dma_start3A_513 = tpu.memref_slice %arg25[%dma_start3A_511, %dma_start3A_512] : memref<10112x128xf32, #tpu.memory_space<vmem_shared>> -> memref<10112x128xf32, #tpu.memory_space<vmem_shared>>
    tpu.enqueue_indirect_dma source(%arg24 : memref<64x128xf32, #tpu.memory_space<vmem>>) target(%dma_start3A_513 : memref<10112x128xf32, #tpu.memory_space<vmem_shared>>) offsets(%dma_start3A_510 : memref<64xi32, #tpu.memory_space<vmem>>) semaphore(%arg29 : memref<!tpu.dma_semaphore, #tpu.memory_space<semaphore_mem>>) {add = true}
    %dma_wait3A_514 = arith.constant 0 : i32
    %dma_wait3A_515 = tpu.memref_slice %arg22[%add3A_501, %dma_wait3A_514] : memref<120x64xi32, #tpu.memory_space<vmem>> -> memref<1x64xi32, #tpu.memory_space<vmem>>
    %dma_wait3A_516 = tpu.memref_squeeze %dma_wait3A_515 : memref<1x64xi32, #tpu.memory_space<vmem>> -> memref<64xi32, #tpu.memory_space<vmem>>
    %dma_wait3A_517 = arith.constant 0 : i32
    %dma_wait3A_518 = arith.constant 0 : i32
    %dma_wait3A_519 = tpu.memref_slice %arg25[%dma_wait3A_517, %dma_wait3A_518] : memref<10112x128xf32, #tpu.memory_space<vmem_shared>> -> memref<10112x128xf32, #tpu.memory_space<vmem_shared>>
    tpu.wait_indirect_dma semaphore(%arg29 : memref<!tpu.dma_semaphore, #tpu.memory_space<semaphore_mem>>) src(%arg24 : memref<64x128xf32, #tpu.memory_space<vmem>>) dst(%dma_wait3A_519 : memref<10112x128xf32, #tpu.memory_space<vmem_shared>>)
    %barrier3A_520 = arith.constant 0 : index
    tpu.barrier barrier_id(%barrier3A_520)
    %mul3A_521 = arith.constant 632 : i32
    %mul3A_522 = arith.muli %arg1, %mul3A_521 : i32
    %mul3A_523 = arith.constant 10112 : i32
    %mul3A_524 = arith.muli %arg0, %mul3A_523 : i32
    %mul3A_525 = arith.constant 632 : i32
    %mul3A_526 = arith.muli %arg1, %mul3A_525 : i32
    %add3A_527 = arith.addi %mul3A_524, %mul3A_526 : i32
    "tpu.region"() ({
      %run_scoped3A = tpu.sem_alloc : memref<!tpu.dma_semaphore, #tpu.memory_space<semaphore_mem>>
      %dma_start3A_847 = arith.constant 0 : i32
      %dma_start3A_848 = tpu.memref_slice %arg17[%add3A_527, %dma_start3A_847] : memref<20224x128xf32, #tpu.memory_space<hbm>> -> memref<632x128xf32, #tpu.memory_space<hbm>>
      %dma_start3A_849 = arith.constant 0 : i32
      %dma_start3A_850 = tpu.memref_slice %arg25[%mul3A_522, %dma_start3A_849] : memref<10112x128xf32, #tpu.memory_space<vmem_shared>> -> memref<632x128xf32, #tpu.memory_space<vmem_shared>>
      tpu.enqueue_dma source(%dma_start3A_850 : memref<632x128xf32, #tpu.memory_space<vmem_shared>>) target(%dma_start3A_848 : memref<632x128xf32, #tpu.memory_space<hbm>>) target_semaphore(%run_scoped3A : memref<!tpu.dma_semaphore, #tpu.memory_space<semaphore_mem>>)
      %dma_wait3A_851 = arith.constant 0 : i32
      %dma_wait3A_852 = tpu.memref_slice %arg17[%add3A_527, %dma_wait3A_851] : memref<20224x128xf32, #tpu.memory_space<hbm>> -> memref<632x128xf32, #tpu.memory_space<hbm>>
      %dma_wait3A_853 = arith.constant 0 : i32
      %dma_wait3A_854 = tpu.memref_slice %arg25[%mul3A_522, %dma_wait3A_853] : memref<10112x128xf32, #tpu.memory_space<vmem_shared>> -> memref<632x128xf32, #tpu.memory_space<vmem_shared>>
      tpu.wait_dma2 semaphore(%run_scoped3A : memref<!tpu.dma_semaphore, #tpu.memory_space<semaphore_mem>>) src(%dma_wait3A_854 : memref<632x128xf32, #tpu.memory_space<vmem_shared>>) dst(%dma_wait3A_852 : memref<632x128xf32, #tpu.memory_space<hbm>>)
      tpu.yield
    }) : () -> ()
    %barrier3A_528 = arith.constant 0 : index
    tpu.barrier barrier_id(%barrier3A_528)
    %mul3A_529 = arith.constant 632 : i32
    %mul3A_530 = arith.muli %arg1, %mul3A_529 : i32
    "tpu.region"() ({
      %run_scoped3A = tpu.sem_alloc : memref<!tpu.dma_semaphore, #tpu.memory_space<semaphore_mem>>
      %dma_start3A_847 = arith.constant 0 : i32
      %dma_start3A_848 = tpu.memref_slice %arg25[%mul3A_530, %dma_start3A_847] : memref<10112x128xf32, #tpu.memory_space<vmem_shared>> -> memref<632x128xf32, #tpu.memory_space<vmem_shared>>
      tpu.enqueue_dma source(%arg4 : memref<632x128xf32, #tpu.memory_space<hbm>>) target(%dma_start3A_848 : memref<632x128xf32, #tpu.memory_space<vmem_shared>>) target_semaphore(%run_scoped3A : memref<!tpu.dma_semaphore, #tpu.memory_space<semaphore_mem>>)
      %dma_wait3A_849 = arith.constant 0 : i32
      %dma_wait3A_850 = tpu.memref_slice %arg25[%mul3A_530, %dma_wait3A_849] : memref<10112x128xf32, #tpu.memory_space<vmem_shared>> -> memref<632x128xf32, #tpu.memory_space<vmem_shared>>
      tpu.wait_dma2 semaphore(%run_scoped3A : memref<!tpu.dma_semaphore, #tpu.memory_space<semaphore_mem>>) src(%arg4 : memref<632x128xf32, #tpu.memory_space<hbm>>) dst(%dma_wait3A_850 : memref<632x128xf32, #tpu.memory_space<vmem_shared>>)
      tpu.yield
    }) : () -> ()
    %barrier3A_531 = arith.constant 0 : index
    tpu.barrier barrier_id(%barrier3A_531)
    %dma_start3A_532 = arith.constant 0 : i32
    %dma_start3A_533 = arith.constant 0 : i32
    %dma_start3A_534 = tpu.memref_slice %arg21[%dma_start3A_532, %dma_start3A_533] : memref<120x64xi32, #tpu.memory_space<vmem>> -> memref<1x64xi32, #tpu.memory_space<vmem>>
    %dma_start3A_535 = tpu.memref_squeeze %dma_start3A_534 : memref<1x64xi32, #tpu.memory_space<vmem>> -> memref<64xi32, #tpu.memory_space<vmem>>
    %dma_start3A_536 = arith.constant 0 : i32
    %dma_start3A_537 = arith.constant 0 : i32
    %dma_start3A_538 = tpu.memref_slice %arg10[%dma_start3A_536, %dma_start3A_537] : memref<10000x128xf32, #tpu.memory_space<hbm>> -> memref<10000x128xf32, #tpu.memory_space<hbm>>
    tpu.enqueue_indirect_dma source(%dma_start3A_538 : memref<10000x128xf32, #tpu.memory_space<hbm>>) target(%arg23 : memref<64x128xf32, #tpu.memory_space<vmem>>) offsets(%dma_start3A_535 : memref<64xi32, #tpu.memory_space<vmem>>) semaphore(%arg26 : memref<!tpu.dma_semaphore, #tpu.memory_space<semaphore_mem>>)
    %dma_start3A_539 = arith.constant 1 : i32
    %dma_start3A_540 = arith.constant 0 : i32
    %dma_start3A_541 = tpu.memref_slice %arg21[%dma_start3A_539, %dma_start3A_540] : memref<120x64xi32, #tpu.memory_space<vmem>> -> memref<1x64xi32, #tpu.memory_space<vmem>>
    %dma_start3A_542 = tpu.memref_squeeze %dma_start3A_541 : memref<1x64xi32, #tpu.memory_space<vmem>> -> memref<64xi32, #tpu.memory_space<vmem>>
    %dma_start3A_543 = arith.constant 0 : i32
    %dma_start3A_544 = arith.constant 0 : i32
    %dma_start3A_545 = tpu.memref_slice %arg10[%dma_start3A_543, %dma_start3A_544] : memref<10000x128xf32, #tpu.memory_space<hbm>> -> memref<10000x128xf32, #tpu.memory_space<hbm>>
    tpu.enqueue_indirect_dma source(%dma_start3A_545 : memref<10000x128xf32, #tpu.memory_space<hbm>>) target(%arg24 : memref<64x128xf32, #tpu.memory_space<vmem>>) offsets(%dma_start3A_542 : memref<64xi32, #tpu.memory_space<vmem>>) semaphore(%arg27 : memref<!tpu.dma_semaphore, #tpu.memory_space<semaphore_mem>>)
    %jit3A_546 = arith.constant 2 : i32
    %div3A_547 = arith.divsi %select_n3A, %jit3A_546 : i32
    %sign3A_548 = arith.constant 0 : i32
    %sign3A_549 = arith.cmpi sgt, %select_n3A, %sign3A_548 : i32
    %sign3A_550 = arith.extui %sign3A_549 : i1 to i32
    %sign3A_551 = arith.constant 0 : i32
    %sign3A_552 = arith.cmpi slt, %select_n3A, %sign3A_551 : i32
    %sign3A_553 = arith.extui %sign3A_552 : i1 to i32
    %sign3A_554 = arith.subi %sign3A_550, %sign3A_553 : i32
    %sign3A_555 = arith.constant 0 : i32
    %sign3A_556 = arith.cmpi sgt, %jit3A_546, %sign3A_555 : i32
    %sign3A_557 = arith.extui %sign3A_556 : i1 to i32
    %sign3A_558 = arith.constant 0 : i32
    %sign3A_559 = arith.cmpi slt, %jit3A_546, %sign3A_558 : i32
    %sign3A_560 = arith.extui %sign3A_559 : i1 to i32
    %sign3A_561 = arith.subi %sign3A_557, %sign3A_560 : i32
    %ne3A_562 = arith.cmpi ne, %sign3A_554, %sign3A_561 : i32
    %rem3A_563 = arith.remsi %select_n3A, %jit3A_546 : i32
    %ne3A_564 = arith.constant 0 : i32
    %ne3A_565 = arith.cmpi ne, %rem3A_563, %ne3A_564 : i32
    %and3A_566 = arith.andi %ne3A_562, %ne3A_565 : i1
    %sub3A_567 = arith.constant 1 : i32
    %sub3A_568 = arith.subi %div3A_547, %sub3A_567 : i32
    %select_n3A_569 = arith.select %and3A_566, %sub3A_568, %div3A_547 : i32
    %sub3A_570 = arith.constant 1 : i32
    %sub3A_571 = arith.subi %select_n3A_569, %sub3A_570 : i32
    %while3A_572 = arith.constant 0 : i32
    %while3A_573 = arith.constant 0 : i32
    %while3A_574 = arith.subi %sub3A_571, %while3A_573 : i32
    %while3A_575 = arith.addi %while3A_573, %while3A_574 : i32
    %while3A_576 = arith.constant 1 : i32
    %while3A_577 = arith.divsi %while3A_574, %while3A_576 : i32
    %while3A_578 = arith.muli %while3A_577, %while3A_576 : i32
    %while3A_579 = arith.addi %while3A_573, %while3A_578 : i32
    %while3A_580 = arith.constant 1 : i32
    scf.for %while3A_847 = %while3A_573 to %while3A_579 step %while3A_580  : i32 {
      %mul3A_848 = arith.constant 2 : i32
      %mul3A_849 = arith.muli %mul3A_848, %while3A_847 : i32
      %add3A_850 = arith.constant 0 : i32
      %add3A_851 = arith.addi %mul3A_849, %add3A_850 : i32
      %dma_wait3A_852 = arith.constant 0 : i32
      %dma_wait3A_853 = tpu.memref_slice %arg21[%add3A_851, %dma_wait3A_852] : memref<120x64xi32, #tpu.memory_space<vmem>> -> memref<1x64xi32, #tpu.memory_space<vmem>>
      %dma_wait3A_854 = tpu.memref_squeeze %dma_wait3A_853 : memref<1x64xi32, #tpu.memory_space<vmem>> -> memref<64xi32, #tpu.memory_space<vmem>>
      %dma_wait3A_855 = arith.constant 0 : i32
      %dma_wait3A_856 = arith.constant 0 : i32
      %dma_wait3A_857 = tpu.memref_slice %arg10[%dma_wait3A_855, %dma_wait3A_856] : memref<10000x128xf32, #tpu.memory_space<hbm>> -> memref<10000x128xf32, #tpu.memory_space<hbm>>
      tpu.wait_indirect_dma semaphore(%arg26 : memref<!tpu.dma_semaphore, #tpu.memory_space<semaphore_mem>>) src(%dma_wait3A_857 : memref<10000x128xf32, #tpu.memory_space<hbm>>) dst(%arg23 : memref<64x128xf32, #tpu.memory_space<vmem>>)
      %dma_start3A_858 = arith.constant 0 : i32
      %dma_start3A_859 = tpu.memref_slice %arg22[%add3A_851, %dma_start3A_858] : memref<120x64xi32, #tpu.memory_space<vmem>> -> memref<1x64xi32, #tpu.memory_space<vmem>>
      %dma_start3A_860 = tpu.memref_squeeze %dma_start3A_859 : memref<1x64xi32, #tpu.memory_space<vmem>> -> memref<64xi32, #tpu.memory_space<vmem>>
      %dma_start3A_861 = arith.constant 0 : i32
      %dma_start3A_862 = arith.constant 0 : i32
      %dma_start3A_863 = tpu.memref_slice %arg25[%dma_start3A_861, %dma_start3A_862] : memref<10112x128xf32, #tpu.memory_space<vmem_shared>> -> memref<10112x128xf32, #tpu.memory_space<vmem_shared>>
      tpu.enqueue_indirect_dma source(%arg23 : memref<64x128xf32, #tpu.memory_space<vmem>>) target(%dma_start3A_863 : memref<10112x128xf32, #tpu.memory_space<vmem_shared>>) offsets(%dma_start3A_860 : memref<64xi32, #tpu.memory_space<vmem>>) semaphore(%arg28 : memref<!tpu.dma_semaphore, #tpu.memory_space<semaphore_mem>>) {add = true}
      %dma_wait3A_864 = arith.constant 0 : i32
      %dma_wait3A_865 = tpu.memref_slice %arg22[%add3A_851, %dma_wait3A_864] : memref<120x64xi32, #tpu.memory_space<vmem>> -> memref<1x64xi32, #tpu.memory_space<vmem>>
      %dma_wait3A_866 = tpu.memref_squeeze %dma_wait3A_865 : memref<1x64xi32, #tpu.memory_space<vmem>> -> memref<64xi32, #tpu.memory_space<vmem>>
      %dma_wait3A_867 = arith.constant 0 : i32
      %dma_wait3A_868 = arith.constant 0 : i32
      %dma_wait3A_869 = tpu.memref_slice %arg25[%dma_wait3A_867, %dma_wait3A_868] : memref<10112x128xf32, #tpu.memory_space<vmem_shared>> -> memref<10112x128xf32, #tpu.memory_space<vmem_shared>>
      tpu.wait_indirect_dma semaphore(%arg28 : memref<!tpu.dma_semaphore, #tpu.memory_space<semaphore_mem>>) src(%arg23 : memref<64x128xf32, #tpu.memory_space<vmem>>) dst(%dma_wait3A_869 : memref<10112x128xf32, #tpu.memory_space<vmem_shared>>)
      %add3A_870 = arith.constant 2 : i32
      %add3A_871 = arith.addi %add3A_851, %add3A_870 : i32
      %dma_start3A_872 = arith.constant 0 : i32
      %dma_start3A_873 = tpu.memref_slice %arg21[%add3A_871, %dma_start3A_872] : memref<120x64xi32, #tpu.memory_space<vmem>> -> memref<1x64xi32, #tpu.memory_space<vmem>>
      %dma_start3A_874 = tpu.memref_squeeze %dma_start3A_873 : memref<1x64xi32, #tpu.memory_space<vmem>> -> memref<64xi32, #tpu.memory_space<vmem>>
      %dma_start3A_875 = arith.constant 0 : i32
      %dma_start3A_876 = arith.constant 0 : i32
      %dma_start3A_877 = tpu.memref_slice %arg10[%dma_start3A_875, %dma_start3A_876] : memref<10000x128xf32, #tpu.memory_space<hbm>> -> memref<10000x128xf32, #tpu.memory_space<hbm>>
      tpu.enqueue_indirect_dma source(%dma_start3A_877 : memref<10000x128xf32, #tpu.memory_space<hbm>>) target(%arg23 : memref<64x128xf32, #tpu.memory_space<vmem>>) offsets(%dma_start3A_874 : memref<64xi32, #tpu.memory_space<vmem>>) semaphore(%arg26 : memref<!tpu.dma_semaphore, #tpu.memory_space<semaphore_mem>>)
      %mul3A_878 = arith.constant 2 : i32
      %mul3A_879 = arith.muli %mul3A_878, %while3A_847 : i32
      %add3A_880 = arith.constant 1 : i32
      %add3A_881 = arith.addi %mul3A_879, %add3A_880 : i32
      %dma_wait3A_882 = arith.constant 0 : i32
      %dma_wait3A_883 = tpu.memref_slice %arg21[%add3A_881, %dma_wait3A_882] : memref<120x64xi32, #tpu.memory_space<vmem>> -> memref<1x64xi32, #tpu.memory_space<vmem>>
      %dma_wait3A_884 = tpu.memref_squeeze %dma_wait3A_883 : memref<1x64xi32, #tpu.memory_space<vmem>> -> memref<64xi32, #tpu.memory_space<vmem>>
      %dma_wait3A_885 = arith.constant 0 : i32
      %dma_wait3A_886 = arith.constant 0 : i32
      %dma_wait3A_887 = tpu.memref_slice %arg10[%dma_wait3A_885, %dma_wait3A_886] : memref<10000x128xf32, #tpu.memory_space<hbm>> -> memref<10000x128xf32, #tpu.memory_space<hbm>>
      tpu.wait_indirect_dma semaphore(%arg27 : memref<!tpu.dma_semaphore, #tpu.memory_space<semaphore_mem>>) src(%dma_wait3A_887 : memref<10000x128xf32, #tpu.memory_space<hbm>>) dst(%arg24 : memref<64x128xf32, #tpu.memory_space<vmem>>)
      %dma_start3A_888 = arith.constant 0 : i32
      %dma_start3A_889 = tpu.memref_slice %arg22[%add3A_881, %dma_start3A_888] : memref<120x64xi32, #tpu.memory_space<vmem>> -> memref<1x64xi32, #tpu.memory_space<vmem>>
      %dma_start3A_890 = tpu.memref_squeeze %dma_start3A_889 : memref<1x64xi32, #tpu.memory_space<vmem>> -> memref<64xi32, #tpu.memory_space<vmem>>
      %dma_start3A_891 = arith.constant 0 : i32
      %dma_start3A_892 = arith.constant 0 : i32
      %dma_start3A_893 = tpu.memref_slice %arg25[%dma_start3A_891, %dma_start3A_892] : memref<10112x128xf32, #tpu.memory_space<vmem_shared>> -> memref<10112x128xf32, #tpu.memory_space<vmem_shared>>
      tpu.enqueue_indirect_dma source(%arg24 : memref<64x128xf32, #tpu.memory_space<vmem>>) target(%dma_start3A_893 : memref<10112x128xf32, #tpu.memory_space<vmem_shared>>) offsets(%dma_start3A_890 : memref<64xi32, #tpu.memory_space<vmem>>) semaphore(%arg29 : memref<!tpu.dma_semaphore, #tpu.memory_space<semaphore_mem>>) {add = true}
      %dma_wait3A_894 = arith.constant 0 : i32
      %dma_wait3A_895 = tpu.memref_slice %arg22[%add3A_881, %dma_wait3A_894] : memref<120x64xi32, #tpu.memory_space<vmem>> -> memref<1x64xi32, #tpu.memory_space<vmem>>
      %dma_wait3A_896 = tpu.memref_squeeze %dma_wait3A_895 : memref<1x64xi32, #tpu.memory_space<vmem>> -> memref<64xi32, #tpu.memory_space<vmem>>
      %dma_wait3A_897 = arith.constant 0 : i32
      %dma_wait3A_898 = arith.constant 0 : i32
      %dma_wait3A_899 = tpu.memref_slice %arg25[%dma_wait3A_897, %dma_wait3A_898] : memref<10112x128xf32, #tpu.memory_space<vmem_shared>> -> memref<10112x128xf32, #tpu.memory_space<vmem_shared>>
      tpu.wait_indirect_dma semaphore(%arg29 : memref<!tpu.dma_semaphore, #tpu.memory_space<semaphore_mem>>) src(%arg24 : memref<64x128xf32, #tpu.memory_space<vmem>>) dst(%dma_wait3A_899 : memref<10112x128xf32, #tpu.memory_space<vmem_shared>>)
      %add3A_900 = arith.constant 2 : i32
      %add3A_901 = arith.addi %add3A_881, %add3A_900 : i32
      %dma_start3A_902 = arith.constant 0 : i32
      %dma_start3A_903 = tpu.memref_slice %arg21[%add3A_901, %dma_start3A_902] : memref<120x64xi32, #tpu.memory_space<vmem>> -> memref<1x64xi32, #tpu.memory_space<vmem>>
      %dma_start3A_904 = tpu.memref_squeeze %dma_start3A_903 : memref<1x64xi32, #tpu.memory_space<vmem>> -> memref<64xi32, #tpu.memory_space<vmem>>
      %dma_start3A_905 = arith.constant 0 : i32
      %dma_start3A_906 = arith.constant 0 : i32
      %dma_start3A_907 = tpu.memref_slice %arg10[%dma_start3A_905, %dma_start3A_906] : memref<10000x128xf32, #tpu.memory_space<hbm>> -> memref<10000x128xf32, #tpu.memory_space<hbm>>
      tpu.enqueue_indirect_dma source(%dma_start3A_907 : memref<10000x128xf32, #tpu.memory_space<hbm>>) target(%arg24 : memref<64x128xf32, #tpu.memory_space<vmem>>) offsets(%dma_start3A_904 : memref<64xi32, #tpu.memory_space<vmem>>) semaphore(%arg27 : memref<!tpu.dma_semaphore, #tpu.memory_space<semaphore_mem>>)
    }
    %while3A_581 = arith.constant 1 : i32
    scf.for %while3A_847 = %while3A_579 to %while3A_575 step %while3A_581  : i32 {
      %mul3A_848 = arith.constant 2 : i32
      %mul3A_849 = arith.muli %mul3A_848, %while3A_847 : i32
      %add3A_850 = arith.constant 0 : i32
      %add3A_851 = arith.addi %mul3A_849, %add3A_850 : i32
      %dma_wait3A_852 = arith.constant 0 : i32
      %dma_wait3A_853 = tpu.memref_slice %arg21[%add3A_851, %dma_wait3A_852] : memref<120x64xi32, #tpu.memory_space<vmem>> -> memref<1x64xi32, #tpu.memory_space<vmem>>
      %dma_wait3A_854 = tpu.memref_squeeze %dma_wait3A_853 : memref<1x64xi32, #tpu.memory_space<vmem>> -> memref<64xi32, #tpu.memory_space<vmem>>
      %dma_wait3A_855 = arith.constant 0 : i32
      %dma_wait3A_856 = arith.constant 0 : i32
      %dma_wait3A_857 = tpu.memref_slice %arg10[%dma_wait3A_855, %dma_wait3A_856] : memref<10000x128xf32, #tpu.memory_space<hbm>> -> memref<10000x128xf32, #tpu.memory_space<hbm>>
      tpu.wait_indirect_dma semaphore(%arg26 : memref<!tpu.dma_semaphore, #tpu.memory_space<semaphore_mem>>) src(%dma_wait3A_857 : memref<10000x128xf32, #tpu.memory_space<hbm>>) dst(%arg23 : memref<64x128xf32, #tpu.memory_space<vmem>>)
      %dma_start3A_858 = arith.constant 0 : i32
      %dma_start3A_859 = tpu.memref_slice %arg22[%add3A_851, %dma_start3A_858] : memref<120x64xi32, #tpu.memory_space<vmem>> -> memref<1x64xi32, #tpu.memory_space<vmem>>
      %dma_start3A_860 = tpu.memref_squeeze %dma_start3A_859 : memref<1x64xi32, #tpu.memory_space<vmem>> -> memref<64xi32, #tpu.memory_space<vmem>>
      %dma_start3A_861 = arith.constant 0 : i32
      %dma_start3A_862 = arith.constant 0 : i32
      %dma_start3A_863 = tpu.memref_slice %arg25[%dma_start3A_861, %dma_start3A_862] : memref<10112x128xf32, #tpu.memory_space<vmem_shared>> -> memref<10112x128xf32, #tpu.memory_space<vmem_shared>>
      tpu.enqueue_indirect_dma source(%arg23 : memref<64x128xf32, #tpu.memory_space<vmem>>) target(%dma_start3A_863 : memref<10112x128xf32, #tpu.memory_space<vmem_shared>>) offsets(%dma_start3A_860 : memref<64xi32, #tpu.memory_space<vmem>>) semaphore(%arg28 : memref<!tpu.dma_semaphore, #tpu.memory_space<semaphore_mem>>) {add = true}
      %dma_wait3A_864 = arith.constant 0 : i32
      %dma_wait3A_865 = tpu.memref_slice %arg22[%add3A_851, %dma_wait3A_864] : memref<120x64xi32, #tpu.memory_space<vmem>> -> memref<1x64xi32, #tpu.memory_space<vmem>>
      %dma_wait3A_866 = tpu.memref_squeeze %dma_wait3A_865 : memref<1x64xi32, #tpu.memory_space<vmem>> -> memref<64xi32, #tpu.memory_space<vmem>>
      %dma_wait3A_867 = arith.constant 0 : i32
      %dma_wait3A_868 = arith.constant 0 : i32
      %dma_wait3A_869 = tpu.memref_slice %arg25[%dma_wait3A_867, %dma_wait3A_868] : memref<10112x128xf32, #tpu.memory_space<vmem_shared>> -> memref<10112x128xf32, #tpu.memory_space<vmem_shared>>
      tpu.wait_indirect_dma semaphore(%arg28 : memref<!tpu.dma_semaphore, #tpu.memory_space<semaphore_mem>>) src(%arg23 : memref<64x128xf32, #tpu.memory_space<vmem>>) dst(%dma_wait3A_869 : memref<10112x128xf32, #tpu.memory_space<vmem_shared>>)
      %add3A_870 = arith.constant 2 : i32
      %add3A_871 = arith.addi %add3A_851, %add3A_870 : i32
      %dma_start3A_872 = arith.constant 0 : i32
      %dma_start3A_873 = tpu.memref_slice %arg21[%add3A_871, %dma_start3A_872] : memref<120x64xi32, #tpu.memory_space<vmem>> -> memref<1x64xi32, #tpu.memory_space<vmem>>
      %dma_start3A_874 = tpu.memref_squeeze %dma_start3A_873 : memref<1x64xi32, #tpu.memory_space<vmem>> -> memref<64xi32, #tpu.memory_space<vmem>>
      %dma_start3A_875 = arith.constant 0 : i32
      %dma_start3A_876 = arith.constant 0 : i32
      %dma_start3A_877 = tpu.memref_slice %arg10[%dma_start3A_875, %dma_start3A_876] : memref<10000x128xf32, #tpu.memory_space<hbm>> -> memref<10000x128xf32, #tpu.memory_space<hbm>>
      tpu.enqueue_indirect_dma source(%dma_start3A_877 : memref<10000x128xf32, #tpu.memory_space<hbm>>) target(%arg23 : memref<64x128xf32, #tpu.memory_space<vmem>>) offsets(%dma_start3A_874 : memref<64xi32, #tpu.memory_space<vmem>>) semaphore(%arg26 : memref<!tpu.dma_semaphore, #tpu.memory_space<semaphore_mem>>)
      %mul3A_878 = arith.constant 2 : i32
      %mul3A_879 = arith.muli %mul3A_878, %while3A_847 : i32
      %add3A_880 = arith.constant 1 : i32
      %add3A_881 = arith.addi %mul3A_879, %add3A_880 : i32
      %dma_wait3A_882 = arith.constant 0 : i32
      %dma_wait3A_883 = tpu.memref_slice %arg21[%add3A_881, %dma_wait3A_882] : memref<120x64xi32, #tpu.memory_space<vmem>> -> memref<1x64xi32, #tpu.memory_space<vmem>>
      %dma_wait3A_884 = tpu.memref_squeeze %dma_wait3A_883 : memref<1x64xi32, #tpu.memory_space<vmem>> -> memref<64xi32, #tpu.memory_space<vmem>>
      %dma_wait3A_885 = arith.constant 0 : i32
      %dma_wait3A_886 = arith.constant 0 : i32
      %dma_wait3A_887 = tpu.memref_slice %arg10[%dma_wait3A_885, %dma_wait3A_886] : memref<10000x128xf32, #tpu.memory_space<hbm>> -> memref<10000x128xf32, #tpu.memory_space<hbm>>
      tpu.wait_indirect_dma semaphore(%arg27 : memref<!tpu.dma_semaphore, #tpu.memory_space<semaphore_mem>>) src(%dma_wait3A_887 : memref<10000x128xf32, #tpu.memory_space<hbm>>) dst(%arg24 : memref<64x128xf32, #tpu.memory_space<vmem>>)
      %dma_start3A_888 = arith.constant 0 : i32
      %dma_start3A_889 = tpu.memref_slice %arg22[%add3A_881, %dma_start3A_888] : memref<120x64xi32, #tpu.memory_space<vmem>> -> memref<1x64xi32, #tpu.memory_space<vmem>>
      %dma_start3A_890 = tpu.memref_squeeze %dma_start3A_889 : memref<1x64xi32, #tpu.memory_space<vmem>> -> memref<64xi32, #tpu.memory_space<vmem>>
      %dma_start3A_891 = arith.constant 0 : i32
      %dma_start3A_892 = arith.constant 0 : i32
      %dma_start3A_893 = tpu.memref_slice %arg25[%dma_start3A_891, %dma_start3A_892] : memref<10112x128xf32, #tpu.memory_space<vmem_shared>> -> memref<10112x128xf32, #tpu.memory_space<vmem_shared>>
      tpu.enqueue_indirect_dma source(%arg24 : memref<64x128xf32, #tpu.memory_space<vmem>>) target(%dma_start3A_893 : memref<10112x128xf32, #tpu.memory_space<vmem_shared>>) offsets(%dma_start3A_890 : memref<64xi32, #tpu.memory_space<vmem>>) semaphore(%arg29 : memref<!tpu.dma_semaphore, #tpu.memory_space<semaphore_mem>>) {add = true}
      %dma_wait3A_894 = arith.constant 0 : i32
      %dma_wait3A_895 = tpu.memref_slice %arg22[%add3A_881, %dma_wait3A_894] : memref<120x64xi32, #tpu.memory_space<vmem>> -> memref<1x64xi32, #tpu.memory_space<vmem>>
      %dma_wait3A_896 = tpu.memref_squeeze %dma_wait3A_895 : memref<1x64xi32, #tpu.memory_space<vmem>> -> memref<64xi32, #tpu.memory_space<vmem>>
      %dma_wait3A_897 = arith.constant 0 : i32
      %dma_wait3A_898 = arith.constant 0 : i32
      %dma_wait3A_899 = tpu.memref_slice %arg25[%dma_wait3A_897, %dma_wait3A_898] : memref<10112x128xf32, #tpu.memory_space<vmem_shared>> -> memref<10112x128xf32, #tpu.memory_space<vmem_shared>>
      tpu.wait_indirect_dma semaphore(%arg29 : memref<!tpu.dma_semaphore, #tpu.memory_space<semaphore_mem>>) src(%arg24 : memref<64x128xf32, #tpu.memory_space<vmem>>) dst(%dma_wait3A_899 : memref<10112x128xf32, #tpu.memory_space<vmem_shared>>)
      %add3A_900 = arith.constant 2 : i32
      %add3A_901 = arith.addi %add3A_881, %add3A_900 : i32
      %dma_start3A_902 = arith.constant 0 : i32
      %dma_start3A_903 = tpu.memref_slice %arg21[%add3A_901, %dma_start3A_902] : memref<120x64xi32, #tpu.memory_space<vmem>> -> memref<1x64xi32, #tpu.memory_space<vmem>>
      %dma_start3A_904 = tpu.memref_squeeze %dma_start3A_903 : memref<1x64xi32, #tpu.memory_space<vmem>> -> memref<64xi32, #tpu.memory_space<vmem>>
      %dma_start3A_905 = arith.constant 0 : i32
      %dma_start3A_906 = arith.constant 0 : i32
      %dma_start3A_907 = tpu.memref_slice %arg10[%dma_start3A_905, %dma_start3A_906] : memref<10000x128xf32, #tpu.memory_space<hbm>> -> memref<10000x128xf32, #tpu.memory_space<hbm>>
      tpu.enqueue_indirect_dma source(%dma_start3A_907 : memref<10000x128xf32, #tpu.memory_space<hbm>>) target(%arg24 : memref<64x128xf32, #tpu.memory_space<vmem>>) offsets(%dma_start3A_904 : memref<64xi32, #tpu.memory_space<vmem>>) semaphore(%arg27 : memref<!tpu.dma_semaphore, #tpu.memory_space<semaphore_mem>>)
    }
    %sub3A_582 = arith.constant 2 : i32
    %sub3A_583 = arith.subi %select_n3A, %sub3A_582 : i32
    %add3A_584 = arith.constant 0 : i32
    %add3A_585 = arith.addi %sub3A_583, %add3A_584 : i32
    %dma_wait3A_586 = arith.constant 0 : i32
    %dma_wait3A_587 = tpu.memref_slice %arg21[%add3A_585, %dma_wait3A_586] : memref<120x64xi32, #tpu.memory_space<vmem>> -> memref<1x64xi32, #tpu.memory_space<vmem>>
    %dma_wait3A_588 = tpu.memref_squeeze %dma_wait3A_587 : memref<1x64xi32, #tpu.memory_space<vmem>> -> memref<64xi32, #tpu.memory_space<vmem>>
    %dma_wait3A_589 = arith.constant 0 : i32
    %dma_wait3A_590 = arith.constant 0 : i32
    %dma_wait3A_591 = tpu.memref_slice %arg10[%dma_wait3A_589, %dma_wait3A_590] : memref<10000x128xf32, #tpu.memory_space<hbm>> -> memref<10000x128xf32, #tpu.memory_space<hbm>>
    tpu.wait_indirect_dma semaphore(%arg26 : memref<!tpu.dma_semaphore, #tpu.memory_space<semaphore_mem>>) src(%dma_wait3A_591 : memref<10000x128xf32, #tpu.memory_space<hbm>>) dst(%arg23 : memref<64x128xf32, #tpu.memory_space<vmem>>)
    %dma_start3A_592 = arith.constant 0 : i32
    %dma_start3A_593 = tpu.memref_slice %arg22[%add3A_585, %dma_start3A_592] : memref<120x64xi32, #tpu.memory_space<vmem>> -> memref<1x64xi32, #tpu.memory_space<vmem>>
    %dma_start3A_594 = tpu.memref_squeeze %dma_start3A_593 : memref<1x64xi32, #tpu.memory_space<vmem>> -> memref<64xi32, #tpu.memory_space<vmem>>
    %dma_start3A_595 = arith.constant 0 : i32
    %dma_start3A_596 = arith.constant 0 : i32
    %dma_start3A_597 = tpu.memref_slice %arg25[%dma_start3A_595, %dma_start3A_596] : memref<10112x128xf32, #tpu.memory_space<vmem_shared>> -> memref<10112x128xf32, #tpu.memory_space<vmem_shared>>
    tpu.enqueue_indirect_dma source(%arg23 : memref<64x128xf32, #tpu.memory_space<vmem>>) target(%dma_start3A_597 : memref<10112x128xf32, #tpu.memory_space<vmem_shared>>) offsets(%dma_start3A_594 : memref<64xi32, #tpu.memory_space<vmem>>) semaphore(%arg28 : memref<!tpu.dma_semaphore, #tpu.memory_space<semaphore_mem>>) {add = true}
    %dma_wait3A_598 = arith.constant 0 : i32
    %dma_wait3A_599 = tpu.memref_slice %arg22[%add3A_585, %dma_wait3A_598] : memref<120x64xi32, #tpu.memory_space<vmem>> -> memref<1x64xi32, #tpu.memory_space<vmem>>
    %dma_wait3A_600 = tpu.memref_squeeze %dma_wait3A_599 : memref<1x64xi32, #tpu.memory_space<vmem>> -> memref<64xi32, #tpu.memory_space<vmem>>
    %dma_wait3A_601 = arith.constant 0 : i32
    %dma_wait3A_602 = arith.constant 0 : i32
    %dma_wait3A_603 = tpu.memref_slice %arg25[%dma_wait3A_601, %dma_wait3A_602] : memref<10112x128xf32, #tpu.memory_space<vmem_shared>> -> memref<10112x128xf32, #tpu.memory_space<vmem_shared>>
    tpu.wait_indirect_dma semaphore(%arg28 : memref<!tpu.dma_semaphore, #tpu.memory_space<semaphore_mem>>) src(%arg23 : memref<64x128xf32, #tpu.memory_space<vmem>>) dst(%dma_wait3A_603 : memref<10112x128xf32, #tpu.memory_space<vmem_shared>>)
    %sub3A_604 = arith.constant 2 : i32
    %sub3A_605 = arith.subi %select_n3A, %sub3A_604 : i32
    %add3A_606 = arith.constant 1 : i32
    %add3A_607 = arith.addi %sub3A_605, %add3A_606 : i32
    %dma_wait3A_608 = arith.constant 0 : i32
    %dma_wait3A_609 = tpu.memref_slice %arg21[%add3A_607, %dma_wait3A_608] : memref<120x64xi32, #tpu.memory_space<vmem>> -> memref<1x64xi32, #tpu.memory_space<vmem>>
    %dma_wait3A_610 = tpu.memref_squeeze %dma_wait3A_609 : memref<1x64xi32, #tpu.memory_space<vmem>> -> memref<64xi32, #tpu.memory_space<vmem>>
    %dma_wait3A_611 = arith.constant 0 : i32
    %dma_wait3A_612 = arith.constant 0 : i32
    %dma_wait3A_613 = tpu.memref_slice %arg10[%dma_wait3A_611, %dma_wait3A_612] : memref<10000x128xf32, #tpu.memory_space<hbm>> -> memref<10000x128xf32, #tpu.memory_space<hbm>>
    tpu.wait_indirect_dma semaphore(%arg27 : memref<!tpu.dma_semaphore, #tpu.memory_space<semaphore_mem>>) src(%dma_wait3A_613 : memref<10000x128xf32, #tpu.memory_space<hbm>>) dst(%arg24 : memref<64x128xf32, #tpu.memory_space<vmem>>)
    %dma_start3A_614 = arith.constant 0 : i32
    %dma_start3A_615 = tpu.memref_slice %arg22[%add3A_607, %dma_start3A_614] : memref<120x64xi32, #tpu.memory_space<vmem>> -> memref<1x64xi32, #tpu.memory_space<vmem>>
    %dma_start3A_616 = tpu.memref_squeeze %dma_start3A_615 : memref<1x64xi32, #tpu.memory_space<vmem>> -> memref<64xi32, #tpu.memory_space<vmem>>
    %dma_start3A_617 = arith.constant 0 : i32
    %dma_start3A_618 = arith.constant 0 : i32
    %dma_start3A_619 = tpu.memref_slice %arg25[%dma_start3A_617, %dma_start3A_618] : memref<10112x128xf32, #tpu.memory_space<vmem_shared>> -> memref<10112x128xf32, #tpu.memory_space<vmem_shared>>
    tpu.enqueue_indirect_dma source(%arg24 : memref<64x128xf32, #tpu.memory_space<vmem>>) target(%dma_start3A_619 : memref<10112x128xf32, #tpu.memory_space<vmem_shared>>) offsets(%dma_start3A_616 : memref<64xi32, #tpu.memory_space<vmem>>) semaphore(%arg29 : memref<!tpu.dma_semaphore, #tpu.memory_space<semaphore_mem>>) {add = true}
    %dma_wait3A_620 = arith.constant 0 : i32
    %dma_wait3A_621 = tpu.memref_slice %arg22[%add3A_607, %dma_wait3A_620] : memref<120x64xi32, #tpu.memory_space<vmem>> -> memref<1x64xi32, #tpu.memory_space<vmem>>
    %dma_wait3A_622 = tpu.memref_squeeze %dma_wait3A_621 : memref<1x64xi32, #tpu.memory_space<vmem>> -> memref<64xi32, #tpu.memory_space<vmem>>
    %dma_wait3A_623 = arith.constant 0 : i32
    %dma_wait3A_624 = arith.constant 0 : i32
    %dma_wait3A_625 = tpu.memref_slice %arg25[%dma_wait3A_623, %dma_wait3A_624] : memref<10112x128xf32, #tpu.memory_space<vmem_shared>> -> memref<10112x128xf32, #tpu.memory_space<vmem_shared>>
    tpu.wait_indirect_dma semaphore(%arg29 : memref<!tpu.dma_semaphore, #tpu.memory_space<semaphore_mem>>) src(%arg24 : memref<64x128xf32, #tpu.memory_space<vmem>>) dst(%dma_wait3A_625 : memref<10112x128xf32, #tpu.memory_space<vmem_shared>>)
    %barrier3A_626 = arith.constant 0 : index
    tpu.barrier barrier_id(%barrier3A_626)
    %mul3A_627 = arith.constant 632 : i32
    %mul3A_628 = arith.muli %arg1, %mul3A_627 : i32
    %mul3A_629 = arith.constant 10112 : i32
    %mul3A_630 = arith.muli %arg0, %mul3A_629 : i32
    %mul3A_631 = arith.constant 632 : i32
    %mul3A_632 = arith.muli %arg1, %mul3A_631 : i32
    %add3A_633 = arith.addi %mul3A_630, %mul3A_632 : i32
    "tpu.region"() ({
      %run_scoped3A = tpu.sem_alloc : memref<!tpu.dma_semaphore, #tpu.memory_space<semaphore_mem>>
      %dma_start3A_847 = arith.constant 0 : i32
      %dma_start3A_848 = tpu.memref_slice %arg18[%add3A_633, %dma_start3A_847] : memref<20224x128xf32, #tpu.memory_space<hbm>> -> memref<632x128xf32, #tpu.memory_space<hbm>>
      %dma_start3A_849 = arith.constant 0 : i32
      %dma_start3A_850 = tpu.memref_slice %arg25[%mul3A_628, %dma_start3A_849] : memref<10112x128xf32, #tpu.memory_space<vmem_shared>> -> memref<632x128xf32, #tpu.memory_space<vmem_shared>>
      tpu.enqueue_dma source(%dma_start3A_850 : memref<632x128xf32, #tpu.memory_space<vmem_shared>>) target(%dma_start3A_848 : memref<632x128xf32, #tpu.memory_space<hbm>>) target_semaphore(%run_scoped3A : memref<!tpu.dma_semaphore, #tpu.memory_space<semaphore_mem>>)
      %dma_wait3A_851 = arith.constant 0 : i32
      %dma_wait3A_852 = tpu.memref_slice %arg18[%add3A_633, %dma_wait3A_851] : memref<20224x128xf32, #tpu.memory_space<hbm>> -> memref<632x128xf32, #tpu.memory_space<hbm>>
      %dma_wait3A_853 = arith.constant 0 : i32
      %dma_wait3A_854 = tpu.memref_slice %arg25[%mul3A_628, %dma_wait3A_853] : memref<10112x128xf32, #tpu.memory_space<vmem_shared>> -> memref<632x128xf32, #tpu.memory_space<vmem_shared>>
      tpu.wait_dma2 semaphore(%run_scoped3A : memref<!tpu.dma_semaphore, #tpu.memory_space<semaphore_mem>>) src(%dma_wait3A_854 : memref<632x128xf32, #tpu.memory_space<vmem_shared>>) dst(%dma_wait3A_852 : memref<632x128xf32, #tpu.memory_space<hbm>>)
      tpu.yield
    }) : () -> ()
    %barrier3A_634 = arith.constant 0 : index
    tpu.barrier barrier_id(%barrier3A_634)
    %mul3A_635 = arith.constant 632 : i32
    %mul3A_636 = arith.muli %arg1, %mul3A_635 : i32
    "tpu.region"() ({
      %run_scoped3A = tpu.sem_alloc : memref<!tpu.dma_semaphore, #tpu.memory_space<semaphore_mem>>
      %dma_start3A_847 = arith.constant 0 : i32
      %dma_start3A_848 = tpu.memref_slice %arg25[%mul3A_636, %dma_start3A_847] : memref<10112x128xf32, #tpu.memory_space<vmem_shared>> -> memref<632x128xf32, #tpu.memory_space<vmem_shared>>
      tpu.enqueue_dma source(%arg4 : memref<632x128xf32, #tpu.memory_space<hbm>>) target(%dma_start3A_848 : memref<632x128xf32, #tpu.memory_space<vmem_shared>>) target_semaphore(%run_scoped3A : memref<!tpu.dma_semaphore, #tpu.memory_space<semaphore_mem>>)
      %dma_wait3A_849 = arith.constant 0 : i32
      %dma_wait3A_850 = tpu.memref_slice %arg25[%mul3A_636, %dma_wait3A_849] : memref<10112x128xf32, #tpu.memory_space<vmem_shared>> -> memref<632x128xf32, #tpu.memory_space<vmem_shared>>
      tpu.wait_dma2 semaphore(%run_scoped3A : memref<!tpu.dma_semaphore, #tpu.memory_space<semaphore_mem>>) src(%arg4 : memref<632x128xf32, #tpu.memory_space<hbm>>) dst(%dma_wait3A_850 : memref<632x128xf32, #tpu.memory_space<vmem_shared>>)
      tpu.yield
    }) : () -> ()
    %barrier3A_637 = arith.constant 0 : index
    tpu.barrier barrier_id(%barrier3A_637)
    %dma_start3A_638 = arith.constant 0 : i32
    %dma_start3A_639 = arith.constant 0 : i32
    %dma_start3A_640 = tpu.memref_slice %arg21[%dma_start3A_638, %dma_start3A_639] : memref<120x64xi32, #tpu.memory_space<vmem>> -> memref<1x64xi32, #tpu.memory_space<vmem>>
    %dma_start3A_641 = tpu.memref_squeeze %dma_start3A_640 : memref<1x64xi32, #tpu.memory_space<vmem>> -> memref<64xi32, #tpu.memory_space<vmem>>
    %dma_start3A_642 = arith.constant 0 : i32
    %dma_start3A_643 = arith.constant 0 : i32
    %dma_start3A_644 = tpu.memref_slice %arg11[%dma_start3A_642, %dma_start3A_643] : memref<10000x128xf32, #tpu.memory_space<hbm>> -> memref<10000x128xf32, #tpu.memory_space<hbm>>
    tpu.enqueue_indirect_dma source(%dma_start3A_644 : memref<10000x128xf32, #tpu.memory_space<hbm>>) target(%arg23 : memref<64x128xf32, #tpu.memory_space<vmem>>) offsets(%dma_start3A_641 : memref<64xi32, #tpu.memory_space<vmem>>) semaphore(%arg26 : memref<!tpu.dma_semaphore, #tpu.memory_space<semaphore_mem>>)
    %dma_start3A_645 = arith.constant 1 : i32
    %dma_start3A_646 = arith.constant 0 : i32
    %dma_start3A_647 = tpu.memref_slice %arg21[%dma_start3A_645, %dma_start3A_646] : memref<120x64xi32, #tpu.memory_space<vmem>> -> memref<1x64xi32, #tpu.memory_space<vmem>>
    %dma_start3A_648 = tpu.memref_squeeze %dma_start3A_647 : memref<1x64xi32, #tpu.memory_space<vmem>> -> memref<64xi32, #tpu.memory_space<vmem>>
    %dma_start3A_649 = arith.constant 0 : i32
    %dma_start3A_650 = arith.constant 0 : i32
    %dma_start3A_651 = tpu.memref_slice %arg11[%dma_start3A_649, %dma_start3A_650] : memref<10000x128xf32, #tpu.memory_space<hbm>> -> memref<10000x128xf32, #tpu.memory_space<hbm>>
    tpu.enqueue_indirect_dma source(%dma_start3A_651 : memref<10000x128xf32, #tpu.memory_space<hbm>>) target(%arg24 : memref<64x128xf32, #tpu.memory_space<vmem>>) offsets(%dma_start3A_648 : memref<64xi32, #tpu.memory_space<vmem>>) semaphore(%arg27 : memref<!tpu.dma_semaphore, #tpu.memory_space<semaphore_mem>>)
    %jit3A_652 = arith.constant 2 : i32
    %div3A_653 = arith.divsi %select_n3A, %jit3A_652 : i32
    %sign3A_654 = arith.constant 0 : i32
    %sign3A_655 = arith.cmpi sgt, %select_n3A, %sign3A_654 : i32
    %sign3A_656 = arith.extui %sign3A_655 : i1 to i32
    %sign3A_657 = arith.constant 0 : i32
    %sign3A_658 = arith.cmpi slt, %select_n3A, %sign3A_657 : i32
    %sign3A_659 = arith.extui %sign3A_658 : i1 to i32
    %sign3A_660 = arith.subi %sign3A_656, %sign3A_659 : i32
    %sign3A_661 = arith.constant 0 : i32
    %sign3A_662 = arith.cmpi sgt, %jit3A_652, %sign3A_661 : i32
    %sign3A_663 = arith.extui %sign3A_662 : i1 to i32
    %sign3A_664 = arith.constant 0 : i32
    %sign3A_665 = arith.cmpi slt, %jit3A_652, %sign3A_664 : i32
    %sign3A_666 = arith.extui %sign3A_665 : i1 to i32
    %sign3A_667 = arith.subi %sign3A_663, %sign3A_666 : i32
    %ne3A_668 = arith.cmpi ne, %sign3A_660, %sign3A_667 : i32
    %rem3A_669 = arith.remsi %select_n3A, %jit3A_652 : i32
    %ne3A_670 = arith.constant 0 : i32
    %ne3A_671 = arith.cmpi ne, %rem3A_669, %ne3A_670 : i32
    %and3A_672 = arith.andi %ne3A_668, %ne3A_671 : i1
    %sub3A_673 = arith.constant 1 : i32
    %sub3A_674 = arith.subi %div3A_653, %sub3A_673 : i32
    %select_n3A_675 = arith.select %and3A_672, %sub3A_674, %div3A_653 : i32
    %sub3A_676 = arith.constant 1 : i32
    %sub3A_677 = arith.subi %select_n3A_675, %sub3A_676 : i32
    %while3A_678 = arith.constant 0 : i32
    %while3A_679 = arith.constant 0 : i32
    %while3A_680 = arith.subi %sub3A_677, %while3A_679 : i32
    %while3A_681 = arith.addi %while3A_679, %while3A_680 : i32
    %while3A_682 = arith.constant 1 : i32
    %while3A_683 = arith.divsi %while3A_680, %while3A_682 : i32
    %while3A_684 = arith.muli %while3A_683, %while3A_682 : i32
    %while3A_685 = arith.addi %while3A_679, %while3A_684 : i32
    %while3A_686 = arith.constant 1 : i32
    scf.for %while3A_847 = %while3A_679 to %while3A_685 step %while3A_686  : i32 {
      %mul3A_848 = arith.constant 2 : i32
      %mul3A_849 = arith.muli %mul3A_848, %while3A_847 : i32
      %add3A_850 = arith.constant 0 : i32
      %add3A_851 = arith.addi %mul3A_849, %add3A_850 : i32
      %dma_wait3A_852 = arith.constant 0 : i32
      %dma_wait3A_853 = tpu.memref_slice %arg21[%add3A_851, %dma_wait3A_852] : memref<120x64xi32, #tpu.memory_space<vmem>> -> memref<1x64xi32, #tpu.memory_space<vmem>>
      %dma_wait3A_854 = tpu.memref_squeeze %dma_wait3A_853 : memref<1x64xi32, #tpu.memory_space<vmem>> -> memref<64xi32, #tpu.memory_space<vmem>>
      %dma_wait3A_855 = arith.constant 0 : i32
      %dma_wait3A_856 = arith.constant 0 : i32
      %dma_wait3A_857 = tpu.memref_slice %arg11[%dma_wait3A_855, %dma_wait3A_856] : memref<10000x128xf32, #tpu.memory_space<hbm>> -> memref<10000x128xf32, #tpu.memory_space<hbm>>
      tpu.wait_indirect_dma semaphore(%arg26 : memref<!tpu.dma_semaphore, #tpu.memory_space<semaphore_mem>>) src(%dma_wait3A_857 : memref<10000x128xf32, #tpu.memory_space<hbm>>) dst(%arg23 : memref<64x128xf32, #tpu.memory_space<vmem>>)
      %dma_start3A_858 = arith.constant 0 : i32
      %dma_start3A_859 = tpu.memref_slice %arg22[%add3A_851, %dma_start3A_858] : memref<120x64xi32, #tpu.memory_space<vmem>> -> memref<1x64xi32, #tpu.memory_space<vmem>>
      %dma_start3A_860 = tpu.memref_squeeze %dma_start3A_859 : memref<1x64xi32, #tpu.memory_space<vmem>> -> memref<64xi32, #tpu.memory_space<vmem>>
      %dma_start3A_861 = arith.constant 0 : i32
      %dma_start3A_862 = arith.constant 0 : i32
      %dma_start3A_863 = tpu.memref_slice %arg25[%dma_start3A_861, %dma_start3A_862] : memref<10112x128xf32, #tpu.memory_space<vmem_shared>> -> memref<10112x128xf32, #tpu.memory_space<vmem_shared>>
      tpu.enqueue_indirect_dma source(%arg23 : memref<64x128xf32, #tpu.memory_space<vmem>>) target(%dma_start3A_863 : memref<10112x128xf32, #tpu.memory_space<vmem_shared>>) offsets(%dma_start3A_860 : memref<64xi32, #tpu.memory_space<vmem>>) semaphore(%arg28 : memref<!tpu.dma_semaphore, #tpu.memory_space<semaphore_mem>>) {add = true}
      %dma_wait3A_864 = arith.constant 0 : i32
      %dma_wait3A_865 = tpu.memref_slice %arg22[%add3A_851, %dma_wait3A_864] : memref<120x64xi32, #tpu.memory_space<vmem>> -> memref<1x64xi32, #tpu.memory_space<vmem>>
      %dma_wait3A_866 = tpu.memref_squeeze %dma_wait3A_865 : memref<1x64xi32, #tpu.memory_space<vmem>> -> memref<64xi32, #tpu.memory_space<vmem>>
      %dma_wait3A_867 = arith.constant 0 : i32
      %dma_wait3A_868 = arith.constant 0 : i32
      %dma_wait3A_869 = tpu.memref_slice %arg25[%dma_wait3A_867, %dma_wait3A_868] : memref<10112x128xf32, #tpu.memory_space<vmem_shared>> -> memref<10112x128xf32, #tpu.memory_space<vmem_shared>>
      tpu.wait_indirect_dma semaphore(%arg28 : memref<!tpu.dma_semaphore, #tpu.memory_space<semaphore_mem>>) src(%arg23 : memref<64x128xf32, #tpu.memory_space<vmem>>) dst(%dma_wait3A_869 : memref<10112x128xf32, #tpu.memory_space<vmem_shared>>)
      %add3A_870 = arith.constant 2 : i32
      %add3A_871 = arith.addi %add3A_851, %add3A_870 : i32
      %dma_start3A_872 = arith.constant 0 : i32
      %dma_start3A_873 = tpu.memref_slice %arg21[%add3A_871, %dma_start3A_872] : memref<120x64xi32, #tpu.memory_space<vmem>> -> memref<1x64xi32, #tpu.memory_space<vmem>>
      %dma_start3A_874 = tpu.memref_squeeze %dma_start3A_873 : memref<1x64xi32, #tpu.memory_space<vmem>> -> memref<64xi32, #tpu.memory_space<vmem>>
      %dma_start3A_875 = arith.constant 0 : i32
      %dma_start3A_876 = arith.constant 0 : i32
      %dma_start3A_877 = tpu.memref_slice %arg11[%dma_start3A_875, %dma_start3A_876] : memref<10000x128xf32, #tpu.memory_space<hbm>> -> memref<10000x128xf32, #tpu.memory_space<hbm>>
      tpu.enqueue_indirect_dma source(%dma_start3A_877 : memref<10000x128xf32, #tpu.memory_space<hbm>>) target(%arg23 : memref<64x128xf32, #tpu.memory_space<vmem>>) offsets(%dma_start3A_874 : memref<64xi32, #tpu.memory_space<vmem>>) semaphore(%arg26 : memref<!tpu.dma_semaphore, #tpu.memory_space<semaphore_mem>>)
      %mul3A_878 = arith.constant 2 : i32
      %mul3A_879 = arith.muli %mul3A_878, %while3A_847 : i32
      %add3A_880 = arith.constant 1 : i32
      %add3A_881 = arith.addi %mul3A_879, %add3A_880 : i32
      %dma_wait3A_882 = arith.constant 0 : i32
      %dma_wait3A_883 = tpu.memref_slice %arg21[%add3A_881, %dma_wait3A_882] : memref<120x64xi32, #tpu.memory_space<vmem>> -> memref<1x64xi32, #tpu.memory_space<vmem>>
      %dma_wait3A_884 = tpu.memref_squeeze %dma_wait3A_883 : memref<1x64xi32, #tpu.memory_space<vmem>> -> memref<64xi32, #tpu.memory_space<vmem>>
      %dma_wait3A_885 = arith.constant 0 : i32
      %dma_wait3A_886 = arith.constant 0 : i32
      %dma_wait3A_887 = tpu.memref_slice %arg11[%dma_wait3A_885, %dma_wait3A_886] : memref<10000x128xf32, #tpu.memory_space<hbm>> -> memref<10000x128xf32, #tpu.memory_space<hbm>>
      tpu.wait_indirect_dma semaphore(%arg27 : memref<!tpu.dma_semaphore, #tpu.memory_space<semaphore_mem>>) src(%dma_wait3A_887 : memref<10000x128xf32, #tpu.memory_space<hbm>>) dst(%arg24 : memref<64x128xf32, #tpu.memory_space<vmem>>)
      %dma_start3A_888 = arith.constant 0 : i32
      %dma_start3A_889 = tpu.memref_slice %arg22[%add3A_881, %dma_start3A_888] : memref<120x64xi32, #tpu.memory_space<vmem>> -> memref<1x64xi32, #tpu.memory_space<vmem>>
      %dma_start3A_890 = tpu.memref_squeeze %dma_start3A_889 : memref<1x64xi32, #tpu.memory_space<vmem>> -> memref<64xi32, #tpu.memory_space<vmem>>
      %dma_start3A_891 = arith.constant 0 : i32
      %dma_start3A_892 = arith.constant 0 : i32
      %dma_start3A_893 = tpu.memref_slice %arg25[%dma_start3A_891, %dma_start3A_892] : memref<10112x128xf32, #tpu.memory_space<vmem_shared>> -> memref<10112x128xf32, #tpu.memory_space<vmem_shared>>
      tpu.enqueue_indirect_dma source(%arg24 : memref<64x128xf32, #tpu.memory_space<vmem>>) target(%dma_start3A_893 : memref<10112x128xf32, #tpu.memory_space<vmem_shared>>) offsets(%dma_start3A_890 : memref<64xi32, #tpu.memory_space<vmem>>) semaphore(%arg29 : memref<!tpu.dma_semaphore, #tpu.memory_space<semaphore_mem>>) {add = true}
      %dma_wait3A_894 = arith.constant 0 : i32
      %dma_wait3A_895 = tpu.memref_slice %arg22[%add3A_881, %dma_wait3A_894] : memref<120x64xi32, #tpu.memory_space<vmem>> -> memref<1x64xi32, #tpu.memory_space<vmem>>
      %dma_wait3A_896 = tpu.memref_squeeze %dma_wait3A_895 : memref<1x64xi32, #tpu.memory_space<vmem>> -> memref<64xi32, #tpu.memory_space<vmem>>
      %dma_wait3A_897 = arith.constant 0 : i32
      %dma_wait3A_898 = arith.constant 0 : i32
      %dma_wait3A_899 = tpu.memref_slice %arg25[%dma_wait3A_897, %dma_wait3A_898] : memref<10112x128xf32, #tpu.memory_space<vmem_shared>> -> memref<10112x128xf32, #tpu.memory_space<vmem_shared>>
      tpu.wait_indirect_dma semaphore(%arg29 : memref<!tpu.dma_semaphore, #tpu.memory_space<semaphore_mem>>) src(%arg24 : memref<64x128xf32, #tpu.memory_space<vmem>>) dst(%dma_wait3A_899 : memref<10112x128xf32, #tpu.memory_space<vmem_shared>>)
      %add3A_900 = arith.constant 2 : i32
      %add3A_901 = arith.addi %add3A_881, %add3A_900 : i32
      %dma_start3A_902 = arith.constant 0 : i32
      %dma_start3A_903 = tpu.memref_slice %arg21[%add3A_901, %dma_start3A_902] : memref<120x64xi32, #tpu.memory_space<vmem>> -> memref<1x64xi32, #tpu.memory_space<vmem>>
      %dma_start3A_904 = tpu.memref_squeeze %dma_start3A_903 : memref<1x64xi32, #tpu.memory_space<vmem>> -> memref<64xi32, #tpu.memory_space<vmem>>
      %dma_start3A_905 = arith.constant 0 : i32
      %dma_start3A_906 = arith.constant 0 : i32
      %dma_start3A_907 = tpu.memref_slice %arg11[%dma_start3A_905, %dma_start3A_906] : memref<10000x128xf32, #tpu.memory_space<hbm>> -> memref<10000x128xf32, #tpu.memory_space<hbm>>
      tpu.enqueue_indirect_dma source(%dma_start3A_907 : memref<10000x128xf32, #tpu.memory_space<hbm>>) target(%arg24 : memref<64x128xf32, #tpu.memory_space<vmem>>) offsets(%dma_start3A_904 : memref<64xi32, #tpu.memory_space<vmem>>) semaphore(%arg27 : memref<!tpu.dma_semaphore, #tpu.memory_space<semaphore_mem>>)
    }
    %while3A_687 = arith.constant 1 : i32
    scf.for %while3A_847 = %while3A_685 to %while3A_681 step %while3A_687  : i32 {
      %mul3A_848 = arith.constant 2 : i32
      %mul3A_849 = arith.muli %mul3A_848, %while3A_847 : i32
      %add3A_850 = arith.constant 0 : i32
      %add3A_851 = arith.addi %mul3A_849, %add3A_850 : i32
      %dma_wait3A_852 = arith.constant 0 : i32
      %dma_wait3A_853 = tpu.memref_slice %arg21[%add3A_851, %dma_wait3A_852] : memref<120x64xi32, #tpu.memory_space<vmem>> -> memref<1x64xi32, #tpu.memory_space<vmem>>
      %dma_wait3A_854 = tpu.memref_squeeze %dma_wait3A_853 : memref<1x64xi32, #tpu.memory_space<vmem>> -> memref<64xi32, #tpu.memory_space<vmem>>
      %dma_wait3A_855 = arith.constant 0 : i32
      %dma_wait3A_856 = arith.constant 0 : i32
      %dma_wait3A_857 = tpu.memref_slice %arg11[%dma_wait3A_855, %dma_wait3A_856] : memref<10000x128xf32, #tpu.memory_space<hbm>> -> memref<10000x128xf32, #tpu.memory_space<hbm>>
      tpu.wait_indirect_dma semaphore(%arg26 : memref<!tpu.dma_semaphore, #tpu.memory_space<semaphore_mem>>) src(%dma_wait3A_857 : memref<10000x128xf32, #tpu.memory_space<hbm>>) dst(%arg23 : memref<64x128xf32, #tpu.memory_space<vmem>>)
      %dma_start3A_858 = arith.constant 0 : i32
      %dma_start3A_859 = tpu.memref_slice %arg22[%add3A_851, %dma_start3A_858] : memref<120x64xi32, #tpu.memory_space<vmem>> -> memref<1x64xi32, #tpu.memory_space<vmem>>
      %dma_start3A_860 = tpu.memref_squeeze %dma_start3A_859 : memref<1x64xi32, #tpu.memory_space<vmem>> -> memref<64xi32, #tpu.memory_space<vmem>>
      %dma_start3A_861 = arith.constant 0 : i32
      %dma_start3A_862 = arith.constant 0 : i32
      %dma_start3A_863 = tpu.memref_slice %arg25[%dma_start3A_861, %dma_start3A_862] : memref<10112x128xf32, #tpu.memory_space<vmem_shared>> -> memref<10112x128xf32, #tpu.memory_space<vmem_shared>>
      tpu.enqueue_indirect_dma source(%arg23 : memref<64x128xf32, #tpu.memory_space<vmem>>) target(%dma_start3A_863 : memref<10112x128xf32, #tpu.memory_space<vmem_shared>>) offsets(%dma_start3A_860 : memref<64xi32, #tpu.memory_space<vmem>>) semaphore(%arg28 : memref<!tpu.dma_semaphore, #tpu.memory_space<semaphore_mem>>) {add = true}
      %dma_wait3A_864 = arith.constant 0 : i32
      %dma_wait3A_865 = tpu.memref_slice %arg22[%add3A_851, %dma_wait3A_864] : memref<120x64xi32, #tpu.memory_space<vmem>> -> memref<1x64xi32, #tpu.memory_space<vmem>>
      %dma_wait3A_866 = tpu.memref_squeeze %dma_wait3A_865 : memref<1x64xi32, #tpu.memory_space<vmem>> -> memref<64xi32, #tpu.memory_space<vmem>>
      %dma_wait3A_867 = arith.constant 0 : i32
      %dma_wait3A_868 = arith.constant 0 : i32
      %dma_wait3A_869 = tpu.memref_slice %arg25[%dma_wait3A_867, %dma_wait3A_868] : memref<10112x128xf32, #tpu.memory_space<vmem_shared>> -> memref<10112x128xf32, #tpu.memory_space<vmem_shared>>
      tpu.wait_indirect_dma semaphore(%arg28 : memref<!tpu.dma_semaphore, #tpu.memory_space<semaphore_mem>>) src(%arg23 : memref<64x128xf32, #tpu.memory_space<vmem>>) dst(%dma_wait3A_869 : memref<10112x128xf32, #tpu.memory_space<vmem_shared>>)
      %add3A_870 = arith.constant 2 : i32
      %add3A_871 = arith.addi %add3A_851, %add3A_870 : i32
      %dma_start3A_872 = arith.constant 0 : i32
      %dma_start3A_873 = tpu.memref_slice %arg21[%add3A_871, %dma_start3A_872] : memref<120x64xi32, #tpu.memory_space<vmem>> -> memref<1x64xi32, #tpu.memory_space<vmem>>
      %dma_start3A_874 = tpu.memref_squeeze %dma_start3A_873 : memref<1x64xi32, #tpu.memory_space<vmem>> -> memref<64xi32, #tpu.memory_space<vmem>>
      %dma_start3A_875 = arith.constant 0 : i32
      %dma_start3A_876 = arith.constant 0 : i32
      %dma_start3A_877 = tpu.memref_slice %arg11[%dma_start3A_875, %dma_start3A_876] : memref<10000x128xf32, #tpu.memory_space<hbm>> -> memref<10000x128xf32, #tpu.memory_space<hbm>>
      tpu.enqueue_indirect_dma source(%dma_start3A_877 : memref<10000x128xf32, #tpu.memory_space<hbm>>) target(%arg23 : memref<64x128xf32, #tpu.memory_space<vmem>>) offsets(%dma_start3A_874 : memref<64xi32, #tpu.memory_space<vmem>>) semaphore(%arg26 : memref<!tpu.dma_semaphore, #tpu.memory_space<semaphore_mem>>)
      %mul3A_878 = arith.constant 2 : i32
      %mul3A_879 = arith.muli %mul3A_878, %while3A_847 : i32
      %add3A_880 = arith.constant 1 : i32
      %add3A_881 = arith.addi %mul3A_879, %add3A_880 : i32
      %dma_wait3A_882 = arith.constant 0 : i32
      %dma_wait3A_883 = tpu.memref_slice %arg21[%add3A_881, %dma_wait3A_882] : memref<120x64xi32, #tpu.memory_space<vmem>> -> memref<1x64xi32, #tpu.memory_space<vmem>>
      %dma_wait3A_884 = tpu.memref_squeeze %dma_wait3A_883 : memref<1x64xi32, #tpu.memory_space<vmem>> -> memref<64xi32, #tpu.memory_space<vmem>>
      %dma_wait3A_885 = arith.constant 0 : i32
      %dma_wait3A_886 = arith.constant 0 : i32
      %dma_wait3A_887 = tpu.memref_slice %arg11[%dma_wait3A_885, %dma_wait3A_886] : memref<10000x128xf32, #tpu.memory_space<hbm>> -> memref<10000x128xf32, #tpu.memory_space<hbm>>
      tpu.wait_indirect_dma semaphore(%arg27 : memref<!tpu.dma_semaphore, #tpu.memory_space<semaphore_mem>>) src(%dma_wait3A_887 : memref<10000x128xf32, #tpu.memory_space<hbm>>) dst(%arg24 : memref<64x128xf32, #tpu.memory_space<vmem>>)
      %dma_start3A_888 = arith.constant 0 : i32
      %dma_start3A_889 = tpu.memref_slice %arg22[%add3A_881, %dma_start3A_888] : memref<120x64xi32, #tpu.memory_space<vmem>> -> memref<1x64xi32, #tpu.memory_space<vmem>>
      %dma_start3A_890 = tpu.memref_squeeze %dma_start3A_889 : memref<1x64xi32, #tpu.memory_space<vmem>> -> memref<64xi32, #tpu.memory_space<vmem>>
      %dma_start3A_891 = arith.constant 0 : i32
      %dma_start3A_892 = arith.constant 0 : i32
      %dma_start3A_893 = tpu.memref_slice %arg25[%dma_start3A_891, %dma_start3A_892] : memref<10112x128xf32, #tpu.memory_space<vmem_shared>> -> memref<10112x128xf32, #tpu.memory_space<vmem_shared>>
      tpu.enqueue_indirect_dma source(%arg24 : memref<64x128xf32, #tpu.memory_space<vmem>>) target(%dma_start3A_893 : memref<10112x128xf32, #tpu.memory_space<vmem_shared>>) offsets(%dma_start3A_890 : memref<64xi32, #tpu.memory_space<vmem>>) semaphore(%arg29 : memref<!tpu.dma_semaphore, #tpu.memory_space<semaphore_mem>>) {add = true}
      %dma_wait3A_894 = arith.constant 0 : i32
      %dma_wait3A_895 = tpu.memref_slice %arg22[%add3A_881, %dma_wait3A_894] : memref<120x64xi32, #tpu.memory_space<vmem>> -> memref<1x64xi32, #tpu.memory_space<vmem>>
      %dma_wait3A_896 = tpu.memref_squeeze %dma_wait3A_895 : memref<1x64xi32, #tpu.memory_space<vmem>> -> memref<64xi32, #tpu.memory_space<vmem>>
      %dma_wait3A_897 = arith.constant 0 : i32
      %dma_wait3A_898 = arith.constant 0 : i32
      %dma_wait3A_899 = tpu.memref_slice %arg25[%dma_wait3A_897, %dma_wait3A_898] : memref<10112x128xf32, #tpu.memory_space<vmem_shared>> -> memref<10112x128xf32, #tpu.memory_space<vmem_shared>>
      tpu.wait_indirect_dma semaphore(%arg29 : memref<!tpu.dma_semaphore, #tpu.memory_space<semaphore_mem>>) src(%arg24 : memref<64x128xf32, #tpu.memory_space<vmem>>) dst(%dma_wait3A_899 : memref<10112x128xf32, #tpu.memory_space<vmem_shared>>)
      %add3A_900 = arith.constant 2 : i32
      %add3A_901 = arith.addi %add3A_881, %add3A_900 : i32
      %dma_start3A_902 = arith.constant 0 : i32
      %dma_start3A_903 = tpu.memref_slice %arg21[%add3A_901, %dma_start3A_902] : memref<120x64xi32, #tpu.memory_space<vmem>> -> memref<1x64xi32, #tpu.memory_space<vmem>>
      %dma_start3A_904 = tpu.memref_squeeze %dma_start3A_903 : memref<1x64xi32, #tpu.memory_space<vmem>> -> memref<64xi32, #tpu.memory_space<vmem>>
      %dma_start3A_905 = arith.constant 0 : i32
      %dma_start3A_906 = arith.constant 0 : i32
      %dma_start3A_907 = tpu.memref_slice %arg11[%dma_start3A_905, %dma_start3A_906] : memref<10000x128xf32, #tpu.memory_space<hbm>> -> memref<10000x128xf32, #tpu.memory_space<hbm>>
      tpu.enqueue_indirect_dma source(%dma_start3A_907 : memref<10000x128xf32, #tpu.memory_space<hbm>>) target(%arg24 : memref<64x128xf32, #tpu.memory_space<vmem>>) offsets(%dma_start3A_904 : memref<64xi32, #tpu.memory_space<vmem>>) semaphore(%arg27 : memref<!tpu.dma_semaphore, #tpu.memory_space<semaphore_mem>>)
    }
    %sub3A_688 = arith.constant 2 : i32
    %sub3A_689 = arith.subi %select_n3A, %sub3A_688 : i32
    %add3A_690 = arith.constant 0 : i32
    %add3A_691 = arith.addi %sub3A_689, %add3A_690 : i32
    %dma_wait3A_692 = arith.constant 0 : i32
    %dma_wait3A_693 = tpu.memref_slice %arg21[%add3A_691, %dma_wait3A_692] : memref<120x64xi32, #tpu.memory_space<vmem>> -> memref<1x64xi32, #tpu.memory_space<vmem>>
    %dma_wait3A_694 = tpu.memref_squeeze %dma_wait3A_693 : memref<1x64xi32, #tpu.memory_space<vmem>> -> memref<64xi32, #tpu.memory_space<vmem>>
    %dma_wait3A_695 = arith.constant 0 : i32
    %dma_wait3A_696 = arith.constant 0 : i32
    %dma_wait3A_697 = tpu.memref_slice %arg11[%dma_wait3A_695, %dma_wait3A_696] : memref<10000x128xf32, #tpu.memory_space<hbm>> -> memref<10000x128xf32, #tpu.memory_space<hbm>>
    tpu.wait_indirect_dma semaphore(%arg26 : memref<!tpu.dma_semaphore, #tpu.memory_space<semaphore_mem>>) src(%dma_wait3A_697 : memref<10000x128xf32, #tpu.memory_space<hbm>>) dst(%arg23 : memref<64x128xf32, #tpu.memory_space<vmem>>)
    %dma_start3A_698 = arith.constant 0 : i32
    %dma_start3A_699 = tpu.memref_slice %arg22[%add3A_691, %dma_start3A_698] : memref<120x64xi32, #tpu.memory_space<vmem>> -> memref<1x64xi32, #tpu.memory_space<vmem>>
    %dma_start3A_700 = tpu.memref_squeeze %dma_start3A_699 : memref<1x64xi32, #tpu.memory_space<vmem>> -> memref<64xi32, #tpu.memory_space<vmem>>
    %dma_start3A_701 = arith.constant 0 : i32
    %dma_start3A_702 = arith.constant 0 : i32
    %dma_start3A_703 = tpu.memref_slice %arg25[%dma_start3A_701, %dma_start3A_702] : memref<10112x128xf32, #tpu.memory_space<vmem_shared>> -> memref<10112x128xf32, #tpu.memory_space<vmem_shared>>
    tpu.enqueue_indirect_dma source(%arg23 : memref<64x128xf32, #tpu.memory_space<vmem>>) target(%dma_start3A_703 : memref<10112x128xf32, #tpu.memory_space<vmem_shared>>) offsets(%dma_start3A_700 : memref<64xi32, #tpu.memory_space<vmem>>) semaphore(%arg28 : memref<!tpu.dma_semaphore, #tpu.memory_space<semaphore_mem>>) {add = true}
    %dma_wait3A_704 = arith.constant 0 : i32
    %dma_wait3A_705 = tpu.memref_slice %arg22[%add3A_691, %dma_wait3A_704] : memref<120x64xi32, #tpu.memory_space<vmem>> -> memref<1x64xi32, #tpu.memory_space<vmem>>
    %dma_wait3A_706 = tpu.memref_squeeze %dma_wait3A_705 : memref<1x64xi32, #tpu.memory_space<vmem>> -> memref<64xi32, #tpu.memory_space<vmem>>
    %dma_wait3A_707 = arith.constant 0 : i32
    %dma_wait3A_708 = arith.constant 0 : i32
    %dma_wait3A_709 = tpu.memref_slice %arg25[%dma_wait3A_707, %dma_wait3A_708] : memref<10112x128xf32, #tpu.memory_space<vmem_shared>> -> memref<10112x128xf32, #tpu.memory_space<vmem_shared>>
    tpu.wait_indirect_dma semaphore(%arg28 : memref<!tpu.dma_semaphore, #tpu.memory_space<semaphore_mem>>) src(%arg23 : memref<64x128xf32, #tpu.memory_space<vmem>>) dst(%dma_wait3A_709 : memref<10112x128xf32, #tpu.memory_space<vmem_shared>>)
    %sub3A_710 = arith.constant 2 : i32
    %sub3A_711 = arith.subi %select_n3A, %sub3A_710 : i32
    %add3A_712 = arith.constant 1 : i32
    %add3A_713 = arith.addi %sub3A_711, %add3A_712 : i32
    %dma_wait3A_714 = arith.constant 0 : i32
    %dma_wait3A_715 = tpu.memref_slice %arg21[%add3A_713, %dma_wait3A_714] : memref<120x64xi32, #tpu.memory_space<vmem>> -> memref<1x64xi32, #tpu.memory_space<vmem>>
    %dma_wait3A_716 = tpu.memref_squeeze %dma_wait3A_715 : memref<1x64xi32, #tpu.memory_space<vmem>> -> memref<64xi32, #tpu.memory_space<vmem>>
    %dma_wait3A_717 = arith.constant 0 : i32
    %dma_wait3A_718 = arith.constant 0 : i32
    %dma_wait3A_719 = tpu.memref_slice %arg11[%dma_wait3A_717, %dma_wait3A_718] : memref<10000x128xf32, #tpu.memory_space<hbm>> -> memref<10000x128xf32, #tpu.memory_space<hbm>>
    tpu.wait_indirect_dma semaphore(%arg27 : memref<!tpu.dma_semaphore, #tpu.memory_space<semaphore_mem>>) src(%dma_wait3A_719 : memref<10000x128xf32, #tpu.memory_space<hbm>>) dst(%arg24 : memref<64x128xf32, #tpu.memory_space<vmem>>)
    %dma_start3A_720 = arith.constant 0 : i32
    %dma_start3A_721 = tpu.memref_slice %arg22[%add3A_713, %dma_start3A_720] : memref<120x64xi32, #tpu.memory_space<vmem>> -> memref<1x64xi32, #tpu.memory_space<vmem>>
    %dma_start3A_722 = tpu.memref_squeeze %dma_start3A_721 : memref<1x64xi32, #tpu.memory_space<vmem>> -> memref<64xi32, #tpu.memory_space<vmem>>
    %dma_start3A_723 = arith.constant 0 : i32
    %dma_start3A_724 = arith.constant 0 : i32
    %dma_start3A_725 = tpu.memref_slice %arg25[%dma_start3A_723, %dma_start3A_724] : memref<10112x128xf32, #tpu.memory_space<vmem_shared>> -> memref<10112x128xf32, #tpu.memory_space<vmem_shared>>
    tpu.enqueue_indirect_dma source(%arg24 : memref<64x128xf32, #tpu.memory_space<vmem>>) target(%dma_start3A_725 : memref<10112x128xf32, #tpu.memory_space<vmem_shared>>) offsets(%dma_start3A_722 : memref<64xi32, #tpu.memory_space<vmem>>) semaphore(%arg29 : memref<!tpu.dma_semaphore, #tpu.memory_space<semaphore_mem>>) {add = true}
    %dma_wait3A_726 = arith.constant 0 : i32
    %dma_wait3A_727 = tpu.memref_slice %arg22[%add3A_713, %dma_wait3A_726] : memref<120x64xi32, #tpu.memory_space<vmem>> -> memref<1x64xi32, #tpu.memory_space<vmem>>
    %dma_wait3A_728 = tpu.memref_squeeze %dma_wait3A_727 : memref<1x64xi32, #tpu.memory_space<vmem>> -> memref<64xi32, #tpu.memory_space<vmem>>
    %dma_wait3A_729 = arith.constant 0 : i32
    %dma_wait3A_730 = arith.constant 0 : i32
    %dma_wait3A_731 = tpu.memref_slice %arg25[%dma_wait3A_729, %dma_wait3A_730] : memref<10112x128xf32, #tpu.memory_space<vmem_shared>> -> memref<10112x128xf32, #tpu.memory_space<vmem_shared>>
    tpu.wait_indirect_dma semaphore(%arg29 : memref<!tpu.dma_semaphore, #tpu.memory_space<semaphore_mem>>) src(%arg24 : memref<64x128xf32, #tpu.memory_space<vmem>>) dst(%dma_wait3A_731 : memref<10112x128xf32, #tpu.memory_space<vmem_shared>>)
    %barrier3A_732 = arith.constant 0 : index
    tpu.barrier barrier_id(%barrier3A_732)
    %mul3A_733 = arith.constant 632 : i32
    %mul3A_734 = arith.muli %arg1, %mul3A_733 : i32
    %mul3A_735 = arith.constant 10112 : i32
    %mul3A_736 = arith.muli %arg0, %mul3A_735 : i32
    %mul3A_737 = arith.constant 632 : i32
    %mul3A_738 = arith.muli %arg1, %mul3A_737 : i32
    %add3A_739 = arith.addi %mul3A_736, %mul3A_738 : i32
    "tpu.region"() ({
      %run_scoped3A = tpu.sem_alloc : memref<!tpu.dma_semaphore, #tpu.memory_space<semaphore_mem>>
      %dma_start3A_847 = arith.constant 0 : i32
      %dma_start3A_848 = tpu.memref_slice %arg19[%add3A_739, %dma_start3A_847] : memref<20224x128xf32, #tpu.memory_space<hbm>> -> memref<632x128xf32, #tpu.memory_space<hbm>>
      %dma_start3A_849 = arith.constant 0 : i32
      %dma_start3A_850 = tpu.memref_slice %arg25[%mul3A_734, %dma_start3A_849] : memref<10112x128xf32, #tpu.memory_space<vmem_shared>> -> memref<632x128xf32, #tpu.memory_space<vmem_shared>>
      tpu.enqueue_dma source(%dma_start3A_850 : memref<632x128xf32, #tpu.memory_space<vmem_shared>>) target(%dma_start3A_848 : memref<632x128xf32, #tpu.memory_space<hbm>>) target_semaphore(%run_scoped3A : memref<!tpu.dma_semaphore, #tpu.memory_space<semaphore_mem>>)
      %dma_wait3A_851 = arith.constant 0 : i32
      %dma_wait3A_852 = tpu.memref_slice %arg19[%add3A_739, %dma_wait3A_851] : memref<20224x128xf32, #tpu.memory_space<hbm>> -> memref<632x128xf32, #tpu.memory_space<hbm>>
      %dma_wait3A_853 = arith.constant 0 : i32
      %dma_wait3A_854 = tpu.memref_slice %arg25[%mul3A_734, %dma_wait3A_853] : memref<10112x128xf32, #tpu.memory_space<vmem_shared>> -> memref<632x128xf32, #tpu.memory_space<vmem_shared>>
      tpu.wait_dma2 semaphore(%run_scoped3A : memref<!tpu.dma_semaphore, #tpu.memory_space<semaphore_mem>>) src(%dma_wait3A_854 : memref<632x128xf32, #tpu.memory_space<vmem_shared>>) dst(%dma_wait3A_852 : memref<632x128xf32, #tpu.memory_space<hbm>>)
      tpu.yield
    }) : () -> ()
    %barrier3A_740 = arith.constant 0 : index
    tpu.barrier barrier_id(%barrier3A_740)
    %mul3A_741 = arith.constant 632 : i32
    %mul3A_742 = arith.muli %arg1, %mul3A_741 : i32
    "tpu.region"() ({
      %run_scoped3A = tpu.sem_alloc : memref<!tpu.dma_semaphore, #tpu.memory_space<semaphore_mem>>
      %dma_start3A_847 = arith.constant 0 : i32
      %dma_start3A_848 = tpu.memref_slice %arg25[%mul3A_742, %dma_start3A_847] : memref<10112x128xf32, #tpu.memory_space<vmem_shared>> -> memref<632x128xf32, #tpu.memory_space<vmem_shared>>
      tpu.enqueue_dma source(%arg4 : memref<632x128xf32, #tpu.memory_space<hbm>>) target(%dma_start3A_848 : memref<632x128xf32, #tpu.memory_space<vmem_shared>>) target_semaphore(%run_scoped3A : memref<!tpu.dma_semaphore, #tpu.memory_space<semaphore_mem>>)
      %dma_wait3A_849 = arith.constant 0 : i32
      %dma_wait3A_850 = tpu.memref_slice %arg25[%mul3A_742, %dma_wait3A_849] : memref<10112x128xf32, #tpu.memory_space<vmem_shared>> -> memref<632x128xf32, #tpu.memory_space<vmem_shared>>
      tpu.wait_dma2 semaphore(%run_scoped3A : memref<!tpu.dma_semaphore, #tpu.memory_space<semaphore_mem>>) src(%arg4 : memref<632x128xf32, #tpu.memory_space<hbm>>) dst(%dma_wait3A_850 : memref<632x128xf32, #tpu.memory_space<vmem_shared>>)
      tpu.yield
    }) : () -> ()
    %barrier3A_743 = arith.constant 0 : index
    tpu.barrier barrier_id(%barrier3A_743)
    %dma_start3A_744 = arith.constant 0 : i32
    %dma_start3A_745 = arith.constant 0 : i32
    %dma_start3A_746 = tpu.memref_slice %arg21[%dma_start3A_744, %dma_start3A_745] : memref<120x64xi32, #tpu.memory_space<vmem>> -> memref<1x64xi32, #tpu.memory_space<vmem>>
    %dma_start3A_747 = tpu.memref_squeeze %dma_start3A_746 : memref<1x64xi32, #tpu.memory_space<vmem>> -> memref<64xi32, #tpu.memory_space<vmem>>
    %dma_start3A_748 = arith.constant 0 : i32
    %dma_start3A_749 = arith.constant 0 : i32
    %dma_start3A_750 = tpu.memref_slice %arg12[%dma_start3A_748, %dma_start3A_749] : memref<10000x128xf32, #tpu.memory_space<hbm>> -> memref<10000x128xf32, #tpu.memory_space<hbm>>
    tpu.enqueue_indirect_dma source(%dma_start3A_750 : memref<10000x128xf32, #tpu.memory_space<hbm>>) target(%arg23 : memref<64x128xf32, #tpu.memory_space<vmem>>) offsets(%dma_start3A_747 : memref<64xi32, #tpu.memory_space<vmem>>) semaphore(%arg26 : memref<!tpu.dma_semaphore, #tpu.memory_space<semaphore_mem>>)
    %dma_start3A_751 = arith.constant 1 : i32
    %dma_start3A_752 = arith.constant 0 : i32
    %dma_start3A_753 = tpu.memref_slice %arg21[%dma_start3A_751, %dma_start3A_752] : memref<120x64xi32, #tpu.memory_space<vmem>> -> memref<1x64xi32, #tpu.memory_space<vmem>>
    %dma_start3A_754 = tpu.memref_squeeze %dma_start3A_753 : memref<1x64xi32, #tpu.memory_space<vmem>> -> memref<64xi32, #tpu.memory_space<vmem>>
    %dma_start3A_755 = arith.constant 0 : i32
    %dma_start3A_756 = arith.constant 0 : i32
    %dma_start3A_757 = tpu.memref_slice %arg12[%dma_start3A_755, %dma_start3A_756] : memref<10000x128xf32, #tpu.memory_space<hbm>> -> memref<10000x128xf32, #tpu.memory_space<hbm>>
    tpu.enqueue_indirect_dma source(%dma_start3A_757 : memref<10000x128xf32, #tpu.memory_space<hbm>>) target(%arg24 : memref<64x128xf32, #tpu.memory_space<vmem>>) offsets(%dma_start3A_754 : memref<64xi32, #tpu.memory_space<vmem>>) semaphore(%arg27 : memref<!tpu.dma_semaphore, #tpu.memory_space<semaphore_mem>>)
    %jit3A_758 = arith.constant 2 : i32
    %div3A_759 = arith.divsi %select_n3A, %jit3A_758 : i32
    %sign3A_760 = arith.constant 0 : i32
    %sign3A_761 = arith.cmpi sgt, %select_n3A, %sign3A_760 : i32
    %sign3A_762 = arith.extui %sign3A_761 : i1 to i32
    %sign3A_763 = arith.constant 0 : i32
    %sign3A_764 = arith.cmpi slt, %select_n3A, %sign3A_763 : i32
    %sign3A_765 = arith.extui %sign3A_764 : i1 to i32
    %sign3A_766 = arith.subi %sign3A_762, %sign3A_765 : i32
    %sign3A_767 = arith.constant 0 : i32
    %sign3A_768 = arith.cmpi sgt, %jit3A_758, %sign3A_767 : i32
    %sign3A_769 = arith.extui %sign3A_768 : i1 to i32
    %sign3A_770 = arith.constant 0 : i32
    %sign3A_771 = arith.cmpi slt, %jit3A_758, %sign3A_770 : i32
    %sign3A_772 = arith.extui %sign3A_771 : i1 to i32
    %sign3A_773 = arith.subi %sign3A_769, %sign3A_772 : i32
    %ne3A_774 = arith.cmpi ne, %sign3A_766, %sign3A_773 : i32
    %rem3A_775 = arith.remsi %select_n3A, %jit3A_758 : i32
    %ne3A_776 = arith.constant 0 : i32
    %ne3A_777 = arith.cmpi ne, %rem3A_775, %ne3A_776 : i32
    %and3A_778 = arith.andi %ne3A_774, %ne3A_777 : i1
    %sub3A_779 = arith.constant 1 : i32
    %sub3A_780 = arith.subi %div3A_759, %sub3A_779 : i32
    %select_n3A_781 = arith.select %and3A_778, %sub3A_780, %div3A_759 : i32
    %sub3A_782 = arith.constant 1 : i32
    %sub3A_783 = arith.subi %select_n3A_781, %sub3A_782 : i32
    %while3A_784 = arith.constant 0 : i32
    %while3A_785 = arith.constant 0 : i32
    %while3A_786 = arith.subi %sub3A_783, %while3A_785 : i32
    %while3A_787 = arith.addi %while3A_785, %while3A_786 : i32
    %while3A_788 = arith.constant 1 : i32
    %while3A_789 = arith.divsi %while3A_786, %while3A_788 : i32
    %while3A_790 = arith.muli %while3A_789, %while3A_788 : i32
    %while3A_791 = arith.addi %while3A_785, %while3A_790 : i32
    %while3A_792 = arith.constant 1 : i32
    scf.for %while3A_847 = %while3A_785 to %while3A_791 step %while3A_792  : i32 {
      %mul3A_848 = arith.constant 2 : i32
      %mul3A_849 = arith.muli %mul3A_848, %while3A_847 : i32
      %add3A_850 = arith.constant 0 : i32
      %add3A_851 = arith.addi %mul3A_849, %add3A_850 : i32
      %dma_wait3A_852 = arith.constant 0 : i32
      %dma_wait3A_853 = tpu.memref_slice %arg21[%add3A_851, %dma_wait3A_852] : memref<120x64xi32, #tpu.memory_space<vmem>> -> memref<1x64xi32, #tpu.memory_space<vmem>>
      %dma_wait3A_854 = tpu.memref_squeeze %dma_wait3A_853 : memref<1x64xi32, #tpu.memory_space<vmem>> -> memref<64xi32, #tpu.memory_space<vmem>>
      %dma_wait3A_855 = arith.constant 0 : i32
      %dma_wait3A_856 = arith.constant 0 : i32
      %dma_wait3A_857 = tpu.memref_slice %arg12[%dma_wait3A_855, %dma_wait3A_856] : memref<10000x128xf32, #tpu.memory_space<hbm>> -> memref<10000x128xf32, #tpu.memory_space<hbm>>
      tpu.wait_indirect_dma semaphore(%arg26 : memref<!tpu.dma_semaphore, #tpu.memory_space<semaphore_mem>>) src(%dma_wait3A_857 : memref<10000x128xf32, #tpu.memory_space<hbm>>) dst(%arg23 : memref<64x128xf32, #tpu.memory_space<vmem>>)
      %dma_start3A_858 = arith.constant 0 : i32
      %dma_start3A_859 = tpu.memref_slice %arg22[%add3A_851, %dma_start3A_858] : memref<120x64xi32, #tpu.memory_space<vmem>> -> memref<1x64xi32, #tpu.memory_space<vmem>>
      %dma_start3A_860 = tpu.memref_squeeze %dma_start3A_859 : memref<1x64xi32, #tpu.memory_space<vmem>> -> memref<64xi32, #tpu.memory_space<vmem>>
      %dma_start3A_861 = arith.constant 0 : i32
      %dma_start3A_862 = arith.constant 0 : i32
      %dma_start3A_863 = tpu.memref_slice %arg25[%dma_start3A_861, %dma_start3A_862] : memref<10112x128xf32, #tpu.memory_space<vmem_shared>> -> memref<10112x128xf32, #tpu.memory_space<vmem_shared>>
      tpu.enqueue_indirect_dma source(%arg23 : memref<64x128xf32, #tpu.memory_space<vmem>>) target(%dma_start3A_863 : memref<10112x128xf32, #tpu.memory_space<vmem_shared>>) offsets(%dma_start3A_860 : memref<64xi32, #tpu.memory_space<vmem>>) semaphore(%arg28 : memref<!tpu.dma_semaphore, #tpu.memory_space<semaphore_mem>>) {add = true}
      %dma_wait3A_864 = arith.constant 0 : i32
      %dma_wait3A_865 = tpu.memref_slice %arg22[%add3A_851, %dma_wait3A_864] : memref<120x64xi32, #tpu.memory_space<vmem>> -> memref<1x64xi32, #tpu.memory_space<vmem>>
      %dma_wait3A_866 = tpu.memref_squeeze %dma_wait3A_865 : memref<1x64xi32, #tpu.memory_space<vmem>> -> memref<64xi32, #tpu.memory_space<vmem>>
      %dma_wait3A_867 = arith.constant 0 : i32
      %dma_wait3A_868 = arith.constant 0 : i32
      %dma_wait3A_869 = tpu.memref_slice %arg25[%dma_wait3A_867, %dma_wait3A_868] : memref<10112x128xf32, #tpu.memory_space<vmem_shared>> -> memref<10112x128xf32, #tpu.memory_space<vmem_shared>>
      tpu.wait_indirect_dma semaphore(%arg28 : memref<!tpu.dma_semaphore, #tpu.memory_space<semaphore_mem>>) src(%arg23 : memref<64x128xf32, #tpu.memory_space<vmem>>) dst(%dma_wait3A_869 : memref<10112x128xf32, #tpu.memory_space<vmem_shared>>)
      %add3A_870 = arith.constant 2 : i32
      %add3A_871 = arith.addi %add3A_851, %add3A_870 : i32
      %dma_start3A_872 = arith.constant 0 : i32
      %dma_start3A_873 = tpu.memref_slice %arg21[%add3A_871, %dma_start3A_872] : memref<120x64xi32, #tpu.memory_space<vmem>> -> memref<1x64xi32, #tpu.memory_space<vmem>>
      %dma_start3A_874 = tpu.memref_squeeze %dma_start3A_873 : memref<1x64xi32, #tpu.memory_space<vmem>> -> memref<64xi32, #tpu.memory_space<vmem>>
      %dma_start3A_875 = arith.constant 0 : i32
      %dma_start3A_876 = arith.constant 0 : i32
      %dma_start3A_877 = tpu.memref_slice %arg12[%dma_start3A_875, %dma_start3A_876] : memref<10000x128xf32, #tpu.memory_space<hbm>> -> memref<10000x128xf32, #tpu.memory_space<hbm>>
      tpu.enqueue_indirect_dma source(%dma_start3A_877 : memref<10000x128xf32, #tpu.memory_space<hbm>>) target(%arg23 : memref<64x128xf32, #tpu.memory_space<vmem>>) offsets(%dma_start3A_874 : memref<64xi32, #tpu.memory_space<vmem>>) semaphore(%arg26 : memref<!tpu.dma_semaphore, #tpu.memory_space<semaphore_mem>>)
      %mul3A_878 = arith.constant 2 : i32
      %mul3A_879 = arith.muli %mul3A_878, %while3A_847 : i32
      %add3A_880 = arith.constant 1 : i32
      %add3A_881 = arith.addi %mul3A_879, %add3A_880 : i32
      %dma_wait3A_882 = arith.constant 0 : i32
      %dma_wait3A_883 = tpu.memref_slice %arg21[%add3A_881, %dma_wait3A_882] : memref<120x64xi32, #tpu.memory_space<vmem>> -> memref<1x64xi32, #tpu.memory_space<vmem>>
      %dma_wait3A_884 = tpu.memref_squeeze %dma_wait3A_883 : memref<1x64xi32, #tpu.memory_space<vmem>> -> memref<64xi32, #tpu.memory_space<vmem>>
      %dma_wait3A_885 = arith.constant 0 : i32
      %dma_wait3A_886 = arith.constant 0 : i32
      %dma_wait3A_887 = tpu.memref_slice %arg12[%dma_wait3A_885, %dma_wait3A_886] : memref<10000x128xf32, #tpu.memory_space<hbm>> -> memref<10000x128xf32, #tpu.memory_space<hbm>>
      tpu.wait_indirect_dma semaphore(%arg27 : memref<!tpu.dma_semaphore, #tpu.memory_space<semaphore_mem>>) src(%dma_wait3A_887 : memref<10000x128xf32, #tpu.memory_space<hbm>>) dst(%arg24 : memref<64x128xf32, #tpu.memory_space<vmem>>)
      %dma_start3A_888 = arith.constant 0 : i32
      %dma_start3A_889 = tpu.memref_slice %arg22[%add3A_881, %dma_start3A_888] : memref<120x64xi32, #tpu.memory_space<vmem>> -> memref<1x64xi32, #tpu.memory_space<vmem>>
      %dma_start3A_890 = tpu.memref_squeeze %dma_start3A_889 : memref<1x64xi32, #tpu.memory_space<vmem>> -> memref<64xi32, #tpu.memory_space<vmem>>
      %dma_start3A_891 = arith.constant 0 : i32
      %dma_start3A_892 = arith.constant 0 : i32
      %dma_start3A_893 = tpu.memref_slice %arg25[%dma_start3A_891, %dma_start3A_892] : memref<10112x128xf32, #tpu.memory_space<vmem_shared>> -> memref<10112x128xf32, #tpu.memory_space<vmem_shared>>
      tpu.enqueue_indirect_dma source(%arg24 : memref<64x128xf32, #tpu.memory_space<vmem>>) target(%dma_start3A_893 : memref<10112x128xf32, #tpu.memory_space<vmem_shared>>) offsets(%dma_start3A_890 : memref<64xi32, #tpu.memory_space<vmem>>) semaphore(%arg29 : memref<!tpu.dma_semaphore, #tpu.memory_space<semaphore_mem>>) {add = true}
      %dma_wait3A_894 = arith.constant 0 : i32
      %dma_wait3A_895 = tpu.memref_slice %arg22[%add3A_881, %dma_wait3A_894] : memref<120x64xi32, #tpu.memory_space<vmem>> -> memref<1x64xi32, #tpu.memory_space<vmem>>
      %dma_wait3A_896 = tpu.memref_squeeze %dma_wait3A_895 : memref<1x64xi32, #tpu.memory_space<vmem>> -> memref<64xi32, #tpu.memory_space<vmem>>
      %dma_wait3A_897 = arith.constant 0 : i32
      %dma_wait3A_898 = arith.constant 0 : i32
      %dma_wait3A_899 = tpu.memref_slice %arg25[%dma_wait3A_897, %dma_wait3A_898] : memref<10112x128xf32, #tpu.memory_space<vmem_shared>> -> memref<10112x128xf32, #tpu.memory_space<vmem_shared>>
      tpu.wait_indirect_dma semaphore(%arg29 : memref<!tpu.dma_semaphore, #tpu.memory_space<semaphore_mem>>) src(%arg24 : memref<64x128xf32, #tpu.memory_space<vmem>>) dst(%dma_wait3A_899 : memref<10112x128xf32, #tpu.memory_space<vmem_shared>>)
      %add3A_900 = arith.constant 2 : i32
      %add3A_901 = arith.addi %add3A_881, %add3A_900 : i32
      %dma_start3A_902 = arith.constant 0 : i32
      %dma_start3A_903 = tpu.memref_slice %arg21[%add3A_901, %dma_start3A_902] : memref<120x64xi32, #tpu.memory_space<vmem>> -> memref<1x64xi32, #tpu.memory_space<vmem>>
      %dma_start3A_904 = tpu.memref_squeeze %dma_start3A_903 : memref<1x64xi32, #tpu.memory_space<vmem>> -> memref<64xi32, #tpu.memory_space<vmem>>
      %dma_start3A_905 = arith.constant 0 : i32
      %dma_start3A_906 = arith.constant 0 : i32
      %dma_start3A_907 = tpu.memref_slice %arg12[%dma_start3A_905, %dma_start3A_906] : memref<10000x128xf32, #tpu.memory_space<hbm>> -> memref<10000x128xf32, #tpu.memory_space<hbm>>
      tpu.enqueue_indirect_dma source(%dma_start3A_907 : memref<10000x128xf32, #tpu.memory_space<hbm>>) target(%arg24 : memref<64x128xf32, #tpu.memory_space<vmem>>) offsets(%dma_start3A_904 : memref<64xi32, #tpu.memory_space<vmem>>) semaphore(%arg27 : memref<!tpu.dma_semaphore, #tpu.memory_space<semaphore_mem>>)
    }
    %while3A_793 = arith.constant 1 : i32
    scf.for %while3A_847 = %while3A_791 to %while3A_787 step %while3A_793  : i32 {
      %mul3A_848 = arith.constant 2 : i32
      %mul3A_849 = arith.muli %mul3A_848, %while3A_847 : i32
      %add3A_850 = arith.constant 0 : i32
      %add3A_851 = arith.addi %mul3A_849, %add3A_850 : i32
      %dma_wait3A_852 = arith.constant 0 : i32
      %dma_wait3A_853 = tpu.memref_slice %arg21[%add3A_851, %dma_wait3A_852] : memref<120x64xi32, #tpu.memory_space<vmem>> -> memref<1x64xi32, #tpu.memory_space<vmem>>
      %dma_wait3A_854 = tpu.memref_squeeze %dma_wait3A_853 : memref<1x64xi32, #tpu.memory_space<vmem>> -> memref<64xi32, #tpu.memory_space<vmem>>
      %dma_wait3A_855 = arith.constant 0 : i32
      %dma_wait3A_856 = arith.constant 0 : i32
      %dma_wait3A_857 = tpu.memref_slice %arg12[%dma_wait3A_855, %dma_wait3A_856] : memref<10000x128xf32, #tpu.memory_space<hbm>> -> memref<10000x128xf32, #tpu.memory_space<hbm>>
      tpu.wait_indirect_dma semaphore(%arg26 : memref<!tpu.dma_semaphore, #tpu.memory_space<semaphore_mem>>) src(%dma_wait3A_857 : memref<10000x128xf32, #tpu.memory_space<hbm>>) dst(%arg23 : memref<64x128xf32, #tpu.memory_space<vmem>>)
      %dma_start3A_858 = arith.constant 0 : i32
      %dma_start3A_859 = tpu.memref_slice %arg22[%add3A_851, %dma_start3A_858] : memref<120x64xi32, #tpu.memory_space<vmem>> -> memref<1x64xi32, #tpu.memory_space<vmem>>
      %dma_start3A_860 = tpu.memref_squeeze %dma_start3A_859 : memref<1x64xi32, #tpu.memory_space<vmem>> -> memref<64xi32, #tpu.memory_space<vmem>>
      %dma_start3A_861 = arith.constant 0 : i32
      %dma_start3A_862 = arith.constant 0 : i32
      %dma_start3A_863 = tpu.memref_slice %arg25[%dma_start3A_861, %dma_start3A_862] : memref<10112x128xf32, #tpu.memory_space<vmem_shared>> -> memref<10112x128xf32, #tpu.memory_space<vmem_shared>>
      tpu.enqueue_indirect_dma source(%arg23 : memref<64x128xf32, #tpu.memory_space<vmem>>) target(%dma_start3A_863 : memref<10112x128xf32, #tpu.memory_space<vmem_shared>>) offsets(%dma_start3A_860 : memref<64xi32, #tpu.memory_space<vmem>>) semaphore(%arg28 : memref<!tpu.dma_semaphore, #tpu.memory_space<semaphore_mem>>) {add = true}
      %dma_wait3A_864 = arith.constant 0 : i32
      %dma_wait3A_865 = tpu.memref_slice %arg22[%add3A_851, %dma_wait3A_864] : memref<120x64xi32, #tpu.memory_space<vmem>> -> memref<1x64xi32, #tpu.memory_space<vmem>>
      %dma_wait3A_866 = tpu.memref_squeeze %dma_wait3A_865 : memref<1x64xi32, #tpu.memory_space<vmem>> -> memref<64xi32, #tpu.memory_space<vmem>>
      %dma_wait3A_867 = arith.constant 0 : i32
      %dma_wait3A_868 = arith.constant 0 : i32
      %dma_wait3A_869 = tpu.memref_slice %arg25[%dma_wait3A_867, %dma_wait3A_868] : memref<10112x128xf32, #tpu.memory_space<vmem_shared>> -> memref<10112x128xf32, #tpu.memory_space<vmem_shared>>
      tpu.wait_indirect_dma semaphore(%arg28 : memref<!tpu.dma_semaphore, #tpu.memory_space<semaphore_mem>>) src(%arg23 : memref<64x128xf32, #tpu.memory_space<vmem>>) dst(%dma_wait3A_869 : memref<10112x128xf32, #tpu.memory_space<vmem_shared>>)
      %add3A_870 = arith.constant 2 : i32
      %add3A_871 = arith.addi %add3A_851, %add3A_870 : i32
      %dma_start3A_872 = arith.constant 0 : i32
      %dma_start3A_873 = tpu.memref_slice %arg21[%add3A_871, %dma_start3A_872] : memref<120x64xi32, #tpu.memory_space<vmem>> -> memref<1x64xi32, #tpu.memory_space<vmem>>
      %dma_start3A_874 = tpu.memref_squeeze %dma_start3A_873 : memref<1x64xi32, #tpu.memory_space<vmem>> -> memref<64xi32, #tpu.memory_space<vmem>>
      %dma_start3A_875 = arith.constant 0 : i32
      %dma_start3A_876 = arith.constant 0 : i32
      %dma_start3A_877 = tpu.memref_slice %arg12[%dma_start3A_875, %dma_start3A_876] : memref<10000x128xf32, #tpu.memory_space<hbm>> -> memref<10000x128xf32, #tpu.memory_space<hbm>>
      tpu.enqueue_indirect_dma source(%dma_start3A_877 : memref<10000x128xf32, #tpu.memory_space<hbm>>) target(%arg23 : memref<64x128xf32, #tpu.memory_space<vmem>>) offsets(%dma_start3A_874 : memref<64xi32, #tpu.memory_space<vmem>>) semaphore(%arg26 : memref<!tpu.dma_semaphore, #tpu.memory_space<semaphore_mem>>)
      %mul3A_878 = arith.constant 2 : i32
      %mul3A_879 = arith.muli %mul3A_878, %while3A_847 : i32
      %add3A_880 = arith.constant 1 : i32
      %add3A_881 = arith.addi %mul3A_879, %add3A_880 : i32
      %dma_wait3A_882 = arith.constant 0 : i32
      %dma_wait3A_883 = tpu.memref_slice %arg21[%add3A_881, %dma_wait3A_882] : memref<120x64xi32, #tpu.memory_space<vmem>> -> memref<1x64xi32, #tpu.memory_space<vmem>>
      %dma_wait3A_884 = tpu.memref_squeeze %dma_wait3A_883 : memref<1x64xi32, #tpu.memory_space<vmem>> -> memref<64xi32, #tpu.memory_space<vmem>>
      %dma_wait3A_885 = arith.constant 0 : i32
      %dma_wait3A_886 = arith.constant 0 : i32
      %dma_wait3A_887 = tpu.memref_slice %arg12[%dma_wait3A_885, %dma_wait3A_886] : memref<10000x128xf32, #tpu.memory_space<hbm>> -> memref<10000x128xf32, #tpu.memory_space<hbm>>
      tpu.wait_indirect_dma semaphore(%arg27 : memref<!tpu.dma_semaphore, #tpu.memory_space<semaphore_mem>>) src(%dma_wait3A_887 : memref<10000x128xf32, #tpu.memory_space<hbm>>) dst(%arg24 : memref<64x128xf32, #tpu.memory_space<vmem>>)
      %dma_start3A_888 = arith.constant 0 : i32
      %dma_start3A_889 = tpu.memref_slice %arg22[%add3A_881, %dma_start3A_888] : memref<120x64xi32, #tpu.memory_space<vmem>> -> memref<1x64xi32, #tpu.memory_space<vmem>>
      %dma_start3A_890 = tpu.memref_squeeze %dma_start3A_889 : memref<1x64xi32, #tpu.memory_space<vmem>> -> memref<64xi32, #tpu.memory_space<vmem>>
      %dma_start3A_891 = arith.constant 0 : i32
      %dma_start3A_892 = arith.constant 0 : i32
      %dma_start3A_893 = tpu.memref_slice %arg25[%dma_start3A_891, %dma_start3A_892] : memref<10112x128xf32, #tpu.memory_space<vmem_shared>> -> memref<10112x128xf32, #tpu.memory_space<vmem_shared>>
      tpu.enqueue_indirect_dma source(%arg24 : memref<64x128xf32, #tpu.memory_space<vmem>>) target(%dma_start3A_893 : memref<10112x128xf32, #tpu.memory_space<vmem_shared>>) offsets(%dma_start3A_890 : memref<64xi32, #tpu.memory_space<vmem>>) semaphore(%arg29 : memref<!tpu.dma_semaphore, #tpu.memory_space<semaphore_mem>>) {add = true}
      %dma_wait3A_894 = arith.constant 0 : i32
      %dma_wait3A_895 = tpu.memref_slice %arg22[%add3A_881, %dma_wait3A_894] : memref<120x64xi32, #tpu.memory_space<vmem>> -> memref<1x64xi32, #tpu.memory_space<vmem>>
      %dma_wait3A_896 = tpu.memref_squeeze %dma_wait3A_895 : memref<1x64xi32, #tpu.memory_space<vmem>> -> memref<64xi32, #tpu.memory_space<vmem>>
      %dma_wait3A_897 = arith.constant 0 : i32
      %dma_wait3A_898 = arith.constant 0 : i32
      %dma_wait3A_899 = tpu.memref_slice %arg25[%dma_wait3A_897, %dma_wait3A_898] : memref<10112x128xf32, #tpu.memory_space<vmem_shared>> -> memref<10112x128xf32, #tpu.memory_space<vmem_shared>>
      tpu.wait_indirect_dma semaphore(%arg29 : memref<!tpu.dma_semaphore, #tpu.memory_space<semaphore_mem>>) src(%arg24 : memref<64x128xf32, #tpu.memory_space<vmem>>) dst(%dma_wait3A_899 : memref<10112x128xf32, #tpu.memory_space<vmem_shared>>)
      %add3A_900 = arith.constant 2 : i32
      %add3A_901 = arith.addi %add3A_881, %add3A_900 : i32
      %dma_start3A_902 = arith.constant 0 : i32
      %dma_start3A_903 = tpu.memref_slice %arg21[%add3A_901, %dma_start3A_902] : memref<120x64xi32, #tpu.memory_space<vmem>> -> memref<1x64xi32, #tpu.memory_space<vmem>>
      %dma_start3A_904 = tpu.memref_squeeze %dma_start3A_903 : memref<1x64xi32, #tpu.memory_space<vmem>> -> memref<64xi32, #tpu.memory_space<vmem>>
      %dma_start3A_905 = arith.constant 0 : i32
      %dma_start3A_906 = arith.constant 0 : i32
      %dma_start3A_907 = tpu.memref_slice %arg12[%dma_start3A_905, %dma_start3A_906] : memref<10000x128xf32, #tpu.memory_space<hbm>> -> memref<10000x128xf32, #tpu.memory_space<hbm>>
      tpu.enqueue_indirect_dma source(%dma_start3A_907 : memref<10000x128xf32, #tpu.memory_space<hbm>>) target(%arg24 : memref<64x128xf32, #tpu.memory_space<vmem>>) offsets(%dma_start3A_904 : memref<64xi32, #tpu.memory_space<vmem>>) semaphore(%arg27 : memref<!tpu.dma_semaphore, #tpu.memory_space<semaphore_mem>>)
    }
    %sub3A_794 = arith.constant 2 : i32
    %sub3A_795 = arith.subi %select_n3A, %sub3A_794 : i32
    %add3A_796 = arith.constant 0 : i32
    %add3A_797 = arith.addi %sub3A_795, %add3A_796 : i32
    %dma_wait3A_798 = arith.constant 0 : i32
    %dma_wait3A_799 = tpu.memref_slice %arg21[%add3A_797, %dma_wait3A_798] : memref<120x64xi32, #tpu.memory_space<vmem>> -> memref<1x64xi32, #tpu.memory_space<vmem>>
    %dma_wait3A_800 = tpu.memref_squeeze %dma_wait3A_799 : memref<1x64xi32, #tpu.memory_space<vmem>> -> memref<64xi32, #tpu.memory_space<vmem>>
    %dma_wait3A_801 = arith.constant 0 : i32
    %dma_wait3A_802 = arith.constant 0 : i32
    %dma_wait3A_803 = tpu.memref_slice %arg12[%dma_wait3A_801, %dma_wait3A_802] : memref<10000x128xf32, #tpu.memory_space<hbm>> -> memref<10000x128xf32, #tpu.memory_space<hbm>>
    tpu.wait_indirect_dma semaphore(%arg26 : memref<!tpu.dma_semaphore, #tpu.memory_space<semaphore_mem>>) src(%dma_wait3A_803 : memref<10000x128xf32, #tpu.memory_space<hbm>>) dst(%arg23 : memref<64x128xf32, #tpu.memory_space<vmem>>)
    %dma_start3A_804 = arith.constant 0 : i32
    %dma_start3A_805 = tpu.memref_slice %arg22[%add3A_797, %dma_start3A_804] : memref<120x64xi32, #tpu.memory_space<vmem>> -> memref<1x64xi32, #tpu.memory_space<vmem>>
    %dma_start3A_806 = tpu.memref_squeeze %dma_start3A_805 : memref<1x64xi32, #tpu.memory_space<vmem>> -> memref<64xi32, #tpu.memory_space<vmem>>
    %dma_start3A_807 = arith.constant 0 : i32
    %dma_start3A_808 = arith.constant 0 : i32
    %dma_start3A_809 = tpu.memref_slice %arg25[%dma_start3A_807, %dma_start3A_808] : memref<10112x128xf32, #tpu.memory_space<vmem_shared>> -> memref<10112x128xf32, #tpu.memory_space<vmem_shared>>
    tpu.enqueue_indirect_dma source(%arg23 : memref<64x128xf32, #tpu.memory_space<vmem>>) target(%dma_start3A_809 : memref<10112x128xf32, #tpu.memory_space<vmem_shared>>) offsets(%dma_start3A_806 : memref<64xi32, #tpu.memory_space<vmem>>) semaphore(%arg28 : memref<!tpu.dma_semaphore, #tpu.memory_space<semaphore_mem>>) {add = true}
    %dma_wait3A_810 = arith.constant 0 : i32
    %dma_wait3A_811 = tpu.memref_slice %arg22[%add3A_797, %dma_wait3A_810] : memref<120x64xi32, #tpu.memory_space<vmem>> -> memref<1x64xi32, #tpu.memory_space<vmem>>
    %dma_wait3A_812 = tpu.memref_squeeze %dma_wait3A_811 : memref<1x64xi32, #tpu.memory_space<vmem>> -> memref<64xi32, #tpu.memory_space<vmem>>
    %dma_wait3A_813 = arith.constant 0 : i32
    %dma_wait3A_814 = arith.constant 0 : i32
    %dma_wait3A_815 = tpu.memref_slice %arg25[%dma_wait3A_813, %dma_wait3A_814] : memref<10112x128xf32, #tpu.memory_space<vmem_shared>> -> memref<10112x128xf32, #tpu.memory_space<vmem_shared>>
    tpu.wait_indirect_dma semaphore(%arg28 : memref<!tpu.dma_semaphore, #tpu.memory_space<semaphore_mem>>) src(%arg23 : memref<64x128xf32, #tpu.memory_space<vmem>>) dst(%dma_wait3A_815 : memref<10112x128xf32, #tpu.memory_space<vmem_shared>>)
    %sub3A_816 = arith.constant 2 : i32
    %sub3A_817 = arith.subi %select_n3A, %sub3A_816 : i32
    %add3A_818 = arith.constant 1 : i32
    %add3A_819 = arith.addi %sub3A_817, %add3A_818 : i32
    %dma_wait3A_820 = arith.constant 0 : i32
    %dma_wait3A_821 = tpu.memref_slice %arg21[%add3A_819, %dma_wait3A_820] : memref<120x64xi32, #tpu.memory_space<vmem>> -> memref<1x64xi32, #tpu.memory_space<vmem>>
    %dma_wait3A_822 = tpu.memref_squeeze %dma_wait3A_821 : memref<1x64xi32, #tpu.memory_space<vmem>> -> memref<64xi32, #tpu.memory_space<vmem>>
    %dma_wait3A_823 = arith.constant 0 : i32
    %dma_wait3A_824 = arith.constant 0 : i32
    %dma_wait3A_825 = tpu.memref_slice %arg12[%dma_wait3A_823, %dma_wait3A_824] : memref<10000x128xf32, #tpu.memory_space<hbm>> -> memref<10000x128xf32, #tpu.memory_space<hbm>>
    tpu.wait_indirect_dma semaphore(%arg27 : memref<!tpu.dma_semaphore, #tpu.memory_space<semaphore_mem>>) src(%dma_wait3A_825 : memref<10000x128xf32, #tpu.memory_space<hbm>>) dst(%arg24 : memref<64x128xf32, #tpu.memory_space<vmem>>)
    %dma_start3A_826 = arith.constant 0 : i32
    %dma_start3A_827 = tpu.memref_slice %arg22[%add3A_819, %dma_start3A_826] : memref<120x64xi32, #tpu.memory_space<vmem>> -> memref<1x64xi32, #tpu.memory_space<vmem>>
    %dma_start3A_828 = tpu.memref_squeeze %dma_start3A_827 : memref<1x64xi32, #tpu.memory_space<vmem>> -> memref<64xi32, #tpu.memory_space<vmem>>
    %dma_start3A_829 = arith.constant 0 : i32
    %dma_start3A_830 = arith.constant 0 : i32
    %dma_start3A_831 = tpu.memref_slice %arg25[%dma_start3A_829, %dma_start3A_830] : memref<10112x128xf32, #tpu.memory_space<vmem_shared>> -> memref<10112x128xf32, #tpu.memory_space<vmem_shared>>
    tpu.enqueue_indirect_dma source(%arg24 : memref<64x128xf32, #tpu.memory_space<vmem>>) target(%dma_start3A_831 : memref<10112x128xf32, #tpu.memory_space<vmem_shared>>) offsets(%dma_start3A_828 : memref<64xi32, #tpu.memory_space<vmem>>) semaphore(%arg29 : memref<!tpu.dma_semaphore, #tpu.memory_space<semaphore_mem>>) {add = true}
    %dma_wait3A_832 = arith.constant 0 : i32
    %dma_wait3A_833 = tpu.memref_slice %arg22[%add3A_819, %dma_wait3A_832] : memref<120x64xi32, #tpu.memory_space<vmem>> -> memref<1x64xi32, #tpu.memory_space<vmem>>
    %dma_wait3A_834 = tpu.memref_squeeze %dma_wait3A_833 : memref<1x64xi32, #tpu.memory_space<vmem>> -> memref<64xi32, #tpu.memory_space<vmem>>
    %dma_wait3A_835 = arith.constant 0 : i32
    %dma_wait3A_836 = arith.constant 0 : i32
    %dma_wait3A_837 = tpu.memref_slice %arg25[%dma_wait3A_835, %dma_wait3A_836] : memref<10112x128xf32, #tpu.memory_space<vmem_shared>> -> memref<10112x128xf32, #tpu.memory_space<vmem_shared>>
    tpu.wait_indirect_dma semaphore(%arg29 : memref<!tpu.dma_semaphore, #tpu.memory_space<semaphore_mem>>) src(%arg24 : memref<64x128xf32, #tpu.memory_space<vmem>>) dst(%dma_wait3A_837 : memref<10112x128xf32, #tpu.memory_space<vmem_shared>>)
    %barrier3A_838 = arith.constant 0 : index
    tpu.barrier barrier_id(%barrier3A_838)
    %mul3A_839 = arith.constant 632 : i32
    %mul3A_840 = arith.muli %arg1, %mul3A_839 : i32
    %mul3A_841 = arith.constant 10112 : i32
    %mul3A_842 = arith.muli %arg0, %mul3A_841 : i32
    %mul3A_843 = arith.constant 632 : i32
    %mul3A_844 = arith.muli %arg1, %mul3A_843 : i32
    %add3A_845 = arith.addi %mul3A_842, %mul3A_844 : i32
    "tpu.region"() ({
      %run_scoped3A = tpu.sem_alloc : memref<!tpu.dma_semaphore, #tpu.memory_space<semaphore_mem>>
      %dma_start3A_847 = arith.constant 0 : i32
      %dma_start3A_848 = tpu.memref_slice %arg20[%add3A_845, %dma_start3A_847] : memref<20224x128xf32, #tpu.memory_space<hbm>> -> memref<632x128xf32, #tpu.memory_space<hbm>>
      %dma_start3A_849 = arith.constant 0 : i32
      %dma_start3A_850 = tpu.memref_slice %arg25[%mul3A_840, %dma_start3A_849] : memref<10112x128xf32, #tpu.memory_space<vmem_shared>> -> memref<632x128xf32, #tpu.memory_space<vmem_shared>>
      tpu.enqueue_dma source(%dma_start3A_850 : memref<632x128xf32, #tpu.memory_space<vmem_shared>>) target(%dma_start3A_848 : memref<632x128xf32, #tpu.memory_space<hbm>>) target_semaphore(%run_scoped3A : memref<!tpu.dma_semaphore, #tpu.memory_space<semaphore_mem>>)
      %dma_wait3A_851 = arith.constant 0 : i32
      %dma_wait3A_852 = tpu.memref_slice %arg20[%add3A_845, %dma_wait3A_851] : memref<20224x128xf32, #tpu.memory_space<hbm>> -> memref<632x128xf32, #tpu.memory_space<hbm>>
      %dma_wait3A_853 = arith.constant 0 : i32
      %dma_wait3A_854 = tpu.memref_slice %arg25[%mul3A_840, %dma_wait3A_853] : memref<10112x128xf32, #tpu.memory_space<vmem_shared>> -> memref<632x128xf32, #tpu.memory_space<vmem_shared>>
      tpu.wait_dma2 semaphore(%run_scoped3A : memref<!tpu.dma_semaphore, #tpu.memory_space<semaphore_mem>>) src(%dma_wait3A_854 : memref<632x128xf32, #tpu.memory_space<vmem_shared>>) dst(%dma_wait3A_852 : memref<632x128xf32, #tpu.memory_space<hbm>>)
      tpu.yield
    }) : () -> ()
    %barrier3A_846 = arith.constant 0 : index
    tpu.barrier barrier_id(%barrier3A_846)
    return
  }
}

module attributes {stable_mosaic.version = 14 : i64} {
  func.func @_l1_body(%arg0: memref<10000x128xf32, #tpu.memory_space<vmem>>, %arg1: memref<2x10000x128xf32, #tpu.memory_space<vmem>>, %arg2: memref<128x1024xf32, #tpu.memory_space<vmem>>, %arg3: memref<1x1024xf32, #tpu.memory_space<vmem>>, %arg4: memref<1x1024xf32, #tpu.memory_space<vmem>>, %arg5: memref<10000x128xf32, #tpu.memory_space<vmem>>, %arg6: memref<1x1024xf32, #tpu.memory_space<vmem>>, %arg7: memref<1x1024xf32, #tpu.memory_space<vmem>>) attributes {dimension_semantics = [], scalar_prefetch = 0 : i64, scratch_operands = 0 : i64, tpu.core_type = #tpu.core_type<tc>} {
    %get3A = arith.constant 0 : index
    %get3A_0 = arith.constant 0 : index
    %get3A_1 = vector.load %arg0[%get3A, %get3A_0] : memref<10000x128xf32, #tpu.memory_space<vmem>>, vector<10000x128xf32>
    %get3A_2 = arith.constant 0 : index
    %get3A_3 = arith.constant 0 : index
    %get3A_4 = arith.constant 0 : index
    %get3A_5 = vector.load %arg1[%get3A_2, %get3A_3, %get3A_4] : memref<2x10000x128xf32, #tpu.memory_space<vmem>>, vector<1x10000x128xf32>
    %get3A_6 = vector.shape_cast %get3A_5 : vector<1x10000x128xf32> to vector<10000x128xf32>
    %get3A_7 = arith.constant 1 : index
    %get3A_8 = arith.constant 0 : index
    %get3A_9 = arith.constant 0 : index
    %get3A_10 = vector.load %arg1[%get3A_7, %get3A_8, %get3A_9] : memref<2x10000x128xf32, #tpu.memory_space<vmem>>, vector<1x10000x128xf32>
    %get3A_11 = vector.shape_cast %get3A_10 : vector<1x10000x128xf32> to vector<10000x128xf32>
    %add3A = arith.addf %get3A_6, %get3A_11 : vector<10000x128xf32>
    %slice3A = vector.extract_strided_slice %add3A {offsets = [0, 20], sizes = [10000, 1], strides = [1, 1]} : vector<10000x128xf32> to vector<10000x1xf32>
    %max3A = arith.constant 1.000000e+00 : f32
    %max3A_12 = vector.broadcast %max3A : f32 to vector<10000x1xf32>
    %max3A_13 = arith.maximumf %slice3A, %max3A_12 : vector<10000x1xf32>
    %div3A = arith.constant 1.000000e+00 : f32
    %div3A_14 = vector.broadcast %div3A : f32 to vector<10000x1xf32>
    %div3A_15 = arith.divf %div3A_14, %max3A_13 : vector<10000x1xf32>
    %broadcast_in_dim3A = vector.shape_cast %div3A_15 : vector<10000x1xf32> to vector<10000x1xf32>
    %broadcast_in_dim3A_16 = vector.broadcast %broadcast_in_dim3A : vector<10000x1xf32> to vector<10000x128xf32>
    %mul3A = arith.mulf %add3A, %broadcast_in_dim3A_16 : vector<10000x128xf32>
    %add3A_17 = arith.addf %get3A_1, %mul3A : vector<10000x128xf32>
    %iota3A = tpu.iota {dimensions = array<i32: 1>} : vector<10000x128xi32>
    %gt3A = arith.constant 0.000000e+00 : f32
    %gt3A_18 = vector.broadcast %gt3A : f32 to vector<10000x1xf32>
    %gt3A_19 = arith.cmpf ogt, %slice3A, %gt3A_18 : vector<10000x1xf32>
    %convert_element_type3A = arith.extui %gt3A_19 : vector<10000x1xi1> to vector<10000x1xi32>
    %convert_element_type3A_20 = arith.sitofp %convert_element_type3A : vector<10000x1xi32> to vector<10000x1xf32>
    %broadcast_in_dim3A_21 = vector.shape_cast %convert_element_type3A_20 : vector<10000x1xf32> to vector<10000x1xf32>
    %broadcast_in_dim3A_22 = vector.broadcast %broadcast_in_dim3A_21 : vector<10000x1xf32> to vector<10000x128xf32>
    %lt3A = arith.constant 20 : i32
    %lt3A_23 = vector.broadcast %lt3A : i32 to vector<10000x128xi32>
    %lt3A_24 = arith.cmpi slt, %iota3A, %lt3A_23 : vector<10000x128xi32>
    %jit3A = arith.constant 0.000000e+00 : f32
    %broadcast_in_dim3A_25 = vector.broadcast %jit3A : f32 to vector<10000x128xf32>
    %select_n3A = arith.select %lt3A_24, %add3A_17, %broadcast_in_dim3A_25 : vector<10000x128xi1>, vector<10000x128xf32>
    %eq3A = arith.constant 20 : i32
    %eq3A_26 = vector.broadcast %eq3A : i32 to vector<10000x128xi32>
    %eq3A_27 = arith.cmpi eq, %iota3A, %eq3A_26 : vector<10000x128xi32>
    %add3A_28 = arith.constant 1.000000e+00 : f32
    %add3A_29 = vector.broadcast %add3A_28 : f32 to vector<10000x128xf32>
    %add3A_30 = arith.addf %add3A_29, %broadcast_in_dim3A_22 : vector<10000x128xf32>
    %select_n3A_31 = arith.select %eq3A_27, %add3A_30, %select_n3A : vector<10000x128xi1>, vector<10000x128xf32>
    %swap3A = arith.constant 0 : index
    %swap3A_32 = arith.constant 0 : index
    %swap3A_33 = vector.load %arg5[%swap3A, %swap3A_32] : memref<10000x128xf32, #tpu.memory_space<vmem>>, vector<10000x128xf32>
    tpu.vector_store %arg5[%swap3A, %swap3A_32], %select_n3A_31 {strides = array<i32>} : memref<10000x128xf32, #tpu.memory_space<vmem>>, vector<10000x128xf32>,
    %get3A_34 = arith.constant 0 : index
    %get3A_35 = arith.constant 0 : index
    %get3A_36 = vector.load %arg2[%get3A_34, %get3A_35] : memref<128x1024xf32, #tpu.memory_space<vmem>>, vector<128x1024xf32>
    %reduce_sum3A = arith.constant dense<0.000000e+00> : vector<128xf32>
    %reduce_sum3A_37 = vector.multi_reduction <add>, %select_n3A_31, %reduce_sum3A [0] : vector<10000x128xf32> to vector<128xf32>
    %broadcast_in_dim3A_38 = vector.shape_cast %reduce_sum3A_37 : vector<128xf32> to vector<1x128xf32>
    %dot_general3A = arith.constant dense<0.000000e+00> : vector<128x128xf32>
    %dot_general3A_39 = tpu.matmul %select_n3A_31, %select_n3A_31, %dot_general3A {dimension_numbers = #tpu.dot_dimension_numbers<[0], [0], [1], [1], [0, 1, 1, 1], [], []>, precision = #tpu.contract_precision<fp32>, transpose_lhs_hint = false} : vector<10000x128xf32>, vector<10000x128xf32>, vector<128x128xf32> -> vector<128x128xf32>
    %dot_general3A_40 = arith.constant dense<0.000000e+00> : vector<1x1024xf32>
    %dot_general3A_41 = tpu.matmul %broadcast_in_dim3A_38, %get3A_36, %dot_general3A_40 {dimension_numbers = #tpu.dot_dimension_numbers<[1], [0], [0], [1], [0, 0, 1, 1], [], []>, precision = #tpu.contract_precision<fp32>, transpose_lhs_hint = false} : vector<1x128xf32>, vector<128x1024xf32>, vector<1x1024xf32> -> vector<1x1024xf32>
    %mul3A_42 = arith.constant 9.99999974E-5 : f32
    %mul3A_43 = vector.broadcast %mul3A_42 : f32 to vector<1x1024xf32>
    %mul3A_44 = arith.mulf %dot_general3A_41, %mul3A_43 : vector<1x1024xf32>
    %dot_general3A_45 = arith.constant dense<0.000000e+00> : vector<128x1024xf32>
    %dot_general3A_46 = tpu.matmul %dot_general3A_39, %get3A_36, %dot_general3A_45 {dimension_numbers = #tpu.dot_dimension_numbers<[1], [0], [0], [1], [0, 0, 1, 1], [], []>, precision = #tpu.contract_precision<fp32>, transpose_lhs_hint = false} : vector<128x128xf32>, vector<128x1024xf32>, vector<128x1024xf32> -> vector<128x1024xf32>
    %mul3A_47 = arith.mulf %get3A_36, %dot_general3A_46 : vector<128x1024xf32>
    %reduce_sum3A_48 = arith.constant dense<0.000000e+00> : vector<1024xf32>
    %reduce_sum3A_49 = vector.multi_reduction <add>, %mul3A_47, %reduce_sum3A_48 [0] : vector<128x1024xf32> to vector<1024xf32>
    %broadcast_in_dim3A_50 = vector.shape_cast %reduce_sum3A_49 : vector<1024xf32> to vector<1x1024xf32>
    %mul3A_51 = arith.constant 9.99999974E-5 : f32
    %mul3A_52 = vector.broadcast %mul3A_51 : f32 to vector<1x1024xf32>
    %mul3A_53 = arith.mulf %broadcast_in_dim3A_50, %mul3A_52 : vector<1x1024xf32>
    %mul3A_54 = arith.mulf %mul3A_44, %mul3A_44 : vector<1x1024xf32>
    %sub3A = arith.subf %mul3A_53, %mul3A_54 : vector<1x1024xf32>
    %get3A_55 = arith.constant 0 : index
    %get3A_56 = arith.constant 0 : index
    %get3A_57 = vector.load %arg3[%get3A_55, %get3A_56] : memref<1x1024xf32, #tpu.memory_space<vmem>>, vector<1x1024xf32>
    %add3A_58 = arith.constant 9.99999974E-6 : f32
    %add3A_59 = vector.broadcast %add3A_58 : f32 to vector<1x1024xf32>
    %add3A_60 = arith.addf %sub3A, %add3A_59 : vector<1x1024xf32>
    %rsqrt3A = math.rsqrt %add3A_60 : vector<1x1024xf32>
    %mul3A_61 = arith.mulf %get3A_57, %rsqrt3A : vector<1x1024xf32>
    %swap3A_62 = arith.constant 0 : index
    %swap3A_63 = arith.constant 0 : index
    %swap3A_64 = vector.load %arg6[%swap3A_62, %swap3A_63] : memref<1x1024xf32, #tpu.memory_space<vmem>>, vector<1x1024xf32>
    tpu.vector_store %arg6[%swap3A_62, %swap3A_63], %mul3A_61 {strides = array<i32>} : memref<1x1024xf32, #tpu.memory_space<vmem>>, vector<1x1024xf32>,
    %get3A_65 = arith.constant 0 : index
    %get3A_66 = arith.constant 0 : index
    %get3A_67 = vector.load %arg4[%get3A_65, %get3A_66] : memref<1x1024xf32, #tpu.memory_space<vmem>>, vector<1x1024xf32>
    %mul3A_68 = arith.mulf %mul3A_44, %mul3A_61 : vector<1x1024xf32>
    %sub3A_69 = arith.subf %get3A_67, %mul3A_68 : vector<1x1024xf32>
    %swap3A_70 = arith.constant 0 : index
    %swap3A_71 = arith.constant 0 : index
    %swap3A_72 = vector.load %arg7[%swap3A_70, %swap3A_71] : memref<1x1024xf32, #tpu.memory_space<vmem>>, vector<1x1024xf32>
    tpu.vector_store %arg7[%swap3A_70, %swap3A_71], %sub3A_69 {strides = array<i32>} : memref<1x1024xf32, #tpu.memory_space<vmem>>, vector<1x1024xf32>,
    return
  }
}

module attributes {stable_mosaic.version = 14 : i64} {
  func.func @_zc_body(%arg0: i32, %arg1: memref<1000x128xf32, #tpu.memory_space<vmem>>, %arg2: memref<128x1024xf32, #tpu.memory_space<vmem>>, %arg3: memref<1x1024xf32, #tpu.memory_space<vmem>>, %arg4: memref<1x1024xf32, #tpu.memory_space<vmem>>, %arg5: memref<1000x128xf32, #tpu.memory_space<vmem>>, %arg6: memref<1000x128xf32, #tpu.memory_space<vmem>>, %arg7: memref<1000x128xf32, #tpu.memory_space<vmem>>, %arg8: memref<1000x128xf32, #tpu.memory_space<vmem>>, %arg9: memref<1000x128xf32, #tpu.memory_space<vmem>>, %arg10: memref<1000x128xf32, #tpu.memory_space<vmem>>, %arg11: memref<1000x128xf32, #tpu.memory_space<vmem>>, %arg12: memref<1000x128xf32, #tpu.memory_space<vmem>>) attributes {dimension_semantics = [#tpu.dimension_semantics<arbitrary>], iteration_bounds = array<i64: 10>, scalar_prefetch = 0 : i64, scratch_operands = 0 : i64, tpu.core_type = #tpu.core_type<tc>, window_params = [{transform_indices = @transform_0, window_bounds = array<i64: 1000, 128>}, {pipeline_mode = #tpu.pipeline_mode<synchronous>, transform_indices = @transform_1, window_bounds = array<i64: 128, 1024>}, {pipeline_mode = #tpu.pipeline_mode<synchronous>, transform_indices = @transform_2, window_bounds = array<i64: 1, 1024>}, {pipeline_mode = #tpu.pipeline_mode<synchronous>, transform_indices = @transform_3, window_bounds = array<i64: 1, 1024>}, {transform_indices = @transform_4, window_bounds = array<i64: 1000, 128>}, {transform_indices = @transform_5, window_bounds = array<i64: 1000, 128>}, {transform_indices = @transform_6, window_bounds = array<i64: 1000, 128>}, {transform_indices = @transform_7, window_bounds = array<i64: 1000, 128>}, {transform_indices = @transform_8, window_bounds = array<i64: 1000, 128>}, {transform_indices = @transform_9, window_bounds = array<i64: 1000, 128>}, {transform_indices = @transform_10, window_bounds = array<i64: 1000, 128>}, {transform_indices = @transform_11, window_bounds = array<i64: 1000, 128>}]} {
    %get3A = arith.constant 0 : index
    %get3A_0 = arith.constant 0 : index
    %get3A_1 = vector.load %arg1[%get3A, %get3A_0] : memref<1000x128xf32, #tpu.memory_space<vmem>>, vector<1000x128xf32>
    %get3A_2 = arith.constant 0 : index
    %get3A_3 = arith.constant 0 : index
    %get3A_4 = vector.load %arg2[%get3A_2, %get3A_3] : memref<128x1024xf32, #tpu.memory_space<vmem>>, vector<128x1024xf32>
    %dot_general3A = arith.constant dense<0.000000e+00> : vector<1000x1024xf32>
    %dot_general3A_5 = tpu.matmul %get3A_1, %get3A_4, %dot_general3A {dimension_numbers = #tpu.dot_dimension_numbers<[1], [0], [0], [1], [0, 0, 1, 1], [], []>, precision = #tpu.contract_precision<fp32>, transpose_lhs_hint = false} : vector<1000x128xf32>, vector<128x1024xf32>, vector<1000x1024xf32> -> vector<1000x1024xf32>
    %get3A_6 = arith.constant 0 : index
    %get3A_7 = arith.constant 0 : index
    %get3A_8 = vector.load %arg3[%get3A_6, %get3A_7] : memref<1x1024xf32, #tpu.memory_space<vmem>>, vector<1x1024xf32>
    %get3A_9 = arith.constant 0 : index
    %get3A_10 = arith.constant 0 : index
    %get3A_11 = vector.load %arg4[%get3A_9, %get3A_10] : memref<1x1024xf32, #tpu.memory_space<vmem>>, vector<1x1024xf32>
    %slice3A = vector.extract_strided_slice %dot_general3A_5 {offsets = [0, 0], sizes = [1000, 128], strides = [1, 1]} : vector<1000x1024xf32> to vector<1000x128xf32>
    %slice3A_12 = vector.extract_strided_slice %get3A_8 {offsets = [0, 0], sizes = [1, 128], strides = [1, 1]} : vector<1x1024xf32> to vector<1x128xf32>
    %mul3A = vector.broadcast %slice3A_12 : vector<1x128xf32> to vector<1000x128xf32>
    %mul3A_13 = arith.mulf %slice3A, %mul3A : vector<1000x128xf32>
    %slice3A_14 = vector.extract_strided_slice %get3A_11 {offsets = [0, 0], sizes = [1, 128], strides = [1, 1]} : vector<1x1024xf32> to vector<1x128xf32>
    %add3A = vector.broadcast %slice3A_14 : vector<1x128xf32> to vector<1000x128xf32>
    %add3A_15 = arith.addf %mul3A_13, %add3A : vector<1000x128xf32>
    %max3A = arith.constant 0.000000e+00 : f32
    %max3A_16 = vector.broadcast %max3A : f32 to vector<1000x128xf32>
    %max3A_17 = arith.maximumf %add3A_15, %max3A_16 : vector<1000x128xf32>
    %swap3A = arith.constant 0 : index
    %swap3A_18 = arith.constant 0 : index
    %swap3A_19 = vector.load %arg5[%swap3A, %swap3A_18] : memref<1000x128xf32, #tpu.memory_space<vmem>>, vector<1000x128xf32>
    tpu.vector_store %arg5[%swap3A, %swap3A_18], %max3A_17 {strides = array<i32>} : memref<1000x128xf32, #tpu.memory_space<vmem>>, vector<1000x128xf32>,
    %slice3A_20 = vector.extract_strided_slice %dot_general3A_5 {offsets = [0, 128], sizes = [1000, 128], strides = [1, 1]} : vector<1000x1024xf32> to vector<1000x128xf32>
    %slice3A_21 = vector.extract_strided_slice %get3A_8 {offsets = [0, 128], sizes = [1, 128], strides = [1, 1]} : vector<1x1024xf32> to vector<1x128xf32>
    %mul3A_22 = vector.broadcast %slice3A_21 : vector<1x128xf32> to vector<1000x128xf32>
    %mul3A_23 = arith.mulf %slice3A_20, %mul3A_22 : vector<1000x128xf32>
    %slice3A_24 = vector.extract_strided_slice %get3A_11 {offsets = [0, 128], sizes = [1, 128], strides = [1, 1]} : vector<1x1024xf32> to vector<1x128xf32>
    %add3A_25 = vector.broadcast %slice3A_24 : vector<1x128xf32> to vector<1000x128xf32>
    %add3A_26 = arith.addf %mul3A_23, %add3A_25 : vector<1000x128xf32>
    %max3A_27 = arith.constant 0.000000e+00 : f32
    %max3A_28 = vector.broadcast %max3A_27 : f32 to vector<1000x128xf32>
    %max3A_29 = arith.maximumf %add3A_26, %max3A_28 : vector<1000x128xf32>
    %swap3A_30 = arith.constant 0 : index
    %swap3A_31 = arith.constant 0 : index
    %swap3A_32 = vector.load %arg6[%swap3A_30, %swap3A_31] : memref<1000x128xf32, #tpu.memory_space<vmem>>, vector<1000x128xf32>
    tpu.vector_store %arg6[%swap3A_30, %swap3A_31], %max3A_29 {strides = array<i32>} : memref<1000x128xf32, #tpu.memory_space<vmem>>, vector<1000x128xf32>,
    %slice3A_33 = vector.extract_strided_slice %dot_general3A_5 {offsets = [0, 256], sizes = [1000, 128], strides = [1, 1]} : vector<1000x1024xf32> to vector<1000x128xf32>
    %slice3A_34 = vector.extract_strided_slice %get3A_8 {offsets = [0, 256], sizes = [1, 128], strides = [1, 1]} : vector<1x1024xf32> to vector<1x128xf32>
    %mul3A_35 = vector.broadcast %slice3A_34 : vector<1x128xf32> to vector<1000x128xf32>
    %mul3A_36 = arith.mulf %slice3A_33, %mul3A_35 : vector<1000x128xf32>
    %slice3A_37 = vector.extract_strided_slice %get3A_11 {offsets = [0, 256], sizes = [1, 128], strides = [1, 1]} : vector<1x1024xf32> to vector<1x128xf32>
    %add3A_38 = vector.broadcast %slice3A_37 : vector<1x128xf32> to vector<1000x128xf32>
    %add3A_39 = arith.addf %mul3A_36, %add3A_38 : vector<1000x128xf32>
    %max3A_40 = arith.constant 0.000000e+00 : f32
    %max3A_41 = vector.broadcast %max3A_40 : f32 to vector<1000x128xf32>
    %max3A_42 = arith.maximumf %add3A_39, %max3A_41 : vector<1000x128xf32>
    %swap3A_43 = arith.constant 0 : index
    %swap3A_44 = arith.constant 0 : index
    %swap3A_45 = vector.load %arg7[%swap3A_43, %swap3A_44] : memref<1000x128xf32, #tpu.memory_space<vmem>>, vector<1000x128xf32>
    tpu.vector_store %arg7[%swap3A_43, %swap3A_44], %max3A_42 {strides = array<i32>} : memref<1000x128xf32, #tpu.memory_space<vmem>>, vector<1000x128xf32>,
    %slice3A_46 = vector.extract_strided_slice %dot_general3A_5 {offsets = [0, 384], sizes = [1000, 128], strides = [1, 1]} : vector<1000x1024xf32> to vector<1000x128xf32>
    %slice3A_47 = vector.extract_strided_slice %get3A_8 {offsets = [0, 384], sizes = [1, 128], strides = [1, 1]} : vector<1x1024xf32> to vector<1x128xf32>
    %mul3A_48 = vector.broadcast %slice3A_47 : vector<1x128xf32> to vector<1000x128xf32>
    %mul3A_49 = arith.mulf %slice3A_46, %mul3A_48 : vector<1000x128xf32>
    %slice3A_50 = vector.extract_strided_slice %get3A_11 {offsets = [0, 384], sizes = [1, 128], strides = [1, 1]} : vector<1x1024xf32> to vector<1x128xf32>
    %add3A_51 = vector.broadcast %slice3A_50 : vector<1x128xf32> to vector<1000x128xf32>
    %add3A_52 = arith.addf %mul3A_49, %add3A_51 : vector<1000x128xf32>
    %max3A_53 = arith.constant 0.000000e+00 : f32
    %max3A_54 = vector.broadcast %max3A_53 : f32 to vector<1000x128xf32>
    %max3A_55 = arith.maximumf %add3A_52, %max3A_54 : vector<1000x128xf32>
    %swap3A_56 = arith.constant 0 : index
    %swap3A_57 = arith.constant 0 : index
    %swap3A_58 = vector.load %arg8[%swap3A_56, %swap3A_57] : memref<1000x128xf32, #tpu.memory_space<vmem>>, vector<1000x128xf32>
    tpu.vector_store %arg8[%swap3A_56, %swap3A_57], %max3A_55 {strides = array<i32>} : memref<1000x128xf32, #tpu.memory_space<vmem>>, vector<1000x128xf32>,
    %slice3A_59 = vector.extract_strided_slice %dot_general3A_5 {offsets = [0, 512], sizes = [1000, 128], strides = [1, 1]} : vector<1000x1024xf32> to vector<1000x128xf32>
    %slice3A_60 = vector.extract_strided_slice %get3A_8 {offsets = [0, 512], sizes = [1, 128], strides = [1, 1]} : vector<1x1024xf32> to vector<1x128xf32>
    %mul3A_61 = vector.broadcast %slice3A_60 : vector<1x128xf32> to vector<1000x128xf32>
    %mul3A_62 = arith.mulf %slice3A_59, %mul3A_61 : vector<1000x128xf32>
    %slice3A_63 = vector.extract_strided_slice %get3A_11 {offsets = [0, 512], sizes = [1, 128], strides = [1, 1]} : vector<1x1024xf32> to vector<1x128xf32>
    %add3A_64 = vector.broadcast %slice3A_63 : vector<1x128xf32> to vector<1000x128xf32>
    %add3A_65 = arith.addf %mul3A_62, %add3A_64 : vector<1000x128xf32>
    %max3A_66 = arith.constant 0.000000e+00 : f32
    %max3A_67 = vector.broadcast %max3A_66 : f32 to vector<1000x128xf32>
    %max3A_68 = arith.maximumf %add3A_65, %max3A_67 : vector<1000x128xf32>
    %swap3A_69 = arith.constant 0 : index
    %swap3A_70 = arith.constant 0 : index
    %swap3A_71 = vector.load %arg9[%swap3A_69, %swap3A_70] : memref<1000x128xf32, #tpu.memory_space<vmem>>, vector<1000x128xf32>
    tpu.vector_store %arg9[%swap3A_69, %swap3A_70], %max3A_68 {strides = array<i32>} : memref<1000x128xf32, #tpu.memory_space<vmem>>, vector<1000x128xf32>,
    %slice3A_72 = vector.extract_strided_slice %dot_general3A_5 {offsets = [0, 640], sizes = [1000, 128], strides = [1, 1]} : vector<1000x1024xf32> to vector<1000x128xf32>
    %slice3A_73 = vector.extract_strided_slice %get3A_8 {offsets = [0, 640], sizes = [1, 128], strides = [1, 1]} : vector<1x1024xf32> to vector<1x128xf32>
    %mul3A_74 = vector.broadcast %slice3A_73 : vector<1x128xf32> to vector<1000x128xf32>
    %mul3A_75 = arith.mulf %slice3A_72, %mul3A_74 : vector<1000x128xf32>
    %slice3A_76 = vector.extract_strided_slice %get3A_11 {offsets = [0, 640], sizes = [1, 128], strides = [1, 1]} : vector<1x1024xf32> to vector<1x128xf32>
    %add3A_77 = vector.broadcast %slice3A_76 : vector<1x128xf32> to vector<1000x128xf32>
    %add3A_78 = arith.addf %mul3A_75, %add3A_77 : vector<1000x128xf32>
    %max3A_79 = arith.constant 0.000000e+00 : f32
    %max3A_80 = vector.broadcast %max3A_79 : f32 to vector<1000x128xf32>
    %max3A_81 = arith.maximumf %add3A_78, %max3A_80 : vector<1000x128xf32>
    %swap3A_82 = arith.constant 0 : index
    %swap3A_83 = arith.constant 0 : index
    %swap3A_84 = vector.load %arg10[%swap3A_82, %swap3A_83] : memref<1000x128xf32, #tpu.memory_space<vmem>>, vector<1000x128xf32>
    tpu.vector_store %arg10[%swap3A_82, %swap3A_83], %max3A_81 {strides = array<i32>} : memref<1000x128xf32, #tpu.memory_space<vmem>>, vector<1000x128xf32>,
    %slice3A_85 = vector.extract_strided_slice %dot_general3A_5 {offsets = [0, 768], sizes = [1000, 128], strides = [1, 1]} : vector<1000x1024xf32> to vector<1000x128xf32>
    %slice3A_86 = vector.extract_strided_slice %get3A_8 {offsets = [0, 768], sizes = [1, 128], strides = [1, 1]} : vector<1x1024xf32> to vector<1x128xf32>
    %mul3A_87 = vector.broadcast %slice3A_86 : vector<1x128xf32> to vector<1000x128xf32>
    %mul3A_88 = arith.mulf %slice3A_85, %mul3A_87 : vector<1000x128xf32>
    %slice3A_89 = vector.extract_strided_slice %get3A_11 {offsets = [0, 768], sizes = [1, 128], strides = [1, 1]} : vector<1x1024xf32> to vector<1x128xf32>
    %add3A_90 = vector.broadcast %slice3A_89 : vector<1x128xf32> to vector<1000x128xf32>
    %add3A_91 = arith.addf %mul3A_88, %add3A_90 : vector<1000x128xf32>
    %max3A_92 = arith.constant 0.000000e+00 : f32
    %max3A_93 = vector.broadcast %max3A_92 : f32 to vector<1000x128xf32>
    %max3A_94 = arith.maximumf %add3A_91, %max3A_93 : vector<1000x128xf32>
    %swap3A_95 = arith.constant 0 : index
    %swap3A_96 = arith.constant 0 : index
    %swap3A_97 = vector.load %arg11[%swap3A_95, %swap3A_96] : memref<1000x128xf32, #tpu.memory_space<vmem>>, vector<1000x128xf32>
    tpu.vector_store %arg11[%swap3A_95, %swap3A_96], %max3A_94 {strides = array<i32>} : memref<1000x128xf32, #tpu.memory_space<vmem>>, vector<1000x128xf32>,
    %slice3A_98 = vector.extract_strided_slice %dot_general3A_5 {offsets = [0, 896], sizes = [1000, 128], strides = [1, 1]} : vector<1000x1024xf32> to vector<1000x128xf32>
    %slice3A_99 = vector.extract_strided_slice %get3A_8 {offsets = [0, 896], sizes = [1, 128], strides = [1, 1]} : vector<1x1024xf32> to vector<1x128xf32>
    %mul3A_100 = vector.broadcast %slice3A_99 : vector<1x128xf32> to vector<1000x128xf32>
    %mul3A_101 = arith.mulf %slice3A_98, %mul3A_100 : vector<1000x128xf32>
    %slice3A_102 = vector.extract_strided_slice %get3A_11 {offsets = [0, 896], sizes = [1, 128], strides = [1, 1]} : vector<1x1024xf32> to vector<1x128xf32>
    %add3A_103 = vector.broadcast %slice3A_102 : vector<1x128xf32> to vector<1000x128xf32>
    %add3A_104 = arith.addf %mul3A_101, %add3A_103 : vector<1000x128xf32>
    %max3A_105 = arith.constant 0.000000e+00 : f32
    %max3A_106 = vector.broadcast %max3A_105 : f32 to vector<1000x128xf32>
    %max3A_107 = arith.maximumf %add3A_104, %max3A_106 : vector<1000x128xf32>
    %swap3A_108 = arith.constant 0 : index
    %swap3A_109 = arith.constant 0 : index
    %swap3A_110 = vector.load %arg12[%swap3A_108, %swap3A_109] : memref<1000x128xf32, #tpu.memory_space<vmem>>, vector<1000x128xf32>
    tpu.vector_store %arg12[%swap3A_108, %swap3A_109], %max3A_107 {strides = array<i32>} : memref<1000x128xf32, #tpu.memory_space<vmem>>, vector<1000x128xf32>,
    return
  }
  func.func @transform_0(%arg0: i32) -> (i32, i32) {
    %c0_i32 = arith.constant 0 : i32
    %c0_i32_0 = arith.constant 0 : i32
    return %arg0, %c0_i32 : i32, i32
  }
  func.func @transform_1(%arg0: i32) -> (i32, i32) {
    %c0_i32 = arith.constant 0 : i32
    %c0_i32_0 = arith.constant 0 : i32
    %c0_i32_1 = arith.constant 0 : i32
    return %c0_i32, %c0_i32_0 : i32, i32
  }
  func.func @transform_2(%arg0: i32) -> (i32, i32) {
    %c0_i32 = arith.constant 0 : i32
    %c0_i32_0 = arith.constant 0 : i32
    %c0_i32_1 = arith.constant 0 : i32
    return %c0_i32, %c0_i32_0 : i32, i32
  }
  func.func @transform_3(%arg0: i32) -> (i32, i32) {
    %c0_i32 = arith.constant 0 : i32
    %c0_i32_0 = arith.constant 0 : i32
    %c0_i32_1 = arith.constant 0 : i32
    return %c0_i32, %c0_i32_0 : i32, i32
  }
  func.func @transform_4(%arg0: i32) -> (i32, i32) {
    %c0_i32 = arith.constant 0 : i32
    %c0_i32_0 = arith.constant 0 : i32
    return %arg0, %c0_i32 : i32, i32
  }
  func.func @transform_5(%arg0: i32) -> (i32, i32) {
    %c0_i32 = arith.constant 0 : i32
    %c0_i32_0 = arith.constant 0 : i32
    return %arg0, %c0_i32 : i32, i32
  }
  func.func @transform_6(%arg0: i32) -> (i32, i32) {
    %c0_i32 = arith.constant 0 : i32
    %c0_i32_0 = arith.constant 0 : i32
    return %arg0, %c0_i32 : i32, i32
  }
  func.func @transform_7(%arg0: i32) -> (i32, i32) {
    %c0_i32 = arith.constant 0 : i32
    %c0_i32_0 = arith.constant 0 : i32
    return %arg0, %c0_i32 : i32, i32
  }
  func.func @transform_8(%arg0: i32) -> (i32, i32) {
    %c0_i32 = arith.constant 0 : i32
    %c0_i32_0 = arith.constant 0 : i32
    return %arg0, %c0_i32 : i32, i32
  }
  func.func @transform_9(%arg0: i32) -> (i32, i32) {
    %c0_i32 = arith.constant 0 : i32
    %c0_i32_0 = arith.constant 0 : i32
    return %arg0, %c0_i32 : i32, i32
  }
  func.func @transform_10(%arg0: i32) -> (i32, i32) {
    %c0_i32 = arith.constant 0 : i32
    %c0_i32_0 = arith.constant 0 : i32
    return %arg0, %c0_i32 : i32, i32
  }
  func.func @transform_11(%arg0: i32) -> (i32, i32) {
    %c0_i32 = arith.constant 0 : i32
    %c0_i32_0 = arith.constant 0 : i32
    return %arg0, %c0_i32 : i32, i32
  }
}

module attributes {stable_mosaic.version = 14 : i64} {
  func.func @_stats_body(%arg0: i32, %arg1: memref<2x1000x128xf32, #tpu.memory_space<vmem>>, %arg2: memref<1000x128xf32, #tpu.memory_space<vmem>>, %arg3: memref<1000x128xf32, #tpu.memory_space<vmem>>, %arg4: memref<1000x128xf32, #tpu.memory_space<vmem>>, %arg5: memref<1000x128xf32, #tpu.memory_space<vmem>>, %arg6: memref<1000x128xf32, #tpu.memory_space<vmem>>, %arg7: memref<1000x128xf32, #tpu.memory_space<vmem>>, %arg8: memref<1000x128xf32, #tpu.memory_space<vmem>>, %arg9: memref<1000x128xf32, #tpu.memory_space<vmem>>, %arg10: memref<2x1000x128xf32, #tpu.memory_space<vmem>>, %arg11: memref<2x1000x128xf32, #tpu.memory_space<vmem>>, %arg12: memref<2x1000x128xf32, #tpu.memory_space<vmem>>, %arg13: memref<2x1000x128xf32, #tpu.memory_space<vmem>>, %arg14: memref<2x1000x128xf32, #tpu.memory_space<vmem>>, %arg15: memref<2x1000x128xf32, #tpu.memory_space<vmem>>, %arg16: memref<2x1000x128xf32, #tpu.memory_space<vmem>>, %arg17: memref<2x1000x128xf32, #tpu.memory_space<vmem>>, %arg18: memref<8x128xf32, #tpu.memory_space<vmem>>, %arg19: memref<8x128xf32, #tpu.memory_space<vmem>>) attributes {dimension_semantics = [#tpu.dimension_semantics<arbitrary>], iteration_bounds = array<i64: 10>, scalar_prefetch = 0 : i64, scratch_operands = 0 : i64, tpu.core_type = #tpu.core_type<tc>, window_params = [{transform_indices = @transform_0, window_bounds = array<i64: 2, 1000, 128>}, {transform_indices = @transform_1, window_bounds = array<i64: 1000, 128>}, {transform_indices = @transform_2, window_bounds = array<i64: 1000, 128>}, {transform_indices = @transform_3, window_bounds = array<i64: 1000, 128>}, {transform_indices = @transform_4, window_bounds = array<i64: 1000, 128>}, {transform_indices = @transform_5, window_bounds = array<i64: 1000, 128>}, {transform_indices = @transform_6, window_bounds = array<i64: 1000, 128>}, {transform_indices = @transform_7, window_bounds = array<i64: 1000, 128>}, {transform_indices = @transform_8, window_bounds = array<i64: 1000, 128>}, {transform_indices = @transform_9, window_bounds = array<i64: 2, 1000, 128>}, {transform_indices = @transform_10, window_bounds = array<i64: 2, 1000, 128>}, {transform_indices = @transform_11, window_bounds = array<i64: 2, 1000, 128>}, {transform_indices = @transform_12, window_bounds = array<i64: 2, 1000, 128>}, {transform_indices = @transform_13, window_bounds = array<i64: 2, 1000, 128>}, {transform_indices = @transform_14, window_bounds = array<i64: 2, 1000, 128>}, {transform_indices = @transform_15, window_bounds = array<i64: 2, 1000, 128>}, {transform_indices = @transform_16, window_bounds = array<i64: 2, 1000, 128>}, {pipeline_mode = #tpu.pipeline_mode<synchronous>, transform_indices = @transform_17, window_bounds = array<i64: 8, 128>}, {pipeline_mode = #tpu.pipeline_mode<synchronous>, transform_indices = @transform_18, window_bounds = array<i64: 8, 128>}]} {
    %eq3A = arith.constant 0 : i32
    %eq3A_0 = arith.cmpi eq, %arg0, %eq3A : i32
    %convert_element_type3A = arith.extui %eq3A_0 : i1 to i32
    %cond3A = arith.constant 0 : i32
    %cond3A_1 = arith.cmpi ne, %convert_element_type3A, %cond3A : i32
    scf.if %cond3A_1 {
      %broadcast_in_dim3A_212 = arith.constant 0.000000e+00 : f32
      %broadcast_in_dim3A_213 = vector.broadcast %broadcast_in_dim3A_212 : f32 to vector<8x128xf32>
      %swap3A_214 = arith.constant 0 : index
      %swap3A_215 = arith.constant 0 : index
      %swap3A_216 = vector.load %arg18[%swap3A_214, %swap3A_215] : memref<8x128xf32, #tpu.memory_space<vmem>>, vector<8x128xf32>
      tpu.vector_store %arg18[%swap3A_214, %swap3A_215], %broadcast_in_dim3A_213 {strides = array<i32>} : memref<8x128xf32, #tpu.memory_space<vmem>>, vector<8x128xf32>,
      %broadcast_in_dim3A_217 = arith.constant 0.000000e+00 : f32
      %broadcast_in_dim3A_218 = vector.broadcast %broadcast_in_dim3A_217 : f32 to vector<8x128xf32>
      %swap3A_219 = arith.constant 0 : index
      %swap3A_220 = arith.constant 0 : index
      %swap3A_221 = vector.load %arg19[%swap3A_219, %swap3A_220] : memref<8x128xf32, #tpu.memory_space<vmem>>, vector<8x128xf32>
      tpu.vector_store %arg19[%swap3A_219, %swap3A_220], %broadcast_in_dim3A_218 {strides = array<i32>} : memref<8x128xf32, #tpu.memory_space<vmem>>, vector<8x128xf32>,
    } else {
    }
    %get3A = arith.constant 0 : index
    %get3A_2 = arith.constant 0 : index
    %get3A_3 = arith.constant 0 : index
    %get3A_4 = vector.load %arg1[%get3A, %get3A_2, %get3A_3] : memref<2x1000x128xf32, #tpu.memory_space<vmem>>, vector<1x1000x128xf32>
    %get3A_5 = vector.shape_cast %get3A_4 : vector<1x1000x128xf32> to vector<1000x128xf32>
    %get3A_6 = arith.constant 1 : index
    %get3A_7 = arith.constant 0 : index
    %get3A_8 = arith.constant 0 : index
    %get3A_9 = vector.load %arg1[%get3A_6, %get3A_7, %get3A_8] : memref<2x1000x128xf32, #tpu.memory_space<vmem>>, vector<1x1000x128xf32>
    %get3A_10 = vector.shape_cast %get3A_9 : vector<1x1000x128xf32> to vector<1000x128xf32>
    %add3A = arith.addf %get3A_5, %get3A_10 : vector<1000x128xf32>
    %slice3A = vector.extract_strided_slice %add3A {offsets = [0, 20], sizes = [1000, 1], strides = [1, 1]} : vector<1000x128xf32> to vector<1000x1xf32>
    %max3A = arith.constant 1.000000e+00 : f32
    %max3A_11 = vector.broadcast %max3A : f32 to vector<1000x1xf32>
    %max3A_12 = arith.maximumf %slice3A, %max3A_11 : vector<1000x1xf32>
    %div3A = arith.constant 1.000000e+00 : f32
    %div3A_13 = vector.broadcast %div3A : f32 to vector<1000x1xf32>
    %div3A_14 = arith.divf %div3A_13, %max3A_12 : vector<1000x1xf32>
    %broadcast_in_dim3A = vector.shape_cast %div3A_14 : vector<1000x1xf32> to vector<1000x1xf32>
    %broadcast_in_dim3A_15 = vector.broadcast %broadcast_in_dim3A : vector<1000x1xf32> to vector<1000x128xf32>
    %get3A_16 = arith.constant 0 : index
    %get3A_17 = arith.constant 0 : index
    %get3A_18 = vector.load %arg2[%get3A_16, %get3A_17] : memref<1000x128xf32, #tpu.memory_space<vmem>>, vector<1000x128xf32>
    %get3A_19 = arith.constant 0 : index
    %get3A_20 = arith.constant 0 : index
    %get3A_21 = arith.constant 0 : index
    %get3A_22 = vector.load %arg10[%get3A_19, %get3A_20, %get3A_21] : memref<2x1000x128xf32, #tpu.memory_space<vmem>>, vector<1x1000x128xf32>
    %get3A_23 = vector.shape_cast %get3A_22 : vector<1x1000x128xf32> to vector<1000x128xf32>
    %get3A_24 = arith.constant 1 : index
    %get3A_25 = arith.constant 0 : index
    %get3A_26 = arith.constant 0 : index
    %get3A_27 = vector.load %arg10[%get3A_24, %get3A_25, %get3A_26] : memref<2x1000x128xf32, #tpu.memory_space<vmem>>, vector<1x1000x128xf32>
    %get3A_28 = vector.shape_cast %get3A_27 : vector<1x1000x128xf32> to vector<1000x128xf32>
    %add3A_29 = arith.addf %get3A_23, %get3A_28 : vector<1000x128xf32>
    %mul3A = arith.mulf %add3A_29, %broadcast_in_dim3A_15 : vector<1000x128xf32>
    %add3A_30 = arith.addf %get3A_18, %mul3A : vector<1000x128xf32>
    %reduce_sum3A = arith.constant dense<0.000000e+00> : vector<128xf32>
    %reduce_sum3A_31 = vector.multi_reduction <add>, %add3A_30, %reduce_sum3A [0] : vector<1000x128xf32> to vector<128xf32>
    %broadcast_in_dim3A_32 = vector.shape_cast %reduce_sum3A_31 : vector<128xf32> to vector<1x128xf32>
    %mul3A_33 = arith.mulf %add3A_30, %add3A_30 : vector<1000x128xf32>
    %reduce_sum3A_34 = arith.constant dense<0.000000e+00> : vector<128xf32>
    %reduce_sum3A_35 = vector.multi_reduction <add>, %mul3A_33, %reduce_sum3A_34 [0] : vector<1000x128xf32> to vector<128xf32>
    %broadcast_in_dim3A_36 = vector.shape_cast %reduce_sum3A_35 : vector<128xf32> to vector<1x128xf32>
    %get3A_37 = arith.constant 0 : index
    %get3A_38 = arith.constant 0 : index
    %get3A_39 = vector.load %arg3[%get3A_37, %get3A_38] : memref<1000x128xf32, #tpu.memory_space<vmem>>, vector<1000x128xf32>
    %get3A_40 = arith.constant 0 : index
    %get3A_41 = arith.constant 0 : index
    %get3A_42 = arith.constant 0 : index
    %get3A_43 = vector.load %arg11[%get3A_40, %get3A_41, %get3A_42] : memref<2x1000x128xf32, #tpu.memory_space<vmem>>, vector<1x1000x128xf32>
    %get3A_44 = vector.shape_cast %get3A_43 : vector<1x1000x128xf32> to vector<1000x128xf32>
    %get3A_45 = arith.constant 1 : index
    %get3A_46 = arith.constant 0 : index
    %get3A_47 = arith.constant 0 : index
    %get3A_48 = vector.load %arg11[%get3A_45, %get3A_46, %get3A_47] : memref<2x1000x128xf32, #tpu.memory_space<vmem>>, vector<1x1000x128xf32>
    %get3A_49 = vector.shape_cast %get3A_48 : vector<1x1000x128xf32> to vector<1000x128xf32>
    %add3A_50 = arith.addf %get3A_44, %get3A_49 : vector<1000x128xf32>
    %mul3A_51 = arith.mulf %add3A_50, %broadcast_in_dim3A_15 : vector<1000x128xf32>
    %add3A_52 = arith.addf %get3A_39, %mul3A_51 : vector<1000x128xf32>
    %reduce_sum3A_53 = arith.constant dense<0.000000e+00> : vector<128xf32>
    %reduce_sum3A_54 = vector.multi_reduction <add>, %add3A_52, %reduce_sum3A_53 [0] : vector<1000x128xf32> to vector<128xf32>
    %broadcast_in_dim3A_55 = vector.shape_cast %reduce_sum3A_54 : vector<128xf32> to vector<1x128xf32>
    %mul3A_56 = arith.mulf %add3A_52, %add3A_52 : vector<1000x128xf32>
    %reduce_sum3A_57 = arith.constant dense<0.000000e+00> : vector<128xf32>
    %reduce_sum3A_58 = vector.multi_reduction <add>, %mul3A_56, %reduce_sum3A_57 [0] : vector<1000x128xf32> to vector<128xf32>
    %broadcast_in_dim3A_59 = vector.shape_cast %reduce_sum3A_58 : vector<128xf32> to vector<1x128xf32>
    %get3A_60 = arith.constant 0 : index
    %get3A_61 = arith.constant 0 : index
    %get3A_62 = vector.load %arg4[%get3A_60, %get3A_61] : memref<1000x128xf32, #tpu.memory_space<vmem>>, vector<1000x128xf32>
    %get3A_63 = arith.constant 0 : index
    %get3A_64 = arith.constant 0 : index
    %get3A_65 = arith.constant 0 : index
    %get3A_66 = vector.load %arg12[%get3A_63, %get3A_64, %get3A_65] : memref<2x1000x128xf32, #tpu.memory_space<vmem>>, vector<1x1000x128xf32>
    %get3A_67 = vector.shape_cast %get3A_66 : vector<1x1000x128xf32> to vector<1000x128xf32>
    %get3A_68 = arith.constant 1 : index
    %get3A_69 = arith.constant 0 : index
    %get3A_70 = arith.constant 0 : index
    %get3A_71 = vector.load %arg12[%get3A_68, %get3A_69, %get3A_70] : memref<2x1000x128xf32, #tpu.memory_space<vmem>>, vector<1x1000x128xf32>
    %get3A_72 = vector.shape_cast %get3A_71 : vector<1x1000x128xf32> to vector<1000x128xf32>
    %add3A_73 = arith.addf %get3A_67, %get3A_72 : vector<1000x128xf32>
    %mul3A_74 = arith.mulf %add3A_73, %broadcast_in_dim3A_15 : vector<1000x128xf32>
    %add3A_75 = arith.addf %get3A_62, %mul3A_74 : vector<1000x128xf32>
    %reduce_sum3A_76 = arith.constant dense<0.000000e+00> : vector<128xf32>
    %reduce_sum3A_77 = vector.multi_reduction <add>, %add3A_75, %reduce_sum3A_76 [0] : vector<1000x128xf32> to vector<128xf32>
    %broadcast_in_dim3A_78 = vector.shape_cast %reduce_sum3A_77 : vector<128xf32> to vector<1x128xf32>
    %mul3A_79 = arith.mulf %add3A_75, %add3A_75 : vector<1000x128xf32>
    %reduce_sum3A_80 = arith.constant dense<0.000000e+00> : vector<128xf32>
    %reduce_sum3A_81 = vector.multi_reduction <add>, %mul3A_79, %reduce_sum3A_80 [0] : vector<1000x128xf32> to vector<128xf32>
    %broadcast_in_dim3A_82 = vector.shape_cast %reduce_sum3A_81 : vector<128xf32> to vector<1x128xf32>
    %get3A_83 = arith.constant 0 : index
    %get3A_84 = arith.constant 0 : index
    %get3A_85 = vector.load %arg5[%get3A_83, %get3A_84] : memref<1000x128xf32, #tpu.memory_space<vmem>>, vector<1000x128xf32>
    %get3A_86 = arith.constant 0 : index
    %get3A_87 = arith.constant 0 : index
    %get3A_88 = arith.constant 0 : index
    %get3A_89 = vector.load %arg13[%get3A_86, %get3A_87, %get3A_88] : memref<2x1000x128xf32, #tpu.memory_space<vmem>>, vector<1x1000x128xf32>
    %get3A_90 = vector.shape_cast %get3A_89 : vector<1x1000x128xf32> to vector<1000x128xf32>
    %get3A_91 = arith.constant 1 : index
    %get3A_92 = arith.constant 0 : index
    %get3A_93 = arith.constant 0 : index
    %get3A_94 = vector.load %arg13[%get3A_91, %get3A_92, %get3A_93] : memref<2x1000x128xf32, #tpu.memory_space<vmem>>, vector<1x1000x128xf32>
    %get3A_95 = vector.shape_cast %get3A_94 : vector<1x1000x128xf32> to vector<1000x128xf32>
    %add3A_96 = arith.addf %get3A_90, %get3A_95 : vector<1000x128xf32>
    %mul3A_97 = arith.mulf %add3A_96, %broadcast_in_dim3A_15 : vector<1000x128xf32>
    %add3A_98 = arith.addf %get3A_85, %mul3A_97 : vector<1000x128xf32>
    %reduce_sum3A_99 = arith.constant dense<0.000000e+00> : vector<128xf32>
    %reduce_sum3A_100 = vector.multi_reduction <add>, %add3A_98, %reduce_sum3A_99 [0] : vector<1000x128xf32> to vector<128xf32>
    %broadcast_in_dim3A_101 = vector.shape_cast %reduce_sum3A_100 : vector<128xf32> to vector<1x128xf32>
    %mul3A_102 = arith.mulf %add3A_98, %add3A_98 : vector<1000x128xf32>
    %reduce_sum3A_103 = arith.constant dense<0.000000e+00> : vector<128xf32>
    %reduce_sum3A_104 = vector.multi_reduction <add>, %mul3A_102, %reduce_sum3A_103 [0] : vector<1000x128xf32> to vector<128xf32>
    %broadcast_in_dim3A_105 = vector.shape_cast %reduce_sum3A_104 : vector<128xf32> to vector<1x128xf32>
    %get3A_106 = arith.constant 0 : index
    %get3A_107 = arith.constant 0 : index
    %get3A_108 = vector.load %arg6[%get3A_106, %get3A_107] : memref<1000x128xf32, #tpu.memory_space<vmem>>, vector<1000x128xf32>
    %get3A_109 = arith.constant 0 : index
    %get3A_110 = arith.constant 0 : index
    %get3A_111 = arith.constant 0 : index
    %get3A_112 = vector.load %arg14[%get3A_109, %get3A_110, %get3A_111] : memref<2x1000x128xf32, #tpu.memory_space<vmem>>, vector<1x1000x128xf32>
    %get3A_113 = vector.shape_cast %get3A_112 : vector<1x1000x128xf32> to vector<1000x128xf32>
    %get3A_114 = arith.constant 1 : index
    %get3A_115 = arith.constant 0 : index
    %get3A_116 = arith.constant 0 : index
    %get3A_117 = vector.load %arg14[%get3A_114, %get3A_115, %get3A_116] : memref<2x1000x128xf32, #tpu.memory_space<vmem>>, vector<1x1000x128xf32>
    %get3A_118 = vector.shape_cast %get3A_117 : vector<1x1000x128xf32> to vector<1000x128xf32>
    %add3A_119 = arith.addf %get3A_113, %get3A_118 : vector<1000x128xf32>
    %mul3A_120 = arith.mulf %add3A_119, %broadcast_in_dim3A_15 : vector<1000x128xf32>
    %add3A_121 = arith.addf %get3A_108, %mul3A_120 : vector<1000x128xf32>
    %reduce_sum3A_122 = arith.constant dense<0.000000e+00> : vector<128xf32>
    %reduce_sum3A_123 = vector.multi_reduction <add>, %add3A_121, %reduce_sum3A_122 [0] : vector<1000x128xf32> to vector<128xf32>
    %broadcast_in_dim3A_124 = vector.shape_cast %reduce_sum3A_123 : vector<128xf32> to vector<1x128xf32>
    %mul3A_125 = arith.mulf %add3A_121, %add3A_121 : vector<1000x128xf32>
    %reduce_sum3A_126 = arith.constant dense<0.000000e+00> : vector<128xf32>
    %reduce_sum3A_127 = vector.multi_reduction <add>, %mul3A_125, %reduce_sum3A_126 [0] : vector<1000x128xf32> to vector<128xf32>
    %broadcast_in_dim3A_128 = vector.shape_cast %reduce_sum3A_127 : vector<128xf32> to vector<1x128xf32>
    %get3A_129 = arith.constant 0 : index
    %get3A_130 = arith.constant 0 : index
    %get3A_131 = vector.load %arg7[%get3A_129, %get3A_130] : memref<1000x128xf32, #tpu.memory_space<vmem>>, vector<1000x128xf32>
    %get3A_132 = arith.constant 0 : index
    %get3A_133 = arith.constant 0 : index
    %get3A_134 = arith.constant 0 : index
    %get3A_135 = vector.load %arg15[%get3A_132, %get3A_133, %get3A_134] : memref<2x1000x128xf32, #tpu.memory_space<vmem>>, vector<1x1000x128xf32>
    %get3A_136 = vector.shape_cast %get3A_135 : vector<1x1000x128xf32> to vector<1000x128xf32>
    %get3A_137 = arith.constant 1 : index
    %get3A_138 = arith.constant 0 : index
    %get3A_139 = arith.constant 0 : index
    %get3A_140 = vector.load %arg15[%get3A_137, %get3A_138, %get3A_139] : memref<2x1000x128xf32, #tpu.memory_space<vmem>>, vector<1x1000x128xf32>
    %get3A_141 = vector.shape_cast %get3A_140 : vector<1x1000x128xf32> to vector<1000x128xf32>
    %add3A_142 = arith.addf %get3A_136, %get3A_141 : vector<1000x128xf32>
    %mul3A_143 = arith.mulf %add3A_142, %broadcast_in_dim3A_15 : vector<1000x128xf32>
    %add3A_144 = arith.addf %get3A_131, %mul3A_143 : vector<1000x128xf32>
    %reduce_sum3A_145 = arith.constant dense<0.000000e+00> : vector<128xf32>
    %reduce_sum3A_146 = vector.multi_reduction <add>, %add3A_144, %reduce_sum3A_145 [0] : vector<1000x128xf32> to vector<128xf32>
    %broadcast_in_dim3A_147 = vector.shape_cast %reduce_sum3A_146 : vector<128xf32> to vector<1x128xf32>
    %mul3A_148 = arith.mulf %add3A_144, %add3A_144 : vector<1000x128xf32>
    %reduce_sum3A_149 = arith.constant dense<0.000000e+00> : vector<128xf32>
    %reduce_sum3A_150 = vector.multi_reduction <add>, %mul3A_148, %reduce_sum3A_149 [0] : vector<1000x128xf32> to vector<128xf32>
    %broadcast_in_dim3A_151 = vector.shape_cast %reduce_sum3A_150 : vector<128xf32> to vector<1x128xf32>
    %get3A_152 = arith.constant 0 : index
    %get3A_153 = arith.constant 0 : index
    %get3A_154 = vector.load %arg8[%get3A_152, %get3A_153] : memref<1000x128xf32, #tpu.memory_space<vmem>>, vector<1000x128xf32>
    %get3A_155 = arith.constant 0 : index
    %get3A_156 = arith.constant 0 : index
    %get3A_157 = arith.constant 0 : index
    %get3A_158 = vector.load %arg16[%get3A_155, %get3A_156, %get3A_157] : memref<2x1000x128xf32, #tpu.memory_space<vmem>>, vector<1x1000x128xf32>
    %get3A_159 = vector.shape_cast %get3A_158 : vector<1x1000x128xf32> to vector<1000x128xf32>
    %get3A_160 = arith.constant 1 : index
    %get3A_161 = arith.constant 0 : index
    %get3A_162 = arith.constant 0 : index
    %get3A_163 = vector.load %arg16[%get3A_160, %get3A_161, %get3A_162] : memref<2x1000x128xf32, #tpu.memory_space<vmem>>, vector<1x1000x128xf32>
    %get3A_164 = vector.shape_cast %get3A_163 : vector<1x1000x128xf32> to vector<1000x128xf32>
    %add3A_165 = arith.addf %get3A_159, %get3A_164 : vector<1000x128xf32>
    %mul3A_166 = arith.mulf %add3A_165, %broadcast_in_dim3A_15 : vector<1000x128xf32>
    %add3A_167 = arith.addf %get3A_154, %mul3A_166 : vector<1000x128xf32>
    %reduce_sum3A_168 = arith.constant dense<0.000000e+00> : vector<128xf32>
    %reduce_sum3A_169 = vector.multi_reduction <add>, %add3A_167, %reduce_sum3A_168 [0] : vector<1000x128xf32> to vector<128xf32>
    %broadcast_in_dim3A_170 = vector.shape_cast %reduce_sum3A_169 : vector<128xf32> to vector<1x128xf32>
    %mul3A_171 = arith.mulf %add3A_167, %add3A_167 : vector<1000x128xf32>
    %reduce_sum3A_172 = arith.constant dense<0.000000e+00> : vector<128xf32>
    %reduce_sum3A_173 = vector.multi_reduction <add>, %mul3A_171, %reduce_sum3A_172 [0] : vector<1000x128xf32> to vector<128xf32>
    %broadcast_in_dim3A_174 = vector.shape_cast %reduce_sum3A_173 : vector<128xf32> to vector<1x128xf32>
    %get3A_175 = arith.constant 0 : index
    %get3A_176 = arith.constant 0 : index
    %get3A_177 = vector.load %arg9[%get3A_175, %get3A_176] : memref<1000x128xf32, #tpu.memory_space<vmem>>, vector<1000x128xf32>
    %get3A_178 = arith.constant 0 : index
    %get3A_179 = arith.constant 0 : index
    %get3A_180 = arith.constant 0 : index
    %get3A_181 = vector.load %arg17[%get3A_178, %get3A_179, %get3A_180] : memref<2x1000x128xf32, #tpu.memory_space<vmem>>, vector<1x1000x128xf32>
    %get3A_182 = vector.shape_cast %get3A_181 : vector<1x1000x128xf32> to vector<1000x128xf32>
    %get3A_183 = arith.constant 1 : index
    %get3A_184 = arith.constant 0 : index
    %get3A_185 = arith.constant 0 : index
    %get3A_186 = vector.load %arg17[%get3A_183, %get3A_184, %get3A_185] : memref<2x1000x128xf32, #tpu.memory_space<vmem>>, vector<1x1000x128xf32>
    %get3A_187 = vector.shape_cast %get3A_186 : vector<1x1000x128xf32> to vector<1000x128xf32>
    %add3A_188 = arith.addf %get3A_182, %get3A_187 : vector<1000x128xf32>
    %mul3A_189 = arith.mulf %add3A_188, %broadcast_in_dim3A_15 : vector<1000x128xf32>
    %add3A_190 = arith.addf %get3A_177, %mul3A_189 : vector<1000x128xf32>
    %reduce_sum3A_191 = arith.constant dense<0.000000e+00> : vector<128xf32>
    %reduce_sum3A_192 = vector.multi_reduction <add>, %add3A_190, %reduce_sum3A_191 [0] : vector<1000x128xf32> to vector<128xf32>
    %broadcast_in_dim3A_193 = vector.shape_cast %reduce_sum3A_192 : vector<128xf32> to vector<1x128xf32>
    %mul3A_194 = arith.mulf %add3A_190, %add3A_190 : vector<1000x128xf32>
    %reduce_sum3A_195 = arith.constant dense<0.000000e+00> : vector<128xf32>
    %reduce_sum3A_196 = vector.multi_reduction <add>, %mul3A_194, %reduce_sum3A_195 [0] : vector<1000x128xf32> to vector<128xf32>
    %broadcast_in_dim3A_197 = vector.shape_cast %reduce_sum3A_196 : vector<128xf32> to vector<1x128xf32>
    %get3A_198 = arith.constant 0 : index
    %get3A_199 = arith.constant 0 : index
    %get3A_200 = vector.load %arg18[%get3A_198, %get3A_199] : memref<8x128xf32, #tpu.memory_space<vmem>>, vector<8x128xf32>
    %concatenate3A = tpu.concatenate %broadcast_in_dim3A_32, %broadcast_in_dim3A_55, %broadcast_in_dim3A_78, %broadcast_in_dim3A_101, %broadcast_in_dim3A_124, %broadcast_in_dim3A_147, %broadcast_in_dim3A_170, %broadcast_in_dim3A_193 in 0 : vector<1x128xf32>, vector<1x128xf32>, vector<1x128xf32>, vector<1x128xf32>, vector<1x128xf32>, vector<1x128xf32>, vector<1x128xf32>, vector<1x128xf32> -> vector<8x128xf32>
    %add3A_201 = arith.addf %get3A_200, %concatenate3A : vector<8x128xf32>
    %swap3A = arith.constant 0 : index
    %swap3A_202 = arith.constant 0 : index
    %swap3A_203 = vector.load %arg18[%swap3A, %swap3A_202] : memref<8x128xf32, #tpu.memory_space<vmem>>, vector<8x128xf32>
    tpu.vector_store %arg18[%swap3A, %swap3A_202], %add3A_201 {strides = array<i32>} : memref<8x128xf32, #tpu.memory_space<vmem>>, vector<8x128xf32>,
    %get3A_204 = arith.constant 0 : index
    %get3A_205 = arith.constant 0 : index
    %get3A_206 = vector.load %arg19[%get3A_204, %get3A_205] : memref<8x128xf32, #tpu.memory_space<vmem>>, vector<8x128xf32>
    %concatenate3A_207 = tpu.concatenate %broadcast_in_dim3A_36, %broadcast_in_dim3A_59, %broadcast_in_dim3A_82, %broadcast_in_dim3A_105, %broadcast_in_dim3A_128, %broadcast_in_dim3A_151, %broadcast_in_dim3A_174, %broadcast_in_dim3A_197 in 0 : vector<1x128xf32>, vector<1x128xf32>, vector<1x128xf32>, vector<1x128xf32>, vector<1x128xf32>, vector<1x128xf32>, vector<1x128xf32>, vector<1x128xf32> -> vector<8x128xf32>
    %add3A_208 = arith.addf %get3A_206, %concatenate3A_207 : vector<8x128xf32>
    %swap3A_209 = arith.constant 0 : index
    %swap3A_210 = arith.constant 0 : index
    %swap3A_211 = vector.load %arg19[%swap3A_209, %swap3A_210] : memref<8x128xf32, #tpu.memory_space<vmem>>, vector<8x128xf32>
    tpu.vector_store %arg19[%swap3A_209, %swap3A_210], %add3A_208 {strides = array<i32>} : memref<8x128xf32, #tpu.memory_space<vmem>>, vector<8x128xf32>,
    return
  }
  func.func @transform_0(%arg0: i32) -> (i32, i32, i32) {
    %c0_i32 = arith.constant 0 : i32
    %c0_i32_0 = arith.constant 0 : i32
    %c0_i32_1 = arith.constant 0 : i32
    return %c0_i32, %arg0, %c0_i32_0 : i32, i32, i32
  }
  func.func @transform_1(%arg0: i32) -> (i32, i32) {
    %c0_i32 = arith.constant 0 : i32
    %c0_i32_0 = arith.constant 0 : i32
    return %arg0, %c0_i32 : i32, i32
  }
  func.func @transform_2(%arg0: i32) -> (i32, i32) {
    %c0_i32 = arith.constant 0 : i32
    %c0_i32_0 = arith.constant 0 : i32
    return %arg0, %c0_i32 : i32, i32
  }
  func.func @transform_3(%arg0: i32) -> (i32, i32) {
    %c0_i32 = arith.constant 0 : i32
    %c0_i32_0 = arith.constant 0 : i32
    return %arg0, %c0_i32 : i32, i32
  }
  func.func @transform_4(%arg0: i32) -> (i32, i32) {
    %c0_i32 = arith.constant 0 : i32
    %c0_i32_0 = arith.constant 0 : i32
    return %arg0, %c0_i32 : i32, i32
  }
  func.func @transform_5(%arg0: i32) -> (i32, i32) {
    %c0_i32 = arith.constant 0 : i32
    %c0_i32_0 = arith.constant 0 : i32
    return %arg0, %c0_i32 : i32, i32
  }
  func.func @transform_6(%arg0: i32) -> (i32, i32) {
    %c0_i32 = arith.constant 0 : i32
    %c0_i32_0 = arith.constant 0 : i32
    return %arg0, %c0_i32 : i32, i32
  }
  func.func @transform_7(%arg0: i32) -> (i32, i32) {
    %c0_i32 = arith.constant 0 : i32
    %c0_i32_0 = arith.constant 0 : i32
    return %arg0, %c0_i32 : i32, i32
  }
  func.func @transform_8(%arg0: i32) -> (i32, i32) {
    %c0_i32 = arith.constant 0 : i32
    %c0_i32_0 = arith.constant 0 : i32
    return %arg0, %c0_i32 : i32, i32
  }
  func.func @transform_9(%arg0: i32) -> (i32, i32, i32) {
    %c0_i32 = arith.constant 0 : i32
    %c0_i32_0 = arith.constant 0 : i32
    %c0_i32_1 = arith.constant 0 : i32
    return %c0_i32, %arg0, %c0_i32_0 : i32, i32, i32
  }
  func.func @transform_10(%arg0: i32) -> (i32, i32, i32) {
    %c0_i32 = arith.constant 0 : i32
    %c0_i32_0 = arith.constant 0 : i32
    %c0_i32_1 = arith.constant 0 : i32
    return %c0_i32, %arg0, %c0_i32_0 : i32, i32, i32
  }
  func.func @transform_11(%arg0: i32) -> (i32, i32, i32) {
    %c0_i32 = arith.constant 0 : i32
    %c0_i32_0 = arith.constant 0 : i32
    %c0_i32_1 = arith.constant 0 : i32
    return %c0_i32, %arg0, %c0_i32_0 : i32, i32, i32
  }
  func.func @transform_12(%arg0: i32) -> (i32, i32, i32) {
    %c0_i32 = arith.constant 0 : i32
    %c0_i32_0 = arith.constant 0 : i32
    %c0_i32_1 = arith.constant 0 : i32
    return %c0_i32, %arg0, %c0_i32_0 : i32, i32, i32
  }
  func.func @transform_13(%arg0: i32) -> (i32, i32, i32) {
    %c0_i32 = arith.constant 0 : i32
    %c0_i32_0 = arith.constant 0 : i32
    %c0_i32_1 = arith.constant 0 : i32
    return %c0_i32, %arg0, %c0_i32_0 : i32, i32, i32
  }
  func.func @transform_14(%arg0: i32) -> (i32, i32, i32) {
    %c0_i32 = arith.constant 0 : i32
    %c0_i32_0 = arith.constant 0 : i32
    %c0_i32_1 = arith.constant 0 : i32
    return %c0_i32, %arg0, %c0_i32_0 : i32, i32, i32
  }
  func.func @transform_15(%arg0: i32) -> (i32, i32, i32) {
    %c0_i32 = arith.constant 0 : i32
    %c0_i32_0 = arith.constant 0 : i32
    %c0_i32_1 = arith.constant 0 : i32
    return %c0_i32, %arg0, %c0_i32_0 : i32, i32, i32
  }
  func.func @transform_16(%arg0: i32) -> (i32, i32, i32) {
    %c0_i32 = arith.constant 0 : i32
    %c0_i32_0 = arith.constant 0 : i32
    %c0_i32_1 = arith.constant 0 : i32
    return %c0_i32, %arg0, %c0_i32_0 : i32, i32, i32
  }
  func.func @transform_17(%arg0: i32) -> (i32, i32) {
    %c0_i32 = arith.constant 0 : i32
    %c0_i32_0 = arith.constant 0 : i32
    %c0_i32_1 = arith.constant 0 : i32
    return %c0_i32, %c0_i32_0 : i32, i32
  }
  func.func @transform_18(%arg0: i32) -> (i32, i32) {
    %c0_i32 = arith.constant 0 : i32
    %c0_i32_0 = arith.constant 0 : i32
    %c0_i32_1 = arith.constant 0 : i32
    return %c0_i32, %c0_i32_0 : i32, i32
  }
}

module attributes {stable_mosaic.version = 14 : i64} {
  func.func @_qsum_body(%arg0: i32, %arg1: memref<2x1000x128xf32, #tpu.memory_space<vmem>>, %arg2: memref<1000x128xf32, #tpu.memory_space<vmem>>, %arg3: memref<1000x128xf32, #tpu.memory_space<vmem>>, %arg4: memref<1000x128xf32, #tpu.memory_space<vmem>>, %arg5: memref<1000x128xf32, #tpu.memory_space<vmem>>, %arg6: memref<1000x128xf32, #tpu.memory_space<vmem>>, %arg7: memref<1000x128xf32, #tpu.memory_space<vmem>>, %arg8: memref<1000x128xf32, #tpu.memory_space<vmem>>, %arg9: memref<1000x128xf32, #tpu.memory_space<vmem>>, %arg10: memref<2x1000x128xf32, #tpu.memory_space<vmem>>, %arg11: memref<2x1000x128xf32, #tpu.memory_space<vmem>>, %arg12: memref<2x1000x128xf32, #tpu.memory_space<vmem>>, %arg13: memref<2x1000x128xf32, #tpu.memory_space<vmem>>, %arg14: memref<2x1000x128xf32, #tpu.memory_space<vmem>>, %arg15: memref<2x1000x128xf32, #tpu.memory_space<vmem>>, %arg16: memref<2x1000x128xf32, #tpu.memory_space<vmem>>, %arg17: memref<2x1000x128xf32, #tpu.memory_space<vmem>>, %arg18: memref<8x128xf32, #tpu.memory_space<vmem>>, %arg19: memref<8x128xf32, #tpu.memory_space<vmem>>, %arg20: memref<8x128xf32, #tpu.memory_space<vmem>>, %arg21: memref<8x128xf32, #tpu.memory_space<vmem>>, %arg22: memref<8x128xf32, #tpu.memory_space<vmem>>) attributes {dimension_semantics = [#tpu.dimension_semantics<arbitrary>], iteration_bounds = array<i64: 10>, scalar_prefetch = 0 : i64, scratch_operands = 0 : i64, tpu.core_type = #tpu.core_type<tc>, window_params = [{transform_indices = @transform_0, window_bounds = array<i64: 2, 1000, 128>}, {transform_indices = @transform_1, window_bounds = array<i64: 1000, 128>}, {transform_indices = @transform_2, window_bounds = array<i64: 1000, 128>}, {transform_indices = @transform_3, window_bounds = array<i64: 1000, 128>}, {transform_indices = @transform_4, window_bounds = array<i64: 1000, 128>}, {transform_indices = @transform_5, window_bounds = array<i64: 1000, 128>}, {transform_indices = @transform_6, window_bounds = array<i64: 1000, 128>}, {transform_indices = @transform_7, window_bounds = array<i64: 1000, 128>}, {transform_indices = @transform_8, window_bounds = array<i64: 1000, 128>}, {transform_indices = @transform_9, window_bounds = array<i64: 2, 1000, 128>}, {transform_indices = @transform_10, window_bounds = array<i64: 2, 1000, 128>}, {transform_indices = @transform_11, window_bounds = array<i64: 2, 1000, 128>}, {transform_indices = @transform_12, window_bounds = array<i64: 2, 1000, 128>}, {transform_indices = @transform_13, window_bounds = array<i64: 2, 1000, 128>}, {transform_indices = @transform_14, window_bounds = array<i64: 2, 1000, 128>}, {transform_indices = @transform_15, window_bounds = array<i64: 2, 1000, 128>}, {transform_indices = @transform_16, window_bounds = array<i64: 2, 1000, 128>}, {pipeline_mode = #tpu.pipeline_mode<synchronous>, transform_indices = @transform_17, window_bounds = array<i64: 8, 128>}, {pipeline_mode = #tpu.pipeline_mode<synchronous>, transform_indices = @transform_18, window_bounds = array<i64: 8, 128>}, {pipeline_mode = #tpu.pipeline_mode<synchronous>, transform_indices = @transform_19, window_bounds = array<i64: 8, 128>}, {pipeline_mode = #tpu.pipeline_mode<synchronous>, transform_indices = @transform_20, window_bounds = array<i64: 8, 128>}, {pipeline_mode = #tpu.pipeline_mode<synchronous>, transform_indices = @transform_21, window_bounds = array<i64: 8, 128>}]} {
    %get3A = arith.constant 0 : index
    %get3A_0 = arith.constant 0 : index
    %get3A_1 = vector.load %arg18[%get3A, %get3A_0] : memref<8x128xf32, #tpu.memory_space<vmem>>, vector<8x128xf32>
    %mul3A = arith.constant 9.99999974E-5 : f32
    %mul3A_2 = vector.broadcast %mul3A : f32 to vector<8x128xf32>
    %mul3A_3 = arith.mulf %get3A_1, %mul3A_2 : vector<8x128xf32>
    %get3A_4 = arith.constant 0 : index
    %get3A_5 = arith.constant 0 : index
    %get3A_6 = vector.load %arg19[%get3A_4, %get3A_5] : memref<8x128xf32, #tpu.memory_space<vmem>>, vector<8x128xf32>
    %mul3A_7 = arith.constant 9.99999974E-5 : f32
    %mul3A_8 = vector.broadcast %mul3A_7 : f32 to vector<8x128xf32>
    %mul3A_9 = arith.mulf %get3A_6, %mul3A_8 : vector<8x128xf32>
    %mul3A_10 = arith.mulf %mul3A_3, %mul3A_3 : vector<8x128xf32>
    %sub3A = arith.subf %mul3A_9, %mul3A_10 : vector<8x128xf32>
    %get3A_11 = arith.constant 0 : index
    %get3A_12 = arith.constant 0 : index
    %get3A_13 = vector.load %arg20[%get3A_11, %get3A_12] : memref<8x128xf32, #tpu.memory_space<vmem>>, vector<8x128xf32>
    %add3A = arith.constant 9.99999974E-6 : f32
    %add3A_14 = vector.broadcast %add3A : f32 to vector<8x128xf32>
    %add3A_15 = arith.addf %sub3A, %add3A_14 : vector<8x128xf32>
    %rsqrt3A = math.rsqrt %add3A_15 : vector<8x128xf32>
    %mul3A_16 = arith.mulf %get3A_13, %rsqrt3A : vector<8x128xf32>
    %get3A_17 = arith.constant 0 : index
    %get3A_18 = arith.constant 0 : index
    %get3A_19 = vector.load %arg21[%get3A_17, %get3A_18] : memref<8x128xf32, #tpu.memory_space<vmem>>, vector<8x128xf32>
    %mul3A_20 = arith.mulf %mul3A_3, %mul3A_16 : vector<8x128xf32>
    %sub3A_21 = arith.subf %get3A_19, %mul3A_20 : vector<8x128xf32>
    %eq3A = arith.constant 0 : i32
    %eq3A_22 = arith.cmpi eq, %arg0, %eq3A : i32
    %convert_element_type3A = arith.extui %eq3A_22 : i1 to i32
    %cond3A = arith.constant 0 : i32
    %cond3A_23 = arith.cmpi ne, %convert_element_type3A, %cond3A : i32
    scf.if %cond3A_23 {
      %broadcast_in_dim3A_269 = arith.constant 0.000000e+00 : f32
      %broadcast_in_dim3A_270 = vector.broadcast %broadcast_in_dim3A_269 : f32 to vector<8x128xf32>
      %swap3A_271 = arith.constant 0 : index
      %swap3A_272 = arith.constant 0 : index
      %swap3A_273 = vector.load %arg22[%swap3A_271, %swap3A_272] : memref<8x128xf32, #tpu.memory_space<vmem>>, vector<8x128xf32>
      tpu.vector_store %arg22[%swap3A_271, %swap3A_272], %broadcast_in_dim3A_270 {strides = array<i32>} : memref<8x128xf32, #tpu.memory_space<vmem>>, vector<8x128xf32>,
    } else {
    }
    %get3A_24 = arith.constant 0 : index
    %get3A_25 = arith.constant 0 : index
    %get3A_26 = arith.constant 0 : index
    %get3A_27 = vector.load %arg1[%get3A_24, %get3A_25, %get3A_26] : memref<2x1000x128xf32, #tpu.memory_space<vmem>>, vector<1x1000x128xf32>
    %get3A_28 = vector.shape_cast %get3A_27 : vector<1x1000x128xf32> to vector<1000x128xf32>
    %get3A_29 = arith.constant 1 : index
    %get3A_30 = arith.constant 0 : index
    %get3A_31 = arith.constant 0 : index
    %get3A_32 = vector.load %arg1[%get3A_29, %get3A_30, %get3A_31] : memref<2x1000x128xf32, #tpu.memory_space<vmem>>, vector<1x1000x128xf32>
    %get3A_33 = vector.shape_cast %get3A_32 : vector<1x1000x128xf32> to vector<1000x128xf32>
    %add3A_34 = arith.addf %get3A_28, %get3A_33 : vector<1000x128xf32>
    %slice3A = vector.extract_strided_slice %add3A_34 {offsets = [0, 20], sizes = [1000, 1], strides = [1, 1]} : vector<1000x128xf32> to vector<1000x1xf32>
    %max3A = arith.constant 1.000000e+00 : f32
    %max3A_35 = vector.broadcast %max3A : f32 to vector<1000x1xf32>
    %max3A_36 = arith.maximumf %slice3A, %max3A_35 : vector<1000x1xf32>
    %div3A = arith.constant 1.000000e+00 : f32
    %div3A_37 = vector.broadcast %div3A : f32 to vector<1000x1xf32>
    %div3A_38 = arith.divf %div3A_37, %max3A_36 : vector<1000x1xf32>
    %broadcast_in_dim3A = vector.shape_cast %div3A_38 : vector<1000x1xf32> to vector<1000x1xf32>
    %broadcast_in_dim3A_39 = vector.broadcast %broadcast_in_dim3A : vector<1000x1xf32> to vector<1000x128xf32>
    %get3A_40 = arith.constant 0 : index
    %get3A_41 = arith.constant 0 : index
    %get3A_42 = vector.load %arg2[%get3A_40, %get3A_41] : memref<1000x128xf32, #tpu.memory_space<vmem>>, vector<1000x128xf32>
    %get3A_43 = arith.constant 0 : index
    %get3A_44 = arith.constant 0 : index
    %get3A_45 = arith.constant 0 : index
    %get3A_46 = vector.load %arg10[%get3A_43, %get3A_44, %get3A_45] : memref<2x1000x128xf32, #tpu.memory_space<vmem>>, vector<1x1000x128xf32>
    %get3A_47 = vector.shape_cast %get3A_46 : vector<1x1000x128xf32> to vector<1000x128xf32>
    %get3A_48 = arith.constant 1 : index
    %get3A_49 = arith.constant 0 : index
    %get3A_50 = arith.constant 0 : index
    %get3A_51 = vector.load %arg10[%get3A_48, %get3A_49, %get3A_50] : memref<2x1000x128xf32, #tpu.memory_space<vmem>>, vector<1x1000x128xf32>
    %get3A_52 = vector.shape_cast %get3A_51 : vector<1x1000x128xf32> to vector<1000x128xf32>
    %add3A_53 = arith.addf %get3A_47, %get3A_52 : vector<1000x128xf32>
    %mul3A_54 = arith.mulf %add3A_53, %broadcast_in_dim3A_39 : vector<1000x128xf32>
    %add3A_55 = arith.addf %get3A_42, %mul3A_54 : vector<1000x128xf32>
    %slice3A_56 = vector.extract_strided_slice %mul3A_16 {offsets = [0, 0], sizes = [1, 128], strides = [1, 1]} : vector<8x128xf32> to vector<1x128xf32>
    %mul3A_57 = vector.broadcast %slice3A_56 : vector<1x128xf32> to vector<1000x128xf32>
    %mul3A_58 = arith.mulf %add3A_55, %mul3A_57 : vector<1000x128xf32>
    %slice3A_59 = vector.extract_strided_slice %sub3A_21 {offsets = [0, 0], sizes = [1, 128], strides = [1, 1]} : vector<8x128xf32> to vector<1x128xf32>
    %add3A_60 = vector.broadcast %slice3A_59 : vector<1x128xf32> to vector<1000x128xf32>
    %add3A_61 = arith.addf %mul3A_58, %add3A_60 : vector<1000x128xf32>
    %max3A_62 = arith.constant 0.000000e+00 : f32
    %max3A_63 = vector.broadcast %max3A_62 : f32 to vector<1000x128xf32>
    %max3A_64 = arith.maximumf %add3A_61, %max3A_63 : vector<1000x128xf32>
    %reduce_sum3A = arith.constant dense<0.000000e+00> : vector<128xf32>
    %reduce_sum3A_65 = vector.multi_reduction <add>, %max3A_64, %reduce_sum3A [0] : vector<1000x128xf32> to vector<128xf32>
    %broadcast_in_dim3A_66 = vector.shape_cast %reduce_sum3A_65 : vector<128xf32> to vector<1x128xf32>
    %get3A_67 = arith.constant 0 : index
    %get3A_68 = arith.constant 0 : index
    %get3A_69 = vector.load %arg3[%get3A_67, %get3A_68] : memref<1000x128xf32, #tpu.memory_space<vmem>>, vector<1000x128xf32>
    %get3A_70 = arith.constant 0 : index
    %get3A_71 = arith.constant 0 : index
    %get3A_72 = arith.constant 0 : index
    %get3A_73 = vector.load %arg11[%get3A_70, %get3A_71, %get3A_72] : memref<2x1000x128xf32, #tpu.memory_space<vmem>>, vector<1x1000x128xf32>
    %get3A_74 = vector.shape_cast %get3A_73 : vector<1x1000x128xf32> to vector<1000x128xf32>
    %get3A_75 = arith.constant 1 : index
    %get3A_76 = arith.constant 0 : index
    %get3A_77 = arith.constant 0 : index
    %get3A_78 = vector.load %arg11[%get3A_75, %get3A_76, %get3A_77] : memref<2x1000x128xf32, #tpu.memory_space<vmem>>, vector<1x1000x128xf32>
    %get3A_79 = vector.shape_cast %get3A_78 : vector<1x1000x128xf32> to vector<1000x128xf32>
    %add3A_80 = arith.addf %get3A_74, %get3A_79 : vector<1000x128xf32>
    %mul3A_81 = arith.mulf %add3A_80, %broadcast_in_dim3A_39 : vector<1000x128xf32>
    %add3A_82 = arith.addf %get3A_69, %mul3A_81 : vector<1000x128xf32>
    %slice3A_83 = vector.extract_strided_slice %mul3A_16 {offsets = [1, 0], sizes = [1, 128], strides = [1, 1]} : vector<8x128xf32> to vector<1x128xf32>
    %mul3A_84 = vector.broadcast %slice3A_83 : vector<1x128xf32> to vector<1000x128xf32>
    %mul3A_85 = arith.mulf %add3A_82, %mul3A_84 : vector<1000x128xf32>
    %slice3A_86 = vector.extract_strided_slice %sub3A_21 {offsets = [1, 0], sizes = [1, 128], strides = [1, 1]} : vector<8x128xf32> to vector<1x128xf32>
    %add3A_87 = vector.broadcast %slice3A_86 : vector<1x128xf32> to vector<1000x128xf32>
    %add3A_88 = arith.addf %mul3A_85, %add3A_87 : vector<1000x128xf32>
    %max3A_89 = arith.constant 0.000000e+00 : f32
    %max3A_90 = vector.broadcast %max3A_89 : f32 to vector<1000x128xf32>
    %max3A_91 = arith.maximumf %add3A_88, %max3A_90 : vector<1000x128xf32>
    %reduce_sum3A_92 = arith.constant dense<0.000000e+00> : vector<128xf32>
    %reduce_sum3A_93 = vector.multi_reduction <add>, %max3A_91, %reduce_sum3A_92 [0] : vector<1000x128xf32> to vector<128xf32>
    %broadcast_in_dim3A_94 = vector.shape_cast %reduce_sum3A_93 : vector<128xf32> to vector<1x128xf32>
    %get3A_95 = arith.constant 0 : index
    %get3A_96 = arith.constant 0 : index
    %get3A_97 = vector.load %arg4[%get3A_95, %get3A_96] : memref<1000x128xf32, #tpu.memory_space<vmem>>, vector<1000x128xf32>
    %get3A_98 = arith.constant 0 : index
    %get3A_99 = arith.constant 0 : index
    %get3A_100 = arith.constant 0 : index
    %get3A_101 = vector.load %arg12[%get3A_98, %get3A_99, %get3A_100] : memref<2x1000x128xf32, #tpu.memory_space<vmem>>, vector<1x1000x128xf32>
    %get3A_102 = vector.shape_cast %get3A_101 : vector<1x1000x128xf32> to vector<1000x128xf32>
    %get3A_103 = arith.constant 1 : index
    %get3A_104 = arith.constant 0 : index
    %get3A_105 = arith.constant 0 : index
    %get3A_106 = vector.load %arg12[%get3A_103, %get3A_104, %get3A_105] : memref<2x1000x128xf32, #tpu.memory_space<vmem>>, vector<1x1000x128xf32>
    %get3A_107 = vector.shape_cast %get3A_106 : vector<1x1000x128xf32> to vector<1000x128xf32>
    %add3A_108 = arith.addf %get3A_102, %get3A_107 : vector<1000x128xf32>
    %mul3A_109 = arith.mulf %add3A_108, %broadcast_in_dim3A_39 : vector<1000x128xf32>
    %add3A_110 = arith.addf %get3A_97, %mul3A_109 : vector<1000x128xf32>
    %slice3A_111 = vector.extract_strided_slice %mul3A_16 {offsets = [2, 0], sizes = [1, 128], strides = [1, 1]} : vector<8x128xf32> to vector<1x128xf32>
    %mul3A_112 = vector.broadcast %slice3A_111 : vector<1x128xf32> to vector<1000x128xf32>
    %mul3A_113 = arith.mulf %add3A_110, %mul3A_112 : vector<1000x128xf32>
    %slice3A_114 = vector.extract_strided_slice %sub3A_21 {offsets = [2, 0], sizes = [1, 128], strides = [1, 1]} : vector<8x128xf32> to vector<1x128xf32>
    %add3A_115 = vector.broadcast %slice3A_114 : vector<1x128xf32> to vector<1000x128xf32>
    %add3A_116 = arith.addf %mul3A_113, %add3A_115 : vector<1000x128xf32>
    %max3A_117 = arith.constant 0.000000e+00 : f32
    %max3A_118 = vector.broadcast %max3A_117 : f32 to vector<1000x128xf32>
    %max3A_119 = arith.maximumf %add3A_116, %max3A_118 : vector<1000x128xf32>
    %reduce_sum3A_120 = arith.constant dense<0.000000e+00> : vector<128xf32>
    %reduce_sum3A_121 = vector.multi_reduction <add>, %max3A_119, %reduce_sum3A_120 [0] : vector<1000x128xf32> to vector<128xf32>
    %broadcast_in_dim3A_122 = vector.shape_cast %reduce_sum3A_121 : vector<128xf32> to vector<1x128xf32>
    %get3A_123 = arith.constant 0 : index
    %get3A_124 = arith.constant 0 : index
    %get3A_125 = vector.load %arg5[%get3A_123, %get3A_124] : memref<1000x128xf32, #tpu.memory_space<vmem>>, vector<1000x128xf32>
    %get3A_126 = arith.constant 0 : index
    %get3A_127 = arith.constant 0 : index
    %get3A_128 = arith.constant 0 : index
    %get3A_129 = vector.load %arg13[%get3A_126, %get3A_127, %get3A_128] : memref<2x1000x128xf32, #tpu.memory_space<vmem>>, vector<1x1000x128xf32>
    %get3A_130 = vector.shape_cast %get3A_129 : vector<1x1000x128xf32> to vector<1000x128xf32>
    %get3A_131 = arith.constant 1 : index
    %get3A_132 = arith.constant 0 : index
    %get3A_133 = arith.constant 0 : index
    %get3A_134 = vector.load %arg13[%get3A_131, %get3A_132, %get3A_133] : memref<2x1000x128xf32, #tpu.memory_space<vmem>>, vector<1x1000x128xf32>
    %get3A_135 = vector.shape_cast %get3A_134 : vector<1x1000x128xf32> to vector<1000x128xf32>
    %add3A_136 = arith.addf %get3A_130, %get3A_135 : vector<1000x128xf32>
    %mul3A_137 = arith.mulf %add3A_136, %broadcast_in_dim3A_39 : vector<1000x128xf32>
    %add3A_138 = arith.addf %get3A_125, %mul3A_137 : vector<1000x128xf32>
    %slice3A_139 = vector.extract_strided_slice %mul3A_16 {offsets = [3, 0], sizes = [1, 128], strides = [1, 1]} : vector<8x128xf32> to vector<1x128xf32>
    %mul3A_140 = vector.broadcast %slice3A_139 : vector<1x128xf32> to vector<1000x128xf32>
    %mul3A_141 = arith.mulf %add3A_138, %mul3A_140 : vector<1000x128xf32>
    %slice3A_142 = vector.extract_strided_slice %sub3A_21 {offsets = [3, 0], sizes = [1, 128], strides = [1, 1]} : vector<8x128xf32> to vector<1x128xf32>
    %add3A_143 = vector.broadcast %slice3A_142 : vector<1x128xf32> to vector<1000x128xf32>
    %add3A_144 = arith.addf %mul3A_141, %add3A_143 : vector<1000x128xf32>
    %max3A_145 = arith.constant 0.000000e+00 : f32
    %max3A_146 = vector.broadcast %max3A_145 : f32 to vector<1000x128xf32>
    %max3A_147 = arith.maximumf %add3A_144, %max3A_146 : vector<1000x128xf32>
    %reduce_sum3A_148 = arith.constant dense<0.000000e+00> : vector<128xf32>
    %reduce_sum3A_149 = vector.multi_reduction <add>, %max3A_147, %reduce_sum3A_148 [0] : vector<1000x128xf32> to vector<128xf32>
    %broadcast_in_dim3A_150 = vector.shape_cast %reduce_sum3A_149 : vector<128xf32> to vector<1x128xf32>
    %get3A_151 = arith.constant 0 : index
    %get3A_152 = arith.constant 0 : index
    %get3A_153 = vector.load %arg6[%get3A_151, %get3A_152] : memref<1000x128xf32, #tpu.memory_space<vmem>>, vector<1000x128xf32>
    %get3A_154 = arith.constant 0 : index
    %get3A_155 = arith.constant 0 : index
    %get3A_156 = arith.constant 0 : index
    %get3A_157 = vector.load %arg14[%get3A_154, %get3A_155, %get3A_156] : memref<2x1000x128xf32, #tpu.memory_space<vmem>>, vector<1x1000x128xf32>
    %get3A_158 = vector.shape_cast %get3A_157 : vector<1x1000x128xf32> to vector<1000x128xf32>
    %get3A_159 = arith.constant 1 : index
    %get3A_160 = arith.constant 0 : index
    %get3A_161 = arith.constant 0 : index
    %get3A_162 = vector.load %arg14[%get3A_159, %get3A_160, %get3A_161] : memref<2x1000x128xf32, #tpu.memory_space<vmem>>, vector<1x1000x128xf32>
    %get3A_163 = vector.shape_cast %get3A_162 : vector<1x1000x128xf32> to vector<1000x128xf32>
    %add3A_164 = arith.addf %get3A_158, %get3A_163 : vector<1000x128xf32>
    %mul3A_165 = arith.mulf %add3A_164, %broadcast_in_dim3A_39 : vector<1000x128xf32>
    %add3A_166 = arith.addf %get3A_153, %mul3A_165 : vector<1000x128xf32>
    %slice3A_167 = vector.extract_strided_slice %mul3A_16 {offsets = [4, 0], sizes = [1, 128], strides = [1, 1]} : vector<8x128xf32> to vector<1x128xf32>
    %mul3A_168 = vector.broadcast %slice3A_167 : vector<1x128xf32> to vector<1000x128xf32>
    %mul3A_169 = arith.mulf %add3A_166, %mul3A_168 : vector<1000x128xf32>
    %slice3A_170 = vector.extract_strided_slice %sub3A_21 {offsets = [4, 0], sizes = [1, 128], strides = [1, 1]} : vector<8x128xf32> to vector<1x128xf32>
    %add3A_171 = vector.broadcast %slice3A_170 : vector<1x128xf32> to vector<1000x128xf32>
    %add3A_172 = arith.addf %mul3A_169, %add3A_171 : vector<1000x128xf32>
    %max3A_173 = arith.constant 0.000000e+00 : f32
    %max3A_174 = vector.broadcast %max3A_173 : f32 to vector<1000x128xf32>
    %max3A_175 = arith.maximumf %add3A_172, %max3A_174 : vector<1000x128xf32>
    %reduce_sum3A_176 = arith.constant dense<0.000000e+00> : vector<128xf32>
    %reduce_sum3A_177 = vector.multi_reduction <add>, %max3A_175, %reduce_sum3A_176 [0] : vector<1000x128xf32> to vector<128xf32>
    %broadcast_in_dim3A_178 = vector.shape_cast %reduce_sum3A_177 : vector<128xf32> to vector<1x128xf32>
    %get3A_179 = arith.constant 0 : index
    %get3A_180 = arith.constant 0 : index
    %get3A_181 = vector.load %arg7[%get3A_179, %get3A_180] : memref<1000x128xf32, #tpu.memory_space<vmem>>, vector<1000x128xf32>
    %get3A_182 = arith.constant 0 : index
    %get3A_183 = arith.constant 0 : index
    %get3A_184 = arith.constant 0 : index
    %get3A_185 = vector.load %arg15[%get3A_182, %get3A_183, %get3A_184] : memref<2x1000x128xf32, #tpu.memory_space<vmem>>, vector<1x1000x128xf32>
    %get3A_186 = vector.shape_cast %get3A_185 : vector<1x1000x128xf32> to vector<1000x128xf32>
    %get3A_187 = arith.constant 1 : index
    %get3A_188 = arith.constant 0 : index
    %get3A_189 = arith.constant 0 : index
    %get3A_190 = vector.load %arg15[%get3A_187, %get3A_188, %get3A_189] : memref<2x1000x128xf32, #tpu.memory_space<vmem>>, vector<1x1000x128xf32>
    %get3A_191 = vector.shape_cast %get3A_190 : vector<1x1000x128xf32> to vector<1000x128xf32>
    %add3A_192 = arith.addf %get3A_186, %get3A_191 : vector<1000x128xf32>
    %mul3A_193 = arith.mulf %add3A_192, %broadcast_in_dim3A_39 : vector<1000x128xf32>
    %add3A_194 = arith.addf %get3A_181, %mul3A_193 : vector<1000x128xf32>
    %slice3A_195 = vector.extract_strided_slice %mul3A_16 {offsets = [5, 0], sizes = [1, 128], strides = [1, 1]} : vector<8x128xf32> to vector<1x128xf32>
    %mul3A_196 = vector.broadcast %slice3A_195 : vector<1x128xf32> to vector<1000x128xf32>
    %mul3A_197 = arith.mulf %add3A_194, %mul3A_196 : vector<1000x128xf32>
    %slice3A_198 = vector.extract_strided_slice %sub3A_21 {offsets = [5, 0], sizes = [1, 128], strides = [1, 1]} : vector<8x128xf32> to vector<1x128xf32>
    %add3A_199 = vector.broadcast %slice3A_198 : vector<1x128xf32> to vector<1000x128xf32>
    %add3A_200 = arith.addf %mul3A_197, %add3A_199 : vector<1000x128xf32>
    %max3A_201 = arith.constant 0.000000e+00 : f32
    %max3A_202 = vector.broadcast %max3A_201 : f32 to vector<1000x128xf32>
    %max3A_203 = arith.maximumf %add3A_200, %max3A_202 : vector<1000x128xf32>
    %reduce_sum3A_204 = arith.constant dense<0.000000e+00> : vector<128xf32>
    %reduce_sum3A_205 = vector.multi_reduction <add>, %max3A_203, %reduce_sum3A_204 [0] : vector<1000x128xf32> to vector<128xf32>
    %broadcast_in_dim3A_206 = vector.shape_cast %reduce_sum3A_205 : vector<128xf32> to vector<1x128xf32>
    %get3A_207 = arith.constant 0 : index
    %get3A_208 = arith.constant 0 : index
    %get3A_209 = vector.load %arg8[%get3A_207, %get3A_208] : memref<1000x128xf32, #tpu.memory_space<vmem>>, vector<1000x128xf32>
    %get3A_210 = arith.constant 0 : index
    %get3A_211 = arith.constant 0 : index
    %get3A_212 = arith.constant 0 : index
    %get3A_213 = vector.load %arg16[%get3A_210, %get3A_211, %get3A_212] : memref<2x1000x128xf32, #tpu.memory_space<vmem>>, vector<1x1000x128xf32>
    %get3A_214 = vector.shape_cast %get3A_213 : vector<1x1000x128xf32> to vector<1000x128xf32>
    %get3A_215 = arith.constant 1 : index
    %get3A_216 = arith.constant 0 : index
    %get3A_217 = arith.constant 0 : index
    %get3A_218 = vector.load %arg16[%get3A_215, %get3A_216, %get3A_217] : memref<2x1000x128xf32, #tpu.memory_space<vmem>>, vector<1x1000x128xf32>
    %get3A_219 = vector.shape_cast %get3A_218 : vector<1x1000x128xf32> to vector<1000x128xf32>
    %add3A_220 = arith.addf %get3A_214, %get3A_219 : vector<1000x128xf32>
    %mul3A_221 = arith.mulf %add3A_220, %broadcast_in_dim3A_39 : vector<1000x128xf32>
    %add3A_222 = arith.addf %get3A_209, %mul3A_221 : vector<1000x128xf32>
    %slice3A_223 = vector.extract_strided_slice %mul3A_16 {offsets = [6, 0], sizes = [1, 128], strides = [1, 1]} : vector<8x128xf32> to vector<1x128xf32>
    %mul3A_224 = vector.broadcast %slice3A_223 : vector<1x128xf32> to vector<1000x128xf32>
    %mul3A_225 = arith.mulf %add3A_222, %mul3A_224 : vector<1000x128xf32>
    %slice3A_226 = vector.extract_strided_slice %sub3A_21 {offsets = [6, 0], sizes = [1, 128], strides = [1, 1]} : vector<8x128xf32> to vector<1x128xf32>
    %add3A_227 = vector.broadcast %slice3A_226 : vector<1x128xf32> to vector<1000x128xf32>
    %add3A_228 = arith.addf %mul3A_225, %add3A_227 : vector<1000x128xf32>
    %max3A_229 = arith.constant 0.000000e+00 : f32
    %max3A_230 = vector.broadcast %max3A_229 : f32 to vector<1000x128xf32>
    %max3A_231 = arith.maximumf %add3A_228, %max3A_230 : vector<1000x128xf32>
    %reduce_sum3A_232 = arith.constant dense<0.000000e+00> : vector<128xf32>
    %reduce_sum3A_233 = vector.multi_reduction <add>, %max3A_231, %reduce_sum3A_232 [0] : vector<1000x128xf32> to vector<128xf32>
    %broadcast_in_dim3A_234 = vector.shape_cast %reduce_sum3A_233 : vector<128xf32> to vector<1x128xf32>
    %get3A_235 = arith.constant 0 : index
    %get3A_236 = arith.constant 0 : index
    %get3A_237 = vector.load %arg9[%get3A_235, %get3A_236] : memref<1000x128xf32, #tpu.memory_space<vmem>>, vector<1000x128xf32>
    %get3A_238 = arith.constant 0 : index
    %get3A_239 = arith.constant 0 : index
    %get3A_240 = arith.constant 0 : index
    %get3A_241 = vector.load %arg17[%get3A_238, %get3A_239, %get3A_240] : memref<2x1000x128xf32, #tpu.memory_space<vmem>>, vector<1x1000x128xf32>
    %get3A_242 = vector.shape_cast %get3A_241 : vector<1x1000x128xf32> to vector<1000x128xf32>
    %get3A_243 = arith.constant 1 : index
    %get3A_244 = arith.constant 0 : index
    %get3A_245 = arith.constant 0 : index
    %get3A_246 = vector.load %arg17[%get3A_243, %get3A_244, %get3A_245] : memref<2x1000x128xf32, #tpu.memory_space<vmem>>, vector<1x1000x128xf32>
    %get3A_247 = vector.shape_cast %get3A_246 : vector<1x1000x128xf32> to vector<1000x128xf32>
    %add3A_248 = arith.addf %get3A_242, %get3A_247 : vector<1000x128xf32>
    %mul3A_249 = arith.mulf %add3A_248, %broadcast_in_dim3A_39 : vector<1000x128xf32>
    %add3A_250 = arith.addf %get3A_237, %mul3A_249 : vector<1000x128xf32>
    %slice3A_251 = vector.extract_strided_slice %mul3A_16 {offsets = [7, 0], sizes = [1, 128], strides = [1, 1]} : vector<8x128xf32> to vector<1x128xf32>
    %mul3A_252 = vector.broadcast %slice3A_251 : vector<1x128xf32> to vector<1000x128xf32>
    %mul3A_253 = arith.mulf %add3A_250, %mul3A_252 : vector<1000x128xf32>
    %slice3A_254 = vector.extract_strided_slice %sub3A_21 {offsets = [7, 0], sizes = [1, 128], strides = [1, 1]} : vector<8x128xf32> to vector<1x128xf32>
    %add3A_255 = vector.broadcast %slice3A_254 : vector<1x128xf32> to vector<1000x128xf32>
    %add3A_256 = arith.addf %mul3A_253, %add3A_255 : vector<1000x128xf32>
    %max3A_257 = arith.constant 0.000000e+00 : f32
    %max3A_258 = vector.broadcast %max3A_257 : f32 to vector<1000x128xf32>
    %max3A_259 = arith.maximumf %add3A_256, %max3A_258 : vector<1000x128xf32>
    %reduce_sum3A_260 = arith.constant dense<0.000000e+00> : vector<128xf32>
    %reduce_sum3A_261 = vector.multi_reduction <add>, %max3A_259, %reduce_sum3A_260 [0] : vector<1000x128xf32> to vector<128xf32>
    %broadcast_in_dim3A_262 = vector.shape_cast %reduce_sum3A_261 : vector<128xf32> to vector<1x128xf32>
    %get3A_263 = arith.constant 0 : index
    %get3A_264 = arith.constant 0 : index
    %get3A_265 = vector.load %arg22[%get3A_263, %get3A_264] : memref<8x128xf32, #tpu.memory_space<vmem>>, vector<8x128xf32>
    %concatenate3A = tpu.concatenate %broadcast_in_dim3A_66, %broadcast_in_dim3A_94, %broadcast_in_dim3A_122, %broadcast_in_dim3A_150, %broadcast_in_dim3A_178, %broadcast_in_dim3A_206, %broadcast_in_dim3A_234, %broadcast_in_dim3A_262 in 0 : vector<1x128xf32>, vector<1x128xf32>, vector<1x128xf32>, vector<1x128xf32>, vector<1x128xf32>, vector<1x128xf32>, vector<1x128xf32>, vector<1x128xf32> -> vector<8x128xf32>
    %add3A_266 = arith.addf %get3A_265, %concatenate3A : vector<8x128xf32>
    %swap3A = arith.constant 0 : index
    %swap3A_267 = arith.constant 0 : index
    %swap3A_268 = vector.load %arg22[%swap3A, %swap3A_267] : memref<8x128xf32, #tpu.memory_space<vmem>>, vector<8x128xf32>
    tpu.vector_store %arg22[%swap3A, %swap3A_267], %add3A_266 {strides = array<i32>} : memref<8x128xf32, #tpu.memory_space<vmem>>, vector<8x128xf32>,
    return
  }
  func.func @transform_0(%arg0: i32) -> (i32, i32, i32) {
    %c0_i32 = arith.constant 0 : i32
    %c0_i32_0 = arith.constant 0 : i32
    %c0_i32_1 = arith.constant 0 : i32
    return %c0_i32, %arg0, %c0_i32_0 : i32, i32, i32
  }
  func.func @transform_1(%arg0: i32) -> (i32, i32) {
    %c0_i32 = arith.constant 0 : i32
    %c0_i32_0 = arith.constant 0 : i32
    return %arg0, %c0_i32 : i32, i32
  }
  func.func @transform_2(%arg0: i32) -> (i32, i32) {
    %c0_i32 = arith.constant 0 : i32
    %c0_i32_0 = arith.constant 0 : i32
    return %arg0, %c0_i32 : i32, i32
  }
  func.func @transform_3(%arg0: i32) -> (i32, i32) {
    %c0_i32 = arith.constant 0 : i32
    %c0_i32_0 = arith.constant 0 : i32
    return %arg0, %c0_i32 : i32, i32
  }
  func.func @transform_4(%arg0: i32) -> (i32, i32) {
    %c0_i32 = arith.constant 0 : i32
    %c0_i32_0 = arith.constant 0 : i32
    return %arg0, %c0_i32 : i32, i32
  }
  func.func @transform_5(%arg0: i32) -> (i32, i32) {
    %c0_i32 = arith.constant 0 : i32
    %c0_i32_0 = arith.constant 0 : i32
    return %arg0, %c0_i32 : i32, i32
  }
  func.func @transform_6(%arg0: i32) -> (i32, i32) {
    %c0_i32 = arith.constant 0 : i32
    %c0_i32_0 = arith.constant 0 : i32
    return %arg0, %c0_i32 : i32, i32
  }
  func.func @transform_7(%arg0: i32) -> (i32, i32) {
    %c0_i32 = arith.constant 0 : i32
    %c0_i32_0 = arith.constant 0 : i32
    return %arg0, %c0_i32 : i32, i32
  }
  func.func @transform_8(%arg0: i32) -> (i32, i32) {
    %c0_i32 = arith.constant 0 : i32
    %c0_i32_0 = arith.constant 0 : i32
    return %arg0, %c0_i32 : i32, i32
  }
  func.func @transform_9(%arg0: i32) -> (i32, i32, i32) {
    %c0_i32 = arith.constant 0 : i32
    %c0_i32_0 = arith.constant 0 : i32
    %c0_i32_1 = arith.constant 0 : i32
    return %c0_i32, %arg0, %c0_i32_0 : i32, i32, i32
  }
  func.func @transform_10(%arg0: i32) -> (i32, i32, i32) {
    %c0_i32 = arith.constant 0 : i32
    %c0_i32_0 = arith.constant 0 : i32
    %c0_i32_1 = arith.constant 0 : i32
    return %c0_i32, %arg0, %c0_i32_0 : i32, i32, i32
  }
  func.func @transform_11(%arg0: i32) -> (i32, i32, i32) {
    %c0_i32 = arith.constant 0 : i32
    %c0_i32_0 = arith.constant 0 : i32
    %c0_i32_1 = arith.constant 0 : i32
    return %c0_i32, %arg0, %c0_i32_0 : i32, i32, i32
  }
  func.func @transform_12(%arg0: i32) -> (i32, i32, i32) {
    %c0_i32 = arith.constant 0 : i32
    %c0_i32_0 = arith.constant 0 : i32
    %c0_i32_1 = arith.constant 0 : i32
    return %c0_i32, %arg0, %c0_i32_0 : i32, i32, i32
  }
  func.func @transform_13(%arg0: i32) -> (i32, i32, i32) {
    %c0_i32 = arith.constant 0 : i32
    %c0_i32_0 = arith.constant 0 : i32
    %c0_i32_1 = arith.constant 0 : i32
    return %c0_i32, %arg0, %c0_i32_0 : i32, i32, i32
  }
  func.func @transform_14(%arg0: i32) -> (i32, i32, i32) {
    %c0_i32 = arith.constant 0 : i32
    %c0_i32_0 = arith.constant 0 : i32
    %c0_i32_1 = arith.constant 0 : i32
    return %c0_i32, %arg0, %c0_i32_0 : i32, i32, i32
  }
  func.func @transform_15(%arg0: i32) -> (i32, i32, i32) {
    %c0_i32 = arith.constant 0 : i32
    %c0_i32_0 = arith.constant 0 : i32
    %c0_i32_1 = arith.constant 0 : i32
    return %c0_i32, %arg0, %c0_i32_0 : i32, i32, i32
  }
  func.func @transform_16(%arg0: i32) -> (i32, i32, i32) {
    %c0_i32 = arith.constant 0 : i32
    %c0_i32_0 = arith.constant 0 : i32
    %c0_i32_1 = arith.constant 0 : i32
    return %c0_i32, %arg0, %c0_i32_0 : i32, i32, i32
  }
  func.func @transform_17(%arg0: i32) -> (i32, i32) {
    %c0_i32 = arith.constant 0 : i32
    %c0_i32_0 = arith.constant 0 : i32
    %c0_i32_1 = arith.constant 0 : i32
    return %c0_i32, %c0_i32_0 : i32, i32
  }
  func.func @transform_18(%arg0: i32) -> (i32, i32) {
    %c0_i32 = arith.constant 0 : i32
    %c0_i32_0 = arith.constant 0 : i32
    %c0_i32_1 = arith.constant 0 : i32
    return %c0_i32, %c0_i32_0 : i32, i32
  }
  func.func @transform_19(%arg0: i32) -> (i32, i32) {
    %c0_i32 = arith.constant 0 : i32
    %c0_i32_0 = arith.constant 0 : i32
    %c0_i32_1 = arith.constant 0 : i32
    return %c0_i32, %c0_i32_0 : i32, i32
  }
  func.func @transform_20(%arg0: i32) -> (i32, i32) {
    %c0_i32 = arith.constant 0 : i32
    %c0_i32_0 = arith.constant 0 : i32
    %c0_i32_1 = arith.constant 0 : i32
    return %c0_i32, %c0_i32_0 : i32, i32
  }
  func.func @transform_21(%arg0: i32) -> (i32, i32) {
    %c0_i32 = arith.constant 0 : i32
    %c0_i32_0 = arith.constant 0 : i32
    %c0_i32_1 = arith.constant 0 : i32
    return %c0_i32, %c0_i32_0 : i32, i32
  }
}

module attributes {stable_mosaic.version = 14 : i64} {
  func.func @_head_body(%arg0: memref<4096x1024xf32, #tpu.memory_space<vmem>>, %arg1: memref<1024x128xf32, #tpu.memory_space<vmem>>, %arg2: memref<8x128x128xf32, #tpu.memory_space<vmem>>, %arg3: memref<8x128xf32, #tpu.memory_space<vmem>>, %arg4: memref<1x128xf32, #tpu.memory_space<vmem>>, %arg5: memref<1x128xf32, #tpu.memory_space<vmem>>, %arg6: memref<1x128xf32, #tpu.memory_space<vmem>>, %arg7: memref<1x128xf32, #tpu.memory_space<vmem>>, %arg8: memref<1x1xf32, #tpu.memory_space<vmem>>, %arg9: memref<4096x1xf32, #tpu.memory_space<vmem>>) attributes {dimension_semantics = [], scalar_prefetch = 0 : i64, scratch_operands = 0 : i64, tpu.core_type = #tpu.core_type<tc>} {
    %get3A = arith.constant 0 : index
    %get3A_0 = arith.constant 0 : index
    %get3A_1 = vector.load %arg3[%get3A, %get3A_0] : memref<8x128xf32, #tpu.memory_space<vmem>>, vector<8x128xf32>
    %mul3A = arith.constant 9.99999974E-5 : f32
    %mul3A_2 = vector.broadcast %mul3A : f32 to vector<8x128xf32>
    %mul3A_3 = arith.mulf %get3A_1, %mul3A_2 : vector<8x128xf32>
    %slice3A = vector.extract_strided_slice %mul3A_3 {offsets = [0, 0], sizes = [1, 128], strides = [1, 1]} : vector<8x128xf32> to vector<1x128xf32>
    %get3A_4 = arith.constant 0 : index
    %get3A_5 = arith.constant 0 : index
    %get3A_6 = arith.constant 0 : index
    %get3A_7 = vector.load %arg2[%get3A_4, %get3A_5, %get3A_6] : memref<8x128x128xf32, #tpu.memory_space<vmem>>, vector<1x128x128xf32>
    %get3A_8 = vector.shape_cast %get3A_7 : vector<1x128x128xf32> to vector<128x128xf32>
    %dot_general3A = arith.constant dense<0.000000e+00> : vector<1x128xf32>
    %dot_general3A_9 = tpu.matmul %slice3A, %get3A_8, %dot_general3A {dimension_numbers = #tpu.dot_dimension_numbers<[1], [0], [0], [1], [0, 0, 1, 1], [], []>, precision = #tpu.contract_precision<fp32>, transpose_lhs_hint = false} : vector<1x128xf32>, vector<128x128xf32>, vector<1x128xf32> -> vector<1x128xf32>
    %slice3A_10 = vector.extract_strided_slice %mul3A_3 {offsets = [1, 0], sizes = [1, 128], strides = [1, 1]} : vector<8x128xf32> to vector<1x128xf32>
    %get3A_11 = arith.constant 1 : index
    %get3A_12 = arith.constant 0 : index
    %get3A_13 = arith.constant 0 : index
    %get3A_14 = vector.load %arg2[%get3A_11, %get3A_12, %get3A_13] : memref<8x128x128xf32, #tpu.memory_space<vmem>>, vector<1x128x128xf32>
    %get3A_15 = vector.shape_cast %get3A_14 : vector<1x128x128xf32> to vector<128x128xf32>
    %dot_general3A_16 = arith.constant dense<0.000000e+00> : vector<1x128xf32>
    %dot_general3A_17 = tpu.matmul %slice3A_10, %get3A_15, %dot_general3A_16 {dimension_numbers = #tpu.dot_dimension_numbers<[1], [0], [0], [1], [0, 0, 1, 1], [], []>, precision = #tpu.contract_precision<fp32>, transpose_lhs_hint = false} : vector<1x128xf32>, vector<128x128xf32>, vector<1x128xf32> -> vector<1x128xf32>
    %add3A = arith.addf %dot_general3A_9, %dot_general3A_17 : vector<1x128xf32>
    %slice3A_18 = vector.extract_strided_slice %mul3A_3 {offsets = [2, 0], sizes = [1, 128], strides = [1, 1]} : vector<8x128xf32> to vector<1x128xf32>
    %get3A_19 = arith.constant 2 : index
    %get3A_20 = arith.constant 0 : index
    %get3A_21 = arith.constant 0 : index
    %get3A_22 = vector.load %arg2[%get3A_19, %get3A_20, %get3A_21] : memref<8x128x128xf32, #tpu.memory_space<vmem>>, vector<1x128x128xf32>
    %get3A_23 = vector.shape_cast %get3A_22 : vector<1x128x128xf32> to vector<128x128xf32>
    %dot_general3A_24 = arith.constant dense<0.000000e+00> : vector<1x128xf32>
    %dot_general3A_25 = tpu.matmul %slice3A_18, %get3A_23, %dot_general3A_24 {dimension_numbers = #tpu.dot_dimension_numbers<[1], [0], [0], [1], [0, 0, 1, 1], [], []>, precision = #tpu.contract_precision<fp32>, transpose_lhs_hint = false} : vector<1x128xf32>, vector<128x128xf32>, vector<1x128xf32> -> vector<1x128xf32>
    %add3A_26 = arith.addf %add3A, %dot_general3A_25 : vector<1x128xf32>
    %slice3A_27 = vector.extract_strided_slice %mul3A_3 {offsets = [3, 0], sizes = [1, 128], strides = [1, 1]} : vector<8x128xf32> to vector<1x128xf32>
    %get3A_28 = arith.constant 3 : index
    %get3A_29 = arith.constant 0 : index
    %get3A_30 = arith.constant 0 : index
    %get3A_31 = vector.load %arg2[%get3A_28, %get3A_29, %get3A_30] : memref<8x128x128xf32, #tpu.memory_space<vmem>>, vector<1x128x128xf32>
    %get3A_32 = vector.shape_cast %get3A_31 : vector<1x128x128xf32> to vector<128x128xf32>
    %dot_general3A_33 = arith.constant dense<0.000000e+00> : vector<1x128xf32>
    %dot_general3A_34 = tpu.matmul %slice3A_27, %get3A_32, %dot_general3A_33 {dimension_numbers = #tpu.dot_dimension_numbers<[1], [0], [0], [1], [0, 0, 1, 1], [], []>, precision = #tpu.contract_precision<fp32>, transpose_lhs_hint = false} : vector<1x128xf32>, vector<128x128xf32>, vector<1x128xf32> -> vector<1x128xf32>
    %add3A_35 = arith.addf %add3A_26, %dot_general3A_34 : vector<1x128xf32>
    %slice3A_36 = vector.extract_strided_slice %mul3A_3 {offsets = [4, 0], sizes = [1, 128], strides = [1, 1]} : vector<8x128xf32> to vector<1x128xf32>
    %get3A_37 = arith.constant 4 : index
    %get3A_38 = arith.constant 0 : index
    %get3A_39 = arith.constant 0 : index
    %get3A_40 = vector.load %arg2[%get3A_37, %get3A_38, %get3A_39] : memref<8x128x128xf32, #tpu.memory_space<vmem>>, vector<1x128x128xf32>
    %get3A_41 = vector.shape_cast %get3A_40 : vector<1x128x128xf32> to vector<128x128xf32>
    %dot_general3A_42 = arith.constant dense<0.000000e+00> : vector<1x128xf32>
    %dot_general3A_43 = tpu.matmul %slice3A_36, %get3A_41, %dot_general3A_42 {dimension_numbers = #tpu.dot_dimension_numbers<[1], [0], [0], [1], [0, 0, 1, 1], [], []>, precision = #tpu.contract_precision<fp32>, transpose_lhs_hint = false} : vector<1x128xf32>, vector<128x128xf32>, vector<1x128xf32> -> vector<1x128xf32>
    %add3A_44 = arith.addf %add3A_35, %dot_general3A_43 : vector<1x128xf32>
    %slice3A_45 = vector.extract_strided_slice %mul3A_3 {offsets = [5, 0], sizes = [1, 128], strides = [1, 1]} : vector<8x128xf32> to vector<1x128xf32>
    %get3A_46 = arith.constant 5 : index
    %get3A_47 = arith.constant 0 : index
    %get3A_48 = arith.constant 0 : index
    %get3A_49 = vector.load %arg2[%get3A_46, %get3A_47, %get3A_48] : memref<8x128x128xf32, #tpu.memory_space<vmem>>, vector<1x128x128xf32>
    %get3A_50 = vector.shape_cast %get3A_49 : vector<1x128x128xf32> to vector<128x128xf32>
    %dot_general3A_51 = arith.constant dense<0.000000e+00> : vector<1x128xf32>
    %dot_general3A_52 = tpu.matmul %slice3A_45, %get3A_50, %dot_general3A_51 {dimension_numbers = #tpu.dot_dimension_numbers<[1], [0], [0], [1], [0, 0, 1, 1], [], []>, precision = #tpu.contract_precision<fp32>, transpose_lhs_hint = false} : vector<1x128xf32>, vector<128x128xf32>, vector<1x128xf32> -> vector<1x128xf32>
    %add3A_53 = arith.addf %add3A_44, %dot_general3A_52 : vector<1x128xf32>
    %slice3A_54 = vector.extract_strided_slice %mul3A_3 {offsets = [6, 0], sizes = [1, 128], strides = [1, 1]} : vector<8x128xf32> to vector<1x128xf32>
    %get3A_55 = arith.constant 6 : index
    %get3A_56 = arith.constant 0 : index
    %get3A_57 = arith.constant 0 : index
    %get3A_58 = vector.load %arg2[%get3A_55, %get3A_56, %get3A_57] : memref<8x128x128xf32, #tpu.memory_space<vmem>>, vector<1x128x128xf32>
    %get3A_59 = vector.shape_cast %get3A_58 : vector<1x128x128xf32> to vector<128x128xf32>
    %dot_general3A_60 = arith.constant dense<0.000000e+00> : vector<1x128xf32>
    %dot_general3A_61 = tpu.matmul %slice3A_54, %get3A_59, %dot_general3A_60 {dimension_numbers = #tpu.dot_dimension_numbers<[1], [0], [0], [1], [0, 0, 1, 1], [], []>, precision = #tpu.contract_precision<fp32>, transpose_lhs_hint = false} : vector<1x128xf32>, vector<128x128xf32>, vector<1x128xf32> -> vector<1x128xf32>
    %add3A_62 = arith.addf %add3A_53, %dot_general3A_61 : vector<1x128xf32>
    %slice3A_63 = vector.extract_strided_slice %mul3A_3 {offsets = [7, 0], sizes = [1, 128], strides = [1, 1]} : vector<8x128xf32> to vector<1x128xf32>
    %get3A_64 = arith.constant 7 : index
    %get3A_65 = arith.constant 0 : index
    %get3A_66 = arith.constant 0 : index
    %get3A_67 = vector.load %arg2[%get3A_64, %get3A_65, %get3A_66] : memref<8x128x128xf32, #tpu.memory_space<vmem>>, vector<1x128x128xf32>
    %get3A_68 = vector.shape_cast %get3A_67 : vector<1x128x128xf32> to vector<128x128xf32>
    %dot_general3A_69 = arith.constant dense<0.000000e+00> : vector<1x128xf32>
    %dot_general3A_70 = tpu.matmul %slice3A_63, %get3A_68, %dot_general3A_69 {dimension_numbers = #tpu.dot_dimension_numbers<[1], [0], [0], [1], [0, 0, 1, 1], [], []>, precision = #tpu.contract_precision<fp32>, transpose_lhs_hint = false} : vector<1x128xf32>, vector<128x128xf32>, vector<1x128xf32> -> vector<1x128xf32>
    %add3A_71 = arith.addf %add3A_62, %dot_general3A_70 : vector<1x128xf32>
    %get3A_72 = arith.constant 0 : index
    %get3A_73 = arith.constant 0 : index
    %get3A_74 = vector.load %arg0[%get3A_72, %get3A_73] : memref<4096x1024xf32, #tpu.memory_space<vmem>>, vector<4096x1024xf32>
    %get3A_75 = arith.constant 0 : index
    %get3A_76 = arith.constant 0 : index
    %get3A_77 = vector.load %arg1[%get3A_75, %get3A_76] : memref<1024x128xf32, #tpu.memory_space<vmem>>, vector<1024x128xf32>
    %dot_general3A_78 = arith.constant dense<0.000000e+00> : vector<4096x128xf32>
    %dot_general3A_79 = tpu.matmul %get3A_74, %get3A_77, %dot_general3A_78 {dimension_numbers = #tpu.dot_dimension_numbers<[1], [0], [0], [1], [0, 0, 1, 1], [], []>, precision = #tpu.contract_precision<fp32>, transpose_lhs_hint = false} : vector<4096x1024xf32>, vector<1024x128xf32>, vector<4096x128xf32> -> vector<4096x128xf32>
    %add3A_80 = vector.broadcast %add3A_71 : vector<1x128xf32> to vector<4096x128xf32>
    %add3A_81 = arith.addf %dot_general3A_79, %add3A_80 : vector<4096x128xf32>
    %get3A_82 = arith.constant 0 : index
    %get3A_83 = arith.constant 0 : index
    %get3A_84 = vector.load %arg4[%get3A_82, %get3A_83] : memref<1x128xf32, #tpu.memory_space<vmem>>, vector<1x128xf32>
    %add3A_85 = vector.broadcast %get3A_84 : vector<1x128xf32> to vector<4096x128xf32>
    %add3A_86 = arith.addf %add3A_81, %add3A_85 : vector<4096x128xf32>
    %reduce_sum3A = arith.constant dense<0.000000e+00> : vector<128xf32>
    %reduce_sum3A_87 = vector.multi_reduction <add>, %add3A_86, %reduce_sum3A [0] : vector<4096x128xf32> to vector<128xf32>
    %broadcast_in_dim3A = vector.shape_cast %reduce_sum3A_87 : vector<128xf32> to vector<1x128xf32>
    %mul3A_88 = arith.constant 2.44140625E-4 : f32
    %mul3A_89 = vector.broadcast %mul3A_88 : f32 to vector<1x128xf32>
    %mul3A_90 = arith.mulf %broadcast_in_dim3A, %mul3A_89 : vector<1x128xf32>
    %sub3A = vector.broadcast %mul3A_90 : vector<1x128xf32> to vector<4096x128xf32>
    %sub3A_91 = arith.subf %add3A_86, %sub3A : vector<4096x128xf32>
    %mul3A_92 = arith.mulf %sub3A_91, %sub3A_91 : vector<4096x128xf32>
    %reduce_sum3A_93 = arith.constant dense<0.000000e+00> : vector<128xf32>
    %reduce_sum3A_94 = vector.multi_reduction <add>, %mul3A_92, %reduce_sum3A_93 [0] : vector<4096x128xf32> to vector<128xf32>
    %broadcast_in_dim3A_95 = vector.shape_cast %reduce_sum3A_94 : vector<128xf32> to vector<1x128xf32>
    %mul3A_96 = arith.constant 2.44140625E-4 : f32
    %mul3A_97 = vector.broadcast %mul3A_96 : f32 to vector<1x128xf32>
    %mul3A_98 = arith.mulf %broadcast_in_dim3A_95, %mul3A_97 : vector<1x128xf32>
    %get3A_99 = arith.constant 0 : index
    %get3A_100 = arith.constant 0 : index
    %get3A_101 = vector.load %arg5[%get3A_99, %get3A_100] : memref<1x128xf32, #tpu.memory_space<vmem>>, vector<1x128xf32>
    %add3A_102 = arith.constant 9.99999974E-6 : f32
    %add3A_103 = vector.broadcast %add3A_102 : f32 to vector<1x128xf32>
    %add3A_104 = arith.addf %mul3A_98, %add3A_103 : vector<1x128xf32>
    %rsqrt3A = math.rsqrt %add3A_104 : vector<1x128xf32>
    %mul3A_105 = arith.mulf %get3A_101, %rsqrt3A : vector<1x128xf32>
    %mul3A_106 = vector.broadcast %mul3A_105 : vector<1x128xf32> to vector<4096x128xf32>
    %mul3A_107 = arith.mulf %sub3A_91, %mul3A_106 : vector<4096x128xf32>
    %get3A_108 = arith.constant 0 : index
    %get3A_109 = arith.constant 0 : index
    %get3A_110 = vector.load %arg6[%get3A_108, %get3A_109] : memref<1x128xf32, #tpu.memory_space<vmem>>, vector<1x128xf32>
    %add3A_111 = vector.broadcast %get3A_110 : vector<1x128xf32> to vector<4096x128xf32>
    %add3A_112 = arith.addf %mul3A_107, %add3A_111 : vector<4096x128xf32>
    %max3A = arith.constant 0.000000e+00 : f32
    %max3A_113 = vector.broadcast %max3A : f32 to vector<4096x128xf32>
    %max3A_114 = arith.maximumf %add3A_112, %max3A_113 : vector<4096x128xf32>
    %get3A_115 = arith.constant 0 : index
    %get3A_116 = arith.constant 0 : index
    %get3A_117 = vector.load %arg7[%get3A_115, %get3A_116] : memref<1x128xf32, #tpu.memory_space<vmem>>, vector<1x128xf32>
    %mul3A_118 = vector.broadcast %get3A_117 : vector<1x128xf32> to vector<4096x128xf32>
    %mul3A_119 = arith.mulf %max3A_114, %mul3A_118 : vector<4096x128xf32>
    %reduce_sum3A_120 = arith.constant dense<0.000000e+00> : vector<4096xf32>
    %reduce_sum3A_121 = vector.multi_reduction <add>, %mul3A_119, %reduce_sum3A_120 [1] : vector<4096x128xf32> to vector<4096xf32>
    %broadcast_in_dim3A_122 = vector.shape_cast %reduce_sum3A_121 : vector<4096xf32> to vector<4096x1xf32>
    %get3A_123 = arith.constant 0 : index
    %get3A_124 = arith.constant 0 : index
    %get3A_125 = vector.load %arg8[%get3A_123, %get3A_124] : memref<1x1xf32, #tpu.memory_space<vmem>>, vector<1x1xf32>
    %add3A_126 = vector.broadcast %get3A_125 : vector<1x1xf32> to vector<4096x1xf32>
    %add3A_127 = arith.addf %broadcast_in_dim3A_122, %add3A_126 : vector<4096x1xf32>
    %neg3A = arith.constant 0.000000e+00 : f32
    %neg3A_128 = vector.broadcast %neg3A : f32 to vector<4096x1xf32>
    %neg3A_129 = arith.subf %neg3A_128, %add3A_127 : vector<4096x1xf32>
    %exp3A = math.exp %neg3A_129 : vector<4096x1xf32>
    %add3A_130 = arith.constant 1.000000e+00 : f32
    %add3A_131 = vector.broadcast %add3A_130 : f32 to vector<4096x1xf32>
    %add3A_132 = arith.addf %add3A_131, %exp3A : vector<4096x1xf32>
    %div3A = arith.constant 1.000000e+00 : f32
    %div3A_133 = vector.broadcast %div3A : f32 to vector<4096x1xf32>
    %div3A_134 = arith.divf %div3A_133, %add3A_132 : vector<4096x1xf32>
    %swap3A = arith.constant 0 : index
    %swap3A_135 = arith.constant 0 : index
    %swap3A_136 = vector.load %arg9[%swap3A, %swap3A_135] : memref<4096x1xf32, #tpu.memory_space<vmem>>, vector<4096x1xf32>
    tpu.vector_store %arg9[%swap3A, %swap3A_135], %div3A_134 {strides = array<i32>} : memref<4096x1xf32, #tpu.memory_space<vmem>>, vector<4096x1xf32>,
    return
  }
}

</mosaic_0001>

<sc_bundles>
// kernel: kernel.10.cloned.1.call-start
scs
__scs_entry_jumppad:
0x0: {  	(pc) =	sbr.rel $0x88, $3  }
0x1: {  	(tag) =	ssettag $0x0;
	lr =	simm.s32 $0x1  }
0x2: {  	[smem:$0x3F91] =	sst lr;
	_ =	strace $0xD0000000  }
0x3: {  	_ = 	snop  }
0x4: {  	_ = 	snop  }
0x5: {  	_ = 	snop  }
0x6: {  	_ = 	snop  }
0x7: {  	_ = 	snop  }
__scs_overlays_trampoline_lowered:
0x8: {  	[smem:$0x3FA0] =	sst s0  }
0x9: {  	[smem:$0x3FA1] =	sst s1  }
0xa: {  	[smem:$0x3FA2] =	sst s2  }
0xb: {  	[smem:$0x3FA3] =	sst s3  }
0xc: {  	[smem:$0x3FA4] =	sst s4  }
0xd: {  	[smem:$0x3FA5] =	sst s5  }
0xe: {  	[smem:$0x3FA6] =	sst s6  }
0xf: {  	[smem:$0x3FA7] =	sst s7  }
0x10: {  	[smem:$0x3FA8] =	sst s8  }
0x11: {  	[smem:$0x3FA9] =	sst s9;
	s0 =	simm.s32 @!p0 $0x0  }
0x12: {  	s1 =	sld [smem:$0x3F8F];
	s0 =	simm.s32 @p0 $0x1  }
0x13: {  	[smem:$0x3FAA] =	sst s0;
	s0 =	simm.s32 @!p1 $0x0  }
0x14: {  	s2 =	sld [smem:$0x3F8E];
	s0 =	simm.s32 @p1 $0x1  }
0x15: {  	[smem:$0x3FAB] =	sst s0;
	s0 =	simm.s32 @!p2 $0x0  }
0x16: {  	s3 =	sld [smem:$0x3FDB];
	s0 =	simm.s32 @p2 $0x1  }
0x17: {  	s4 =	simm.s32 $0x1BF5;
	[smem:$0x3FAD] =	sst s0  }
0x18: {  	s0 =	sld [smem:$0x3F90];
	_ =	swait.ge [sflag:s4], $0x0  }
0x19: {  	s7 =	sld [smem:$0x3F91]  }
0x1a: {  	s8 =	sadd.s32 $0xFFFFE003, lr  }
0x1b: {  	s9 =	sadd.s32 $0xFFFFFEF7, lr;
	s5 =	simm.s32 $0xFFFFFFFF;
	p2 =	slt.u32 s8, $0xFFFFF086  }
0x1c: {  	p1 =	slt.u32 s9, $0xF7A;
	s5 =	simm.s32 @!p2 $0x0  }
0x1d: {  	s5 =	simm.s32 @p1 $0x1;
	p0 =	seq.s32 s7, s2  }
0x1e: {  	s7 =	smul.u32 @!p0 $0xF7A, s2;
	p2 =	seq.s32 @!p0 s5, $0x0  }
0x1f: {  	s9 =	smul.u32 $0xF7A, s1;
	s8 =	simm.s32 @!p0 $0x1BF5;
	p2 =	por !p2, p0  }
0x20: {  	[sflag:s8] =	ssyncset.s32 @!p0 $0xFFFFF086;
	s6 =	sadd.s32 @!p0 s3, s7;
	s7 =	simm.s32 @!p0 $0x108  }
0x21: {  	s3 =	sadd.s32 s3, s9;
	s6 =	sadd.s32 @!p0 $0x88, s6;
	s7 =	simm.s32 @p2 $0x1082  }
0x22: {  	[simem:s7], [sflag:s8] =	dma.local @!p0 [hbm:s6], $0xF7A  }
0x23: {  	s9 =	sor.u32 $0xD0000000, s2;
	s6 =	simm.s32 $0x108;
	_ =	swait.ge @!p0 [sflag:s8], $0x0  }
0x24: {  	s3 =	sadd.s32 $0x88, s3;
	s6 =	simm.s32 @!p1 $0x1082;
	[sflag:s4] =	ssyncset.s32 $0xFFFFF086  }
0x25: {  	[simem:s6], [sflag:s4] =	dma.local [hbm:s3], $0xF7A  }
0x26: {  	[smem:$0x3F91] =	sst s1;
	(tag) =	ssettag s2;
	_ =	strace s9  }
0x27: {  	s1 =	sld [smem:$0x3FA1]  }
0x28: {  	s2 =	sld [smem:$0x3FA2]  }
0x29: {  	s4 =	sld [smem:$0x3FA4]  }
0x2a: {  	p0 =	seq.s32 s5, $0x0;
	s5 =	sld [smem:$0x3FA5]  }
0x2b: {  	s6 =	sld [smem:$0x3FA6]  }
0x2c: {  	s7 =	sld [smem:$0x3FA7]  }
0x2d: {  	s3 =	simm.s32 $0x108;
	s8 =	sld [smem:$0x3FA8]  }
0x2e: {  	s3 =	simm.s32 @!p0 $0x1082;
	s9 =	sld [smem:$0x3FA9]  }
0x2f: {  	lr =	sadd.s32 s0, s3;
	s0 =	sld [smem:$0x3FA0]  }
0x30: {  	s3 =	sld [smem:$0x3FA3]  }
0x31: {  	[smem:$0x3FAC] =	sst s10  }
0x32: {  	s10 =	sld [smem:$0x3FAA];
	_ =	sdelay $0x3  }
0x33: {  	p0 =	seq.s32 s10, $0x1;
	s10 =	sld [smem:$0x3FAC];
	_ =	sdelay $0x3  }
0x34: {  	[smem:$0x3FAC] =	sst s10  }
0x35: {  	s10 =	sld [smem:$0x3FAB];
	_ =	sdelay $0x3  }
0x36: {  	p1 =	seq.s32 s10, $0x1;
	s10 =	sld [smem:$0x3FAC];
	_ =	sdelay $0x3  }
0x37: {  	[smem:$0x3FAC] =	sst s10  }
0x38: {  	s10 =	sld [smem:$0x3FAD]  }
0x39: {  	_ = 	snop;
	(pc) =	sbr.ind lr, $3  }
0x3a: {  	_ = 	snop  }
0x3b: {  	_ = 	snop  }
0x3c: {  	p2 =	seq.s32 s10, $0x1;
	s10 =	sld [smem:$0x3FAC]  }
0x3d: {  	_ =	shalt  }
0x3e: {  	_ =	shalt  }
0x3f: {  	_ =	shalt  }
0x40: {  	_ =	shalt  }
0x41: {  	_ =	shalt  }
0x42: {  	_ =	shalt  }
0x43: {  	_ =	shalt  }
0x44: {  	_ =	shalt  }
0x45: {  	_ =	shalt  }
0x46: {  	_ =	shalt  }
0x47: {  	_ =	shalt  }
0x48: {  	_ =	shalt  }
0x49: {  	_ =	shalt  }
0x4a: {  	_ =	shalt  }
0x4b: {  	_ =	shalt  }
0x4c: {  	_ =	shalt  }
0x4d: {  	_ =	shalt  }
0x4e: {  	_ =	shalt  }
0x4f: {  	_ =	shalt  }
0x50: {  	_ =	shalt  }
0x51: {  	_ =	shalt  }
0x52: {  	_ =	shalt  }
0x53: {  	_ =	shalt  }
0x54: {  	_ =	shalt  }
0x55: {  	_ =	shalt  }
0x56: {  	_ =	shalt  }
0x57: {  	_ =	shalt  }
0x58: {  	_ =	shalt  }
0x59: {  	_ =	shalt  }
0x5a: {  	_ =	shalt  }
0x5b: {  	_ =	shalt  }
0x5c: {  	_ =	shalt  }
0x5d: {  	_ =	shalt  }
0x5e: {  	_ =	shalt  }
0x5f: {  	_ =	shalt  }
0x60: {  	_ =	shalt  }
0x61: {  	_ =	shalt  }
0x62: {  	_ =	shalt  }
0x63: {  	_ =	shalt  }
0x64: {  	_ =	shalt  }
0x65: {  	_ =	shalt  }
0x66: {  	_ =	shalt  }
0x67: {  	_ =	shalt  }
0x68: {  	_ =	shalt  }
0x69: {  	_ =	shalt  }
0x6a: {  	_ =	shalt  }
0x6b: {  	_ =	shalt  }
0x6c: {  	_ =	shalt  }
0x6d: {  	_ =	shalt  }
0x6e: {  	_ =	shalt  }
0x6f: {  	_ =	shalt  }
0x70: {  	_ =	shalt  }
0x71: {  	_ =	shalt  }
0x72: {  	_ =	shalt  }
0x73: {  	_ =	shalt  }
0x74: {  	_ =	shalt  }
0x75: {  	_ =	shalt  }
0x76: {  	_ =	shalt  }
0x77: {  	_ =	shalt  }
0x78: {  	_ =	shalt  }
0x79: {  	_ =	shalt  }
0x7a: {  	_ =	shalt  }
0x7b: {  	_ =	shalt  }
0x7c: {  	_ =	shalt  }
0x7d: {  	_ =	shalt  }
0x7e: {  	_ =	shalt  }
0x7f: {  	_ =	shalt  }
0x80: {  	_ =	shalt  }
0x81: {  	_ =	shalt  }
0x82: {  	_ =	shalt  }
0x83: {  	_ =	shalt  }
0x84: {  	_ =	shalt  }
0x85: {  	_ =	shalt  }
0x86: {  	_ =	shalt  }
0x87: {  	_ =	shalt  }
.Lfunc_end0:
.L_simem_size_0:
called_computation_lowered:
.L_overlay_start_0:
0x88: {  	s2 =	sld [smem:$0x3FD9]  }
0x89: {  	s3 =	sld [smem:$0x3FFE];
	_ =	sdelay $0x1  }
0x8a: {  	s1 =	srdreg.scid  }
0x8b: {  	s0 =	sand.u32 $0x1, s1  }
0x8c: {  	s16 =	sshll.u32 s0, $0xA;
	s2 =	sadd.s32 s3, s2  }
0x8d: {  	s2 =	sadd.s32 s2, s16  }
0x8e: {  	[smem:$0x3FB8] =	sst s2  }
0x8f: {  	_ = 	snop  }
0x90: {  	(tm) =	ssettm $0x1  }
0x91: {  	s17 =	sld [smem:$0x3FFB];
	_ =	sdelay $0x3  }
0x92: {  	_ =	strace s17  }
0x93: {  	s2 =	sld [smem:$0x3FFC];
	_ =	sdelay $0x3  }
0x94: {  	_ =	strace s2  }
0x95: {  	s2 =	sld [smem:$0x3FFD];
	_ =	sdelay $0x3  }
0x96: {  	_ =	strace s2  }
0x97: {  	_ =	strace $0x8FFFFFFF  }
0x98: {  	s18 =	sld [smem:$0x3FDB];
	_ =	sdelay $0x1  }
0x99: {  	s19 =	simm.s32 $_scs_section_size  }
0x9a: {  	s4 =	simm.s32 $_size__tile_overlayer_lowered;
	s5 =	simm.s32 $_tile_overlayer_lowered  }
0x9b: {  	s22 =	simm.s32 $0x1BFF;
	s21 =	sshll.u32 s5, $0x1;
	s2 =	sadd.s32 s19, s18  }
0x9c: {  	s6 =	simm.s32 $0x0;
	s20 =	sshll.u32 s4, $0x1;
	s4 =	sadd.s32 s21, s2  }
0x9d: {  	[timem:s6], [sflag:s22] =	dma.local [hbm:s4], s20  }
0x9e: {  	_ =	swait.ge [sflag:s22], s20  }
0x9f: {  	s3 =	ssub.s32 $0x0, s20;
	[sflag:s22] =	ssyncset.done $0x0  }
0xa0: {  	[sflag:s22] =	ssyncadd.s32 s3;
	_ =	sdelay $0x1  }
0xa1: {  	s23 =	simm.s32 $0x1B8B  }
0xa2: {  	_ =	swait.ge [sflag:s23], $0x1  }
0xa3: {  	[sflag:s23] =	ssyncset.done $0x0  }
0xa4: {  	s25 =	simm.s32 $0x1B8E;
	s24 =	sld [smem:$0x3FFE];
	[sflag:s23] =	ssyncadd.s32 $0xFFFFFFFF  }
0xa5: {  	s26 =	simm.s32 $execute0_lowered;
	[smem:$0x3FD2] =	sst s25  }
0xa6: {  	s4 =	sshll.u32 s26, $0x1;
	_ =	strace $0x80000046;
	[dreg:$0x1] =	wrdreg $0xFFFFFFFF  }
0xa7: {  	s28 =	simm.s32 $_size_execute0_lowered;
	s2 =	sadd.s32 s2, s4;
	[dreg:$0x0] =	wrdreg $0x0  }
0xa8: {  	s4 =	sshll.u32 s28, $0x1;
	[dreg:$0x2] =	wrdreg s2  }
0xa9: {  	[dreg:$0x3] =	wrdreg s4  }
0xaa: {  	[dreg:$0x4] =	wrdreg $0xC0  }
0xab: {  	_ =	task [dreg:s6], $0x5FFFF  }
0xac: {  	[dreg:$0x1] =	wrdreg $0xFFFFFFFF  }
0xad: {  	[dreg:$0x0] =	wrdreg $0x60  }
0xae: {  	[dreg:$0x2] =	wrdreg s24  }
0xaf: {  	[dreg:$0x3] =	wrdreg $0xB8000  }
0xb0: {  	[dreg:$0x4] =	wrdreg $0x9  }
0xb1: {  	_ =	task.clear_ibuf [dreg:s6], $0x5FFFF;
	_ =	strace $0x90000046  }
0xb2: {  	s29 =	simm.s32 $0x9;
	_ =	strace $0x80000048  }
0xb3: {  	_ =	swait.ge [sflag:s29], $0x1  }
0xb4: {  	[sflag:s29] =	ssyncadd.s32 $0xFFFFFFFF  }
0xb5: {  	_ =	strace $0x90000048  }
0xb6: {  	_ =	sfence  }
0xb7: {  	s30 =	sld [smem:$0x0];
	_ =	sdelay $0x2  }
0xb8: {  	s31 =	sshll.u32 s1, $0xD;
	s1 =	sshrl.u32 s1, $0x2  }
0xb9: {  	s3 =	sand.u32 $0x4000, s31;
	s1 =	sadd.s32 s1, s30  }
0xba: {  	s0 =	sor.u32 s3, s0;
	s1 =	sshll.u32 s1, $0x11  }
0xbb: {  	s0 =	sor.u32 s1, s0  }
0xbc: {  	s0 =	sadd.s32 $0x8F2B, s0  }
0xbd: {  	[sflag:s0] =	ssyncadd.remote.s32 $0x1  }
0xbe: {  	_ =	sfence.sel $0xFFFF  }
0xbf: {  	[dreg:$0x0] =	wrdreg $0xFFFFFFFF;
	(pc) =	sbr.abs _section_cstart, $3  }
0xc0: {  	[dreg:$0x1] =	wrdreg $0xFFFFFFFF  }
0xc1: {  	_ =	task.clear_ibuf [dreg:s6], $0x2FFFF;
	_ =	strace $0x9FFFFFFF  }
0xc2: {  	(tm) =	ssettm $0x7FFFFFFF  }
0xc3: {  	_ =	shalt  }
tec
execute0_lowered:
.L_overlay_start_1:
0x0: {  	(tag) =	ssettag $0x1  }
0x1: {  	s6 =	rddreg [dreg:$0x0]  }
0x2: {  	s2 =	rddreg [dreg:$0x1]  }
0x3: {  	s0 =	rddreg [dreg:$0x2];
	s1 =	stileid.u32;
	s3 =	simm.s32 $0x0  }
0x4: {  	s4 =	srdreg.scid;
	s14 =	simm.s32 $0x3C00;
	s17 =	simm.s32 $0x40  }
0x5: {  	s18 =	simm.s32 $0x7800;
	s19 =	simm.s32 $0x80;
	s20 =	simm.s32 $0x9800  }
0x6: {  	s21 =	simm.s32 $0x1;
	s22 =	simm.s32 $0x3;
	s5 =	smul.u32 $0x28, s1  }
0x7: {  	s23 =	simm.s32 $0x2;
	s7 =	sand.u32 $0x1, s4;
	s4 =	smul.u32 $0x78, s1  }
0x8: {  	s24 =	simm.s32 $0x4;
	s25 =	simm.s32 $0x0;
	s8 =	smul.u32 $0x2780, s1  }
0x9: {  	[smem:$0x7FF] =	sst s3;
	s30 =	smul.u32 $0x4F000, s1;
	s15 =	sshll.u32 s1, $0x6  }
0xa: {  	p0 =	seq.s32 s7, $0x0;
	s9 =	smul.u32 $0x27800, s7;
	_ =	strace $0x80000047  }
0xb: {  	s29 =	ssub.s32 $0x2, s7;
	s15 =	sor.u32 $0x1C05, s15;
	s5 =	sadd.s32 $0x780, s5  }
0xc: {  	s7 =	sshrl.u32 s29, $0x1;
	s5 =	smov.u32 @p0 s4;
	s8 =	sadd.s32 s8, s9  }
0xd: {  	s12 =	ssub.s32 s29, s7;
	s9 =	sshrl.u32 s30, $0x2;
	s4 =	sshll.u32 s5, $0x4  }
0xe: {  	s5 =	sadd.s32 $0x1D600, s6;
	s11 =	sadd.s32 s8, s6;
	s8 =	simm.s32 $0x78  }
0xf: {  	s16 =	sadd.s32 s9, s2;
	s10 =	sadd.s32 s4, s6;
	s4 =	sadd.s32 $0x44800, s6  }
0x10: {  	s8 =	simm.s32 @!p0 $0x28;
	s16 =	sshrl.u32 s16, $0x3;
	s6 =	sadd.s32 $0x8A00, s10  }
0x11: {  	s7 =	sadd.s32 $0x13000, s10;
	s31 =	sshll.u32 s8, $0x7;
	s13 =	sshrl.u32 s8, $0x1  }
0x12: {  	s10 =	sadd.s32 $0x47000, s11;
	s11 =	smax.u32 s12, $0x1;
	s8 =	sadd.s32 $0x3B00, s31  }
0x13: {  	s9 =	sadd.s32 $0x3B80, s31;
	s12 =	sadd.s32 $0xFFFFFFFF, s13;
	s13 =	simm.s32 $0x5  }
.LBB2_1:
0x14: {  	[tilespmem:s3], [sflag:$0x5] =	stream.linear.gather [hbm4b:s6+s3], $0x3C00, $0x38;
	[tilespmem:$0x1F400] =	vst v63  }
0x15: {  	_ =	swait.ge [sflag:s13], $0x3C00  }
0x16: {  	[sflag:s13] =	ssyncset.done $0x0  }
0x17: {  	[sflag:s13] =	ssyncadd.s32 $0xFFFFC400  }
0x18: {  	[tilespmem:s14], [sflag:$0x5] =	stream.linear.gather [hbm4b:s7+s3], $0x3C00, $0x38;
	[tilespmem:$0x1F400] =	vst v63  }
0x19: {  	_ =	swait.ge [sflag:s13], $0x3C00  }
0x1a: {  	[sflag:s13] =	ssyncset.done $0x0  }
0x1b: {  	[sflag:s13] =	ssyncadd.s32 $0xFFFFC400  }
0x1c: {  	[spmem:s16], [sflag:s15] =	dma.local [hbm:s4], $0x2780  }
0x1d: {  	_ =	swait.ge [sflag:s13], $0x2780  }
0x1e: {  	[sflag:s13] =	ssyncset.done $0x0  }
0x1f: {  	[sflag:s13] =	ssyncadd.s32 $0xFFFFD880  }
0x20: {  	[bflag:$0x0] =	sbarrier.arrive $0xFFFF  }
0x21: {  	[tilespmem:s18], [sflag:$0x1] =	stream.indirect.gather [hbm4b:s5+s17], $0x80, s3, s17, $0xb8;
	[tilespmem:$0x1F400] =	vst v63  }
0x22: {  	_ = 	snop  }
0x23: {  	[tilespmem:s20], [sflag:$0x2] =	stream.indirect.gather [hbm4b:s5+s17], $0x80, s19, s17, $0xb8;
	[tilespmem:$0x1F400] =	vst v63  }
0x24: {  	_ =	swait.ge [sflag:s21], $0x2000  }
0x25: {  	[sflag:s21] =	ssyncset.done $0x0  }
0x26: {  	s26 =	simm.s32 $0x3C00;
	[sflag:s21] =	ssyncadd.s32 $0xFFFFE000  }
0x27: {  	[spmem:s2] =	stream.indirect.scatter.add.f32 [tilespmem:s18], [sflag:$0x3], $0x80, s26, s17, $0xb8;
	[tilespmem:$0x1F400] =	vst v63  }
0x28: {  	_ =	swait.ge [sflag:s22], $0x2000  }
0x29: {  	[sflag:s22] =	ssyncset.done $0x0  }
0x2a: {  	s31 =	simm.s32 $0x100;
	[sflag:s22] =	ssyncadd.s32 $0xFFFFE000  }
0x2b: {  	[tilespmem:s18], [sflag:$0x1] =	stream.indirect.gather [hbm4b:s5+s17], $0x80, s31, s17, $0xb8;
	[tilespmem:$0x1F400] =	vst v63  }
0x2c: {  	_ =	swait.ge [sflag:s23], $0x2000  }
0x2d: {  	p0 =	sne.s32 s12, $0x1;
	[sflag:s23] =	ssyncset.done $0x0  }
.Ltmp0:
0x2e: {  	s31 =	simm.s32 $0x3C80;
	[sflag:s23] =	ssyncadd.s32 $0xFFFFE000;
	(pc) =	sbr.rel @!p0 .LBB2_3-.Ltmp0, $4  }
0x2f: {  	[spmem:s2] =	stream.indirect.scatter.add.f32 [tilespmem:s20], [sflag:$0x4], $0x80, s31, s17, $0xb8;
	[tilespmem:$0x1F400] =	vst v63  }
0x30: {  	_ =	swait.ge [sflag:s24], $0x2000  }
0x31: {  	s28 =	simm.s32 $0x180;
	s29 =	simm.s32 $0x280;
	[sflag:s24] =	ssyncset.done $0x0  }
0x32: {  	s30 =	simm.s32 $0x3D80;
	s26 =	sadd.s32 $0xFFFFFFFF, s12;
	[sflag:s24] =	ssyncadd.s32 $0xFFFFE000  }
.LBB2_2:
0x33: {  	[tilespmem:s20], [sflag:$0x2] =	stream.indirect.gather [hbm4b:s5+s17], $0x80, s28, s17, $0xb8;
	[tilespmem:$0x1F400] =	vst v63  }
0x34: {  	p0 =	sne.s32 s26, $0x1;
	s26 =	sadd.s32 $0xFFFFFFFF, s26;
	_ =	swait.ge [sflag:s21], $0x2000  }
0x35: {  	s28 =	smov.u32 s29;
	[sflag:s21] =	ssyncset.done $0x0  }
0x36: {  	s31 =	sadd.s32 $0xFFFFFF80, s30;
	[sflag:s21] =	ssyncadd.s32 $0xFFFFE000  }
0x37: {  	[spmem:s2] =	stream.indirect.scatter.add.f32 [tilespmem:s18], [sflag:$0x3], $0x80, s31, s17, $0xb8;
	[tilespmem:$0x1F400] =	vst v63  }
0x38: {  	_ =	swait.ge [sflag:s22], $0x2000  }
0x39: {  	[sflag:s22] =	ssyncset.done $0x0  }
0x3a: {  	s31 =	sadd.s32 $0xFFFFFF80, s29;
	[sflag:s22] =	ssyncadd.s32 $0xFFFFE000  }
0x3b: {  	[tilespmem:s18], [sflag:$0x1] =	stream.indirect.gather [hbm4b:s5+s17], $0x80, s31, s17, $0xb8;
	[tilespmem:$0x1F400] =	vst v63  }
0x3c: {  	_ =	swait.ge [sflag:s23], $0x2000  }
0x3d: {  	[sflag:s23] =	ssyncset.done $0x0  }
.Ltmp1:
0x3e: {  	[sflag:s23] =	ssyncadd.s32 $0xFFFFE000;
	(pc) =	sbr.rel @p0 .LBB2_2-.Ltmp1, $4  }
0x3f: {  	[spmem:s2] =	stream.indirect.scatter.add.f32 [tilespmem:s20], [sflag:$0x4], $0x80, s30, s17, $0xb8;
	[tilespmem:$0x1F400] =	vst v63  }
0x40: {  	_ =	swait.ge [sflag:s24], $0x2000  }
0x41: {  	[sflag:s24] =	ssyncset.done $0x0  }
0x42: {  	s29 =	sadd.s32 $0x100, s29;
	s30 =	sadd.s32 $0x100, s30;
	[sflag:s24] =	ssyncadd.s32 $0xFFFFE000  }
.LBB2_3:
0x43: {  	[tilespmem:s20], [sflag:$0x2] =	stream.indirect.gather [hbm4b:s5+s17], $0x80, s28, s17, $0xb8;
	[tilespmem:$0x1F400] =	vst v63  }
0x44: {  	_ =	swait.ge [sflag:s21], $0x2000  }
0x45: {  	[sflag:s21] =	ssyncset.done $0x0  }
0x46: {  	[sflag:s21] =	ssyncadd.s32 $0xFFFFE000  }
0x47: {  	[spmem:s2] =	stream.indirect.scatter.add.f32 [tilespmem:s18], [sflag:$0x3], $0x80, s8, s17, $0xb8;
	[tilespmem:$0x1F400] =	vst v63  }
0x48: {  	_ =	swait.ge [sflag:s22], $0x2000  }
0x49: {  	[sflag:s22] =	ssyncset.done $0x0  }
0x4a: {  	[sflag:s22] =	ssyncadd.s32 $0xFFFFE000  }
0x4b: {  	_ =	swait.ge [sflag:s23], $0x2000  }
0x4c: {  	[sflag:s23] =	ssyncset.done $0x0  }
0x4d: {  	[sflag:s23] =	ssyncadd.s32 $0xFFFFE000  }
0x4e: {  	[spmem:s2] =	stream.indirect.scatter.add.f32 [tilespmem:s20], [sflag:$0x4], $0x80, s9, s17, $0xb8;
	[tilespmem:$0x1F400] =	vst v63  }
0x4f: {  	_ =	swait.ge [sflag:s24], $0x2000  }
0x50: {  	[sflag:s24] =	ssyncset.done $0x0  }
0x51: {  	s25 =	sadd.s32 $0x1, s25;
	[sflag:s24] =	ssyncadd.s32 $0xFFFFE000  }
0x52: {  	p0 =	sne.s32 s25, s11;
	[bflag:$0x0] =	sbarrier.arrive $0xFFFF  }
0x53: {  	[hbm:s10], [sflag:s15] =	dma.local [spmem:s16], $0x2780  }
.Ltmp2:
0x54: {  	_ =	swait.ge [sflag:s13], $0x2780;
	(pc) =	sbr.rel @p0 .LBB2_1-.Ltmp2, $3  }
0x55: {  	[sflag:s13] =	ssyncset.done $0x0  }
0x56: {  	[sflag:s13] =	ssyncadd.s32 $0xFFFFD880  }
0x57: {  	[bflag:$0x0] =	sbarrier.arrive $0xFFFF;
	_ =	sdelay $0x1  }
0x58: {  	_ =	sfence.sel $0x180000  }
0x59: {  	[bflag:$0x0] =	sbarrier.arrive $0xFFFF  }
0x5a: {  	p0 =	sne.s32 s1, $0x0;
	_ =	strace $0x90000047  }
0x5b: {  	s0 =	sadd.s32 @!p0 $0x100000, s0;
	[bflag:$0x2] =	sbarrier.arrive $0xFFFF  }
0x5c: {  	[sflag:s0] =	ssyncadd.tile.s32 @!p0 $0x1;
	_ =	shalt  }
.Lfunc_end2:
_tile_overlayer_lowered:
.L_overlay_start_2:
0x5d: {  	(tag) =	ssettag $0x2  }
0x5e: {  	s0 =	rddreg [dreg:$0x0];
	s2 =	stileid.u32  }
0x5f: {  	s1 =	rddreg [dreg:$0x1];
	p0 =	sne.s32 s2, $0x0  }
0x60: {  	s3 =	rddreg [dreg:$0x2];
	[bflag:$0x3] =	sbarrier.arrive $0xFFFF;
	s2 =	simm.s32 @!p0 $0x1C05  }
0x61: {  	[timem:s3], [sflag:s2] =	dma.local @!p0 [hbm:s0], s1  }
0x62: {  	s0 =	simm.s32 @!p0 $0x5  }
0x63: {  	_ =	swait.ge @!p0 [sflag:s0], s1  }
0x64: {  	s1 =	ssub.s32 @!p0 $0x0, s1;
	[sflag:s0] =	ssyncset.done @!p0 $0x0  }
0x65: {  	[sflag:s0] =	ssyncadd.s32 @!p0 s1  }
0x66: {  	[bflag:$0x3] =	sbarrier.arrive $0xFFFF  }
0x67: {  	_ =	shalt  }

// kernel: kernel.13.cloned.1.call-start
scs
__scs_entry_jumppad:
0x0: {  	(pc) =	sbr.rel $0x88, $3  }
0x1: {  	(tag) =	ssettag $0x0;
	lr =	simm.s32 $0x1  }
0x2: {  	[smem:$0x3F91] =	sst lr;
	_ =	strace $0xD0000000  }
0x3: {  	_ = 	snop  }
0x4: {  	_ = 	snop  }
0x5: {  	_ = 	snop  }
0x6: {  	_ = 	snop  }
0x7: {  	_ = 	snop  }
__scs_overlays_trampoline_lowered:
0x8: {  	[smem:$0x3FA0] =	sst s0  }
0x9: {  	[smem:$0x3FA1] =	sst s1  }
0xa: {  	[smem:$0x3FA2] =	sst s2  }
0xb: {  	[smem:$0x3FA3] =	sst s3  }
0xc: {  	[smem:$0x3FA4] =	sst s4  }
0xd: {  	[smem:$0x3FA5] =	sst s5  }
0xe: {  	[smem:$0x3FA6] =	sst s6  }
0xf: {  	[smem:$0x3FA7] =	sst s7  }
0x10: {  	[smem:$0x3FA8] =	sst s8  }
0x11: {  	[smem:$0x3FA9] =	sst s9;
	s0 =	simm.s32 @!p0 $0x0  }
0x12: {  	s1 =	sld [smem:$0x3F8F];
	s0 =	simm.s32 @p0 $0x1  }
0x13: {  	[smem:$0x3FAA] =	sst s0;
	s0 =	simm.s32 @!p1 $0x0  }
0x14: {  	s2 =	sld [smem:$0x3F8E];
	s0 =	simm.s32 @p1 $0x1  }
0x15: {  	[smem:$0x3FAB] =	sst s0;
	s0 =	simm.s32 @!p2 $0x0  }
0x16: {  	s3 =	sld [smem:$0x3FDB];
	s0 =	simm.s32 @p2 $0x1  }
0x17: {  	s4 =	simm.s32 $0x1BF5;
	[smem:$0x3FAD] =	sst s0  }
0x18: {  	s0 =	sld [smem:$0x3F90];
	_ =	swait.ge [sflag:s4], $0x0  }
0x19: {  	s7 =	sld [smem:$0x3F91]  }
0x1a: {  	s8 =	sadd.s32 $0xFFFFE003, lr  }
0x1b: {  	s9 =	sadd.s32 $0xFFFFFEF7, lr;
	s5 =	simm.s32 $0xFFFFFFFF;
	p2 =	slt.u32 s8, $0xFFFFF086  }
0x1c: {  	p1 =	slt.u32 s9, $0xF7A;
	s5 =	simm.s32 @!p2 $0x0  }
0x1d: {  	s5 =	simm.s32 @p1 $0x1;
	p0 =	seq.s32 s7, s2  }
0x1e: {  	s7 =	smul.u32 @!p0 $0xF7A, s2;
	p2 =	seq.s32 @!p0 s5, $0x0  }
0x1f: {  	s9 =	smul.u32 $0xF7A, s1;
	s8 =	simm.s32 @!p0 $0x1BF5;
	p2 =	por !p2, p0  }
0x20: {  	[sflag:s8] =	ssyncset.s32 @!p0 $0xFFFFF086;
	s6 =	sadd.s32 @!p0 s3, s7;
	s7 =	simm.s32 @!p0 $0x108  }
0x21: {  	s3 =	sadd.s32 s3, s9;
	s6 =	sadd.s32 @!p0 $0x88, s6;
	s7 =	simm.s32 @p2 $0x1082  }
0x22: {  	[simem:s7], [sflag:s8] =	dma.local @!p0 [hbm:s6], $0xF7A  }
0x23: {  	s9 =	sor.u32 $0xD0000000, s2;
	s6 =	simm.s32 $0x108;
	_ =	swait.ge @!p0 [sflag:s8], $0x0  }
0x24: {  	s3 =	sadd.s32 $0x88, s3;
	s6 =	simm.s32 @!p1 $0x1082;
	[sflag:s4] =	ssyncset.s32 $0xFFFFF086  }
0x25: {  	[simem:s6], [sflag:s4] =	dma.local [hbm:s3], $0xF7A  }
0x26: {  	[smem:$0x3F91] =	sst s1;
	(tag) =	ssettag s2;
	_ =	strace s9  }
0x27: {  	s1 =	sld [smem:$0x3FA1]  }
0x28: {  	s2 =	sld [smem:$0x3FA2]  }
0x29: {  	s4 =	sld [smem:$0x3FA4]  }
0x2a: {  	p0 =	seq.s32 s5, $0x0;
	s5 =	sld [smem:$0x3FA5]  }
0x2b: {  	s6 =	sld [smem:$0x3FA6]  }
0x2c: {  	s7 =	sld [smem:$0x3FA7]  }
0x2d: {  	s3 =	simm.s32 $0x108;
	s8 =	sld [smem:$0x3FA8]  }
0x2e: {  	s3 =	simm.s32 @!p0 $0x1082;
	s9 =	sld [smem:$0x3FA9]  }
0x2f: {  	lr =	sadd.s32 s0, s3;
	s0 =	sld [smem:$0x3FA0]  }
0x30: {  	s3 =	sld [smem:$0x3FA3]  }
0x31: {  	[smem:$0x3FAC] =	sst s10  }
0x32: {  	s10 =	sld [smem:$0x3FAA];
	_ =	sdelay $0x3  }
0x33: {  	p0 =	seq.s32 s10, $0x1;
	s10 =	sld [smem:$0x3FAC];
	_ =	sdelay $0x3  }
0x34: {  	[smem:$0x3FAC] =	sst s10  }
0x35: {  	s10 =	sld [smem:$0x3FAB];
	_ =	sdelay $0x3  }
0x36: {  	p1 =	seq.s32 s10, $0x1;
	s10 =	sld [smem:$0x3FAC];
	_ =	sdelay $0x3  }
0x37: {  	[smem:$0x3FAC] =	sst s10  }
0x38: {  	s10 =	sld [smem:$0x3FAD]  }
0x39: {  	_ = 	snop;
	(pc) =	sbr.ind lr, $3  }
0x3a: {  	_ = 	snop  }
0x3b: {  	_ = 	snop  }
0x3c: {  	p2 =	seq.s32 s10, $0x1;
	s10 =	sld [smem:$0x3FAC]  }
0x3d: {  	_ =	shalt  }
0x3e: {  	_ =	shalt  }
0x3f: {  	_ =	shalt  }
0x40: {  	_ =	shalt  }
0x41: {  	_ =	shalt  }
0x42: {  	_ =	shalt  }
0x43: {  	_ =	shalt  }
0x44: {  	_ =	shalt  }
0x45: {  	_ =	shalt  }
0x46: {  	_ =	shalt  }
0x47: {  	_ =	shalt  }
0x48: {  	_ =	shalt  }
0x49: {  	_ =	shalt  }
0x4a: {  	_ =	shalt  }
0x4b: {  	_ =	shalt  }
0x4c: {  	_ =	shalt  }
0x4d: {  	_ =	shalt  }
0x4e: {  	_ =	shalt  }
0x4f: {  	_ =	shalt  }
0x50: {  	_ =	shalt  }
0x51: {  	_ =	shalt  }
0x52: {  	_ =	shalt  }
0x53: {  	_ =	shalt  }
0x54: {  	_ =	shalt  }
0x55: {  	_ =	shalt  }
0x56: {  	_ =	shalt  }
0x57: {  	_ =	shalt  }
0x58: {  	_ =	shalt  }
0x59: {  	_ =	shalt  }
0x5a: {  	_ =	shalt  }
0x5b: {  	_ =	shalt  }
0x5c: {  	_ =	shalt  }
0x5d: {  	_ =	shalt  }
0x5e: {  	_ =	shalt  }
0x5f: {  	_ =	shalt  }
0x60: {  	_ =	shalt  }
0x61: {  	_ =	shalt  }
0x62: {  	_ =	shalt  }
0x63: {  	_ =	shalt  }
0x64: {  	_ =	shalt  }
0x65: {  	_ =	shalt  }
0x66: {  	_ =	shalt  }
0x67: {  	_ =	shalt  }
0x68: {  	_ =	shalt  }
0x69: {  	_ =	shalt  }
0x6a: {  	_ =	shalt  }
0x6b: {  	_ =	shalt  }
0x6c: {  	_ =	shalt  }
0x6d: {  	_ =	shalt  }
0x6e: {  	_ =	shalt  }
0x6f: {  	_ =	shalt  }
0x70: {  	_ =	shalt  }
0x71: {  	_ =	shalt  }
0x72: {  	_ =	shalt  }
0x73: {  	_ =	shalt  }
0x74: {  	_ =	shalt  }
0x75: {  	_ =	shalt  }
0x76: {  	_ =	shalt  }
0x77: {  	_ =	shalt  }
0x78: {  	_ =	shalt  }
0x79: {  	_ =	shalt  }
0x7a: {  	_ =	shalt  }
0x7b: {  	_ =	shalt  }
0x7c: {  	_ =	shalt  }
0x7d: {  	_ =	shalt  }
0x7e: {  	_ =	shalt  }
0x7f: {  	_ =	shalt  }
0x80: {  	_ =	shalt  }
0x81: {  	_ =	shalt  }
0x82: {  	_ =	shalt  }
0x83: {  	_ =	shalt  }
0x84: {  	_ =	shalt  }
0x85: {  	_ =	shalt  }
0x86: {  	_ =	shalt  }
0x87: {  	_ =	shalt  }
.Lfunc_end0:
.L_simem_size_0:
called_computation.1_lowered:
.L_overlay_start_0:
0x88: {  	s2 =	sld [smem:$0x3FD9]  }
0x89: {  	s3 =	sld [smem:$0x3FFE];
	_ =	sdelay $0x1  }
0x8a: {  	s1 =	srdreg.scid  }
0x8b: {  	s0 =	sand.u32 $0x1, s1  }
0x8c: {  	s16 =	sshll.u32 s0, $0xA;
	s2 =	sadd.s32 s3, s2  }
0x8d: {  	s2 =	sadd.s32 s2, s16  }
0x8e: {  	[smem:$0x3FB8] =	sst s2  }
0x8f: {  	_ = 	snop  }
0x90: {  	(tm) =	ssettm $0x1  }
0x91: {  	s17 =	sld [smem:$0x3FFB];
	_ =	sdelay $0x3  }
0x92: {  	_ =	strace s17  }
0x93: {  	s2 =	sld [smem:$0x3FFC];
	_ =	sdelay $0x3  }
0x94: {  	_ =	strace s2  }
0x95: {  	s2 =	sld [smem:$0x3FFD];
	_ =	sdelay $0x3  }
0x96: {  	_ =	strace s2  }
0x97: {  	_ =	strace $0x8FFFFFFF  }
0x98: {  	s18 =	sld [smem:$0x3FDB];
	_ =	sdelay $0x1  }
0x99: {  	s19 =	simm.s32 $_scs_section_size  }
0x9a: {  	s4 =	simm.s32 $_size__tile_overlayer_lowered;
	s5 =	simm.s32 $_tile_overlayer_lowered  }
0x9b: {  	s22 =	simm.s32 $0x1BFF;
	s21 =	sshll.u32 s5, $0x1;
	s2 =	sadd.s32 s19, s18  }
0x9c: {  	s6 =	simm.s32 $0x0;
	s20 =	sshll.u32 s4, $0x1;
	s4 =	sadd.s32 s21, s2  }
0x9d: {  	[timem:s6], [sflag:s22] =	dma.local [hbm:s4], s20  }
0x9e: {  	_ =	swait.ge [sflag:s22], s20  }
0x9f: {  	s3 =	ssub.s32 $0x0, s20;
	[sflag:s22] =	ssyncset.done $0x0  }
0xa0: {  	[sflag:s22] =	ssyncadd.s32 s3;
	_ =	sdelay $0x1  }
0xa1: {  	s23 =	simm.s32 $0x1B8B  }
0xa2: {  	_ =	swait.ge [sflag:s23], $0x1  }
0xa3: {  	[sflag:s23] =	ssyncset.done $0x0  }
0xa4: {  	s25 =	simm.s32 $0x1B8E;
	s24 =	sld [smem:$0x3FFE];
	[sflag:s23] =	ssyncadd.s32 $0xFFFFFFFF  }
0xa5: {  	s26 =	simm.s32 $execute0_lowered;
	[smem:$0x3FD2] =	sst s25  }
0xa6: {  	s4 =	sshll.u32 s26, $0x1;
	_ =	strace $0x80000049;
	[dreg:$0x1] =	wrdreg $0xFFFFFFFF  }
0xa7: {  	s28 =	simm.s32 $_size_execute0_lowered;
	s2 =	sadd.s32 s2, s4;
	[dreg:$0x0] =	wrdreg $0x0  }
0xa8: {  	s4 =	sshll.u32 s28, $0x1;
	[dreg:$0x2] =	wrdreg s2  }
0xa9: {  	[dreg:$0x3] =	wrdreg s4  }
0xaa: {  	[dreg:$0x4] =	wrdreg $0xC0  }
0xab: {  	_ =	task [dreg:s6], $0x5FFFF  }
0xac: {  	[dreg:$0x1] =	wrdreg $0xFFFFFFFF  }
0xad: {  	[dreg:$0x0] =	wrdreg $0x60  }
0xae: {  	[dreg:$0x2] =	wrdreg s24  }
0xaf: {  	[dreg:$0x3] =	wrdreg $0xB8000  }
0xb0: {  	[dreg:$0x4] =	wrdreg $0x9  }
0xb1: {  	_ =	task.clear_ibuf [dreg:s6], $0x5FFFF;
	_ =	strace $0x90000049  }
0xb2: {  	s29 =	simm.s32 $0x9;
	_ =	strace $0x8000004B  }
0xb3: {  	_ =	swait.ge [sflag:s29], $0x1  }
0xb4: {  	[sflag:s29] =	ssyncadd.s32 $0xFFFFFFFF  }
0xb5: {  	_ =	strace $0x9000004B  }
0xb6: {  	_ =	sfence  }
0xb7: {  	s30 =	sld [smem:$0x0];
	_ =	sdelay $0x2  }
0xb8: {  	s31 =	sshll.u32 s1, $0xD;
	s1 =	sshrl.u32 s1, $0x2  }
0xb9: {  	s3 =	sand.u32 $0x4000, s31;
	s1 =	sadd.s32 s1, s30  }
0xba: {  	s0 =	sor.u32 s3, s0;
	s1 =	sshll.u32 s1, $0x11  }
0xbb: {  	s0 =	sor.u32 s1, s0  }
0xbc: {  	s0 =	sadd.s32 $0x8F2B, s0  }
0xbd: {  	[sflag:s0] =	ssyncadd.remote.s32 $0x1  }
0xbe: {  	_ =	sfence.sel $0xFFFF  }
0xbf: {  	[dreg:$0x0] =	wrdreg $0xFFFFFFFF;
	(pc) =	sbr.abs _section_cstart, $3  }
0xc0: {  	[dreg:$0x1] =	wrdreg $0xFFFFFFFF  }
0xc1: {  	_ =	task.clear_ibuf [dreg:s6], $0x2FFFF;
	_ =	strace $0x9FFFFFFF  }
0xc2: {  	(tm) =	ssettm $0x7FFFFFFF  }
0xc3: {  	_ =	shalt  }
tec
execute0_lowered:
.L_overlay_start_1:
0x0: {  	(tag) =	ssettag $0x1  }
0x1: {  	s0 =	rddreg [dreg:$0x0]  }
0x2: {  	s2 =	rddreg [dreg:$0x1]  }
0x3: {  	s14 =	stileid.u32;
	s1 =	srdreg.scid  }
0x4: {  	s20 =	simm.s32 $0x0;
	s29 =	simm.s32 $0x5;
	s3 =	smul.u32 $0x28, s14  }
0x5: {  	s31 =	simm.s32 $0x40;
	s30 =	simm.s32 $0x80;
	s4 =	smul.u32 $0x78, s14  }
0x6: {  	[smem:$0x7FF] =	sst s20;
	s28 =	sadd.s32 $0x44800, s0;
	s11 =	smul.u32 $0x278, s14  }
0x7: {  	s1 =	sand.u32 $0x1, s1;
	s6 =	sadd.s32 $0x131A00, s0;
	s7 =	sadd.s32 $0x158C00, s0  }
0x8: {  	s5 =	sadd.s32 $0x1D600, s0;
	s8 =	sadd.s32 $0x17FE00, s0;
	s9 =	sadd.s32 $0x95200, s0  }
0x9: {  	s10 =	sadd.s32 $0xBC400, s0;
	s14 =	smul.u32 $0x4F000, s14;
	p0 =	seq.s32 s1, $0x0  }
0xa: {  	_ =	strace $0x8000004A;
	s12 =	smul.u32 $0x2780, s1;
	s3 =	sadd.s32 $0x780, s3  }
0xb: {  	s1 =	ssub.s32 $0x2, s1;
	[dreg:$0x3] =	wrdreg s28;
	s3 =	smov.u32 @p0 s4  }
0xc: {  	s24 =	sshrl.u32 s1, $0x1;
	s26 =	sshrl.u32 s14, $0x2;
	s3 =	sshll.u32 s3, $0x4  }
0xd: {  	s12 =	sadd.s32 s11, s12;
	s11 =	sadd.s32 $0xE3600, s0;
	s3 =	sadd.s32 s3, s0  }
0xe: {  	s13 =	sshll.u32 s12, $0x4;
	s12 =	sadd.s32 $0x10A800, s0;
	s25 =	sadd.s32 $0x8A00, s3  }
0xf: {  	s0 =	sadd.s32 s13, s0;
	s3 =	sadd.s32 $0x13000, s3;
	[dreg:$0x4] =	wrdreg s25  }
0x10: {  	s14 =	simm.s32 $0x3;
	s15 =	sadd.s32 $0x381000, s0;
	[dreg:$0x5] =	wrdreg s3  }
0x11: {  	s1 =	ssub.s32 s1, s24;
	s19 =	sadd.s32 $0x3D0000, s0;
	[dreg:$0x7] =	wrdreg s15  }
0x12: {  	s13 =	simm.s32 $0x78;
	s21 =	sadd.s32 $0x2E3000, s0;
	[dreg:$0x8] =	wrdreg s19  }
0x13: {  	s13 =	simm.s32 @!p0 $0x28;
	s22 =	sadd.s32 $0x332000, s0;
	[dreg:$0x9] =	wrdreg s21  }
0x14: {  	s23 =	sadd.s32 $0x245000, s0;
	s24 =	sadd.s32 $0x294000, s0;
	[dreg:$0xa] =	wrdreg s22  }
0x15: {  	s4 =	sshrl.u32 s13, $0x1;
	s13 =	sshll.u32 s13, $0x7;
	[dreg:$0xb] =	wrdreg s23  }
0x16: {  	s3 =	sadd.s32 s26, s2;
	[dreg:$0xc] =	wrdreg s24;
	s25 =	sadd.s32 $0x1A7000, s0  }
0x17: {  	s0 =	sadd.s32 $0x1F6000, s0;
	s26 =	smax.u32 s1, $0x1;
	[dreg:$0x6] =	wrdreg s3  }
0x18: {  	s1 =	simm.s32 $0x9800;
	s15 =	simm.s32 $0x2;
	[dreg:$0xd] =	wrdreg s25  }
0x19: {  	s19 =	simm.s32 $0x4;
	s16 =	sadd.s32 $0xFFFFFFFF, s4;
	[dreg:$0xe] =	wrdreg s0  }
0x1a: {  	s17 =	sadd.s32 $0x3B00, s13;
	s18 =	sadd.s32 $0x3B80, s13;
	[dreg:$0xf] =	wrdreg s26  }
0x1b: {  	s0 =	simm.s32 $0x7800;
	s13 =	simm.s32 $0x1;
	s4 =	simm.s32 $0x0  }
.LBB2_1:
0x1c: {  	[dreg:$0x10] =	wrdreg s4  }
0x1d: {  	s3 =	rddreg [dreg:$0x4]  }
0x1e: {  	[tilespmem:s20], [sflag:$0x5] =	stream.linear.gather [hbm4b:s3+s20], $0x3C00, $0x38;
	[tilespmem:$0x1F400] =	vst v63  }
0x1f: {  	_ =	swait.ge [sflag:s29], $0x3C00  }
0x20: {  	[sflag:s29] =	ssyncset.done $0x0  }
0x21: {  	s24 =	simm.s32 $0x3C00;
	s23 =	rddreg [dreg:$0x5];
	[sflag:s29] =	ssyncadd.s32 $0xFFFFC400  }
0x22: {  	[tilespmem:s24], [sflag:$0x5] =	stream.linear.gather [hbm4b:s23+s20], $0x3C00, $0x38;
	[tilespmem:$0x1F400] =	vst v63  }
0x23: {  	s25 =	stileid.u32;
	_ =	swait.ge [sflag:s29], $0x3C00  }
0x24: {  	s3 =	sshll.u32 s25, $0x6;
	[sflag:s29] =	ssyncset.done $0x0;
	s26 =	rddreg [dreg:$0x6]  }
0x25: {  	s21 =	sor.u32 $0x1C05, s3;
	[sflag:s29] =	ssyncadd.s32 $0xFFFFC400;
	s22 =	sshrl.u32 s26, $0x3  }
0x26: {  	[spmem:s22], [sflag:s21] =	dma.local [hbm:s28], $0x2780  }
0x27: {  	_ =	swait.ge [sflag:s29], $0x2780  }
0x28: {  	[sflag:s29] =	ssyncset.done $0x0  }
0x29: {  	[sflag:s29] =	ssyncadd.s32 $0xFFFFD880  }
0x2a: {  	[bflag:$0x0] =	sbarrier.arrive $0xFFFF  }
0x2b: {  	[tilespmem:s0], [sflag:$0x1] =	stream.indirect.gather [hbm4b:s5+s31], $0x80, s20, s31, $0xb8;
	[tilespmem:$0x1F400] =	vst v63  }
0x2c: {  	_ = 	snop  }
0x2d: {  	[tilespmem:s1], [sflag:$0x2] =	stream.indirect.gather [hbm4b:s5+s31], $0x80, s30, s31, $0xb8;
	[tilespmem:$0x1F400] =	vst v63  }
0x2e: {  	_ =	swait.ge [sflag:s13], $0x2000  }
0x2f: {  	[sflag:s13] =	ssyncset.done $0x0  }
0x30: {  	s24 =	simm.s32 $0x3C00;
	[sflag:s13] =	ssyncadd.s32 $0xFFFFE000  }
0x31: {  	[spmem:s2] =	stream.indirect.scatter.add.f32 [tilespmem:s0], [sflag:$0x3], $0x80, s24, s31, $0xb8;
	[tilespmem:$0x1F400] =	vst v63  }
0x32: {  	_ =	swait.ge [sflag:s14], $0x2000  }
0x33: {  	[sflag:s14] =	ssyncset.done $0x0  }
0x34: {  	s26 =	simm.s32 $0x100;
	[sflag:s14] =	ssyncadd.s32 $0xFFFFE000  }
0x35: {  	[tilespmem:s0], [sflag:$0x1] =	stream.indirect.gather [hbm4b:s5+s31], $0x80, s26, s31, $0xb8;
	[tilespmem:$0x1F400] =	vst v63  }
0x36: {  	_ =	swait.ge [sflag:s15], $0x2000  }
0x37: {  	p0 =	sne.s32 s16, $0x1;
	[sflag:s15] =	ssyncset.done $0x0  }
.Ltmp0:
0x38: {  	s25 =	simm.s32 $0x3C80;
	[sflag:s15] =	ssyncadd.s32 $0xFFFFE000;
	(pc) =	sbr.rel @!p0 .LBB2_3-.Ltmp0, $4  }
0x39: {  	[spmem:s2] =	stream.indirect.scatter.add.f32 [tilespmem:s1], [sflag:$0x4], $0x80, s25, s31, $0xb8;
	[tilespmem:$0x1F400] =	vst v63  }
0x3a: {  	s3 =	simm.s32 $0x3D80;
	_ =	swait.ge [sflag:s19], $0x2000  }
0x3b: {  	s23 =	simm.s32 $0x180;
	s28 =	sadd.s32 $0xFFFFFFFF, s16;
	[sflag:s19] =	ssyncset.done $0x0  }
0x3c: {  	s20 =	simm.s32 $0x180;
	s30 =	simm.s32 $0x280;
	[sflag:s19] =	ssyncadd.s32 $0xFFFFE000  }
.LBB2_2:
0x3d: {  	[tilespmem:s1], [sflag:$0x2] =	stream.indirect.gather [hbm4b:s5+s31], $0x80, s20, s31, $0xb8;
	[tilespmem:$0x1F400] =	vst v63  }
0x3e: {  	p1 =	sne.s32 s28, $0x1;
	s28 =	sadd.s32 $0xFFFFFFFF, s28;
	_ =	swait.ge [sflag:s13], $0x2000  }
0x3f: {  	s20 =	smov.u32 s30;
	[sflag:s13] =	ssyncset.done $0x0  }
0x40: {  	s4 =	sadd.s32 $0xFFFFFF80, s3;
	[sflag:s13] =	ssyncadd.s32 $0xFFFFE000  }
0x41: {  	[spmem:s2] =	stream.indirect.scatter.add.f32 [tilespmem:s0], [sflag:$0x3], $0x80, s4, s31, $0xb8;
	[tilespmem:$0x1F400] =	vst v63  }
0x42: {  	_ =	swait.ge [sflag:s14], $0x2000  }
0x43: {  	[sflag:s14] =	ssyncset.done $0x0  }
0x44: {  	s4 =	sadd.s32 $0xFFFFFF80, s30;
	[sflag:s14] =	ssyncadd.s32 $0xFFFFE000  }
0x45: {  	[tilespmem:s0], [sflag:$0x1] =	stream.indirect.gather [hbm4b:s5+s31], $0x80, s4, s31, $0xb8;
	[tilespmem:$0x1F400] =	vst v63  }
0x46: {  	_ =	swait.ge [sflag:s15], $0x2000  }
0x47: {  	[sflag:s15] =	ssyncset.done $0x0  }
.Ltmp1:
0x48: {  	[sflag:s15] =	ssyncadd.s32 $0xFFFFE000;
	(pc) =	sbr.rel @p1 .LBB2_2-.Ltmp1, $4  }
0x49: {  	[spmem:s2] =	stream.indirect.scatter.add.f32 [tilespmem:s1], [sflag:$0x4], $0x80, s3, s31, $0xb8;
	[tilespmem:$0x1F400] =	vst v63  }
0x4a: {  	_ =	swait.ge [sflag:s19], $0x2000  }
0x4b: {  	[sflag:s19] =	ssyncset.done $0x0  }
0x4c: {  	s30 =	sadd.s32 $0x100, s30;
	s3 =	sadd.s32 $0x100, s3;
	[sflag:s19] =	ssyncadd.s32 $0xFFFFE000  }
.LBB2_3:
0x4d: {  	[tilespmem:s1], [sflag:$0x2] =	stream.indirect.gather [hbm4b:s5+s31], $0x80, s20, s31, $0xb8;
	[tilespmem:$0x1F400] =	vst v63  }
0x4e: {  	_ =	swait.ge [sflag:s13], $0x2000  }
0x4f: {  	[sflag:s13] =	ssyncset.done $0x0  }
0x50: {  	[sflag:s13] =	ssyncadd.s32 $0xFFFFE000  }
0x51: {  	[spmem:s2] =	stream.indirect.scatter.add.f32 [tilespmem:s0], [sflag:$0x3], $0x80, s17, s31, $0xb8;
	[tilespmem:$0x1F400] =	vst v63  }
0x52: {  	_ =	swait.ge [sflag:s14], $0x2000  }
0x53: {  	[sflag:s14] =	ssyncset.done $0x0  }
0x54: {  	[sflag:s14] =	ssyncadd.s32 $0xFFFFE000  }
0x55: {  	_ =	swait.ge [sflag:s15], $0x2000  }
0x56: {  	[sflag:s15] =	ssyncset.done $0x0  }
0x57: {  	[sflag:s15] =	ssyncadd.s32 $0xFFFFE000  }
0x58: {  	[spmem:s2] =	stream.indirect.scatter.add.f32 [tilespmem:s1], [sflag:$0x4], $0x80, s18, s31, $0xb8;
	[tilespmem:$0x1F400] =	vst v63  }
0x59: {  	_ =	swait.ge [sflag:s19], $0x2000  }
0x5a: {  	[sflag:s19] =	ssyncset.done $0x0  }
0x5b: {  	[sflag:s19] =	ssyncadd.s32 $0xFFFFE000  }
0x5c: {  	[bflag:$0x0] =	sbarrier.arrive $0xFFFF  }
0x5d: {  	s3 =	rddreg [dreg:$0x7]  }
0x5e: {  	[hbm:s3], [sflag:s21] =	dma.local [spmem:s22], $0x2780  }
0x5f: {  	_ =	swait.ge [sflag:s29], $0x2780  }
0x60: {  	[sflag:s29] =	ssyncset.done $0x0  }
0x61: {  	[sflag:s29] =	ssyncadd.s32 $0xFFFFD880  }
0x62: {  	[bflag:$0x0] =	sbarrier.arrive $0xFFFF  }
0x63: {  	s28 =	rddreg [dreg:$0x3]  }
0x64: {  	[spmem:s22], [sflag:s21] =	dma.local [hbm:s28], $0x2780  }
0x65: {  	_ =	swait.ge [sflag:s29], $0x2780  }
0x66: {  	[sflag:s29] =	ssyncset.done $0x0  }
0x67: {  	[sflag:s29] =	ssyncadd.s32 $0xFFFFD880  }
0x68: {  	s20 =	simm.s32 $0x0;
	[bflag:$0x0] =	sbarrier.arrive $0xFFFF  }
0x69: {  	[tilespmem:s0], [sflag:$0x1] =	stream.indirect.gather [hbm4b:s6+s31], $0x80, s20, s31, $0xb8;
	[tilespmem:$0x1F400] =	vst v63  }
0x6a: {  	s30 =	simm.s32 $0x80  }
0x6b: {  	[tilespmem:s1], [sflag:$0x2] =	stream.indirect.gather [hbm4b:s6+s31], $0x80, s30, s31, $0xb8;
	[tilespmem:$0x1F400] =	vst v63  }
0x6c: {  	_ =	swait.ge [sflag:s13], $0x2000  }
0x6d: {  	[sflag:s13] =	ssyncset.done $0x0  }
0x6e: {  	[sflag:s13] =	ssyncadd.s32 $0xFFFFE000  }
0x6f: {  	[spmem:s2] =	stream.indirect.scatter.add.f32 [tilespmem:s0], [sflag:$0x3], $0x80, s24, s31, $0xb8;
	[tilespmem:$0x1F400] =	vst v63  }
0x70: {  	_ =	swait.ge [sflag:s14], $0x2000  }
0x71: {  	[sflag:s14] =	ssyncset.done $0x0  }
0x72: {  	[sflag:s14] =	ssyncadd.s32 $0xFFFFE000  }
0x73: {  	[tilespmem:s0], [sflag:$0x1] =	stream.indirect.gather [hbm4b:s6+s31], $0x80, s26, s31, $0xb8;
	[tilespmem:$0x1F400] =	vst v63  }
0x74: {  	_ =	swait.ge [sflag:s15], $0x2000  }
0x75: {  	[sflag:s15] =	ssyncset.done $0x0  }
.Ltmp2:
0x76: {  	[sflag:s15] =	ssyncadd.s32 $0xFFFFE000;
	(pc) =	sbr.rel @!p0 .LBB2_5-.Ltmp2, $4  }
0x77: {  	[spmem:s2] =	stream.indirect.scatter.add.f32 [tilespmem:s1], [sflag:$0x4], $0x80, s25, s31, $0xb8;
	[tilespmem:$0x1F400] =	vst v63  }
0x78: {  	_ =	swait.ge [sflag:s19], $0x2000  }
0x79: {  	s3 =	simm.s32 $0x280;
	[sflag:s19] =	ssyncset.done $0x0  }
0x7a: {  	s24 =	sadd.s32 $0xFFFFFFFF, s16;
	s25 =	simm.s32 $0x3D80;
	[sflag:s19] =	ssyncadd.s32 $0xFFFFE000  }
.LBB2_4:
0x7b: {  	[tilespmem:s1], [sflag:$0x2] =	stream.indirect.gather [hbm4b:s6+s31], $0x80, s23, s31, $0xb8;
	[tilespmem:$0x1F400] =	vst v63  }
0x7c: {  	p1 =	sne.s32 s24, $0x1;
	s24 =	sadd.s32 $0xFFFFFFFF, s24;
	_ =	swait.ge [sflag:s13], $0x2000  }
0x7d: {  	s23 =	smov.u32 s3;
	[sflag:s13] =	ssyncset.done $0x0  }
0x7e: {  	s4 =	sadd.s32 $0xFFFFFF80, s25;
	[sflag:s13] =	ssyncadd.s32 $0xFFFFE000  }
0x7f: {  	[spmem:s2] =	stream.indirect.scatter.add.f32 [tilespmem:s0], [sflag:$0x3], $0x80, s4, s31, $0xb8;
	[tilespmem:$0x1F400] =	vst v63  }
0x80: {  	_ =	swait.ge [sflag:s14], $0x2000  }
0x81: {  	[sflag:s14] =	ssyncset.done $0x0  }
0x82: {  	s4 =	sadd.s32 $0xFFFFFF80, s3;
	[sflag:s14] =	ssyncadd.s32 $0xFFFFE000  }
0x83: {  	[tilespmem:s0], [sflag:$0x1] =	stream.indirect.gather [hbm4b:s6+s31], $0x80, s4, s31, $0xb8;
	[tilespmem:$0x1F400] =	vst v63  }
0x84: {  	_ =	swait.ge [sflag:s15], $0x2000  }
0x85: {  	[sflag:s15] =	ssyncset.done $0x0  }
.Ltmp3:
0x86: {  	[sflag:s15] =	ssyncadd.s32 $0xFFFFE000;
	(pc) =	sbr.rel @p1 .LBB2_4-.Ltmp3, $4  }
0x87: {  	[spmem:s2] =	stream.indirect.scatter.add.f32 [tilespmem:s1], [sflag:$0x4], $0x80, s25, s31, $0xb8;
	[tilespmem:$0x1F400] =	vst v63  }
0x88: {  	_ =	swait.ge [sflag:s19], $0x2000  }
0x89: {  	[sflag:s19] =	ssyncset.done $0x0  }
0x8a: {  	s3 =	sadd.s32 $0x100, s3;
	s25 =	sadd.s32 $0x100, s25;
	[sflag:s19] =	ssyncadd.s32 $0xFFFFE000  }
.LBB2_5:
0x8b: {  	[tilespmem:s1], [sflag:$0x2] =	stream.indirect.gather [hbm4b:s6+s31], $0x80, s23, s31, $0xb8;
	[tilespmem:$0x1F400] =	vst v63  }
0x8c: {  	_ =	swait.ge [sflag:s13], $0x2000  }
0x8d: {  	[sflag:s13] =	ssyncset.done $0x0  }
0x8e: {  	[sflag:s13] =	ssyncadd.s32 $0xFFFFE000  }
0x8f: {  	[spmem:s2] =	stream.indirect.scatter.add.f32 [tilespmem:s0], [sflag:$0x3], $0x80, s17, s31, $0xb8;
	[tilespmem:$0x1F400] =	vst v63  }
0x90: {  	_ =	swait.ge [sflag:s14], $0x2000  }
0x91: {  	[sflag:s14] =	ssyncset.done $0x0  }
0x92: {  	[sflag:s14] =	ssyncadd.s32 $0xFFFFE000  }
0x93: {  	_ =	swait.ge [sflag:s15], $0x2000  }
0x94: {  	[sflag:s15] =	ssyncset.done $0x0  }
0x95: {  	[sflag:s15] =	ssyncadd.s32 $0xFFFFE000  }
0x96: {  	[spmem:s2] =	stream.indirect.scatter.add.f32 [tilespmem:s1], [sflag:$0x4], $0x80, s18, s31, $0xb8;
	[tilespmem:$0x1F400] =	vst v63  }
0x97: {  	_ =	swait.ge [sflag:s19], $0x2000  }
0x98: {  	[sflag:s19] =	ssyncset.done $0x0  }
0x99: {  	[sflag:s19] =	ssyncadd.s32 $0xFFFFE000  }
0x9a: {  	[bflag:$0x0] =	sbarrier.arrive $0xFFFF  }
0x9b: {  	s3 =	rddreg [dreg:$0x8]  }
0x9c: {  	[hbm:s3], [sflag:s21] =	dma.local [spmem:s22], $0x2780  }
0x9d: {  	_ =	swait.ge [sflag:s29], $0x2780  }
0x9e: {  	[sflag:s29] =	ssyncset.done $0x0  }
0x9f: {  	[sflag:s29] =	ssyncadd.s32 $0xFFFFD880  }
0xa0: {  	[bflag:$0x0] =	sbarrier.arrive $0xFFFF  }
0xa1: {  	[spmem:s22], [sflag:s21] =	dma.local [hbm:s28], $0x2780  }
0xa2: {  	_ =	swait.ge [sflag:s29], $0x2780  }
0xa3: {  	[sflag:s29] =	ssyncset.done $0x0  }
0xa4: {  	[sflag:s29] =	ssyncadd.s32 $0xFFFFD880  }
0xa5: {  	[bflag:$0x0] =	sbarrier.arrive $0xFFFF  }
0xa6: {  	[tilespmem:s0], [sflag:$0x1] =	stream.indirect.gather [hbm4b:s7+s31], $0x80, s20, s31, $0xb8;
	[tilespmem:$0x1F400] =	vst v63  }
0xa7: {  	_ = 	snop  }
0xa8: {  	[tilespmem:s1], [sflag:$0x2] =	stream.indirect.gather [hbm4b:s7+s31], $0x80, s30, s31, $0xb8;
	[tilespmem:$0x1F400] =	vst v63  }
0xa9: {  	_ =	swait.ge [sflag:s13], $0x2000  }
0xaa: {  	[sflag:s13] =	ssyncset.done $0x0  }
0xab: {  	s24 =	simm.s32 $0x3C00;
	[sflag:s13] =	ssyncadd.s32 $0xFFFFE000  }
0xac: {  	[spmem:s2] =	stream.indirect.scatter.add.f32 [tilespmem:s0], [sflag:$0x3], $0x80, s24, s31, $0xb8;
	[tilespmem:$0x1F400] =	vst v63  }
0xad: {  	_ =	swait.ge [sflag:s14], $0x2000  }
0xae: {  	[sflag:s14] =	ssyncset.done $0x0  }
0xaf: {  	s26 =	simm.s32 $0x100;
	[sflag:s14] =	ssyncadd.s32 $0xFFFFE000  }
0xb0: {  	[tilespmem:s0], [sflag:$0x1] =	stream.indirect.gather [hbm4b:s7+s31], $0x80, s26, s31, $0xb8;
	[tilespmem:$0x1F400] =	vst v63  }
0xb1: {  	_ =	swait.ge [sflag:s15], $0x2000  }
0xb2: {  	[sflag:s15] =	ssyncset.done $0x0  }
.Ltmp4:
0xb3: {  	s25 =	simm.s32 $0x3C80;
	[sflag:s15] =	ssyncadd.s32 $0xFFFFE000;
	(pc) =	sbr.rel @!p0 .LBB2_7-.Ltmp4, $4  }
0xb4: {  	[spmem:s2] =	stream.indirect.scatter.add.f32 [tilespmem:s1], [sflag:$0x4], $0x80, s25, s31, $0xb8;
	[tilespmem:$0x1F400] =	vst v63  }
0xb5: {  	s23 =	simm.s32 $0x180;
	_ =	swait.ge [sflag:s19], $0x2000  }
0xb6: {  	s3 =	simm.s32 $0x3D80;
	s28 =	sadd.s32 $0xFFFFFFFF, s16;
	[sflag:s19] =	ssyncset.done $0x0  }
0xb7: {  	s20 =	simm.s32 $0x180;
	s30 =	simm.s32 $0x280;
	[sflag:s19] =	ssyncadd.s32 $0xFFFFE000  }
.LBB2_6:
0xb8: {  	[tilespmem:s1], [sflag:$0x2] =	stream.indirect.gather [hbm4b:s7+s31], $0x80, s20, s31, $0xb8;
	[tilespmem:$0x1F400] =	vst v63  }
0xb9: {  	p1 =	sne.s32 s28, $0x1;
	s28 =	sadd.s32 $0xFFFFFFFF, s28;
	_ =	swait.ge [sflag:s13], $0x2000  }
0xba: {  	s20 =	smov.u32 s30;
	[sflag:s13] =	ssyncset.done $0x0  }
0xbb: {  	s4 =	sadd.s32 $0xFFFFFF80, s3;
	[sflag:s13] =	ssyncadd.s32 $0xFFFFE000  }
0xbc: {  	[spmem:s2] =	stream.indirect.scatter.add.f32 [tilespmem:s0], [sflag:$0x3], $0x80, s4, s31, $0xb8;
	[tilespmem:$0x1F400] =	vst v63  }
0xbd: {  	_ =	swait.ge [sflag:s14], $0x2000  }
0xbe: {  	[sflag:s14] =	ssyncset.done $0x0  }
0xbf: {  	s4 =	sadd.s32 $0xFFFFFF80, s30;
	[sflag:s14] =	ssyncadd.s32 $0xFFFFE000  }
0xc0: {  	[tilespmem:s0], [sflag:$0x1] =	stream.indirect.gather [hbm4b:s7+s31], $0x80, s4, s31, $0xb8;
	[tilespmem:$0x1F400] =	vst v63  }
0xc1: {  	_ =	swait.ge [sflag:s15], $0x2000  }
0xc2: {  	[sflag:s15] =	ssyncset.done $0x0  }
.Ltmp5:
0xc3: {  	[sflag:s15] =	ssyncadd.s32 $0xFFFFE000;
	(pc) =	sbr.rel @p1 .LBB2_6-.Ltmp5, $4  }
0xc4: {  	[spmem:s2] =	stream.indirect.scatter.add.f32 [tilespmem:s1], [sflag:$0x4], $0x80, s3, s31, $0xb8;
	[tilespmem:$0x1F400] =	vst v63  }
0xc5: {  	_ =	swait.ge [sflag:s19], $0x2000  }
0xc6: {  	[sflag:s19] =	ssyncset.done $0x0  }
0xc7: {  	s30 =	sadd.s32 $0x100, s30;
	s3 =	sadd.s32 $0x100, s3;
	[sflag:s19] =	ssyncadd.s32 $0xFFFFE000  }
.LBB2_7:
0xc8: {  	[tilespmem:s1], [sflag:$0x2] =	stream.indirect.gather [hbm4b:s7+s31], $0x80, s20, s31, $0xb8;
	[tilespmem:$0x1F400] =	vst v63  }
0xc9: {  	_ =	swait.ge [sflag:s13], $0x2000  }
0xca: {  	[sflag:s13] =	ssyncset.done $0x0  }
0xcb: {  	[sflag:s13] =	ssyncadd.s32 $0xFFFFE000  }
0xcc: {  	[spmem:s2] =	stream.indirect.scatter.add.f32 [tilespmem:s0], [sflag:$0x3], $0x80, s17, s31, $0xb8;
	[tilespmem:$0x1F400] =	vst v63  }
0xcd: {  	_ =	swait.ge [sflag:s14], $0x2000  }
0xce: {  	[sflag:s14] =	ssyncset.done $0x0  }
0xcf: {  	[sflag:s14] =	ssyncadd.s32 $0xFFFFE000  }
0xd0: {  	_ =	swait.ge [sflag:s15], $0x2000  }
0xd1: {  	[sflag:s15] =	ssyncset.done $0x0  }
0xd2: {  	[sflag:s15] =	ssyncadd.s32 $0xFFFFE000  }
0xd3: {  	[spmem:s2] =	stream.indirect.scatter.add.f32 [tilespmem:s1], [sflag:$0x4], $0x80, s18, s31, $0xb8;
	[tilespmem:$0x1F400] =	vst v63  }
0xd4: {  	_ =	swait.ge [sflag:s19], $0x2000  }
0xd5: {  	[sflag:s19] =	ssyncset.done $0x0  }
0xd6: {  	[sflag:s19] =	ssyncadd.s32 $0xFFFFE000  }
0xd7: {  	[bflag:$0x0] =	sbarrier.arrive $0xFFFF  }
0xd8: {  	s3 =	rddreg [dreg:$0x9]  }
0xd9: {  	[hbm:s3], [sflag:s21] =	dma.local [spmem:s22], $0x2780  }
0xda: {  	_ =	swait.ge [sflag:s29], $0x2780  }
0xdb: {  	[sflag:s29] =	ssyncset.done $0x0  }
0xdc: {  	[sflag:s29] =	ssyncadd.s32 $0xFFFFD880  }
0xdd: {  	[bflag:$0x0] =	sbarrier.arrive $0xFFFF  }
0xde: {  	s28 =	rddreg [dreg:$0x3]  }
0xdf: {  	[spmem:s22], [sflag:s21] =	dma.local [hbm:s28], $0x2780  }
0xe0: {  	_ =	swait.ge [sflag:s29], $0x2780  }
0xe1: {  	[sflag:s29] =	ssyncset.done $0x0  }
0xe2: {  	[sflag:s29] =	ssyncadd.s32 $0xFFFFD880  }
0xe3: {  	s20 =	simm.s32 $0x0;
	[bflag:$0x0] =	sbarrier.arrive $0xFFFF  }
0xe4: {  	[tilespmem:s0], [sflag:$0x1] =	stream.indirect.gather [hbm4b:s8+s31], $0x80, s20, s31, $0xb8;
	[tilespmem:$0x1F400] =	vst v63  }
0xe5: {  	s30 =	simm.s32 $0x80  }
0xe6: {  	[tilespmem:s1], [sflag:$0x2] =	stream.indirect.gather [hbm4b:s8+s31], $0x80, s30, s31, $0xb8;
	[tilespmem:$0x1F400] =	vst v63  }
0xe7: {  	_ =	swait.ge [sflag:s13], $0x2000  }
0xe8: {  	[sflag:s13] =	ssyncset.done $0x0  }
0xe9: {  	[sflag:s13] =	ssyncadd.s32 $0xFFFFE000  }
0xea: {  	[spmem:s2] =	stream.indirect.scatter.add.f32 [tilespmem:s0], [sflag:$0x3], $0x80, s24, s31, $0xb8;
	[tilespmem:$0x1F400] =	vst v63  }
0xeb: {  	_ =	swait.ge [sflag:s14], $0x2000  }
0xec: {  	[sflag:s14] =	ssyncset.done $0x0  }
0xed: {  	[sflag:s14] =	ssyncadd.s32 $0xFFFFE000  }
0xee: {  	[tilespmem:s0], [sflag:$0x1] =	stream.indirect.gather [hbm4b:s8+s31], $0x80, s26, s31, $0xb8;
	[tilespmem:$0x1F400] =	vst v63  }
0xef: {  	_ =	swait.ge [sflag:s15], $0x2000  }
0xf0: {  	[sflag:s15] =	ssyncset.done $0x0  }
.Ltmp6:
0xf1: {  	[sflag:s15] =	ssyncadd.s32 $0xFFFFE000;
	(pc) =	sbr.rel @!p0 .LBB2_9-.Ltmp6, $4  }
0xf2: {  	[spmem:s2] =	stream.indirect.scatter.add.f32 [tilespmem:s1], [sflag:$0x4], $0x80, s25, s31, $0xb8;
	[tilespmem:$0x1F400] =	vst v63  }
0xf3: {  	_ =	swait.ge [sflag:s19], $0x2000  }
0xf4: {  	s3 =	simm.s32 $0x280;
	[sflag:s19] =	ssyncset.done $0x0  }
0xf5: {  	s24 =	sadd.s32 $0xFFFFFFFF, s16;
	s25 =	simm.s32 $0x3D80;
	[sflag:s19] =	ssyncadd.s32 $0xFFFFE000  }
.LBB2_8:
0xf6: {  	[tilespmem:s1], [sflag:$0x2] =	stream.indirect.gather [hbm4b:s8+s31], $0x80, s23, s31, $0xb8;
	[tilespmem:$0x1F400] =	vst v63  }
0xf7: {  	p1 =	sne.s32 s24, $0x1;
	s24 =	sadd.s32 $0xFFFFFFFF, s24;
	_ =	swait.ge [sflag:s13], $0x2000  }
0xf8: {  	s23 =	smov.u32 s3;
	[sflag:s13] =	ssyncset.done $0x0  }
0xf9: {  	s4 =	sadd.s32 $0xFFFFFF80, s25;
	[sflag:s13] =	ssyncadd.s32 $0xFFFFE000  }
0xfa: {  	[spmem:s2] =	stream.indirect.scatter.add.f32 [tilespmem:s0], [sflag:$0x3], $0x80, s4, s31, $0xb8;
	[tilespmem:$0x1F400] =	vst v63  }
0xfb: {  	_ =	swait.ge [sflag:s14], $0x2000  }
0xfc: {  	[sflag:s14] =	ssyncset.done $0x0  }
0xfd: {  	s4 =	sadd.s32 $0xFFFFFF80, s3;
	[sflag:s14] =	ssyncadd.s32 $0xFFFFE000  }
0xfe: {  	[tilespmem:s0], [sflag:$0x1] =	stream.indirect.gather [hbm4b:s8+s31], $0x80, s4, s31, $0xb8;
	[tilespmem:$0x1F400] =	vst v63  }
0xff: {  	_ =	swait.ge [sflag:s15], $0x2000  }
0x100: {  	[sflag:s15] =	ssyncset.done $0x0  }
.Ltmp7:
0x101: {  	[sflag:s15] =	ssyncadd.s32 $0xFFFFE000;
	(pc) =	sbr.rel @p1 .LBB2_8-.Ltmp7, $4  }
0x102: {  	[spmem:s2] =	stream.indirect.scatter.add.f32 [tilespmem:s1], [sflag:$0x4], $0x80, s25, s31, $0xb8;
	[tilespmem:$0x1F400] =	vst v63  }
0x103: {  	_ =	swait.ge [sflag:s19], $0x2000  }
0x104: {  	[sflag:s19] =	ssyncset.done $0x0  }
0x105: {  	s3 =	sadd.s32 $0x100, s3;
	s25 =	sadd.s32 $0x100, s25;
	[sflag:s19] =	ssyncadd.s32 $0xFFFFE000  }
.LBB2_9:
0x106: {  	[tilespmem:s1], [sflag:$0x2] =	stream.indirect.gather [hbm4b:s8+s31], $0x80, s23, s31, $0xb8;
	[tilespmem:$0x1F400] =	vst v63  }
0x107: {  	_ =	swait.ge [sflag:s13], $0x2000  }
0x108: {  	[sflag:s13] =	ssyncset.done $0x0  }
0x109: {  	[sflag:s13] =	ssyncadd.s32 $0xFFFFE000  }
0x10a: {  	[spmem:s2] =	stream.indirect.scatter.add.f32 [tilespmem:s0], [sflag:$0x3], $0x80, s17, s31, $0xb8;
	[tilespmem:$0x1F400] =	vst v63  }
0x10b: {  	_ =	swait.ge [sflag:s14], $0x2000  }
0x10c: {  	[sflag:s14] =	ssyncset.done $0x0  }
0x10d: {  	[sflag:s14] =	ssyncadd.s32 $0xFFFFE000  }
0x10e: {  	_ =	swait.ge [sflag:s15], $0x2000  }
0x10f: {  	[sflag:s15] =	ssyncset.done $0x0  }
0x110: {  	[sflag:s15] =	ssyncadd.s32 $0xFFFFE000  }
0x111: {  	[spmem:s2] =	stream.indirect.scatter.add.f32 [tilespmem:s1], [sflag:$0x4], $0x80, s18, s31, $0xb8;
	[tilespmem:$0x1F400] =	vst v63  }
0x112: {  	_ =	swait.ge [sflag:s19], $0x2000  }
0x113: {  	[sflag:s19] =	ssyncset.done $0x0  }
0x114: {  	[sflag:s19] =	ssyncadd.s32 $0xFFFFE000  }
0x115: {  	[bflag:$0x0] =	sbarrier.arrive $0xFFFF  }
0x116: {  	s3 =	rddreg [dreg:$0xa]  }
0x117: {  	[hbm:s3], [sflag:s21] =	dma.local [spmem:s22], $0x2780  }
0x118: {  	_ =	swait.ge [sflag:s29], $0x2780  }
0x119: {  	[sflag:s29] =	ssyncset.done $0x0  }
0x11a: {  	[sflag:s29] =	ssyncadd.s32 $0xFFFFD880  }
0x11b: {  	[bflag:$0x0] =	sbarrier.arrive $0xFFFF  }
0x11c: {  	[spmem:s22], [sflag:s21] =	dma.local [hbm:s28], $0x2780  }
0x11d: {  	_ =	swait.ge [sflag:s29], $0x2780  }
0x11e: {  	[sflag:s29] =	ssyncset.done $0x0  }
0x11f: {  	[sflag:s29] =	ssyncadd.s32 $0xFFFFD880  }
0x120: {  	[bflag:$0x0] =	sbarrier.arrive $0xFFFF  }
0x121: {  	[tilespmem:s0], [sflag:$0x1] =	stream.indirect.gather [hbm4b:s9+s31], $0x80, s20, s31, $0xb8;
	[tilespmem:$0x1F400] =	vst v63  }
0x122: {  	_ = 	snop  }
0x123: {  	[tilespmem:s1], [sflag:$0x2] =	stream.indirect.gather [hbm4b:s9+s31], $0x80, s30, s31, $0xb8;
	[tilespmem:$0x1F400] =	vst v63  }
0x124: {  	_ =	swait.ge [sflag:s13], $0x2000  }
0x125: {  	[sflag:s13] =	ssyncset.done $0x0  }
0x126: {  	s24 =	simm.s32 $0x3C00;
	[sflag:s13] =	ssyncadd.s32 $0xFFFFE000  }
0x127: {  	[spmem:s2] =	stream.indirect.scatter.add.f32 [tilespmem:s0], [sflag:$0x3], $0x80, s24, s31, $0xb8;
	[tilespmem:$0x1F400] =	vst v63  }
0x128: {  	_ =	swait.ge [sflag:s14], $0x2000  }
0x129: {  	[sflag:s14] =	ssyncset.done $0x0  }
0x12a: {  	s26 =	simm.s32 $0x100;
	[sflag:s14] =	ssyncadd.s32 $0xFFFFE000  }
0x12b: {  	[tilespmem:s0], [sflag:$0x1] =	stream.indirect.gather [hbm4b:s9+s31], $0x80, s26, s31, $0xb8;
	[tilespmem:$0x1F400] =	vst v63  }
0x12c: {  	_ =	swait.ge [sflag:s15], $0x2000  }
0x12d: {  	[sflag:s15] =	ssyncset.done $0x0  }
.Ltmp8:
0x12e: {  	s25 =	simm.s32 $0x3C80;
	[sflag:s15] =	ssyncadd.s32 $0xFFFFE000;
	(pc) =	sbr.rel @!p0 .LBB2_11-.Ltmp8, $4  }
0x12f: {  	[spmem:s2] =	stream.indirect.scatter.add.f32 [tilespmem:s1], [sflag:$0x4], $0x80, s25, s31, $0xb8;
	[tilespmem:$0x1F400] =	vst v63  }
0x130: {  	s23 =	simm.s32 $0x180;
	_ =	swait.ge [sflag:s19], $0x2000  }
0x131: {  	s3 =	simm.s32 $0x3D80;
	s28 =	sadd.s32 $0xFFFFFFFF, s16;
	[sflag:s19] =	ssyncset.done $0x0  }
0x132: {  	s20 =	simm.s32 $0x180;
	s30 =	simm.s32 $0x280;
	[sflag:s19] =	ssyncadd.s32 $0xFFFFE000  }
.LBB2_10:
0x133: {  	[tilespmem:s1], [sflag:$0x2] =	stream.indirect.gather [hbm4b:s9+s31], $0x80, s20, s31, $0xb8;
	[tilespmem:$0x1F400] =	vst v63  }
0x134: {  	p1 =	sne.s32 s28, $0x1;
	s28 =	sadd.s32 $0xFFFFFFFF, s28;
	_ =	swait.ge [sflag:s13], $0x2000  }
0x135: {  	s20 =	smov.u32 s30;
	[sflag:s13] =	ssyncset.done $0x0  }
0x136: {  	s4 =	sadd.s32 $0xFFFFFF80, s3;
	[sflag:s13] =	ssyncadd.s32 $0xFFFFE000  }
0x137: {  	[spmem:s2] =	stream.indirect.scatter.add.f32 [tilespmem:s0], [sflag:$0x3], $0x80, s4, s31, $0xb8;
	[tilespmem:$0x1F400] =	vst v63  }
0x138: {  	_ =	swait.ge [sflag:s14], $0x2000  }
0x139: {  	[sflag:s14] =	ssyncset.done $0x0  }
0x13a: {  	s4 =	sadd.s32 $0xFFFFFF80, s30;
	[sflag:s14] =	ssyncadd.s32 $0xFFFFE000  }
0x13b: {  	[tilespmem:s0], [sflag:$0x1] =	stream.indirect.gather [hbm4b:s9+s31], $0x80, s4, s31, $0xb8;
	[tilespmem:$0x1F400] =	vst v63  }
0x13c: {  	_ =	swait.ge [sflag:s15], $0x2000  }
0x13d: {  	[sflag:s15] =	ssyncset.done $0x0  }
.Ltmp9:
0x13e: {  	[sflag:s15] =	ssyncadd.s32 $0xFFFFE000;
	(pc) =	sbr.rel @p1 .LBB2_10-.Ltmp9, $4  }
0x13f: {  	[spmem:s2] =	stream.indirect.scatter.add.f32 [tilespmem:s1], [sflag:$0x4], $0x80, s3, s31, $0xb8;
	[tilespmem:$0x1F400] =	vst v63  }
0x140: {  	_ =	swait.ge [sflag:s19], $0x2000  }
0x141: {  	[sflag:s19] =	ssyncset.done $0x0  }
0x142: {  	s30 =	sadd.s32 $0x100, s30;
	s3 =	sadd.s32 $0x100, s3;
	[sflag:s19] =	ssyncadd.s32 $0xFFFFE000  }
.LBB2_11:
0x143: {  	[tilespmem:s1], [sflag:$0x2] =	stream.indirect.gather [hbm4b:s9+s31], $0x80, s20, s31, $0xb8;
	[tilespmem:$0x1F400] =	vst v63  }
0x144: {  	_ =	swait.ge [sflag:s13], $0x2000  }
0x145: {  	[sflag:s13] =	ssyncset.done $0x0  }
0x146: {  	[sflag:s13] =	ssyncadd.s32 $0xFFFFE000  }
0x147: {  	[spmem:s2] =	stream.indirect.scatter.add.f32 [tilespmem:s0], [sflag:$0x3], $0x80, s17, s31, $0xb8;
	[tilespmem:$0x1F400] =	vst v63  }
0x148: {  	_ =	swait.ge [sflag:s14], $0x2000  }
0x149: {  	[sflag:s14] =	ssyncset.done $0x0  }
0x14a: {  	[sflag:s14] =	ssyncadd.s32 $0xFFFFE000  }
0x14b: {  	_ =	swait.ge [sflag:s15], $0x2000  }
0x14c: {  	[sflag:s15] =	ssyncset.done $0x0  }
0x14d: {  	[sflag:s15] =	ssyncadd.s32 $0xFFFFE000  }
0x14e: {  	[spmem:s2] =	stream.indirect.scatter.add.f32 [tilespmem:s1], [sflag:$0x4], $0x80, s18, s31, $0xb8;
	[tilespmem:$0x1F400] =	vst v63  }
0x14f: {  	_ =	swait.ge [sflag:s19], $0x2000  }
0x150: {  	[sflag:s19] =	ssyncset.done $0x0  }
0x151: {  	[sflag:s19] =	ssyncadd.s32 $0xFFFFE000  }
0x152: {  	[bflag:$0x0] =	sbarrier.arrive $0xFFFF  }
0x153: {  	s3 =	rddreg [dreg:$0xb]  }
0x154: {  	[hbm:s3], [sflag:s21] =	dma.local [spmem:s22], $0x2780  }
0x155: {  	_ =	swait.ge [sflag:s29], $0x2780  }
0x156: {  	[sflag:s29] =	ssyncset.done $0x0  }
0x157: {  	[sflag:s29] =	ssyncadd.s32 $0xFFFFD880  }
0x158: {  	[bflag:$0x0] =	sbarrier.arrive $0xFFFF  }
0x159: {  	s28 =	rddreg [dreg:$0x3]  }
0x15a: {  	[spmem:s22], [sflag:s21] =	dma.local [hbm:s28], $0x2780  }
0x15b: {  	_ =	swait.ge [sflag:s29], $0x2780  }
0x15c: {  	[sflag:s29] =	ssyncset.done $0x0  }
0x15d: {  	[sflag:s29] =	ssyncadd.s32 $0xFFFFD880  }
0x15e: {  	s20 =	simm.s32 $0x0;
	[bflag:$0x0] =	sbarrier.arrive $0xFFFF  }
0x15f: {  	[tilespmem:s0], [sflag:$0x1] =	stream.indirect.gather [hbm4b:s10+s31], $0x80, s20, s31, $0xb8;
	[tilespmem:$0x1F400] =	vst v63  }
0x160: {  	s30 =	simm.s32 $0x80  }
0x161: {  	[tilespmem:s1], [sflag:$0x2] =	stream.indirect.gather [hbm4b:s10+s31], $0x80, s30, s31, $0xb8;
	[tilespmem:$0x1F400] =	vst v63  }
0x162: {  	_ =	swait.ge [sflag:s13], $0x2000  }
0x163: {  	[sflag:s13] =	ssyncset.done $0x0  }
0x164: {  	[sflag:s13] =	ssyncadd.s32 $0xFFFFE000  }
0x165: {  	[spmem:s2] =	stream.indirect.scatter.add.f32 [tilespmem:s0], [sflag:$0x3], $0x80, s24, s31, $0xb8;
	[tilespmem:$0x1F400] =	vst v63  }
0x166: {  	_ =	swait.ge [sflag:s14], $0x2000  }
0x167: {  	[sflag:s14] =	ssyncset.done $0x0  }
0x168: {  	[sflag:s14] =	ssyncadd.s32 $0xFFFFE000  }
0x169: {  	[tilespmem:s0], [sflag:$0x1] =	stream.indirect.gather [hbm4b:s10+s31], $0x80, s26, s31, $0xb8;
	[tilespmem:$0x1F400] =	vst v63  }
0x16a: {  	_ =	swait.ge [sflag:s15], $0x2000  }
0x16b: {  	[sflag:s15] =	ssyncset.done $0x0  }
.Ltmp10:
0x16c: {  	[sflag:s15] =	ssyncadd.s32 $0xFFFFE000;
	(pc) =	sbr.rel @!p0 .LBB2_13-.Ltmp10, $4  }
0x16d: {  	[spmem:s2] =	stream.indirect.scatter.add.f32 [tilespmem:s1], [sflag:$0x4], $0x80, s25, s31, $0xb8;
	[tilespmem:$0x1F400] =	vst v63  }
0x16e: {  	_ =	swait.ge [sflag:s19], $0x2000  }
0x16f: {  	s3 =	simm.s32 $0x280;
	[sflag:s19] =	ssyncset.done $0x0  }
0x170: {  	s24 =	sadd.s32 $0xFFFFFFFF, s16;
	s25 =	simm.s32 $0x3D80;
	[sflag:s19] =	ssyncadd.s32 $0xFFFFE000  }
.LBB2_12:
0x171: {  	[tilespmem:s1], [sflag:$0x2] =	stream.indirect.gather [hbm4b:s10+s31], $0x80, s23, s31, $0xb8;
	[tilespmem:$0x1F400] =	vst v63  }
0x172: {  	p1 =	sne.s32 s24, $0x1;
	s24 =	sadd.s32 $0xFFFFFFFF, s24;
	_ =	swait.ge [sflag:s13], $0x2000  }
0x173: {  	s23 =	smov.u32 s3;
	[sflag:s13] =	ssyncset.done $0x0  }
0x174: {  	s4 =	sadd.s32 $0xFFFFFF80, s25;
	[sflag:s13] =	ssyncadd.s32 $0xFFFFE000  }
0x175: {  	[spmem:s2] =	stream.indirect.scatter.add.f32 [tilespmem:s0], [sflag:$0x3], $0x80, s4, s31, $0xb8;
	[tilespmem:$0x1F400] =	vst v63  }
0x176: {  	_ =	swait.ge [sflag:s14], $0x2000  }
0x177: {  	[sflag:s14] =	ssyncset.done $0x0  }
0x178: {  	s4 =	sadd.s32 $0xFFFFFF80, s3;
	[sflag:s14] =	ssyncadd.s32 $0xFFFFE000  }
0x179: {  	[tilespmem:s0], [sflag:$0x1] =	stream.indirect.gather [hbm4b:s10+s31], $0x80, s4, s31, $0xb8;
	[tilespmem:$0x1F400] =	vst v63  }
0x17a: {  	_ =	swait.ge [sflag:s15], $0x2000  }
0x17b: {  	[sflag:s15] =	ssyncset.done $0x0  }
.Ltmp11:
0x17c: {  	[sflag:s15] =	ssyncadd.s32 $0xFFFFE000;
	(pc) =	sbr.rel @p1 .LBB2_12-.Ltmp11, $4  }
0x17d: {  	[spmem:s2] =	stream.indirect.scatter.add.f32 [tilespmem:s1], [sflag:$0x4], $0x80, s25, s31, $0xb8;
	[tilespmem:$0x1F400] =	vst v63  }
0x17e: {  	_ =	swait.ge [sflag:s19], $0x2000  }
0x17f: {  	[sflag:s19] =	ssyncset.done $0x0  }
0x180: {  	s3 =	sadd.s32 $0x100, s3;
	s25 =	sadd.s32 $0x100, s25;
	[sflag:s19] =	ssyncadd.s32 $0xFFFFE000  }
.LBB2_13:
0x181: {  	[tilespmem:s1], [sflag:$0x2] =	stream.indirect.gather [hbm4b:s10+s31], $0x80, s23, s31, $0xb8;
	[tilespmem:$0x1F400] =	vst v63  }
0x182: {  	_ =	swait.ge [sflag:s13], $0x2000  }
0x183: {  	[sflag:s13] =	ssyncset.done $0x0  }
0x184: {  	[sflag:s13] =	ssyncadd.s32 $0xFFFFE000  }
0x185: {  	[spmem:s2] =	stream.indirect.scatter.add.f32 [tilespmem:s0], [sflag:$0x3], $0x80, s17, s31, $0xb8;
	[tilespmem:$0x1F400] =	vst v63  }
0x186: {  	_ =	swait.ge [sflag:s14], $0x2000  }
0x187: {  	[sflag:s14] =	ssyncset.done $0x0  }
0x188: {  	[sflag:s14] =	ssyncadd.s32 $0xFFFFE000  }
0x189: {  	_ =	swait.ge [sflag:s15], $0x2000  }
0x18a: {  	[sflag:s15] =	ssyncset.done $0x0  }
0x18b: {  	[sflag:s15] =	ssyncadd.s32 $0xFFFFE000  }
0x18c: {  	[spmem:s2] =	stream.indirect.scatter.add.f32 [tilespmem:s1], [sflag:$0x4], $0x80, s18, s31, $0xb8;
	[tilespmem:$0x1F400] =	vst v63  }
0x18d: {  	_ =	swait.ge [sflag:s19], $0x2000  }
0x18e: {  	[sflag:s19] =	ssyncset.done $0x0  }
0x18f: {  	[sflag:s19] =	ssyncadd.s32 $0xFFFFE000  }
0x190: {  	[bflag:$0x0] =	sbarrier.arrive $0xFFFF  }
0x191: {  	s3 =	rddreg [dreg:$0xc]  }
0x192: {  	[hbm:s3], [sflag:s21] =	dma.local [spmem:s22], $0x2780  }
0x193: {  	_ =	swait.ge [sflag:s29], $0x2780  }
0x194: {  	[sflag:s29] =	ssyncset.done $0x0  }
0x195: {  	[sflag:s29] =	ssyncadd.s32 $0xFFFFD880  }
0x196: {  	[bflag:$0x0] =	sbarrier.arrive $0xFFFF  }
0x197: {  	[spmem:s22], [sflag:s21] =	dma.local [hbm:s28], $0x2780  }
0x198: {  	_ =	swait.ge [sflag:s29], $0x2780  }
0x199: {  	[sflag:s29] =	ssyncset.done $0x0  }
0x19a: {  	[sflag:s29] =	ssyncadd.s32 $0xFFFFD880  }
0x19b: {  	[bflag:$0x0] =	sbarrier.arrive $0xFFFF  }
0x19c: {  	[tilespmem:s0], [sflag:$0x1] =	stream.indirect.gather [hbm4b:s11+s31], $0x80, s20, s31, $0xb8;
	[tilespmem:$0x1F400] =	vst v63  }
0x19d: {  	_ = 	snop  }
0x19e: {  	[tilespmem:s1], [sflag:$0x2] =	stream.indirect.gather [hbm4b:s11+s31], $0x80, s30, s31, $0xb8;
	[tilespmem:$0x1F400] =	vst v63  }
0x19f: {  	_ =	swait.ge [sflag:s13], $0x2000  }
0x1a0: {  	[sflag:s13] =	ssyncset.done $0x0  }
0x1a1: {  	s24 =	simm.s32 $0x3C00;
	[sflag:s13] =	ssyncadd.s32 $0xFFFFE000  }
0x1a2: {  	[spmem:s2] =	stream.indirect.scatter.add.f32 [tilespmem:s0], [sflag:$0x3], $0x80, s24, s31, $0xb8;
	[tilespmem:$0x1F400] =	vst v63  }
0x1a3: {  	_ =	swait.ge [sflag:s14], $0x2000  }
0x1a4: {  	[sflag:s14] =	ssyncset.done $0x0  }
0x1a5: {  	s26 =	simm.s32 $0x100;
	[sflag:s14] =	ssyncadd.s32 $0xFFFFE000  }
0x1a6: {  	[tilespmem:s0], [sflag:$0x1] =	stream.indirect.gather [hbm4b:s11+s31], $0x80, s26, s31, $0xb8;
	[tilespmem:$0x1F400] =	vst v63  }
0x1a7: {  	_ =	swait.ge [sflag:s15], $0x2000  }
0x1a8: {  	[sflag:s15] =	ssyncset.done $0x0  }
.Ltmp12:
0x1a9: {  	s25 =	simm.s32 $0x3C80;
	[sflag:s15] =	ssyncadd.s32 $0xFFFFE000;
	(pc) =	sbr.rel @!p0 .LBB2_15-.Ltmp12, $4  }
0x1aa: {  	[spmem:s2] =	stream.indirect.scatter.add.f32 [tilespmem:s1], [sflag:$0x4], $0x80, s25, s31, $0xb8;
	[tilespmem:$0x1F400] =	vst v63  }
0x1ab: {  	s23 =	simm.s32 $0x180;
	_ =	swait.ge [sflag:s19], $0x2000  }
0x1ac: {  	s3 =	simm.s32 $0x3D80;
	s28 =	sadd.s32 $0xFFFFFFFF, s16;
	[sflag:s19] =	ssyncset.done $0x0  }
0x1ad: {  	s20 =	simm.s32 $0x180;
	s30 =	simm.s32 $0x280;
	[sflag:s19] =	ssyncadd.s32 $0xFFFFE000  }
.LBB2_14:
0x1ae: {  	[tilespmem:s1], [sflag:$0x2] =	stream.indirect.gather [hbm4b:s11+s31], $0x80, s20, s31, $0xb8;
	[tilespmem:$0x1F400] =	vst v63  }
0x1af: {  	p1 =	sne.s32 s28, $0x1;
	s28 =	sadd.s32 $0xFFFFFFFF, s28;
	_ =	swait.ge [sflag:s13], $0x2000  }
0x1b0: {  	s20 =	smov.u32 s30;
	[sflag:s13] =	ssyncset.done $0x0  }
0x1b1: {  	s4 =	sadd.s32 $0xFFFFFF80, s3;
	[sflag:s13] =	ssyncadd.s32 $0xFFFFE000  }
0x1b2: {  	[spmem:s2] =	stream.indirect.scatter.add.f32 [tilespmem:s0], [sflag:$0x3], $0x80, s4, s31, $0xb8;
	[tilespmem:$0x1F400] =	vst v63  }
0x1b3: {  	_ =	swait.ge [sflag:s14], $0x2000  }
0x1b4: {  	[sflag:s14] =	ssyncset.done $0x0  }
0x1b5: {  	s4 =	sadd.s32 $0xFFFFFF80, s30;
	[sflag:s14] =	ssyncadd.s32 $0xFFFFE000  }
0x1b6: {  	[tilespmem:s0], [sflag:$0x1] =	stream.indirect.gather [hbm4b:s11+s31], $0x80, s4, s31, $0xb8;
	[tilespmem:$0x1F400] =	vst v63  }
0x1b7: {  	_ =	swait.ge [sflag:s15], $0x2000  }
0x1b8: {  	[sflag:s15] =	ssyncset.done $0x0  }
.Ltmp13:
0x1b9: {  	[sflag:s15] =	ssyncadd.s32 $0xFFFFE000;
	(pc) =	sbr.rel @p1 .LBB2_14-.Ltmp13, $4  }
0x1ba: {  	[spmem:s2] =	stream.indirect.scatter.add.f32 [tilespmem:s1], [sflag:$0x4], $0x80, s3, s31, $0xb8;
	[tilespmem:$0x1F400] =	vst v63  }
0x1bb: {  	_ =	swait.ge [sflag:s19], $0x2000  }
0x1bc: {  	[sflag:s19] =	ssyncset.done $0x0  }
0x1bd: {  	s30 =	sadd.s32 $0x100, s30;
	s3 =	sadd.s32 $0x100, s3;
	[sflag:s19] =	ssyncadd.s32 $0xFFFFE000  }
.LBB2_15:
0x1be: {  	[tilespmem:s1], [sflag:$0x2] =	stream.indirect.gather [hbm4b:s11+s31], $0x80, s20, s31, $0xb8;
	[tilespmem:$0x1F400] =	vst v63  }
0x1bf: {  	_ =	swait.ge [sflag:s13], $0x2000  }
0x1c0: {  	[sflag:s13] =	ssyncset.done $0x0  }
0x1c1: {  	[sflag:s13] =	ssyncadd.s32 $0xFFFFE000  }
0x1c2: {  	[spmem:s2] =	stream.indirect.scatter.add.f32 [tilespmem:s0], [sflag:$0x3], $0x80, s17, s31, $0xb8;
	[tilespmem:$0x1F400] =	vst v63  }
0x1c3: {  	_ =	swait.ge [sflag:s14], $0x2000  }
0x1c4: {  	[sflag:s14] =	ssyncset.done $0x0  }
0x1c5: {  	[sflag:s14] =	ssyncadd.s32 $0xFFFFE000  }
0x1c6: {  	_ =	swait.ge [sflag:s15], $0x2000  }
0x1c7: {  	[sflag:s15] =	ssyncset.done $0x0  }
0x1c8: {  	[sflag:s15] =	ssyncadd.s32 $0xFFFFE000  }
0x1c9: {  	[spmem:s2] =	stream.indirect.scatter.add.f32 [tilespmem:s1], [sflag:$0x4], $0x80, s18, s31, $0xb8;
	[tilespmem:$0x1F400] =	vst v63  }
0x1ca: {  	_ =	swait.ge [sflag:s19], $0x2000  }
0x1cb: {  	[sflag:s19] =	ssyncset.done $0x0  }
0x1cc: {  	[sflag:s19] =	ssyncadd.s32 $0xFFFFE000  }
0x1cd: {  	[bflag:$0x0] =	sbarrier.arrive $0xFFFF  }
0x1ce: {  	s3 =	rddreg [dreg:$0xd]  }
0x1cf: {  	[hbm:s3], [sflag:s21] =	dma.local [spmem:s22], $0x2780  }
0x1d0: {  	_ =	swait.ge [sflag:s29], $0x2780  }
0x1d1: {  	[sflag:s29] =	ssyncset.done $0x0  }
0x1d2: {  	[sflag:s29] =	ssyncadd.s32 $0xFFFFD880  }
0x1d3: {  	[bflag:$0x0] =	sbarrier.arrive $0xFFFF  }
0x1d4: {  	s28 =	rddreg [dreg:$0x3]  }
0x1d5: {  	[spmem:s22], [sflag:s21] =	dma.local [hbm:s28], $0x2780  }
0x1d6: {  	_ =	swait.ge [sflag:s29], $0x2780  }
0x1d7: {  	[sflag:s29] =	ssyncset.done $0x0  }
0x1d8: {  	[sflag:s29] =	ssyncadd.s32 $0xFFFFD880  }
0x1d9: {  	s20 =	simm.s32 $0x0;
	[bflag:$0x0] =	sbarrier.arrive $0xFFFF  }
0x1da: {  	[tilespmem:s0], [sflag:$0x1] =	stream.indirect.gather [hbm4b:s12+s31], $0x80, s20, s31, $0xb8;
	[tilespmem:$0x1F400] =	vst v63  }
0x1db: {  	s30 =	simm.s32 $0x80  }
0x1dc: {  	[tilespmem:s1], [sflag:$0x2] =	stream.indirect.gather [hbm4b:s12+s31], $0x80, s30, s31, $0xb8;
	[tilespmem:$0x1F400] =	vst v63  }
0x1dd: {  	_ =	swait.ge [sflag:s13], $0x2000  }
0x1de: {  	[sflag:s13] =	ssyncset.done $0x0  }
0x1df: {  	[sflag:s13] =	ssyncadd.s32 $0xFFFFE000  }
0x1e0: {  	[spmem:s2] =	stream.indirect.scatter.add.f32 [tilespmem:s0], [sflag:$0x3], $0x80, s24, s31, $0xb8;
	[tilespmem:$0x1F400] =	vst v63  }
0x1e1: {  	_ =	swait.ge [sflag:s14], $0x2000  }
0x1e2: {  	[sflag:s14] =	ssyncset.done $0x0  }
0x1e3: {  	[sflag:s14] =	ssyncadd.s32 $0xFFFFE000  }
0x1e4: {  	[tilespmem:s0], [sflag:$0x1] =	stream.indirect.gather [hbm4b:s12+s31], $0x80, s26, s31, $0xb8;
	[tilespmem:$0x1F400] =	vst v63  }
0x1e5: {  	_ =	swait.ge [sflag:s15], $0x2000  }
0x1e6: {  	[sflag:s15] =	ssyncset.done $0x0  }
.Ltmp14:
0x1e7: {  	[sflag:s15] =	ssyncadd.s32 $0xFFFFE000;
	(pc) =	sbr.rel @!p0 .LBB2_17-.Ltmp14, $4  }
0x1e8: {  	[spmem:s2] =	stream.indirect.scatter.add.f32 [tilespmem:s1], [sflag:$0x4], $0x80, s25, s31, $0xb8;
	[tilespmem:$0x1F400] =	vst v63  }
0x1e9: {  	_ =	swait.ge [sflag:s19], $0x2000  }
0x1ea: {  	s3 =	simm.s32 $0x280;
	[sflag:s19] =	ssyncset.done $0x0  }
0x1eb: {  	s24 =	sadd.s32 $0xFFFFFFFF, s16;
	s25 =	simm.s32 $0x3D80;
	[sflag:s19] =	ssyncadd.s32 $0xFFFFE000  }
.LBB2_16:
0x1ec: {  	[tilespmem:s1], [sflag:$0x2] =	stream.indirect.gather [hbm4b:s12+s31], $0x80, s23, s31, $0xb8;
	[tilespmem:$0x1F400] =	vst v63  }
0x1ed: {  	p0 =	sne.s32 s24, $0x1;
	s24 =	sadd.s32 $0xFFFFFFFF, s24;
	_ =	swait.ge [sflag:s13], $0x2000  }
0x1ee: {  	s23 =	smov.u32 s3;
	[sflag:s13] =	ssyncset.done $0x0  }
0x1ef: {  	s4 =	sadd.s32 $0xFFFFFF80, s25;
	[sflag:s13] =	ssyncadd.s32 $0xFFFFE000  }
0x1f0: {  	[spmem:s2] =	stream.indirect.scatter.add.f32 [tilespmem:s0], [sflag:$0x3], $0x80, s4, s31, $0xb8;
	[tilespmem:$0x1F400] =	vst v63  }
0x1f1: {  	_ =	swait.ge [sflag:s14], $0x2000  }
0x1f2: {  	[sflag:s14] =	ssyncset.done $0x0  }
0x1f3: {  	s4 =	sadd.s32 $0xFFFFFF80, s3;
	[sflag:s14] =	ssyncadd.s32 $0xFFFFE000  }
0x1f4: {  	[tilespmem:s0], [sflag:$0x1] =	stream.indirect.gather [hbm4b:s12+s31], $0x80, s4, s31, $0xb8;
	[tilespmem:$0x1F400] =	vst v63  }
0x1f5: {  	_ =	swait.ge [sflag:s15], $0x2000  }
0x1f6: {  	[sflag:s15] =	ssyncset.done $0x0  }
.Ltmp15:
0x1f7: {  	[sflag:s15] =	ssyncadd.s32 $0xFFFFE000;
	(pc) =	sbr.rel @p0 .LBB2_16-.Ltmp15, $4  }
0x1f8: {  	[spmem:s2] =	stream.indirect.scatter.add.f32 [tilespmem:s1], [sflag:$0x4], $0x80, s25, s31, $0xb8;
	[tilespmem:$0x1F400] =	vst v63  }
0x1f9: {  	_ =	swait.ge [sflag:s19], $0x2000  }
0x1fa: {  	[sflag:s19] =	ssyncset.done $0x0  }
0x1fb: {  	s3 =	sadd.s32 $0x100, s3;
	s25 =	sadd.s32 $0x100, s25;
	[sflag:s19] =	ssyncadd.s32 $0xFFFFE000  }
.LBB2_17:
0x1fc: {  	[tilespmem:s1], [sflag:$0x2] =	stream.indirect.gather [hbm4b:s12+s31], $0x80, s23, s31, $0xb8;
	[tilespmem:$0x1F400] =	vst v63  }
0x1fd: {  	_ =	swait.ge [sflag:s13], $0x2000  }
0x1fe: {  	[sflag:s13] =	ssyncset.done $0x0  }
0x1ff: {  	[sflag:s13] =	ssyncadd.s32 $0xFFFFE000  }
0x200: {  	[spmem:s2] =	stream.indirect.scatter.add.f32 [tilespmem:s0], [sflag:$0x3], $0x80, s17, s31, $0xb8;
	[tilespmem:$0x1F400] =	vst v63  }
0x201: {  	_ =	swait.ge [sflag:s14], $0x2000  }
0x202: {  	[sflag:s14] =	ssyncset.done $0x0  }
0x203: {  	[sflag:s14] =	ssyncadd.s32 $0xFFFFE000  }
0x204: {  	_ =	swait.ge [sflag:s15], $0x2000  }
0x205: {  	[sflag:s15] =	ssyncset.done $0x0  }
0x206: {  	[sflag:s15] =	ssyncadd.s32 $0xFFFFE000  }
0x207: {  	[spmem:s2] =	stream.indirect.scatter.add.f32 [tilespmem:s1], [sflag:$0x4], $0x80, s18, s31, $0xb8;
	[tilespmem:$0x1F400] =	vst v63  }
0x208: {  	_ =	swait.ge [sflag:s19], $0x2000  }
0x209: {  	[sflag:s19] =	ssyncset.done $0x0  }
0x20a: {  	[sflag:s19] =	ssyncadd.s32 $0xFFFFE000  }
0x20b: {  	[bflag:$0x0] =	sbarrier.arrive $0xFFFF  }
0x20c: {  	s3 =	rddreg [dreg:$0xe]  }
0x20d: {  	[hbm:s3], [sflag:s21] =	dma.local [spmem:s22], $0x2780  }
0x20e: {  	_ =	swait.ge [sflag:s29], $0x2780  }
0x20f: {  	s4 =	rddreg [dreg:$0x10]  }
0x210: {  	s26 =	rddreg [dreg:$0xf];
	s4 =	sadd.s32 $0x1, s4  }
0x211: {  	p0 =	sne.s32 s4, s26  }
.Ltmp16:
0x212: {  	_ = 	snop;
	(pc) =	sbr.rel @p0 .LBB2_1-.Ltmp16, $3  }
0x213: {  	[sflag:s29] =	ssyncset.done $0x0  }
0x214: {  	[sflag:s29] =	ssyncadd.s32 $0xFFFFD880  }
0x215: {  	[bflag:$0x0] =	sbarrier.arrive $0xFFFF;
	_ =	sdelay $0x1  }
0x216: {  	_ =	sfence.sel $0x180000  }
0x217: {  	[bflag:$0x0] =	sbarrier.arrive $0xFFFF  }
0x218: {  	_ =	strace $0x9000004A  }
0x219: {  	s0 =	stileid.u32;
	[bflag:$0x2] =	sbarrier.arrive $0xFFFF  }
0x21a: {  	p0 =	sne.s32 s0, $0x0;
	s0 =	rddreg [dreg:$0x2]  }
0x21b: {  	s0 =	sadd.s32 @!p0 $0x100000, s0  }
0x21c: {  	[sflag:s0] =	ssyncadd.tile.s32 @!p0 $0x1;
	_ =	shalt  }
.Lfunc_end2:
_tile_overlayer_lowered:
.L_overlay_start_2:
0x21d: {  	(tag) =	ssettag $0x2  }
0x21e: {  	s0 =	rddreg [dreg:$0x0];
	s2 =	stileid.u32  }
0x21f: {  	s1 =	rddreg [dreg:$0x1];
	p0 =	sne.s32 s2, $0x0  }
0x220: {  	s3 =	rddreg [dreg:$0x2];
	[bflag:$0x3] =	sbarrier.arrive $0xFFFF;
	s2 =	simm.s32 @!p0 $0x1C05  }
0x221: {  	[timem:s3], [sflag:s2] =	dma.local @!p0 [hbm:s0], s1  }
0x222: {  	s0 =	simm.s32 @!p0 $0x5  }
0x223: {  	_ =	swait.ge @!p0 [sflag:s0], s1  }
0x224: {  	s1 =	ssub.s32 @!p0 $0x0, s1;
	[sflag:s0] =	ssyncset.done @!p0 $0x0  }
0x225: {  	[sflag:s0] =	ssyncadd.s32 @!p0 s1  }
0x226: {  	[bflag:$0x3] =	sbarrier.arrive $0xFFFF  }
0x227: {  	_ =	shalt  }

// kernel: kernel.16.cloned.1.call-start
scs
__scs_entry_jumppad:
0x0: {  	(pc) =	sbr.rel $0x88, $3  }
0x1: {  	(tag) =	ssettag $0x0;
	lr =	simm.s32 $0x1  }
0x2: {  	[smem:$0x3F91] =	sst lr;
	_ =	strace $0xD0000000  }
0x3: {  	_ = 	snop  }
0x4: {  	_ = 	snop  }
0x5: {  	_ = 	snop  }
0x6: {  	_ = 	snop  }
0x7: {  	_ = 	snop  }
__scs_overlays_trampoline_lowered:
0x8: {  	[smem:$0x3FA0] =	sst s0  }
0x9: {  	[smem:$0x3FA1] =	sst s1  }
0xa: {  	[smem:$0x3FA2] =	sst s2  }
0xb: {  	[smem:$0x3FA3] =	sst s3  }
0xc: {  	[smem:$0x3FA4] =	sst s4  }
0xd: {  	[smem:$0x3FA5] =	sst s5  }
0xe: {  	[smem:$0x3FA6] =	sst s6  }
0xf: {  	[smem:$0x3FA7] =	sst s7  }
0x10: {  	[smem:$0x3FA8] =	sst s8  }
0x11: {  	[smem:$0x3FA9] =	sst s9;
	s0 =	simm.s32 @!p0 $0x0  }
0x12: {  	s1 =	sld [smem:$0x3F8F];
	s0 =	simm.s32 @p0 $0x1  }
0x13: {  	[smem:$0x3FAA] =	sst s0;
	s0 =	simm.s32 @!p1 $0x0  }
0x14: {  	s2 =	sld [smem:$0x3F8E];
	s0 =	simm.s32 @p1 $0x1  }
0x15: {  	[smem:$0x3FAB] =	sst s0;
	s0 =	simm.s32 @!p2 $0x0  }
0x16: {  	s3 =	sld [smem:$0x3FDB];
	s0 =	simm.s32 @p2 $0x1  }
0x17: {  	s4 =	simm.s32 $0x1BF5;
	[smem:$0x3FAD] =	sst s0  }
0x18: {  	s0 =	sld [smem:$0x3F90];
	_ =	swait.ge [sflag:s4], $0x0  }
0x19: {  	s7 =	sld [smem:$0x3F91]  }
0x1a: {  	s8 =	sadd.s32 $0xFFFFE003, lr  }
0x1b: {  	s9 =	sadd.s32 $0xFFFFFEF7, lr;
	s5 =	simm.s32 $0xFFFFFFFF;
	p2 =	slt.u32 s8, $0xFFFFF086  }
0x1c: {  	p1 =	slt.u32 s9, $0xF7A;
	s5 =	simm.s32 @!p2 $0x0  }
0x1d: {  	s5 =	simm.s32 @p1 $0x1;
	p0 =	seq.s32 s7, s2  }
0x1e: {  	s7 =	smul.u32 @!p0 $0xF7A, s2;
	p2 =	seq.s32 @!p0 s5, $0x0  }
0x1f: {  	s9 =	smul.u32 $0xF7A, s1;
	s8 =	simm.s32 @!p0 $0x1BF5;
	p2 =	por !p2, p0  }
0x20: {  	[sflag:s8] =	ssyncset.s32 @!p0 $0xFFFFF086;
	s6 =	sadd.s32 @!p0 s3, s7;
	s7 =	simm.s32 @!p0 $0x108  }
0x21: {  	s3 =	sadd.s32 s3, s9;
	s6 =	sadd.s32 @!p0 $0x88, s6;
	s7 =	simm.s32 @p2 $0x1082  }
0x22: {  	[simem:s7], [sflag:s8] =	dma.local @!p0 [hbm:s6], $0xF7A  }
0x23: {  	s9 =	sor.u32 $0xD0000000, s2;
	s6 =	simm.s32 $0x108;
	_ =	swait.ge @!p0 [sflag:s8], $0x0  }
0x24: {  	s3 =	sadd.s32 $0x88, s3;
	s6 =	simm.s32 @!p1 $0x1082;
	[sflag:s4] =	ssyncset.s32 $0xFFFFF086  }
0x25: {  	[simem:s6], [sflag:s4] =	dma.local [hbm:s3], $0xF7A  }
0x26: {  	[smem:$0x3F91] =	sst s1;
	(tag) =	ssettag s2;
	_ =	strace s9  }
0x27: {  	s1 =	sld [smem:$0x3FA1]  }
0x28: {  	s2 =	sld [smem:$0x3FA2]  }
0x29: {  	s4 =	sld [smem:$0x3FA4]  }
0x2a: {  	p0 =	seq.s32 s5, $0x0;
	s5 =	sld [smem:$0x3FA5]  }
0x2b: {  	s6 =	sld [smem:$0x3FA6]  }
0x2c: {  	s7 =	sld [smem:$0x3FA7]  }
0x2d: {  	s3 =	simm.s32 $0x108;
	s8 =	sld [smem:$0x3FA8]  }
0x2e: {  	s3 =	simm.s32 @!p0 $0x1082;
	s9 =	sld [smem:$0x3FA9]  }
0x2f: {  	lr =	sadd.s32 s0, s3;
	s0 =	sld [smem:$0x3FA0]  }
0x30: {  	s3 =	sld [smem:$0x3FA3]  }
0x31: {  	[smem:$0x3FAC] =	sst s10  }
0x32: {  	s10 =	sld [smem:$0x3FAA];
	_ =	sdelay $0x3  }
0x33: {  	p0 =	seq.s32 s10, $0x1;
	s10 =	sld [smem:$0x3FAC];
	_ =	sdelay $0x3  }
0x34: {  	[smem:$0x3FAC] =	sst s10  }
0x35: {  	s10 =	sld [smem:$0x3FAB];
	_ =	sdelay $0x3  }
0x36: {  	p1 =	seq.s32 s10, $0x1;
	s10 =	sld [smem:$0x3FAC];
	_ =	sdelay $0x3  }
0x37: {  	[smem:$0x3FAC] =	sst s10  }
0x38: {  	s10 =	sld [smem:$0x3FAD]  }
0x39: {  	_ = 	snop;
	(pc) =	sbr.ind lr, $3  }
0x3a: {  	_ = 	snop  }
0x3b: {  	_ = 	snop  }
0x3c: {  	p2 =	seq.s32 s10, $0x1;
	s10 =	sld [smem:$0x3FAC]  }
0x3d: {  	_ =	shalt  }
0x3e: {  	_ =	shalt  }
0x3f: {  	_ =	shalt  }
0x40: {  	_ =	shalt  }
0x41: {  	_ =	shalt  }
0x42: {  	_ =	shalt  }
0x43: {  	_ =	shalt  }
0x44: {  	_ =	shalt  }
0x45: {  	_ =	shalt  }
0x46: {  	_ =	shalt  }
0x47: {  	_ =	shalt  }
0x48: {  	_ =	shalt  }
0x49: {  	_ =	shalt  }
0x4a: {  	_ =	shalt  }
0x4b: {  	_ =	shalt  }
0x4c: {  	_ =	shalt  }
0x4d: {  	_ =	shalt  }
0x4e: {  	_ =	shalt  }
0x4f: {  	_ =	shalt  }
0x50: {  	_ =	shalt  }
0x51: {  	_ =	shalt  }
0x52: {  	_ =	shalt  }
0x53: {  	_ =	shalt  }
0x54: {  	_ =	shalt  }
0x55: {  	_ =	shalt  }
0x56: {  	_ =	shalt  }
0x57: {  	_ =	shalt  }
0x58: {  	_ =	shalt  }
0x59: {  	_ =	shalt  }
0x5a: {  	_ =	shalt  }
0x5b: {  	_ =	shalt  }
0x5c: {  	_ =	shalt  }
0x5d: {  	_ =	shalt  }
0x5e: {  	_ =	shalt  }
0x5f: {  	_ =	shalt  }
0x60: {  	_ =	shalt  }
0x61: {  	_ =	shalt  }
0x62: {  	_ =	shalt  }
0x63: {  	_ =	shalt  }
0x64: {  	_ =	shalt  }
0x65: {  	_ =	shalt  }
0x66: {  	_ =	shalt  }
0x67: {  	_ =	shalt  }
0x68: {  	_ =	shalt  }
0x69: {  	_ =	shalt  }
0x6a: {  	_ =	shalt  }
0x6b: {  	_ =	shalt  }
0x6c: {  	_ =	shalt  }
0x6d: {  	_ =	shalt  }
0x6e: {  	_ =	shalt  }
0x6f: {  	_ =	shalt  }
0x70: {  	_ =	shalt  }
0x71: {  	_ =	shalt  }
0x72: {  	_ =	shalt  }
0x73: {  	_ =	shalt  }
0x74: {  	_ =	shalt  }
0x75: {  	_ =	shalt  }
0x76: {  	_ =	shalt  }
0x77: {  	_ =	shalt  }
0x78: {  	_ =	shalt  }
0x79: {  	_ =	shalt  }
0x7a: {  	_ =	shalt  }
0x7b: {  	_ =	shalt  }
0x7c: {  	_ =	shalt  }
0x7d: {  	_ =	shalt  }
0x7e: {  	_ =	shalt  }
0x7f: {  	_ =	shalt  }
0x80: {  	_ =	shalt  }
0x81: {  	_ =	shalt  }
0x82: {  	_ =	shalt  }
0x83: {  	_ =	shalt  }
0x84: {  	_ =	shalt  }
0x85: {  	_ =	shalt  }
0x86: {  	_ =	shalt  }
0x87: {  	_ =	shalt  }
.Lfunc_end0:
.L_simem_size_0:
called_computation.2_lowered:
.L_overlay_start_0:
0x88: {  	s2 =	sld [smem:$0x3FD9]  }
0x89: {  	s3 =	sld [smem:$0x3FFE];
	_ =	sdelay $0x1  }
0x8a: {  	s1 =	srdreg.scid  }
0x8b: {  	s0 =	sand.u32 $0x1, s1  }
0x8c: {  	s17 =	sshll.u32 s0, $0xA;
	s2 =	sadd.s32 s3, s2  }
0x8d: {  	s2 =	sadd.s32 s2, s17  }
0x8e: {  	[smem:$0x3FB8] =	sst s2  }
0x8f: {  	_ = 	snop  }
0x90: {  	s18 =	sld [smem:$0x3FC7]  }
0x91: {  	s4 =	sld [smem:$0x3FC6];
	(tm) =	ssettm $0x1  }
0x92: {  	s19 =	sld [smem:$0x3FFB];
	_ =	sdelay $0x3  }
0x93: {  	_ =	strace s19  }
0x94: {  	s2 =	sld [smem:$0x3FFC];
	_ =	sdelay $0x3  }
0x95: {  	_ =	strace s2  }
0x96: {  	s2 =	sld [smem:$0x3FFD];
	_ =	sdelay $0x3  }
0x97: {  	_ =	strace s2  }
0x98: {  	_ =	strace $0x8FFFFFFF  }
0x99: {  	s20 =	sld [smem:$0x3FDB];
	_ =	sdelay $0x1  }
0x9a: {  	s5 =	simm.s32 $_scs_section_size  }
0x9b: {  	s6 =	simm.s32 $_size__tile_overlayer_lowered;
	s7 =	simm.s32 $_tile_overlayer_lowered  }
0x9c: {  	s8 =	simm.s32 $0x1BFF;
	s21 =	sshll.u32 s7, $0x1;
	s5 =	sadd.s32 s5, s20  }
0x9d: {  	s22 =	simm.s32 $0x0;
	s6 =	sshll.u32 s6, $0x1;
	s7 =	sadd.s32 s21, s5  }
0x9e: {  	[timem:s22], [sflag:s8] =	dma.local [hbm:s7], s6  }
0x9f: {  	_ =	swait.ge [sflag:s8], s6  }
0xa0: {  	s6 =	ssub.s32 $0x0, s6;
	[sflag:s8] =	ssyncset.done $0x0  }
0xa1: {  	[sflag:s8] =	ssyncadd.s32 s6;
	_ =	sdelay $0x1  }
0xa2: {  	s23 =	simm.s32 $0x1B8B  }
0xa3: {  	_ =	swait.ge [sflag:s23], $0x1  }
0xa4: {  	[sflag:s23] =	ssyncset.done $0x0  }
0xa5: {  	[sflag:s23] =	ssyncadd.s32 $0xFFFFFFFF  }
0xa6: {  	s6 =	sld [smem:$0x0]  }
0xa7: {  	s7 =	sand.u32 $0xFFFFFFFE, s1  }
0xa8: {  	p0 =	sne.s32 s1, s7  }
0xa9: {  	s7 =	sshll.u32 @p0 s7, $0xE  }
0xaa: {  	s7 =	sadd.s32 @p0 $0x11B8D, s7;
	s8 =	sshll.u32 @p0 s6, $0x11  }
0xab: {  	s7 =	sor.u32 @p0 s8, s7  }
0xac: {  	[sflag:s7] =	ssyncadd.remote.s32 @p0 $0x1;
	_ =	sdelay $0x1  }
0xad: {  	s7 =	simm.s32 @p0 $0x1B8D  }
0xae: {  	_ =	swait.eq @p0 [sflag:s7], $0x1  }
0xaf: {  	[sflag:s7] =	ssyncadd.s32 @p0 $0xFFFFFFFF  }
0xb0: {  	s8 =	sshll.u32 @!p0 s1, $0xE  }
0xb1: {  	s8 =	sor.u32 @!p0 $0x4000, s8;
	s7 =	simm.s32 @!p0 $0x1B8D  }
0xb2: {  	s6 =	sshll.u32 @!p0 s6, $0x11;
	s8 =	sadd.s32 @!p0 $0x11B8D, s8;
	_ =	swait.eq @!p0 [sflag:s7], $0x1  }
0xb3: {  	s6 =	sor.u32 @!p0 s6, s8;
	[sflag:s7] =	ssyncadd.s32 @!p0 $0xFFFFFFFF  }
0xb4: {  	s25 =	simm.s32 $0x1B8E;
	s24 =	sld [smem:$0x3FFE];
	[sflag:s6] =	ssyncadd.remote.s32 @!p0 $0x1  }
0xb5: {  	s26 =	simm.s32 $execute0_lowered;
	[smem:$0x3FD2] =	sst s25  }
0xb6: {  	s7 =	sshll.u32 s26, $0x1;
	_ =	strace $0x8000004C;
	[dreg:$0x1] =	wrdreg $0xFFFFFFFF  }
0xb7: {  	s28 =	simm.s32 $_size_execute0_lowered;
	s5 =	sadd.s32 s5, s7;
	[dreg:$0x0] =	wrdreg $0x0  }
0xb8: {  	s7 =	sshll.u32 s28, $0x1;
	[dreg:$0x2] =	wrdreg s5  }
0xb9: {  	[dreg:$0x3] =	wrdreg s7  }
0xba: {  	[dreg:$0x4] =	wrdreg $0xC0  }
0xbb: {  	_ =	task [dreg:s22], $0x5FFFF  }
0xbc: {  	[dreg:$0x1] =	wrdreg $0xFFFFFFFF  }
0xbd: {  	[dreg:$0x0] =	wrdreg $0x60  }
0xbe: {  	[dreg:$0x2] =	wrdreg s18  }
0xbf: {  	[dreg:$0x3] =	wrdreg s4  }
0xc0: {  	[dreg:$0x4] =	wrdreg s24  }
0xc1: {  	[dreg:$0x5] =	wrdreg $0xA  }
0xc2: {  	_ =	task.clear_ibuf [dreg:s22], $0x6FFFF;
	_ =	strace $0x9000004C  }
0xc3: {  	s29 =	simm.s32 $0xA;
	_ =	strace $0x8000004E  }
0xc4: {  	_ =	swait.ge [sflag:s29], $0x1  }
0xc5: {  	[sflag:s29] =	ssyncadd.s32 $0xFFFFFFFF  }
0xc6: {  	_ =	strace $0x9000004E  }
0xc7: {  	_ =	sfence  }
0xc8: {  	s30 =	sld [smem:$0x0];
	_ =	sdelay $0x2  }
0xc9: {  	s31 =	sshll.u32 s1, $0xD;
	s1 =	sshrl.u32 s1, $0x2  }
0xca: {  	s4 =	sand.u32 $0x4000, s31;
	s1 =	sadd.s32 s1, s30  }
0xcb: {  	s0 =	sor.u32 s4, s0;
	s1 =	sshll.u32 s1, $0x11  }
0xcc: {  	s0 =	sor.u32 s1, s0  }
0xcd: {  	s0 =	sadd.s32 $0x8F2B, s0  }
0xce: {  	[sflag:s0] =	ssyncadd.remote.s32 $0x1  }
0xcf: {  	_ =	sfence.sel $0xFFFF  }
0xd0: {  	[dreg:$0x0] =	wrdreg $0xFFFFFFFF;
	(pc) =	sbr.abs _section_cstart, $3  }
0xd1: {  	[dreg:$0x1] =	wrdreg $0xFFFFFFFF  }
0xd2: {  	_ =	task.clear_ibuf [dreg:s22], $0x2FFFF;
	_ =	strace $0x9FFFFFFF  }
0xd3: {  	(tm) =	ssettm $0x7FFFFFFF  }
tec
execute0_lowered:
.L_overlay_start_1:
0x0: {  	(tag) =	ssettag $0x1  }
0x1: {  	s1 =	rddreg [dreg:$0x0]  }
0x2: {  	s0 =	rddreg [dreg:$0x1]  }
0x3: {  	s2 =	rddreg [dreg:$0x2]  }
0x4: {  	s3 =	srdreg.scid;
	s5 =	stileid.u32;
	s8 =	simm.s32 $0x2  }
0x5: {  	s18 =	simm.s32 $0x1;
	s20 =	simm.s32 $0x880;
	s21 =	simm.s32 $0x1080  }
0x6: {  	s22 =	simm.s32 $0x1880;
	s23 =	simm.s32 $0x2080;
	s24 =	simm.s32 $0x2880  }
0x7: {  	s28 =	simm.s32 $0x4080;
	s29 =	simm.s32 $0x4880;
	s30 =	simm.s32 $0x5080  }
0x8: {  	s31 =	simm.s32 $0x5880;
	s10 =	simm.s32 $0x7080;
	s11 =	simm.s32 $0x7880  }
0x9: {  	s12 =	simm.s32 $0x8080;
	s13 =	simm.s32 $0x8880;
	s14 =	simm.s32 $0x9080  }
0xa: {  	s15 =	simm.s32 $0x9880;
	s16 =	simm.s32 $0xA080;
	s17 =	simm.s32 $0xA880  }
0xb: {  	s9 =	simm.s32 $0xB080;
	s4 =	sand.u32 $0x1, s3;
	s3 =	simm.s32 $0x0  }
0xc: {  	s5 =	sshll.u32 s5, $0x8;
	s6 =	sshll.u32 s4, $0x7;
	[smem:$0x7FF] =	sst s3  }
0xd: {  	s4 =	ssub.s32 $0x2, s4;
	s5 =	sor.u32 s6, s5;
	_ =	strace $0x8000004D  }
0xe: {  	s7 =	sshrl.u32 s4, $0x1;
	s6 =	sshrl.u32 s5, $0x3;
	s5 =	sshll.u32 s5, $0x7  }
0xf: {  	s7 =	ssub.s32 s4, s7;
	s4 =	sadd.s32 $0x100, s1;
	s0 =	sadd.s32 s0, s6  }
0x10: {  	s2 =	sadd.s32 s5, s2;
	s5 =	sadd.s32 $0x200, s1;
	s6 =	sadd.s32 $0x300, s1  }
0x11: {  	v2 =	vlaneseq.u32;
	s7 =	smax.u32 s7, $0x1;
	[dreg:$0x4] =	wrdreg s0;
	s25 =	sadd.s32 $0x41F000, s2  }
0x12: {  	vm0 =	vmmov $0xffff;
	v1 =	vshrl.u32 v2, $0x3;
	s26 =	sadd.s32 $0x421000, s2;
	s0 =	simm.s32 $0x80;
	[dreg:$0x5] =	wrdreg s25  }
0x13: {  	v0 =	vand.u32 $0x7, v2;
	v2 =	vor.u32 $0x8, v2;
	v1 =	vmul.u32 $0x8, v1;
	[dreg:$0x6] =	wrdreg s26;
	s25 =	simm.s32 $0x3080;
	s26 =	simm.s32 $0x3880  }
.LBB2_1:
0x14: {  	s19 =	rddreg [dreg:$0x4]  }
0x15: {  	[tilespmem:s3], [sflag:$0x2] =	stream.linear.gather [hbm4b:s19+s3], $0x80, $0x38;
	[tilespmem:$0x10080] =	vst v63  }
0x16: {  	_ =	swait.ge [sflag:s8], $0x80  }
0x17: {  	[sflag:s8] =	ssyncset.done $0x0  }
0x18: {  	[sflag:s8] =	ssyncadd.s32 $0xFFFFFF80  }
0x19: {  	v3 =	vld [tilespmem:$0x0];
	_ =	sdelay $0x4  }
0x1a: {  	v4 =	vshll.u32 v3, $0x3  }
0x1b: {  	v3 =	vand.u32 $0x7, v3;
	v4 =	vand.u32 $0xFFFFFFC0, v4  }
0x1c: {  	v3 =	vor.u32 v3, v4  }
0x1d: {  	v4 =	vperm.xlane v3, v0;
	_ =	sdelay $0x1  }
0x1e: {  	v4 =	vadd.s32 v1, v4;
	_ =	sdelay $0x4  }
0x1f: {  	[tilespmem:s0], [sflag:$0x1] =	stream.indirect_vreg.gather [hbm4b:s1+s3], $0x80, v4, vm0, $0xb8;
	[tilespmem:$0x10080] =	vst v63  }
0x20: {  	v3 =	vperm.xlane v3, v2  }
0x21: {  	[tilespmem:s20], [sflag:$0x1] =	stream.indirect_vreg.gather [hbm4b:s4+s3], $0x80, v4, vm0, $0xb8;
	[tilespmem:$0x10080] =	vst v63  }
0x22: {  	v3 =	vadd.s32 v1, v3  }
0x23: {  	[tilespmem:s21], [sflag:$0x1] =	stream.indirect_vreg.gather [hbm4b:s5+s3], $0x80, v4, vm0, $0xb8;
	[tilespmem:$0x10080] =	vst v63  }
0x24: {  	_ = 	snop  }
0x25: {  	[tilespmem:s22], [sflag:$0x1] =	stream.indirect_vreg.gather [hbm4b:s6+s3], $0x80, v4, vm0, $0xb8;
	[tilespmem:$0x10080] =	vst v63  }
0x26: {  	_ = 	snop  }
0x27: {  	[tilespmem:s23], [sflag:$0x1] =	stream.indirect_vreg.gather [hbm4b:s1+s3], $0x80, v3, vm0, $0xb8;
	[tilespmem:$0x10080] =	vst v63  }
0x28: {  	_ = 	snop  }
0x29: {  	[tilespmem:s24], [sflag:$0x1] =	stream.indirect_vreg.gather [hbm4b:s4+s3], $0x80, v3, vm0, $0xb8;
	[tilespmem:$0x10080] =	vst v63  }
0x2a: {  	_ = 	snop  }
0x2b: {  	[tilespmem:s25], [sflag:$0x1] =	stream.indirect_vreg.gather [hbm4b:s5+s3], $0x80, v3, vm0, $0xb8;
	[tilespmem:$0x10080] =	vst v63  }
0x2c: {  	_ = 	snop  }
0x2d: {  	[tilespmem:s26], [sflag:$0x1] =	stream.indirect_vreg.gather [hbm4b:s6+s3], $0x80, v3, vm0, $0xb8;
	[tilespmem:$0x10080] =	vst v63  }
0x2e: {  	v3 =	vld [tilespmem:$0x10];
	_ =	sdelay $0x4  }
0x2f: {  	v57 =	vshll.u32 v3, $0x3  }
0x30: {  	v3 =	vand.u32 $0x7, v3;
	v4 =	vand.u32 $0xFFFFFFC0, v57  }
0x31: {  	v3 =	vor.u32 v3, v4  }
0x32: {  	v4 =	vperm.xlane v3, v0;
	_ =	sdelay $0x1  }
0x33: {  	v4 =	vadd.s32 v1, v4;
	_ =	sdelay $0x4  }
0x34: {  	[tilespmem:s28], [sflag:$0x1] =	stream.indirect_vreg.gather [hbm4b:s1+s3], $0x80, v4, vm0, $0xb8;
	[tilespmem:$0x10080] =	vst v63  }
0x35: {  	v3 =	vperm.xlane v3, v2  }
0x36: {  	[tilespmem:s29], [sflag:$0x1] =	stream.indirect_vreg.gather [hbm4b:s4+s3], $0x80, v4, vm0, $0xb8;
	[tilespmem:$0x10080] =	vst v63  }
0x37: {  	v3 =	vadd.s32 v1, v3  }
0x38: {  	[tilespmem:s30], [sflag:$0x1] =	stream.indirect_vreg.gather [hbm4b:s5+s3], $0x80, v4, vm0, $0xb8;
	[tilespmem:$0x10080] =	vst v63  }
0x39: {  	_ = 	snop  }
0x3a: {  	[tilespmem:s31], [sflag:$0x1] =	stream.indirect_vreg.gather [hbm4b:s6+s3], $0x80, v4, vm0, $0xb8;
	[tilespmem:$0x10080] =	vst v63  }
0x3b: {  	s2 =	simm.s32 $0x6080  }
0x3c: {  	[tilespmem:s2], [sflag:$0x1] =	stream.indirect_vreg.gather [hbm4b:s1+s3], $0x80, v3, vm0, $0xb8;
	[tilespmem:$0x10080] =	vst v63  }
0x3d: {  	s2 =	simm.s32 $0x6880  }
0x3e: {  	[tilespmem:s2], [sflag:$0x1] =	stream.indirect_vreg.gather [hbm4b:s4+s3], $0x80, v3, vm0, $0xb8;
	[tilespmem:$0x10080] =	vst v63  }
0x3f: {  	_ = 	snop  }
0x40: {  	[tilespmem:s10], [sflag:$0x1] =	stream.indirect_vreg.gather [hbm4b:s5+s3], $0x80, v3, vm0, $0xb8;
	[tilespmem:$0x10080] =	vst v63  }
0x41: {  	_ = 	snop  }
0x42: {  	[tilespmem:s11], [sflag:$0x1] =	stream.indirect_vreg.gather [hbm4b:s6+s3], $0x80, v3, vm0, $0xb8;
	[tilespmem:$0x10080] =	vst v63  }
0x43: {  	v3 =	vld [tilespmem:$0x20];
	_ =	sdelay $0x4  }
0x44: {  	v58 =	vshll.u32 v3, $0x3  }
0x45: {  	v3 =	vand.u32 $0x7, v3;
	v4 =	vand.u32 $0xFFFFFFC0, v58  }
0x46: {  	v3 =	vor.u32 v3, v4  }
0x47: {  	v4 =	vperm.xlane v3, v0;
	_ =	sdelay $0x1  }
0x48: {  	v4 =	vadd.s32 v1, v4;
	_ =	sdelay $0x4  }
0x49: {  	[tilespmem:s12], [sflag:$0x1] =	stream.indirect_vreg.gather [hbm4b:s1+s3], $0x80, v4, vm0, $0xb8;
	[tilespmem:$0x10080] =	vst v63  }
0x4a: {  	v3 =	vperm.xlane v3, v2  }
0x4b: {  	[tilespmem:s13], [sflag:$0x1] =	stream.indirect_vreg.gather [hbm4b:s4+s3], $0x80, v4, vm0, $0xb8;
	[tilespmem:$0x10080] =	vst v63  }
0x4c: {  	v3 =	vadd.s32 v1, v3  }
0x4d: {  	[tilespmem:s14], [sflag:$0x1] =	stream.indirect_vreg.gather [hbm4b:s5+s3], $0x80, v4, vm0, $0xb8;
	[tilespmem:$0x10080] =	vst v63  }
0x4e: {  	_ = 	snop  }
0x4f: {  	[tilespmem:s15], [sflag:$0x1] =	stream.indirect_vreg.gather [hbm4b:s6+s3], $0x80, v4, vm0, $0xb8;
	[tilespmem:$0x10080] =	vst v63  }
0x50: {  	_ = 	snop  }
0x51: {  	[tilespmem:s16], [sflag:$0x1] =	stream.indirect_vreg.gather [hbm4b:s1+s3], $0x80, v3, vm0, $0xb8;
	[tilespmem:$0x10080] =	vst v63  }
0x52: {  	_ = 	snop  }
0x53: {  	[tilespmem:s17], [sflag:$0x1] =	stream.indirect_vreg.gather [hbm4b:s4+s3], $0x80, v3, vm0, $0xb8;
	[tilespmem:$0x10080] =	vst v63  }
0x54: {  	_ = 	snop  }
0x55: {  	[tilespmem:s9], [sflag:$0x1] =	stream.indirect_vreg.gather [hbm4b:s5+s3], $0x80, v3, vm0, $0xb8;
	[tilespmem:$0x10080] =	vst v63  }
0x56: {  	s19 =	simm.s32 $0xB880  }
0x57: {  	[tilespmem:s19], [sflag:$0x1] =	stream.indirect_vreg.gather [hbm4b:s6+s3], $0x80, v3, vm0, $0xb8;
	[tilespmem:$0x10080] =	vst v63  }
0x58: {  	v3 =	vld [tilespmem:$0x30];
	_ =	sdelay $0x4  }
0x59: {  	v59 =	vshll.u32 v3, $0x3  }
0x5a: {  	v3 =	vand.u32 $0x7, v3;
	v4 =	vand.u32 $0xFFFFFFC0, v59  }
0x5b: {  	v3 =	vor.u32 v3, v4  }
0x5c: {  	v4 =	vperm.xlane v3, v0;
	_ =	sdelay $0x1  }
0x5d: {  	v4 =	vadd.s32 v1, v4;
	_ =	sdelay $0x3  }
0x5e: {  	s19 =	simm.s32 $0xC080  }
0x5f: {  	[tilespmem:s19], [sflag:$0x1] =	stream.indirect_vreg.gather [hbm4b:s1+s3], $0x80, v4, vm0, $0xb8;
	[tilespmem:$0x10080] =	vst v63  }
0x60: {  	v3 =	vperm.xlane v3, v2;
	s19 =	simm.s32 $0xC880  }
0x61: {  	[tilespmem:s19], [sflag:$0x1] =	stream.indirect_vreg.gather [hbm4b:s4+s3], $0x80, v4, vm0, $0xb8;
	[tilespmem:$0x10080] =	vst v63  }
0x62: {  	v3 =	vadd.s32 v1, v3;
	s19 =	simm.s32 $0xD080  }
0x63: {  	[tilespmem:s19], [sflag:$0x1] =	stream.indirect_vreg.gather [hbm4b:s5+s3], $0x80, v4, vm0, $0xb8;
	[tilespmem:$0x10080] =	vst v63  }
0x64: {  	s19 =	simm.s32 $0xD880  }
0x65: {  	[tilespmem:s19], [sflag:$0x1] =	stream.indirect_vreg.gather [hbm4b:s6+s3], $0x80, v4, vm0, $0xb8;
	[tilespmem:$0x10080] =	vst v63  }
0x66: {  	s19 =	simm.s32 $0xE080  }
0x67: {  	[tilespmem:s19], [sflag:$0x1] =	stream.indirect_vreg.gather [hbm4b:s1+s3], $0x80, v3, vm0, $0xb8;
	[tilespmem:$0x10080] =	vst v63  }
0x68: {  	s19 =	simm.s32 $0xE880  }
0x69: {  	[tilespmem:s19], [sflag:$0x1] =	stream.indirect_vreg.gather [hbm4b:s4+s3], $0x80, v3, vm0, $0xb8;
	[tilespmem:$0x10080] =	vst v63  }
0x6a: {  	s19 =	simm.s32 $0xF080  }
0x6b: {  	[tilespmem:s19], [sflag:$0x1] =	stream.indirect_vreg.gather [hbm4b:s5+s3], $0x80, v3, vm0, $0xb8;
	[tilespmem:$0x10080] =	vst v63  }
0x6c: {  	s19 =	simm.s32 $0xF880  }
0x6d: {  	[tilespmem:s19], [sflag:$0x1] =	stream.indirect_vreg.gather [hbm4b:s6+s3], $0x80, v3, vm0, $0xb8;
	[tilespmem:$0x10080] =	vst v63  }
0x6e: {  	_ =	swait.ge [sflag:s18], $0x10000  }
0x6f: {  	[sflag:s18] =	ssyncset.done $0x0  }
0x70: {  	s19 =	rddreg [dreg:$0x5];
	[sflag:s18] =	ssyncadd.s32 $0xFFFF0000  }
0x71: {  	[hbm4b:s19+s3] =	stream.linear.scatter [tilespmem:s0], [sflag:$0x2], $0x10000, $0x38;
	[tilespmem:$0x10080] =	vst v63  }
0x72: {  	_ =	swait.ge [sflag:s8], $0x10000  }
0x73: {  	[sflag:s8] =	ssyncset.done $0x0  }
0x74: {  	[sflag:s8] =	ssyncadd.s32 $0xFFFF0000  }
0x75: {  	v3 =	vld [tilespmem:$0x40];
	_ =	sdelay $0x4  }
0x76: {  	v60 =	vshll.u32 v3, $0x3  }
0x77: {  	v3 =	vand.u32 $0x7, v3;
	v4 =	vand.u32 $0xFFFFFFC0, v60  }
0x78: {  	v3 =	vor.u32 v3, v4  }
0x79: {  	v4 =	vperm.xlane v3, v0;
	_ =	sdelay $0x1  }
0x7a: {  	v4 =	vadd.s32 v1, v4;
	_ =	sdelay $0x4  }
0x7b: {  	[tilespmem:s0], [sflag:$0x1] =	stream.indirect_vreg.gather [hbm4b:s1+s3], $0x80, v4, vm0, $0xb8;
	[tilespmem:$0x10080] =	vst v63  }
0x7c: {  	v3 =	vperm.xlane v3, v2  }
0x7d: {  	[tilespmem:s20], [sflag:$0x1] =	stream.indirect_vreg.gather [hbm4b:s4+s3], $0x80, v4, vm0, $0xb8;
	[tilespmem:$0x10080] =	vst v63  }
0x7e: {  	v3 =	vadd.s32 v1, v3  }
0x7f: {  	[tilespmem:s21], [sflag:$0x1] =	stream.indirect_vreg.gather [hbm4b:s5+s3], $0x80, v4, vm0, $0xb8;
	[tilespmem:$0x10080] =	vst v63  }
0x80: {  	_ = 	snop  }
0x81: {  	[tilespmem:s22], [sflag:$0x1] =	stream.indirect_vreg.gather [hbm4b:s6+s3], $0x80, v4, vm0, $0xb8;
	[tilespmem:$0x10080] =	vst v63  }
0x82: {  	_ = 	snop  }
0x83: {  	[tilespmem:s23], [sflag:$0x1] =	stream.indirect_vreg.gather [hbm4b:s1+s3], $0x80, v3, vm0, $0xb8;
	[tilespmem:$0x10080] =	vst v63  }
0x84: {  	_ = 	snop  }
0x85: {  	[tilespmem:s24], [sflag:$0x1] =	stream.indirect_vreg.gather [hbm4b:s4+s3], $0x80, v3, vm0, $0xb8;
	[tilespmem:$0x10080] =	vst v63  }
0x86: {  	_ = 	snop  }
0x87: {  	[tilespmem:s25], [sflag:$0x1] =	stream.indirect_vreg.gather [hbm4b:s5+s3], $0x80, v3, vm0, $0xb8;
	[tilespmem:$0x10080] =	vst v63  }
0x88: {  	_ = 	snop  }
0x89: {  	[tilespmem:s26], [sflag:$0x1] =	stream.indirect_vreg.gather [hbm4b:s6+s3], $0x80, v3, vm0, $0xb8;
	[tilespmem:$0x10080] =	vst v63  }
0x8a: {  	v3 =	vld [tilespmem:$0x50];
	_ =	sdelay $0x4  }
0x8b: {  	v61 =	vshll.u32 v3, $0x3  }
0x8c: {  	v3 =	vand.u32 $0x7, v3;
	v4 =	vand.u32 $0xFFFFFFC0, v61  }
0x8d: {  	v3 =	vor.u32 v3, v4  }
0x8e: {  	v4 =	vperm.xlane v3, v0;
	_ =	sdelay $0x1  }
0x8f: {  	v4 =	vadd.s32 v1, v4;
	_ =	sdelay $0x4  }
0x90: {  	[tilespmem:s28], [sflag:$0x1] =	stream.indirect_vreg.gather [hbm4b:s1+s3], $0x80, v4, vm0, $0xb8;
	[tilespmem:$0x10080] =	vst v63  }
0x91: {  	v3 =	vperm.xlane v3, v2  }
0x92: {  	[tilespmem:s29], [sflag:$0x1] =	stream.indirect_vreg.gather [hbm4b:s4+s3], $0x80, v4, vm0, $0xb8;
	[tilespmem:$0x10080] =	vst v63  }
0x93: {  	v3 =	vadd.s32 v1, v3  }
0x94: {  	[tilespmem:s30], [sflag:$0x1] =	stream.indirect_vreg.gather [hbm4b:s5+s3], $0x80, v4, vm0, $0xb8;
	[tilespmem:$0x10080] =	vst v63  }
0x95: {  	_ = 	snop  }
0x96: {  	[tilespmem:s31], [sflag:$0x1] =	stream.indirect_vreg.gather [hbm4b:s6+s3], $0x80, v4, vm0, $0xb8;
	[tilespmem:$0x10080] =	vst v63  }
0x97: {  	s19 =	simm.s32 $0x6080  }
0x98: {  	[tilespmem:s19], [sflag:$0x1] =	stream.indirect_vreg.gather [hbm4b:s1+s3], $0x80, v3, vm0, $0xb8;
	[tilespmem:$0x10080] =	vst v63  }
0x99: {  	_ = 	snop  }
0x9a: {  	[tilespmem:s2], [sflag:$0x1] =	stream.indirect_vreg.gather [hbm4b:s4+s3], $0x80, v3, vm0, $0xb8;
	[tilespmem:$0x10080] =	vst v63  }
0x9b: {  	_ = 	snop  }
0x9c: {  	[tilespmem:s10], [sflag:$0x1] =	stream.indirect_vreg.gather [hbm4b:s5+s3], $0x80, v3, vm0, $0xb8;
	[tilespmem:$0x10080] =	vst v63  }
0x9d: {  	_ = 	snop  }
0x9e: {  	[tilespmem:s11], [sflag:$0x1] =	stream.indirect_vreg.gather [hbm4b:s6+s3], $0x80, v3, vm0, $0xb8;
	[tilespmem:$0x10080] =	vst v63  }
0x9f: {  	v3 =	vld [tilespmem:$0x60];
	_ =	sdelay $0x4  }
0xa0: {  	v62 =	vshll.u32 v3, $0x3  }
0xa1: {  	v3 =	vand.u32 $0x7, v3;
	v4 =	vand.u32 $0xFFFFFFC0, v62  }
0xa2: {  	v3 =	vor.u32 v3, v4  }
0xa3: {  	v4 =	vperm.xlane v3, v0;
	_ =	sdelay $0x1  }
0xa4: {  	v4 =	vadd.s32 v1, v4;
	_ =	sdelay $0x4  }
0xa5: {  	[tilespmem:s12], [sflag:$0x1] =	stream.indirect_vreg.gather [hbm4b:s1+s3], $0x80, v4, vm0, $0xb8;
	[tilespmem:$0x10080] =	vst v63  }
0xa6: {  	v3 =	vperm.xlane v3, v2  }
0xa7: {  	[tilespmem:s13], [sflag:$0x1] =	stream.indirect_vreg.gather [hbm4b:s4+s3], $0x80, v4, vm0, $0xb8;
	[tilespmem:$0x10080] =	vst v63  }
0xa8: {  	v3 =	vadd.s32 v1, v3  }
0xa9: {  	[tilespmem:s14], [sflag:$0x1] =	stream.indirect_vreg.gather [hbm4b:s5+s3], $0x80, v4, vm0, $0xb8;
	[tilespmem:$0x10080] =	vst v63  }
0xaa: {  	_ = 	snop  }
0xab: {  	[tilespmem:s15], [sflag:$0x1] =	stream.indirect_vreg.gather [hbm4b:s6+s3], $0x80, v4, vm0, $0xb8;
	[tilespmem:$0x10080] =	vst v63  }
0xac: {  	_ = 	snop  }
0xad: {  	[tilespmem:s16], [sflag:$0x1] =	stream.indirect_vreg.gather [hbm4b:s1+s3], $0x80, v3, vm0, $0xb8;
	[tilespmem:$0x10080] =	vst v63  }
0xae: {  	_ = 	snop  }
0xaf: {  	[tilespmem:s17], [sflag:$0x1] =	stream.indirect_vreg.gather [hbm4b:s4+s3], $0x80, v3, vm0, $0xb8;
	[tilespmem:$0x10080] =	vst v63  }
0xb0: {  	_ = 	snop  }
0xb1: {  	[tilespmem:s9], [sflag:$0x1] =	stream.indirect_vreg.gather [hbm4b:s5+s3], $0x80, v3, vm0, $0xb8;
	[tilespmem:$0x10080] =	vst v63  }
0xb2: {  	s19 =	simm.s32 $0xB880  }
0xb3: {  	[tilespmem:s19], [sflag:$0x1] =	stream.indirect_vreg.gather [hbm4b:s6+s3], $0x80, v3, vm0, $0xb8;
	[tilespmem:$0x10080] =	vst v63  }
0xb4: {  	v3 =	vld [tilespmem:$0x70];
	_ =	sdelay $0x4  }
0xb5: {  	v63 =	vshll.u32 v3, $0x3  }
0xb6: {  	v3 =	vand.u32 $0x7, v3;
	v4 =	vand.u32 $0xFFFFFFC0, v63  }
0xb7: {  	v3 =	vor.u32 v3, v4  }
0xb8: {  	v4 =	vperm.xlane v3, v0;
	_ =	sdelay $0x1  }
0xb9: {  	v4 =	vadd.s32 v1, v4;
	_ =	sdelay $0x3  }
0xba: {  	s19 =	simm.s32 $0xC080  }
0xbb: {  	[tilespmem:s19], [sflag:$0x1] =	stream.indirect_vreg.gather [hbm4b:s1+s3], $0x80, v4, vm0, $0xb8;
	[tilespmem:$0x10080] =	vst v63  }
0xbc: {  	v3 =	vperm.xlane v3, v2;
	s19 =	simm.s32 $0xC880  }
0xbd: {  	[tilespmem:s19], [sflag:$0x1] =	stream.indirect_vreg.gather [hbm4b:s4+s3], $0x80, v4, vm0, $0xb8;
	[tilespmem:$0x10080] =	vst v63  }
0xbe: {  	v3 =	vadd.s32 v1, v3;
	s19 =	simm.s32 $0xD080  }
0xbf: {  	[tilespmem:s19], [sflag:$0x1] =	stream.indirect_vreg.gather [hbm4b:s5+s3], $0x80, v4, vm0, $0xb8;
	[tilespmem:$0x10080] =	vst v63  }
0xc0: {  	s19 =	simm.s32 $0xD880  }
0xc1: {  	[tilespmem:s19], [sflag:$0x1] =	stream.indirect_vreg.gather [hbm4b:s6+s3], $0x80, v4, vm0, $0xb8;
	[tilespmem:$0x10080] =	vst v63  }
0xc2: {  	s19 =	simm.s32 $0xE080  }
0xc3: {  	[tilespmem:s19], [sflag:$0x1] =	stream.indirect_vreg.gather [hbm4b:s1+s3], $0x80, v3, vm0, $0xb8;
	[tilespmem:$0x10080] =	vst v63  }
0xc4: {  	s19 =	simm.s32 $0xE880  }
0xc5: {  	[tilespmem:s19], [sflag:$0x1] =	stream.indirect_vreg.gather [hbm4b:s4+s3], $0x80, v3, vm0, $0xb8;
	[tilespmem:$0x10080] =	vst v63  }
0xc6: {  	s19 =	simm.s32 $0xF080  }
0xc7: {  	[tilespmem:s19], [sflag:$0x1] =	stream.indirect_vreg.gather [hbm4b:s5+s3], $0x80, v3, vm0, $0xb8;
	[tilespmem:$0x10080] =	vst v63  }
0xc8: {  	s19 =	simm.s32 $0xF880  }
0xc9: {  	[tilespmem:s19], [sflag:$0x1] =	stream.indirect_vreg.gather [hbm4b:s6+s3], $0x80, v3, vm0, $0xb8;
	[tilespmem:$0x10080] =	vst v63  }
0xca: {  	_ =	swait.ge [sflag:s18], $0x10000  }
0xcb: {  	p0 =	sne.s32 s7, $0x1;
	[sflag:s18] =	ssyncset.done $0x0  }
.Ltmp0:
0xcc: {  	s2 =	rddreg [dreg:$0x6];
	[sflag:s18] =	ssyncadd.s32 $0xFFFF0000;
	(pc) =	sbr.rel @p0 .LBB2_1-.Ltmp0, $4  }
0xcd: {  	[hbm4b:s2+s3] =	stream.linear.scatter [tilespmem:s0], [sflag:$0x2], $0x10000, $0x38;
	[tilespmem:$0x10080] =	vst v63  }
0xce: {  	_ =	swait.ge [sflag:s8], $0x10000  }
0xcf: {  	[sflag:s8] =	ssyncset.done $0x0  }
0xd0: {  	s7 =	sadd.s32 $0xFFFFFFFF, s7;
	[sflag:s8] =	ssyncadd.s32 $0xFFFF0000  }
0xd1: {  	_ =	sfence.sel $0x180000  }
0xd2: {  	[bflag:$0x0] =	sbarrier.arrive $0xFFFF  }
0xd3: {  	_ =	strace $0x9000004D  }
0xd4: {  	s0 =	stileid.u32;
	[bflag:$0x2] =	sbarrier.arrive $0xFFFF  }
0xd5: {  	p0 =	sne.s32 s0, $0x0;
	s0 =	rddreg [dreg:$0x3]  }
0xd6: {  	s0 =	sadd.s32 @!p0 $0x100000, s0  }
0xd7: {  	[sflag:s0] =	ssyncadd.tile.s32 @!p0 $0x1;
	_ =	shalt  }
.Lfunc_end2:
_tile_overlayer_lowered:
.L_overlay_start_2:
0xd8: {  	(tag) =	ssettag $0x2  }
0xd9: {  	s0 =	rddreg [dreg:$0x0];
	s2 =	stileid.u32  }
0xda: {  	s1 =	rddreg [dreg:$0x1];
	p0 =	sne.s32 s2, $0x0  }
0xdb: {  	s3 =	rddreg [dreg:$0x2];
	[bflag:$0x3] =	sbarrier.arrive $0xFFFF;
	s2 =	simm.s32 @!p0 $0x1C02  }
0xdc: {  	[timem:s3], [sflag:s2] =	dma.local @!p0 [hbm:s0], s1  }
0xdd: {  	s0 =	simm.s32 @!p0 $0x2  }
0xde: {  	_ =	swait.ge @!p0 [sflag:s0], s1  }
0xdf: {  	s1 =	ssub.s32 @!p0 $0x0, s1;
	[sflag:s0] =	ssyncset.done @!p0 $0x0  }
0xe0: {  	[sflag:s0] =	ssyncadd.s32 @!p0 s1  }
0xe1: {  	[bflag:$0x3] =	sbarrier.arrive $0xFFFF  }
0xe2: {  	_ =	shalt  }

</sc_bundles>
